<compile_context>
chip_gen: v7x
topology: tpu7x:2x2x1
jax: 0.10.2.dev20260603
libtpu: 0.0.44.dev20260713+nightly
codegen_flags: <defaults>
</compile_context>

<pallas_src>
import functools

import jax
import jax.numpy as jnp
from jax import lax
from jax.experimental import pallas as pl
from jax.experimental.pallas import tpu as pltpu
from jax.experimental.pallas import tpu_sc as plsc

N = 10000
E = 160000
D = 256
HALF = D // 2
ALPHA = 0.5

NC = 2
NS = 16
NW = NC * NS

EDGES_PER_TILE_DEG = E // NW
EDGES_PER_TILE = E // NS
CHUNK = 125
NCHUNKS = EDGES_PER_TILE // CHUNK
ROWS_PER_TILE = N // NS
NBUF = 3

_mesh = plsc.VectorSubcoreMesh(core_axis_name="c", subcore_axis_name="s")


@functools.partial(
    pl.kernel,
    out_type=jax.ShapeDtypeStruct((NW, N), jnp.float32),
    mesh=_mesh,
    scratch_types=[
        pltpu.VMEM((EDGES_PER_TILE_DEG,), jnp.int32),
        pltpu.VMEM((N,), jnp.float32),
    ],
    compiler_params=pltpu.CompilerParams(needs_layout_passes=False),
)
def _sc_degree(col_hbm, out_hbm, cidx, hist):
    c = lax.axis_index("c")
    s = lax.axis_index("s")
    wid = s * NC + c

    def zero(i, _):
        hist[pl.ds(i * 16, 16)] = jnp.zeros((16,), jnp.float32)
        return 0

    lax.fori_loop(0, N // 16, zero, 0)

    pltpu.sync_copy(col_hbm.at[pl.ds(wid * EDGES_PER_TILE_DEG, EDGES_PER_TILE_DEG)], cidx)

    ones = jnp.ones((16,), jnp.float32)
    nfull = EDGES_PER_TILE_DEG // 16
    rem = EDGES_PER_TILE_DEG - nfull * 16

    def upd(k, _):
        cv = cidx[pl.ds(k * 16, 16)]
        plsc.addupdate_scatter(hist, [cv], ones)
        return 0

    lax.fori_loop(0, nfull, upd, 0)

    lane = lax.iota(jnp.int32, 16)
    cv = cidx[pl.ds(EDGES_PER_TILE_DEG - 16, 16)]
    keep = lane >= (16 - rem)
    plsc.addupdate_scatter(
        hist,
        [jnp.where(keep, cv, 0)],
        jnp.where(keep, 1.0, 0.0).astype(jnp.float32),
    )

    pltpu.sync_copy(hist, out_hbm.at[wid])


@functools.partial(
    pl.kernel,
    out_type=jax.ShapeDtypeStruct((NC * N, HALF), jnp.float32),
    mesh=_mesh,
    scratch_types=[
        pltpu.VMEM_SHARED((N, HALF), jnp.float32),
        pltpu.VMEM((NBUF, CHUNK, HALF), jnp.float32),
        pltpu.VMEM((NBUF, CHUNK), jnp.int32),
        pltpu.VMEM((NBUF, CHUNK), jnp.int32),
    ]
    + [pltpu.SemaphoreType.DMA] * (4 * NBUF + 1),
    compiler_params=pltpu.CompilerParams(use_tc_tiling_on_sc=False),
)
def _sc_propagate(u_hbm, row2d_hbm, col2d_hbm, out_hbm,
                  slab, gbuf, ribuf, cibuf, *sems):
    gsems = sems[:NBUF]
    rsems = sems[NBUF:2 * NBUF]
    csems = sems[2 * NBUF:3 * NBUF]
    ssems = sems[3 * NBUF:4 * NBUF]
    initsem = sems[4 * NBUF]
    c = lax.axis_index("c")
    s = lax.axis_index("s")
    rbase = (c * NS + s) * NCHUNKS
    cbase = s * NCHUNKS

    init = pltpu.make_async_copy(
        u_hbm.at[pl.ds(c * N + s * ROWS_PER_TILE, ROWS_PER_TILE)],
        slab.at[pl.ds(s * ROWS_PER_TILE, ROWS_PER_TILE)],
        initsem,
    )
    init.start()

    def ridx_copy(j, b):
        return pltpu.make_async_copy(row2d_hbm.at[rbase + j], ribuf.at[b],
                                     rsems[b])

    def cidx_copy(j, b):
        return pltpu.make_async_copy(col2d_hbm.at[cbase + j], cibuf.at[b],
                                     csems[b])

    def gather(b):
        return pltpu.make_async_copy(u_hbm.at[ribuf.at[b]], gbuf.at[b],
                                     gsems[b])

    def scatter_start(b):
        pltpu.async_copy(gbuf.at[b], slab.at[cibuf.at[b]], ssems[b], add=True)

    def scatter_wait(b):
        pltpu.make_async_copy(gbuf.at[b], slab.at[cibuf.at[b]],
                              ssems[b]).wait()

    def step(j, b, bp, first=False, ncidx=True, nridx=True, ngather=True):
        gather(b).wait()
        cidx_copy(j, b).wait()
        scatter_start(b)
        if not first:
            scatter_wait(bp)
        if ncidx:
            cidx_copy(j + 2, bp).start()
        if nridx:
            ridx_copy(j + 3, b).start()
        if ngather:
            ridx_copy(j + 2, bp).wait()
            gather(bp).start()

    for k in range(NBUF):
        ridx_copy(k, k).start()
    for k in range(2):
        cidx_copy(k, k).start()
    for k in range(2):
        ridx_copy(k, k).wait()
        gather(k).start()

    init.wait()
    plsc.subcore_barrier()

    step(0, 0, 2, first=True)
    step(1, 1, 0)

    def body(jj, _):
        j = 2 + 3 * jj
        step(j, 2, 1)
        step(j + 1, 0, 2)
        step(j + 2, 1, 0)
        return 0

    lax.fori_loop(0, (NCHUNKS - 5) // NBUF, body, 0)

    step(NCHUNKS - 3, 2, 1, nridx=False)
    step(NCHUNKS - 2, 0, 2, ncidx=False, nridx=False, ngather=False)
    step(NCHUNKS - 1, 1, 0, ncidx=False, nridx=False, ngather=False)
    scatter_wait(1)
    plsc.subcore_barrier()

    pltpu.sync_copy(
        slab.at[pl.ds(s * ROWS_PER_TILE, ROWS_PER_TILE)],
        out_hbm.at[pl.ds(c * N + s * ROWS_PER_TILE, ROWS_PER_TILE)],
    )


_BLK = 2000
_GRID = N // _BLK


def _dis_block(degp_ref, dis_s):
    @pl.when(pl.program_id(0) == 0)
    def _():
        deg = jnp.sum(degp_ref[...], axis=0) + 1.0
        dis_s[...] = lax.rsqrt(deg).reshape(N, 1)

    return dis_s[pl.ds(pl.program_id(0) * _BLK, _BLK), :]


def _tc_scale0_body(degp_ref, x_ref, out_ref, dis_s):
    dis = _dis_block(degp_ref, dis_s)
    xb = x_ref[...]
    out_ref[...] = jnp.stack(
        [dis * xb[:, :HALF], dis * xb[:, HALF:]], axis=0
    )


def _tc_scale1_body(degp_ref, s_ref, x_ref, out_ref, dis_s):
    dis = _dis_block(degp_ref, dis_s)
    sb = s_ref[...]
    xb = x_ref[...]
    a = (1.0 - ALPHA) * dis * dis
    b = ALPHA * dis
    out_ref[...] = jnp.stack(
        [a * sb[0] + b * xb[:, :HALF], a * sb[1] + b * xb[:, HALF:]], axis=0
    )


def _tc_final_body(degp_ref, s_ref, x_ref, w1_ref, b1_ref, w2_ref, b2_ref,
                   out_ref, dis_s, wc_s, bc_s):
    @pl.when(pl.program_id(0) == 0)
    def _():
        w2 = w2_ref[...]
        wc_s[...] = jnp.dot(w1_ref[...], w2, preferred_element_type=jnp.float32)
        bc_s[...] = (
            jnp.dot(b1_ref[...], w2, preferred_element_type=jnp.float32)
            + b2_ref[...]
        )

    dis = _dis_block(degp_ref, dis_s)
    sb = s_ref[...]
    xb = x_ref[...]
    agg = jnp.concatenate([sb[0], sb[1]], axis=-1)
    y = jax.nn.relu((1.0 - ALPHA) * dis * agg + ALPHA * xb)
    out_ref[...] = (
        jnp.dot(y, wc_s[...], preferred_element_type=jnp.float32) + bc_s[...]
    )


_degp_spec = pl.BlockSpec((NW, N), lambda i: (0, 0))
_x_spec = pl.BlockSpec((_BLK, D), lambda i: (i, 0))
_s_spec = pl.BlockSpec((NC, _BLK, HALF), lambda i: (0, i, 0))
_w_spec = pl.BlockSpec((D, D), lambda i: (0, 0))
_b_spec = pl.BlockSpec((1, D), lambda i: (0, 0))
_dis_scratch = pltpu.VMEM((N, 1), jnp.float32)


def _tc_scale0(degp, x):
    return pl.pallas_call(
        _tc_scale0_body,
        grid=(_GRID,),
        in_specs=[_degp_spec, _x_spec],
        out_specs=_s_spec,
        out_shape=jax.ShapeDtypeStruct((NC, N, HALF), jnp.float32),
        scratch_shapes=[_dis_scratch],
    )(degp, x)


def _tc_scale1(degp, s, x):
    return pl.pallas_call(
        _tc_scale1_body,
        grid=(_GRID,),
        in_specs=[_degp_spec, _s_spec, _x_spec],
        out_specs=_s_spec,
        out_shape=jax.ShapeDtypeStruct((NC, N, HALF), jnp.float32),
        scratch_shapes=[_dis_scratch],
    )(degp, s, x)


def _tc_final(degp, s, x, w1, b1, w2, b2):
    return pl.pallas_call(
        _tc_final_body,
        grid=(_GRID,),
        in_specs=[
            _degp_spec, _s_spec, _x_spec,
            _w_spec, _b_spec, _w_spec, _b_spec,
        ],
        out_specs=_x_spec,
        out_shape=jax.ShapeDtypeStruct((N, D), jnp.float32),
        scratch_shapes=[
            _dis_scratch,
            pltpu.VMEM((D, D), jnp.float32),
            pltpu.VMEM((1, D), jnp.float32),
        ],
    )(degp, s, x, w1, b1, w2, b2)


def kernel(x, edge_index, W1, b1, W2, b2):
    row = edge_index[0]
    col = edge_index[1]

    row2d = jnp.concatenate([row, row + N]).reshape(NC * E // CHUNK, CHUNK)
    col2d = col.reshape(E // CHUNK, CHUNK)

    degp = _sc_degree(col)
    u0 = _tc_scale0(degp, x).reshape(NC * N, HALF)
    s0 = _sc_propagate(u0, row2d, col2d).reshape(NC, N, HALF)
    u1 = _tc_scale1(degp, s0, x).reshape(NC * N, HALF)
    s1 = _sc_propagate(u1, row2d, col2d).reshape(NC, N, HALF)
    return _tc_final(degp, s1, x, W1, b1.reshape(1, D), W2, b2.reshape(1, D))

# --- scband reference (transcript-rebuilt; emitter-appended) ---
"""Pipeline reference for scband-appnp-net-link-84954453115012 (READ-ONLY COPY).

The authoritative reference and input builder live on the scoring server;
editing this copy changes nothing except your own understanding.
"""

import jax, jax.numpy as jnp
import numpy as np

N = 10000
E = 160000
D = 256
K = 2
ALPHA = 0.5

def setup_inputs(seed: int = 0) -> dict:
    key = jax.random.key(seed)
    k1, k2, k3, k4 = jax.random.split(key, 4)
    x = jax.random.normal(k1, (N, D), dtype=jnp.float32)
    edge_index = jax.random.randint(k2, (2, E), 0, N)
    W1 = jax.random.normal(k3, (D, D), dtype=jnp.float32) * (1.0 / np.sqrt(D))
    b1 = jnp.zeros((D,), dtype=jnp.float32)
    W2 = jax.random.normal(k4, (D, D), dtype=jnp.float32) * (1.0 / np.sqrt(D))
    b2 = jnp.zeros((D,), dtype=jnp.float32)
    return {"x": x, "edge_index": edge_index, "W1": W1, "b1": b1, "W2": W2, "b2": b2}


def reference(x, edge_index, W1, b1, W2, b2):
    # APPNP propagation with GCN normalization + self loops (eval mode: no dropout)
    row = edge_index[0]
    col = edge_index[1]
    loop = jnp.arange(N, dtype=row.dtype)
    row_f = jnp.concatenate([row, loop])
    col_f = jnp.concatenate([col, loop])
    ew = jnp.ones((E + N,), dtype=x.dtype)
    deg = jnp.zeros((N,), dtype=x.dtype).at[col_f].add(ew)
    deg_inv_sqrt = jnp.where(deg > 0, 1.0 / jnp.sqrt(deg), 0.0)
    norm = deg_inv_sqrt[row_f] * ew * deg_inv_sqrt[col_f]

    h = x
    out = x
    for _ in range(K):
        msg = norm[:, None] * out[row_f]
        agg = jnp.zeros((N, D), dtype=x.dtype).at[col_f].add(msg)
        out = (1.0 - ALPHA) * agg + ALPHA * h

    out = jax.nn.relu(out)
    out = out @ W1 + b1
    # dropout is identity in eval mode
    out = out @ W2 + b2
    return out

if __name__ == "__main__":
    import jax
    _d = setup_inputs()
    print(jax.jit(kernel)(*tuple(_d.values())))

</pallas_src>

<mosaic_0001>
#map = affine_map<(d0, d1) -> (0)>
#map1 = affine_map<(d0, d1) -> (0, 0)>
module attributes {stable_mosaic.version = 14 : i64} {
  func.func @_sc_degree(%arg0: i32, %arg1: i32, %arg2: memref<160000xi32, #tpu.memory_space<hbm>>, %arg3: memref<32x10000xf32, #tpu.memory_space<hbm>>, %arg4: memref<5000xi32, #tpu.memory_space<vmem>>, %arg5: memref<10000xf32, #tpu.memory_space<vmem>>) attributes {dimension_semantics = [#tpu.dimension_semantics<core_parallel>, #tpu.dimension_semantics<subcore_parallel>], iteration_bounds = array<i64: 2, 16>, scalar_prefetch = 0 : i64, scratch_operands = 2 : i64, tpu.core_type = #tpu.core_type<sc_vector_subcore>, window_params = [{transform_indices = #map}, {transform_indices = #map1}]} {
    %mul3A = arith.constant 2 : i32
    %mul3A_0 = arith.muli %arg1, %mul3A : i32
    %add3A = arith.addi %mul3A_0, %arg0 : i32
    %scan3A = arith.constant 0 : i32
    %scan3A_1 = arith.constant 0 : i32
    %scan3A_2 = arith.constant 625 : i32
    %scan3A_3 = arith.addi %scan3A_1, %scan3A_2 : i32
    %scan3A_4 = arith.constant 1 : i32
    %scan3A_5 = scf.for %scan3A_26 = %scan3A_1 to %scan3A_3 step %scan3A_4 iter_args(%scan3A_27 = %scan3A) -> (i32)  : i32 {
      %broadcast_in_dim3A_28 = arith.constant 0.000000e+00 : f32
      %broadcast_in_dim3A_29 = vector.broadcast %broadcast_in_dim3A_28 : f32 to vector<16xf32>
      %mul3A_30 = arith.constant 16 : i32
      %mul3A_31 = arith.muli %scan3A_26, %mul3A_30 : i32
      %swap3A = arith.index_cast %mul3A_31 : i32 to index
      %swap3A_32 = tpu.vector_load %arg5[%swap3A] {strides = array<i32>} : memref<10000xf32, #tpu.memory_space<vmem>>, vector<16xf32>,
      tpu.vector_store %arg5[%swap3A], %broadcast_in_dim3A_29 {strides = array<i32>} : memref<10000xf32, #tpu.memory_space<vmem>>, vector<16xf32>,
      %scan3A_33 = arith.constant 0 : i32
      scf.yield %scan3A_33 : i32
    }
    %scan3A_6 = arith.constant 625 : i32
    %mul3A_7 = arith.constant 5000 : i32
    %mul3A_8 = arith.muli %add3A, %mul3A_7 : i32
    "tpu.region"() ({
      %run_scoped3A = tpu.sem_alloc : memref<!tpu.dma_semaphore, #tpu.memory_space<semaphore_mem>>
      %dma_start3A = tpu.memref_slice %arg2[%mul3A_8] : memref<160000xi32, #tpu.memory_space<hbm>> -> memref<5000xi32, #tpu.memory_space<hbm>>
      %dma_start3A_26 = tpu.memref_slice %arg2[%mul3A_8] : memref<160000xi32, #tpu.memory_space<hbm>> -> memref<5000xi32, #tpu.memory_space<hbm>>
      tpu.enqueue_dma source(%dma_start3A_26 : memref<5000xi32, #tpu.memory_space<hbm>>) target(%arg4 : memref<5000xi32, #tpu.memory_space<vmem>>) target_semaphore(%run_scoped3A : memref<!tpu.dma_semaphore, #tpu.memory_space<semaphore_mem>>)
      %dma_wait3A = tpu.memref_slice %arg2[%mul3A_8] : memref<160000xi32, #tpu.memory_space<hbm>> -> memref<5000xi32, #tpu.memory_space<hbm>>
      %dma_wait3A_27 = tpu.memref_slice %arg2[%mul3A_8] : memref<160000xi32, #tpu.memory_space<hbm>> -> memref<5000xi32, #tpu.memory_space<hbm>>
      tpu.wait_dma2 semaphore(%run_scoped3A : memref<!tpu.dma_semaphore, #tpu.memory_space<semaphore_mem>>) src(%dma_wait3A_27 : memref<5000xi32, #tpu.memory_space<hbm>>) dst(%arg4 : memref<5000xi32, #tpu.memory_space<vmem>>)
      tpu.yield
    }) : () -> ()
    %broadcast_in_dim3A = arith.constant 1.000000e+00 : f32
    %broadcast_in_dim3A_9 = vector.broadcast %broadcast_in_dim3A : f32 to vector<16xf32>
    %scan3A_10 = arith.constant 0 : i32
    %scan3A_11 = arith.constant 0 : i32
    %scan3A_12 = arith.constant 312 : i32
    %scan3A_13 = arith.addi %scan3A_11, %scan3A_12 : i32
    %scan3A_14 = arith.constant 1 : i32
    %scan3A_15 = scf.for %scan3A_26 = %scan3A_11 to %scan3A_13 step %scan3A_14 iter_args(%scan3A_27 = %scan3A_10) -> (i32)  : i32 {
      %mul3A_28 = arith.constant 16 : i32
      %mul3A_29 = arith.muli %scan3A_26, %mul3A_28 : i32
      %get3A_30 = arith.index_cast %mul3A_29 : i32 to index
      %get3A_31 = tpu.vector_load %arg4[%get3A_30] {strides = array<i32>} : memref<5000xi32, #tpu.memory_space<vmem>>, vector<16xi32>,
      tpu.vector_store_idx %arg5[%get3A_31], %broadcast_in_dim3A_9 {add = true} : memref<10000xf32, #tpu.memory_space<vmem>>[vector<16xi32>], vector<16xf32>,
      %scan3A_32 = arith.constant 0 : i32
      scf.yield %scan3A_32 : i32
    }
    %scan3A_16 = arith.constant 312 : i32
    %iota3A = tpu.iota {dimensions = array<i32: 0>} : vector<16xi32>
    %get3A = arith.constant 4984 : index
    %get3A_17 = tpu.vector_load %arg4[%get3A] {strides = array<i32>} : memref<5000xi32, #tpu.memory_space<vmem>>, vector<16xi32>,
    %ge3A = arith.constant 8 : i32
    %ge3A_18 = vector.broadcast %ge3A : i32 to vector<16xi32>
    %ge3A_19 = arith.cmpi sge, %iota3A, %ge3A_18 : vector<16xi32>
    %jit3A = arith.constant 0 : i32
    %broadcast_in_dim3A_20 = vector.broadcast %jit3A : i32 to vector<16xi32>
    %select_n3A = arith.select %ge3A_19, %get3A_17, %broadcast_in_dim3A_20 : vector<16xi1>, vector<16xi32>
    %jit3A_21 = arith.constant 1.000000e+00 : f32
    %jit3A_22 = arith.constant 0.000000e+00 : f32
    %broadcast_in_dim3A_23 = vector.broadcast %jit3A_21 : f32 to vector<16xf32>
    %broadcast_in_dim3A_24 = vector.broadcast %jit3A_22 : f32 to vector<16xf32>
    %select_n3A_25 = arith.select %ge3A_19, %broadcast_in_dim3A_23, %broadcast_in_dim3A_24 : vector<16xi1>, vector<16xf32>
    tpu.vector_store_idx %arg5[%select_n3A], %select_n3A_25 {add = true} : memref<10000xf32, #tpu.memory_space<vmem>>[vector<16xi32>], vector<16xf32>,
    "tpu.region"() ({
      %run_scoped3A = tpu.sem_alloc : memref<!tpu.dma_semaphore, #tpu.memory_space<semaphore_mem>>
      %dma_start3A = arith.constant 0 : i32
      %dma_start3A_26 = tpu.memref_slice %arg3[%add3A, %dma_start3A] : memref<32x10000xf32, #tpu.memory_space<hbm>> -> memref<1x10000xf32, #tpu.memory_space<hbm>>
      %dma_start3A_27 = tpu.memref_squeeze %dma_start3A_26 : memref<1x10000xf32, #tpu.memory_space<hbm>> -> memref<10000xf32, #tpu.memory_space<hbm>>
      %dma_start3A_28 = arith.constant 0 : i32
      %dma_start3A_29 = tpu.memref_slice %arg3[%add3A, %dma_start3A_28] : memref<32x10000xf32, #tpu.memory_space<hbm>> -> memref<1x10000xf32, #tpu.memory_space<hbm>>
      %dma_start3A_30 = tpu.memref_squeeze %dma_start3A_29 : memref<1x10000xf32, #tpu.memory_space<hbm>> -> memref<10000xf32, #tpu.memory_space<hbm>>
      tpu.enqueue_dma source(%arg5 : memref<10000xf32, #tpu.memory_space<vmem>>) target(%dma_start3A_30 : memref<10000xf32, #tpu.memory_space<hbm>>) target_semaphore(%run_scoped3A : memref<!tpu.dma_semaphore, #tpu.memory_space<semaphore_mem>>)
      %dma_wait3A = arith.constant 0 : i32
      %dma_wait3A_31 = tpu.memref_slice %arg3[%add3A, %dma_wait3A] : memref<32x10000xf32, #tpu.memory_space<hbm>> -> memref<1x10000xf32, #tpu.memory_space<hbm>>
      %dma_wait3A_32 = tpu.memref_squeeze %dma_wait3A_31 : memref<1x10000xf32, #tpu.memory_space<hbm>> -> memref<10000xf32, #tpu.memory_space<hbm>>
      %dma_wait3A_33 = arith.constant 0 : i32
      %dma_wait3A_34 = tpu.memref_slice %arg3[%add3A, %dma_wait3A_33] : memref<32x10000xf32, #tpu.memory_space<hbm>> -> memref<1x10000xf32, #tpu.memory_space<hbm>>
      %dma_wait3A_35 = tpu.memref_squeeze %dma_wait3A_34 : memref<1x10000xf32, #tpu.memory_space<hbm>> -> memref<10000xf32, #tpu.memory_space<hbm>>
      tpu.wait_dma2 semaphore(%run_scoped3A : memref<!tpu.dma_semaphore, #tpu.memory_space<semaphore_mem>>) src(%arg5 : memref<10000xf32, #tpu.memory_space<vmem>>) dst(%dma_wait3A_35 : memref<10000xf32, #tpu.memory_space<hbm>>)
      tpu.yield
    }) : () -> ()
    return
  }
}

#map = affine_map<(d0, d1) -> (0, 0)>
module attributes {stable_mosaic.version = 14 : i64} {
  func.func @_sc_propagate(%arg0: i32, %arg1: i32, %arg2: memref<20000x128xf32, #tpu.memory_space<hbm>>, %arg3: memref<2560x125xi32, #tpu.memory_space<hbm>>, %arg4: memref<1280x125xi32, #tpu.memory_space<hbm>>, %arg5: memref<20000x128xf32, #tpu.memory_space<hbm>>, %arg6: memref<10000x128xf32, #tpu.memory_space<vmem_shared>>, %arg7: memref<3x125x128xf32, #tpu.memory_space<vmem>>, %arg8: memref<3x125xi32, #tpu.memory_space<vmem>>, %arg9: memref<3x125xi32, #tpu.memory_space<vmem>>, %arg10: memref<!tpu.dma_semaphore, #tpu.memory_space<semaphore_mem>>, %arg11: memref<!tpu.dma_semaphore, #tpu.memory_space<semaphore_mem>>, %arg12: memref<!tpu.dma_semaphore, #tpu.memory_space<semaphore_mem>>, %arg13: memref<!tpu.dma_semaphore, #tpu.memory_space<semaphore_mem>>, %arg14: memref<!tpu.dma_semaphore, #tpu.memory_space<semaphore_mem>>, %arg15: memref<!tpu.dma_semaphore, #tpu.memory_space<semaphore_mem>>, %arg16: memref<!tpu.dma_semaphore, #tpu.memory_space<semaphore_mem>>, %arg17: memref<!tpu.dma_semaphore, #tpu.memory_space<semaphore_mem>>, %arg18: memref<!tpu.dma_semaphore, #tpu.memory_space<semaphore_mem>>, %arg19: memref<!tpu.dma_semaphore, #tpu.memory_space<semaphore_mem>>, %arg20: memref<!tpu.dma_semaphore, #tpu.memory_space<semaphore_mem>>, %arg21: memref<!tpu.dma_semaphore, #tpu.memory_space<semaphore_mem>>, %arg22: memref<!tpu.dma_semaphore, #tpu.memory_space<semaphore_mem>>) attributes {dimension_semantics = [#tpu.dimension_semantics<core_parallel>, #tpu.dimension_semantics<subcore_parallel>], iteration_bounds = array<i64: 2, 16>, scalar_prefetch = 0 : i64, scratch_operands = 17 : i64, tpu.core_type = #tpu.core_type<sc_vector_subcore>, window_params = [{transform_indices = #map}, {transform_indices = #map}, {transform_indices = #map}, {transform_indices = #map}]} {
    %mul3A = arith.constant 16 : i32
    %mul3A_0 = arith.muli %arg0, %mul3A : i32
    %add3A = arith.addi %mul3A_0, %arg1 : i32
    %mul3A_1 = arith.constant 80 : i32
    %mul3A_2 = arith.muli %add3A, %mul3A_1 : i32
    %mul3A_3 = arith.constant 80 : i32
    %mul3A_4 = arith.muli %arg1, %mul3A_3 : i32
    %mul3A_5 = arith.constant 10000 : i32
    %mul3A_6 = arith.muli %arg0, %mul3A_5 : i32
    %mul3A_7 = arith.constant 625 : i32
    %mul3A_8 = arith.muli %arg1, %mul3A_7 : i32
    %add3A_9 = arith.addi %mul3A_6, %mul3A_8 : i32
    %mul3A_10 = arith.constant 625 : i32
    %mul3A_11 = arith.muli %arg1, %mul3A_10 : i32
    %dma_start3A = arith.constant 0 : i32
    %dma_start3A_12 = tpu.memref_slice %arg6[%mul3A_11, %dma_start3A] : memref<10000x128xf32, #tpu.memory_space<vmem_shared>> -> memref<625x128xf32, #tpu.memory_space<vmem_shared>>
    %dma_start3A_13 = arith.constant 0 : i32
    %dma_start3A_14 = tpu.memref_slice %arg2[%add3A_9, %dma_start3A_13] : memref<20000x128xf32, #tpu.memory_space<hbm>> -> memref<625x128xf32, #tpu.memory_space<hbm>>
    tpu.enqueue_dma source(%dma_start3A_14 : memref<625x128xf32, #tpu.memory_space<hbm>>) target(%dma_start3A_12 : memref<625x128xf32, #tpu.memory_space<vmem_shared>>) target_semaphore(%arg22 : memref<!tpu.dma_semaphore, #tpu.memory_space<semaphore_mem>>)
    %add3A_15 = arith.constant 0 : i32
    %add3A_16 = arith.addi %mul3A_2, %add3A_15 : i32
    %dma_start3A_17 = arith.constant 0 : i32
    %dma_start3A_18 = arith.constant 0 : i32
    %dma_start3A_19 = tpu.memref_slice %arg8[%dma_start3A_17, %dma_start3A_18] : memref<3x125xi32, #tpu.memory_space<vmem>> -> memref<1x125xi32, #tpu.memory_space<vmem>>
    %dma_start3A_20 = tpu.memref_squeeze %dma_start3A_19 : memref<1x125xi32, #tpu.memory_space<vmem>> -> memref<125xi32, #tpu.memory_space<vmem>>
    %dma_start3A_21 = arith.constant 0 : i32
    %dma_start3A_22 = tpu.memref_slice %arg3[%add3A_16, %dma_start3A_21] : memref<2560x125xi32, #tpu.memory_space<hbm>> -> memref<1x125xi32, #tpu.memory_space<hbm>>
    %dma_start3A_23 = tpu.memref_squeeze %dma_start3A_22 : memref<1x125xi32, #tpu.memory_space<hbm>> -> memref<125xi32, #tpu.memory_space<hbm>>
    %dma_start3A_24 = arith.constant 0 : i32
    %dma_start3A_25 = tpu.memref_slice %arg8[%dma_start3A_17, %dma_start3A_24] : memref<3x125xi32, #tpu.memory_space<vmem>> -> memref<1x125xi32, #tpu.memory_space<vmem>>
    %dma_start3A_26 = tpu.memref_squeeze %dma_start3A_25 : memref<1x125xi32, #tpu.memory_space<vmem>> -> memref<125xi32, #tpu.memory_space<vmem>>
    %dma_start3A_27 = arith.constant 0 : i32
    %dma_start3A_28 = tpu.memref_slice %arg3[%add3A_16, %dma_start3A_27] : memref<2560x125xi32, #tpu.memory_space<hbm>> -> memref<1x125xi32, #tpu.memory_space<hbm>>
    %dma_start3A_29 = tpu.memref_squeeze %dma_start3A_28 : memref<1x125xi32, #tpu.memory_space<hbm>> -> memref<125xi32, #tpu.memory_space<hbm>>
    tpu.enqueue_dma source(%dma_start3A_29 : memref<125xi32, #tpu.memory_space<hbm>>) target(%dma_start3A_26 : memref<125xi32, #tpu.memory_space<vmem>>) target_semaphore(%arg13 : memref<!tpu.dma_semaphore, #tpu.memory_space<semaphore_mem>>)
    %add3A_30 = arith.constant 1 : i32
    %add3A_31 = arith.addi %mul3A_2, %add3A_30 : i32
    %dma_start3A_32 = arith.constant 1 : i32
    %dma_start3A_33 = arith.constant 0 : i32
    %dma_start3A_34 = tpu.memref_slice %arg8[%dma_start3A_32, %dma_start3A_33] : memref<3x125xi32, #tpu.memory_space<vmem>> -> memref<1x125xi32, #tpu.memory_space<vmem>>
    %dma_start3A_35 = tpu.memref_squeeze %dma_start3A_34 : memref<1x125xi32, #tpu.memory_space<vmem>> -> memref<125xi32, #tpu.memory_space<vmem>>
    %dma_start3A_36 = arith.constant 0 : i32
    %dma_start3A_37 = tpu.memref_slice %arg3[%add3A_31, %dma_start3A_36] : memref<2560x125xi32, #tpu.memory_space<hbm>> -> memref<1x125xi32, #tpu.memory_space<hbm>>
    %dma_start3A_38 = tpu.memref_squeeze %dma_start3A_37 : memref<1x125xi32, #tpu.memory_space<hbm>> -> memref<125xi32, #tpu.memory_space<hbm>>
    %dma_start3A_39 = arith.constant 0 : i32
    %dma_start3A_40 = tpu.memref_slice %arg8[%dma_start3A_32, %dma_start3A_39] : memref<3x125xi32, #tpu.memory_space<vmem>> -> memref<1x125xi32, #tpu.memory_space<vmem>>
    %dma_start3A_41 = tpu.memref_squeeze %dma_start3A_40 : memref<1x125xi32, #tpu.memory_space<vmem>> -> memref<125xi32, #tpu.memory_space<vmem>>
    %dma_start3A_42 = arith.constant 0 : i32
    %dma_start3A_43 = tpu.memref_slice %arg3[%add3A_31, %dma_start3A_42] : memref<2560x125xi32, #tpu.memory_space<hbm>> -> memref<1x125xi32, #tpu.memory_space<hbm>>
    %dma_start3A_44 = tpu.memref_squeeze %dma_start3A_43 : memref<1x125xi32, #tpu.memory_space<hbm>> -> memref<125xi32, #tpu.memory_space<hbm>>
    tpu.enqueue_dma source(%dma_start3A_44 : memref<125xi32, #tpu.memory_space<hbm>>) target(%dma_start3A_41 : memref<125xi32, #tpu.memory_space<vmem>>) target_semaphore(%arg14 : memref<!tpu.dma_semaphore, #tpu.memory_space<semaphore_mem>>)
    %add3A_45 = arith.constant 2 : i32
    %add3A_46 = arith.addi %mul3A_2, %add3A_45 : i32
    %dma_start3A_47 = arith.constant 2 : i32
    %dma_start3A_48 = arith.constant 0 : i32
    %dma_start3A_49 = tpu.memref_slice %arg8[%dma_start3A_47, %dma_start3A_48] : memref<3x125xi32, #tpu.memory_space<vmem>> -> memref<1x125xi32, #tpu.memory_space<vmem>>
    %dma_start3A_50 = tpu.memref_squeeze %dma_start3A_49 : memref<1x125xi32, #tpu.memory_space<vmem>> -> memref<125xi32, #tpu.memory_space<vmem>>
    %dma_start3A_51 = arith.constant 0 : i32
    %dma_start3A_52 = tpu.memref_slice %arg3[%add3A_46, %dma_start3A_51] : memref<2560x125xi32, #tpu.memory_space<hbm>> -> memref<1x125xi32, #tpu.memory_space<hbm>>
    %dma_start3A_53 = tpu.memref_squeeze %dma_start3A_52 : memref<1x125xi32, #tpu.memory_space<hbm>> -> memref<125xi32, #tpu.memory_space<hbm>>
    %dma_start3A_54 = arith.constant 0 : i32
    %dma_start3A_55 = tpu.memref_slice %arg8[%dma_start3A_47, %dma_start3A_54] : memref<3x125xi32, #tpu.memory_space<vmem>> -> memref<1x125xi32, #tpu.memory_space<vmem>>
    %dma_start3A_56 = tpu.memref_squeeze %dma_start3A_55 : memref<1x125xi32, #tpu.memory_space<vmem>> -> memref<125xi32, #tpu.memory_space<vmem>>
    %dma_start3A_57 = arith.constant 0 : i32
    %dma_start3A_58 = tpu.memref_slice %arg3[%add3A_46, %dma_start3A_57] : memref<2560x125xi32, #tpu.memory_space<hbm>> -> memref<1x125xi32, #tpu.memory_space<hbm>>
    %dma_start3A_59 = tpu.memref_squeeze %dma_start3A_58 : memref<1x125xi32, #tpu.memory_space<hbm>> -> memref<125xi32, #tpu.memory_space<hbm>>
    tpu.enqueue_dma source(%dma_start3A_59 : memref<125xi32, #tpu.memory_space<hbm>>) target(%dma_start3A_56 : memref<125xi32, #tpu.memory_space<vmem>>) target_semaphore(%arg15 : memref<!tpu.dma_semaphore, #tpu.memory_space<semaphore_mem>>)
    %add3A_60 = arith.constant 0 : i32
    %add3A_61 = arith.addi %mul3A_4, %add3A_60 : i32
    %dma_start3A_62 = arith.constant 0 : i32
    %dma_start3A_63 = arith.constant 0 : i32
    %dma_start3A_64 = tpu.memref_slice %arg9[%dma_start3A_62, %dma_start3A_63] : memref<3x125xi32, #tpu.memory_space<vmem>> -> memref<1x125xi32, #tpu.memory_space<vmem>>
    %dma_start3A_65 = tpu.memref_squeeze %dma_start3A_64 : memref<1x125xi32, #tpu.memory_space<vmem>> -> memref<125xi32, #tpu.memory_space<vmem>>
    %dma_start3A_66 = arith.constant 0 : i32
    %dma_start3A_67 = tpu.memref_slice %arg4[%add3A_61, %dma_start3A_66] : memref<1280x125xi32, #tpu.memory_space<hbm>> -> memref<1x125xi32, #tpu.memory_space<hbm>>
    %dma_start3A_68 = tpu.memref_squeeze %dma_start3A_67 : memref<1x125xi32, #tpu.memory_space<hbm>> -> memref<125xi32, #tpu.memory_space<hbm>>
    %dma_start3A_69 = arith.constant 0 : i32
    %dma_start3A_70 = tpu.memref_slice %arg9[%dma_start3A_62, %dma_start3A_69] : memref<3x125xi32, #tpu.memory_space<vmem>> -> memref<1x125xi32, #tpu.memory_space<vmem>>
    %dma_start3A_71 = tpu.memref_squeeze %dma_start3A_70 : memref<1x125xi32, #tpu.memory_space<vmem>> -> memref<125xi32, #tpu.memory_space<vmem>>
    %dma_start3A_72 = arith.constant 0 : i32
    %dma_start3A_73 = tpu.memref_slice %arg4[%add3A_61, %dma_start3A_72] : memref<1280x125xi32, #tpu.memory_space<hbm>> -> memref<1x125xi32, #tpu.memory_space<hbm>>
    %dma_start3A_74 = tpu.memref_squeeze %dma_start3A_73 : memref<1x125xi32, #tpu.memory_space<hbm>> -> memref<125xi32, #tpu.memory_space<hbm>>
    tpu.enqueue_dma source(%dma_start3A_74 : memref<125xi32, #tpu.memory_space<hbm>>) target(%dma_start3A_71 : memref<125xi32, #tpu.memory_space<vmem>>) target_semaphore(%arg16 : memref<!tpu.dma_semaphore, #tpu.memory_space<semaphore_mem>>)
    %add3A_75 = arith.constant 1 : i32
    %add3A_76 = arith.addi %mul3A_4, %add3A_75 : i32
    %dma_start3A_77 = arith.constant 1 : i32
    %dma_start3A_78 = arith.constant 0 : i32
    %dma_start3A_79 = tpu.memref_slice %arg9[%dma_start3A_77, %dma_start3A_78] : memref<3x125xi32, #tpu.memory_space<vmem>> -> memref<1x125xi32, #tpu.memory_space<vmem>>
    %dma_start3A_80 = tpu.memref_squeeze %dma_start3A_79 : memref<1x125xi32, #tpu.memory_space<vmem>> -> memref<125xi32, #tpu.memory_space<vmem>>
    %dma_start3A_81 = arith.constant 0 : i32
    %dma_start3A_82 = tpu.memref_slice %arg4[%add3A_76, %dma_start3A_81] : memref<1280x125xi32, #tpu.memory_space<hbm>> -> memref<1x125xi32, #tpu.memory_space<hbm>>
    %dma_start3A_83 = tpu.memref_squeeze %dma_start3A_82 : memref<1x125xi32, #tpu.memory_space<hbm>> -> memref<125xi32, #tpu.memory_space<hbm>>
    %dma_start3A_84 = arith.constant 0 : i32
    %dma_start3A_85 = tpu.memref_slice %arg9[%dma_start3A_77, %dma_start3A_84] : memref<3x125xi32, #tpu.memory_space<vmem>> -> memref<1x125xi32, #tpu.memory_space<vmem>>
    %dma_start3A_86 = tpu.memref_squeeze %dma_start3A_85 : memref<1x125xi32, #tpu.memory_space<vmem>> -> memref<125xi32, #tpu.memory_space<vmem>>
    %dma_start3A_87 = arith.constant 0 : i32
    %dma_start3A_88 = tpu.memref_slice %arg4[%add3A_76, %dma_start3A_87] : memref<1280x125xi32, #tpu.memory_space<hbm>> -> memref<1x125xi32, #tpu.memory_space<hbm>>
    %dma_start3A_89 = tpu.memref_squeeze %dma_start3A_88 : memref<1x125xi32, #tpu.memory_space<hbm>> -> memref<125xi32, #tpu.memory_space<hbm>>
    tpu.enqueue_dma source(%dma_start3A_89 : memref<125xi32, #tpu.memory_space<hbm>>) target(%dma_start3A_86 : memref<125xi32, #tpu.memory_space<vmem>>) target_semaphore(%arg17 : memref<!tpu.dma_semaphore, #tpu.memory_space<semaphore_mem>>)
    %add3A_90 = arith.constant 0 : i32
    %add3A_91 = arith.addi %mul3A_2, %add3A_90 : i32
    %dma_wait3A = arith.constant 0 : i32
    %dma_wait3A_92 = arith.constant 0 : i32
    %dma_wait3A_93 = tpu.memref_slice %arg8[%dma_wait3A, %dma_wait3A_92] : memref<3x125xi32, #tpu.memory_space<vmem>> -> memref<1x125xi32, #tpu.memory_space<vmem>>
    %dma_wait3A_94 = tpu.memref_squeeze %dma_wait3A_93 : memref<1x125xi32, #tpu.memory_space<vmem>> -> memref<125xi32, #tpu.memory_space<vmem>>
    %dma_wait3A_95 = arith.constant 0 : i32
    %dma_wait3A_96 = tpu.memref_slice %arg3[%add3A_91, %dma_wait3A_95] : memref<2560x125xi32, #tpu.memory_space<hbm>> -> memref<1x125xi32, #tpu.memory_space<hbm>>
    %dma_wait3A_97 = tpu.memref_squeeze %dma_wait3A_96 : memref<1x125xi32, #tpu.memory_space<hbm>> -> memref<125xi32, #tpu.memory_space<hbm>>
    %dma_wait3A_98 = arith.constant 0 : i32
    %dma_wait3A_99 = tpu.memref_slice %arg8[%dma_wait3A, %dma_wait3A_98] : memref<3x125xi32, #tpu.memory_space<vmem>> -> memref<1x125xi32, #tpu.memory_space<vmem>>
    %dma_wait3A_100 = tpu.memref_squeeze %dma_wait3A_99 : memref<1x125xi32, #tpu.memory_space<vmem>> -> memref<125xi32, #tpu.memory_space<vmem>>
    %dma_wait3A_101 = arith.constant 0 : i32
    %dma_wait3A_102 = tpu.memref_slice %arg3[%add3A_91, %dma_wait3A_101] : memref<2560x125xi32, #tpu.memory_space<hbm>> -> memref<1x125xi32, #tpu.memory_space<hbm>>
    %dma_wait3A_103 = tpu.memref_squeeze %dma_wait3A_102 : memref<1x125xi32, #tpu.memory_space<hbm>> -> memref<125xi32, #tpu.memory_space<hbm>>
    tpu.wait_dma2 semaphore(%arg13 : memref<!tpu.dma_semaphore, #tpu.memory_space<semaphore_mem>>) src(%dma_wait3A_103 : memref<125xi32, #tpu.memory_space<hbm>>) dst(%dma_wait3A_100 : memref<125xi32, #tpu.memory_space<vmem>>)
    %dma_start3A_104 = arith.constant 0 : i32
    %dma_start3A_105 = arith.constant 0 : i32
    %dma_start3A_106 = arith.constant 0 : i32
    %dma_start3A_107 = arith.constant 0 : i32
    %dma_start3A_108 = tpu.memref_slice %arg7[%dma_start3A_105, %dma_start3A_106, %dma_start3A_107] : memref<3x125x128xf32, #tpu.memory_space<vmem>> -> memref<1x125x128xf32, #tpu.memory_space<vmem>>
    %dma_start3A_109 = tpu.memref_squeeze %dma_start3A_108 : memref<1x125x128xf32, #tpu.memory_space<vmem>> -> memref<125x128xf32, #tpu.memory_space<vmem>>
    %dma_start3A_110 = arith.constant 0 : i32
    %dma_start3A_111 = tpu.memref_slice %arg8[%dma_start3A_104, %dma_start3A_110] : memref<3x125xi32, #tpu.memory_space<vmem>> -> memref<1x125xi32, #tpu.memory_space<vmem>>
    %dma_start3A_112 = tpu.memref_squeeze %dma_start3A_111 : memref<1x125xi32, #tpu.memory_space<vmem>> -> memref<125xi32, #tpu.memory_space<vmem>>
    %dma_start3A_113 = arith.constant 0 : i32
    %dma_start3A_114 = arith.constant 0 : i32
    %dma_start3A_115 = tpu.memref_slice %arg2[%dma_start3A_113, %dma_start3A_114] : memref<20000x128xf32, #tpu.memory_space<hbm>> -> memref<20000x128xf32, #tpu.memory_space<hbm>>
    tpu.enqueue_indirect_dma source(%dma_start3A_115 : memref<20000x128xf32, #tpu.memory_space<hbm>>) target(%dma_start3A_109 : memref<125x128xf32, #tpu.memory_space<vmem>>) offsets(%dma_start3A_112 : memref<125xi32, #tpu.memory_space<vmem>>) semaphore(%arg10 : memref<!tpu.dma_semaphore, #tpu.memory_space<semaphore_mem>>)
    %add3A_116 = arith.constant 1 : i32
    %add3A_117 = arith.addi %mul3A_2, %add3A_116 : i32
    %dma_wait3A_118 = arith.constant 1 : i32
    %dma_wait3A_119 = arith.constant 0 : i32
    %dma_wait3A_120 = tpu.memref_slice %arg8[%dma_wait3A_118, %dma_wait3A_119] : memref<3x125xi32, #tpu.memory_space<vmem>> -> memref<1x125xi32, #tpu.memory_space<vmem>>
    %dma_wait3A_121 = tpu.memref_squeeze %dma_wait3A_120 : memref<1x125xi32, #tpu.memory_space<vmem>> -> memref<125xi32, #tpu.memory_space<vmem>>
    %dma_wait3A_122 = arith.constant 0 : i32
    %dma_wait3A_123 = tpu.memref_slice %arg3[%add3A_117, %dma_wait3A_122] : memref<2560x125xi32, #tpu.memory_space<hbm>> -> memref<1x125xi32, #tpu.memory_space<hbm>>
    %dma_wait3A_124 = tpu.memref_squeeze %dma_wait3A_123 : memref<1x125xi32, #tpu.memory_space<hbm>> -> memref<125xi32, #tpu.memory_space<hbm>>
    %dma_wait3A_125 = arith.constant 0 : i32
    %dma_wait3A_126 = tpu.memref_slice %arg8[%dma_wait3A_118, %dma_wait3A_125] : memref<3x125xi32, #tpu.memory_space<vmem>> -> memref<1x125xi32, #tpu.memory_space<vmem>>
    %dma_wait3A_127 = tpu.memref_squeeze %dma_wait3A_126 : memref<1x125xi32, #tpu.memory_space<vmem>> -> memref<125xi32, #tpu.memory_space<vmem>>
    %dma_wait3A_128 = arith.constant 0 : i32
    %dma_wait3A_129 = tpu.memref_slice %arg3[%add3A_117, %dma_wait3A_128] : memref<2560x125xi32, #tpu.memory_space<hbm>> -> memref<1x125xi32, #tpu.memory_space<hbm>>
    %dma_wait3A_130 = tpu.memref_squeeze %dma_wait3A_129 : memref<1x125xi32, #tpu.memory_space<hbm>> -> memref<125xi32, #tpu.memory_space<hbm>>
    tpu.wait_dma2 semaphore(%arg14 : memref<!tpu.dma_semaphore, #tpu.memory_space<semaphore_mem>>) src(%dma_wait3A_130 : memref<125xi32, #tpu.memory_space<hbm>>) dst(%dma_wait3A_127 : memref<125xi32, #tpu.memory_space<vmem>>)
    %dma_start3A_131 = arith.constant 1 : i32
    %dma_start3A_132 = arith.constant 1 : i32
    %dma_start3A_133 = arith.constant 0 : i32
    %dma_start3A_134 = arith.constant 0 : i32
    %dma_start3A_135 = tpu.memref_slice %arg7[%dma_start3A_132, %dma_start3A_133, %dma_start3A_134] : memref<3x125x128xf32, #tpu.memory_space<vmem>> -> memref<1x125x128xf32, #tpu.memory_space<vmem>>
    %dma_start3A_136 = tpu.memref_squeeze %dma_start3A_135 : memref<1x125x128xf32, #tpu.memory_space<vmem>> -> memref<125x128xf32, #tpu.memory_space<vmem>>
    %dma_start3A_137 = arith.constant 0 : i32
    %dma_start3A_138 = tpu.memref_slice %arg8[%dma_start3A_131, %dma_start3A_137] : memref<3x125xi32, #tpu.memory_space<vmem>> -> memref<1x125xi32, #tpu.memory_space<vmem>>
    %dma_start3A_139 = tpu.memref_squeeze %dma_start3A_138 : memref<1x125xi32, #tpu.memory_space<vmem>> -> memref<125xi32, #tpu.memory_space<vmem>>
    %dma_start3A_140 = arith.constant 0 : i32
    %dma_start3A_141 = arith.constant 0 : i32
    %dma_start3A_142 = tpu.memref_slice %arg2[%dma_start3A_140, %dma_start3A_141] : memref<20000x128xf32, #tpu.memory_space<hbm>> -> memref<20000x128xf32, #tpu.memory_space<hbm>>
    tpu.enqueue_indirect_dma source(%dma_start3A_142 : memref<20000x128xf32, #tpu.memory_space<hbm>>) target(%dma_start3A_136 : memref<125x128xf32, #tpu.memory_space<vmem>>) offsets(%dma_start3A_139 : memref<125xi32, #tpu.memory_space<vmem>>) semaphore(%arg11 : memref<!tpu.dma_semaphore, #tpu.memory_space<semaphore_mem>>)
    %dma_wait3A_143 = arith.constant 0 : i32
    %dma_wait3A_144 = tpu.memref_slice %arg6[%mul3A_11, %dma_wait3A_143] : memref<10000x128xf32, #tpu.memory_space<vmem_shared>> -> memref<625x128xf32, #tpu.memory_space<vmem_shared>>
    %dma_wait3A_145 = arith.constant 0 : i32
    %dma_wait3A_146 = tpu.memref_slice %arg2[%add3A_9, %dma_wait3A_145] : memref<20000x128xf32, #tpu.memory_space<hbm>> -> memref<625x128xf32, #tpu.memory_space<hbm>>
    tpu.wait_dma2 semaphore(%arg22 : memref<!tpu.dma_semaphore, #tpu.memory_space<semaphore_mem>>) src(%dma_wait3A_146 : memref<625x128xf32, #tpu.memory_space<hbm>>) dst(%dma_wait3A_144 : memref<625x128xf32, #tpu.memory_space<vmem_shared>>)
    %barrier3A = arith.constant 0 : index
    tpu.barrier barrier_id(%barrier3A)
    %dma_wait3A_147 = arith.constant 0 : i32
    %dma_wait3A_148 = arith.constant 0 : i32
    %dma_wait3A_149 = arith.constant 0 : i32
    %dma_wait3A_150 = arith.constant 0 : i32
    %dma_wait3A_151 = tpu.memref_slice %arg7[%dma_wait3A_148, %dma_wait3A_149, %dma_wait3A_150] : memref<3x125x128xf32, #tpu.memory_space<vmem>> -> memref<1x125x128xf32, #tpu.memory_space<vmem>>
    %dma_wait3A_152 = tpu.memref_squeeze %dma_wait3A_151 : memref<1x125x128xf32, #tpu.memory_space<vmem>> -> memref<125x128xf32, #tpu.memory_space<vmem>>
    %dma_wait3A_153 = arith.constant 0 : i32
    %dma_wait3A_154 = tpu.memref_slice %arg8[%dma_wait3A_147, %dma_wait3A_153] : memref<3x125xi32, #tpu.memory_space<vmem>> -> memref<1x125xi32, #tpu.memory_space<vmem>>
    %dma_wait3A_155 = tpu.memref_squeeze %dma_wait3A_154 : memref<1x125xi32, #tpu.memory_space<vmem>> -> memref<125xi32, #tpu.memory_space<vmem>>
    %dma_wait3A_156 = arith.constant 0 : i32
    %dma_wait3A_157 = arith.constant 0 : i32
    %dma_wait3A_158 = tpu.memref_slice %arg2[%dma_wait3A_156, %dma_wait3A_157] : memref<20000x128xf32, #tpu.memory_space<hbm>> -> memref<20000x128xf32, #tpu.memory_space<hbm>>
    tpu.wait_indirect_dma semaphore(%arg10 : memref<!tpu.dma_semaphore, #tpu.memory_space<semaphore_mem>>) src(%dma_wait3A_158 : memref<20000x128xf32, #tpu.memory_space<hbm>>) dst(%dma_wait3A_152 : memref<125x128xf32, #tpu.memory_space<vmem>>)
    %add3A_159 = arith.constant 0 : i32
    %add3A_160 = arith.addi %mul3A_4, %add3A_159 : i32
    %dma_wait3A_161 = arith.constant 0 : i32
    %dma_wait3A_162 = arith.constant 0 : i32
    %dma_wait3A_163 = tpu.memref_slice %arg9[%dma_wait3A_161, %dma_wait3A_162] : memref<3x125xi32, #tpu.memory_space<vmem>> -> memref<1x125xi32, #tpu.memory_space<vmem>>
    %dma_wait3A_164 = tpu.memref_squeeze %dma_wait3A_163 : memref<1x125xi32, #tpu.memory_space<vmem>> -> memref<125xi32, #tpu.memory_space<vmem>>
    %dma_wait3A_165 = arith.constant 0 : i32
    %dma_wait3A_166 = tpu.memref_slice %arg4[%add3A_160, %dma_wait3A_165] : memref<1280x125xi32, #tpu.memory_space<hbm>> -> memref<1x125xi32, #tpu.memory_space<hbm>>
    %dma_wait3A_167 = tpu.memref_squeeze %dma_wait3A_166 : memref<1x125xi32, #tpu.memory_space<hbm>> -> memref<125xi32, #tpu.memory_space<hbm>>
    %dma_wait3A_168 = arith.constant 0 : i32
    %dma_wait3A_169 = tpu.memref_slice %arg9[%dma_wait3A_161, %dma_wait3A_168] : memref<3x125xi32, #tpu.memory_space<vmem>> -> memref<1x125xi32, #tpu.memory_space<vmem>>
    %dma_wait3A_170 = tpu.memref_squeeze %dma_wait3A_169 : memref<1x125xi32, #tpu.memory_space<vmem>> -> memref<125xi32, #tpu.memory_space<vmem>>
    %dma_wait3A_171 = arith.constant 0 : i32
    %dma_wait3A_172 = tpu.memref_slice %arg4[%add3A_160, %dma_wait3A_171] : memref<1280x125xi32, #tpu.memory_space<hbm>> -> memref<1x125xi32, #tpu.memory_space<hbm>>
    %dma_wait3A_173 = tpu.memref_squeeze %dma_wait3A_172 : memref<1x125xi32, #tpu.memory_space<hbm>> -> memref<125xi32, #tpu.memory_space<hbm>>
    tpu.wait_dma2 semaphore(%arg16 : memref<!tpu.dma_semaphore, #tpu.memory_space<semaphore_mem>>) src(%dma_wait3A_173 : memref<125xi32, #tpu.memory_space<hbm>>) dst(%dma_wait3A_170 : memref<125xi32, #tpu.memory_space<vmem>>)
    %dma_start3A_174 = arith.constant 0 : i32
    %dma_start3A_175 = arith.constant 0 : i32
    %dma_start3A_176 = arith.constant 0 : i32
    %dma_start3A_177 = arith.constant 0 : i32
    %dma_start3A_178 = tpu.memref_slice %arg7[%dma_start3A_174, %dma_start3A_176, %dma_start3A_177] : memref<3x125x128xf32, #tpu.memory_space<vmem>> -> memref<1x125x128xf32, #tpu.memory_space<vmem>>
    %dma_start3A_179 = tpu.memref_squeeze %dma_start3A_178 : memref<1x125x128xf32, #tpu.memory_space<vmem>> -> memref<125x128xf32, #tpu.memory_space<vmem>>
    %dma_start3A_180 = arith.constant 0 : i32
    %dma_start3A_181 = tpu.memref_slice %arg9[%dma_start3A_175, %dma_start3A_180] : memref<3x125xi32, #tpu.memory_space<vmem>> -> memref<1x125xi32, #tpu.memory_space<vmem>>
    %dma_start3A_182 = tpu.memref_squeeze %dma_start3A_181 : memref<1x125xi32, #tpu.memory_space<vmem>> -> memref<125xi32, #tpu.memory_space<vmem>>
    %dma_start3A_183 = arith.constant 0 : i32
    %dma_start3A_184 = arith.constant 0 : i32
    %dma_start3A_185 = tpu.memref_slice %arg6[%dma_start3A_183, %dma_start3A_184] : memref<10000x128xf32, #tpu.memory_space<vmem_shared>> -> memref<10000x128xf32, #tpu.memory_space<vmem_shared>>
    tpu.enqueue_indirect_dma source(%dma_start3A_179 : memref<125x128xf32, #tpu.memory_space<vmem>>) target(%dma_start3A_185 : memref<10000x128xf32, #tpu.memory_space<vmem_shared>>) offsets(%dma_start3A_182 : memref<125xi32, #tpu.memory_space<vmem>>) semaphore(%arg19 : memref<!tpu.dma_semaphore, #tpu.memory_space<semaphore_mem>>) {add = true}
    %add3A_186 = arith.constant 2 : i32
    %add3A_187 = arith.addi %mul3A_4, %add3A_186 : i32
    %dma_start3A_188 = arith.constant 2 : i32
    %dma_start3A_189 = arith.constant 0 : i32
    %dma_start3A_190 = tpu.memref_slice %arg9[%dma_start3A_188, %dma_start3A_189] : memref<3x125xi32, #tpu.memory_space<vmem>> -> memref<1x125xi32, #tpu.memory_space<vmem>>
    %dma_start3A_191 = tpu.memref_squeeze %dma_start3A_190 : memref<1x125xi32, #tpu.memory_space<vmem>> -> memref<125xi32, #tpu.memory_space<vmem>>
    %dma_start3A_192 = arith.constant 0 : i32
    %dma_start3A_193 = tpu.memref_slice %arg4[%add3A_187, %dma_start3A_192] : memref<1280x125xi32, #tpu.memory_space<hbm>> -> memref<1x125xi32, #tpu.memory_space<hbm>>
    %dma_start3A_194 = tpu.memref_squeeze %dma_start3A_193 : memref<1x125xi32, #tpu.memory_space<hbm>> -> memref<125xi32, #tpu.memory_space<hbm>>
    %dma_start3A_195 = arith.constant 0 : i32
    %dma_start3A_196 = tpu.memref_slice %arg9[%dma_start3A_188, %dma_start3A_195] : memref<3x125xi32, #tpu.memory_space<vmem>> -> memref<1x125xi32, #tpu.memory_space<vmem>>
    %dma_start3A_197 = tpu.memref_squeeze %dma_start3A_196 : memref<1x125xi32, #tpu.memory_space<vmem>> -> memref<125xi32, #tpu.memory_space<vmem>>
    %dma_start3A_198 = arith.constant 0 : i32
    %dma_start3A_199 = tpu.memref_slice %arg4[%add3A_187, %dma_start3A_198] : memref<1280x125xi32, #tpu.memory_space<hbm>> -> memref<1x125xi32, #tpu.memory_space<hbm>>
    %dma_start3A_200 = tpu.memref_squeeze %dma_start3A_199 : memref<1x125xi32, #tpu.memory_space<hbm>> -> memref<125xi32, #tpu.memory_space<hbm>>
    tpu.enqueue_dma source(%dma_start3A_200 : memref<125xi32, #tpu.memory_space<hbm>>) target(%dma_start3A_197 : memref<125xi32, #tpu.memory_space<vmem>>) target_semaphore(%arg18 : memref<!tpu.dma_semaphore, #tpu.memory_space<semaphore_mem>>)
    %add3A_201 = arith.constant 3 : i32
    %add3A_202 = arith.addi %mul3A_2, %add3A_201 : i32
    %dma_start3A_203 = arith.constant 0 : i32
    %dma_start3A_204 = arith.constant 0 : i32
    %dma_start3A_205 = tpu.memref_slice %arg8[%dma_start3A_203, %dma_start3A_204] : memref<3x125xi32, #tpu.memory_space<vmem>> -> memref<1x125xi32, #tpu.memory_space<vmem>>
    %dma_start3A_206 = tpu.memref_squeeze %dma_start3A_205 : memref<1x125xi32, #tpu.memory_space<vmem>> -> memref<125xi32, #tpu.memory_space<vmem>>
    %dma_start3A_207 = arith.constant 0 : i32
    %dma_start3A_208 = tpu.memref_slice %arg3[%add3A_202, %dma_start3A_207] : memref<2560x125xi32, #tpu.memory_space<hbm>> -> memref<1x125xi32, #tpu.memory_space<hbm>>
    %dma_start3A_209 = tpu.memref_squeeze %dma_start3A_208 : memref<1x125xi32, #tpu.memory_space<hbm>> -> memref<125xi32, #tpu.memory_space<hbm>>
    %dma_start3A_210 = arith.constant 0 : i32
    %dma_start3A_211 = tpu.memref_slice %arg8[%dma_start3A_203, %dma_start3A_210] : memref<3x125xi32, #tpu.memory_space<vmem>> -> memref<1x125xi32, #tpu.memory_space<vmem>>
    %dma_start3A_212 = tpu.memref_squeeze %dma_start3A_211 : memref<1x125xi32, #tpu.memory_space<vmem>> -> memref<125xi32, #tpu.memory_space<vmem>>
    %dma_start3A_213 = arith.constant 0 : i32
    %dma_start3A_214 = tpu.memref_slice %arg3[%add3A_202, %dma_start3A_213] : memref<2560x125xi32, #tpu.memory_space<hbm>> -> memref<1x125xi32, #tpu.memory_space<hbm>>
    %dma_start3A_215 = tpu.memref_squeeze %dma_start3A_214 : memref<1x125xi32, #tpu.memory_space<hbm>> -> memref<125xi32, #tpu.memory_space<hbm>>
    tpu.enqueue_dma source(%dma_start3A_215 : memref<125xi32, #tpu.memory_space<hbm>>) target(%dma_start3A_212 : memref<125xi32, #tpu.memory_space<vmem>>) target_semaphore(%arg13 : memref<!tpu.dma_semaphore, #tpu.memory_space<semaphore_mem>>)
    %add3A_216 = arith.constant 2 : i32
    %add3A_217 = arith.addi %mul3A_2, %add3A_216 : i32
    %dma_wait3A_218 = arith.constant 2 : i32
    %dma_wait3A_219 = arith.constant 0 : i32
    %dma_wait3A_220 = tpu.memref_slice %arg8[%dma_wait3A_218, %dma_wait3A_219] : memref<3x125xi32, #tpu.memory_space<vmem>> -> memref<1x125xi32, #tpu.memory_space<vmem>>
    %dma_wait3A_221 = tpu.memref_squeeze %dma_wait3A_220 : memref<1x125xi32, #tpu.memory_space<vmem>> -> memref<125xi32, #tpu.memory_space<vmem>>
    %dma_wait3A_222 = arith.constant 0 : i32
    %dma_wait3A_223 = tpu.memref_slice %arg3[%add3A_217, %dma_wait3A_222] : memref<2560x125xi32, #tpu.memory_space<hbm>> -> memref<1x125xi32, #tpu.memory_space<hbm>>
    %dma_wait3A_224 = tpu.memref_squeeze %dma_wait3A_223 : memref<1x125xi32, #tpu.memory_space<hbm>> -> memref<125xi32, #tpu.memory_space<hbm>>
    %dma_wait3A_225 = arith.constant 0 : i32
    %dma_wait3A_226 = tpu.memref_slice %arg8[%dma_wait3A_218, %dma_wait3A_225] : memref<3x125xi32, #tpu.memory_space<vmem>> -> memref<1x125xi32, #tpu.memory_space<vmem>>
    %dma_wait3A_227 = tpu.memref_squeeze %dma_wait3A_226 : memref<1x125xi32, #tpu.memory_space<vmem>> -> memref<125xi32, #tpu.memory_space<vmem>>
    %dma_wait3A_228 = arith.constant 0 : i32
    %dma_wait3A_229 = tpu.memref_slice %arg3[%add3A_217, %dma_wait3A_228] : memref<2560x125xi32, #tpu.memory_space<hbm>> -> memref<1x125xi32, #tpu.memory_space<hbm>>
    %dma_wait3A_230 = tpu.memref_squeeze %dma_wait3A_229 : memref<1x125xi32, #tpu.memory_space<hbm>> -> memref<125xi32, #tpu.memory_space<hbm>>
    tpu.wait_dma2 semaphore(%arg15 : memref<!tpu.dma_semaphore, #tpu.memory_space<semaphore_mem>>) src(%dma_wait3A_230 : memref<125xi32, #tpu.memory_space<hbm>>) dst(%dma_wait3A_227 : memref<125xi32, #tpu.memory_space<vmem>>)
    %dma_start3A_231 = arith.constant 2 : i32
    %dma_start3A_232 = arith.constant 2 : i32
    %dma_start3A_233 = arith.constant 0 : i32
    %dma_start3A_234 = arith.constant 0 : i32
    %dma_start3A_235 = tpu.memref_slice %arg7[%dma_start3A_232, %dma_start3A_233, %dma_start3A_234] : memref<3x125x128xf32, #tpu.memory_space<vmem>> -> memref<1x125x128xf32, #tpu.memory_space<vmem>>
    %dma_start3A_236 = tpu.memref_squeeze %dma_start3A_235 : memref<1x125x128xf32, #tpu.memory_space<vmem>> -> memref<125x128xf32, #tpu.memory_space<vmem>>
    %dma_start3A_237 = arith.constant 0 : i32
    %dma_start3A_238 = tpu.memref_slice %arg8[%dma_start3A_231, %dma_start3A_237] : memref<3x125xi32, #tpu.memory_space<vmem>> -> memref<1x125xi32, #tpu.memory_space<vmem>>
    %dma_start3A_239 = tpu.memref_squeeze %dma_start3A_238 : memref<1x125xi32, #tpu.memory_space<vmem>> -> memref<125xi32, #tpu.memory_space<vmem>>
    %dma_start3A_240 = arith.constant 0 : i32
    %dma_start3A_241 = arith.constant 0 : i32
    %dma_start3A_242 = tpu.memref_slice %arg2[%dma_start3A_240, %dma_start3A_241] : memref<20000x128xf32, #tpu.memory_space<hbm>> -> memref<20000x128xf32, #tpu.memory_space<hbm>>
    tpu.enqueue_indirect_dma source(%dma_start3A_242 : memref<20000x128xf32, #tpu.memory_space<hbm>>) target(%dma_start3A_236 : memref<125x128xf32, #tpu.memory_space<vmem>>) offsets(%dma_start3A_239 : memref<125xi32, #tpu.memory_space<vmem>>) semaphore(%arg12 : memref<!tpu.dma_semaphore, #tpu.memory_space<semaphore_mem>>)
    %dma_wait3A_243 = arith.constant 1 : i32
    %dma_wait3A_244 = arith.constant 1 : i32
    %dma_wait3A_245 = arith.constant 0 : i32
    %dma_wait3A_246 = arith.constant 0 : i32
    %dma_wait3A_247 = tpu.memref_slice %arg7[%dma_wait3A_244, %dma_wait3A_245, %dma_wait3A_246] : memref<3x125x128xf32, #tpu.memory_space<vmem>> -> memref<1x125x128xf32, #tpu.memory_space<vmem>>
    %dma_wait3A_248 = tpu.memref_squeeze %dma_wait3A_247 : memref<1x125x128xf32, #tpu.memory_space<vmem>> -> memref<125x128xf32, #tpu.memory_space<vmem>>
    %dma_wait3A_249 = arith.constant 0 : i32
    %dma_wait3A_250 = tpu.memref_slice %arg8[%dma_wait3A_243, %dma_wait3A_249] : memref<3x125xi32, #tpu.memory_space<vmem>> -> memref<1x125xi32, #tpu.memory_space<vmem>>
    %dma_wait3A_251 = tpu.memref_squeeze %dma_wait3A_250 : memref<1x125xi32, #tpu.memory_space<vmem>> -> memref<125xi32, #tpu.memory_space<vmem>>
    %dma_wait3A_252 = arith.constant 0 : i32
    %dma_wait3A_253 = arith.constant 0 : i32
    %dma_wait3A_254 = tpu.memref_slice %arg2[%dma_wait3A_252, %dma_wait3A_253] : memref<20000x128xf32, #tpu.memory_space<hbm>> -> memref<20000x128xf32, #tpu.memory_space<hbm>>
    tpu.wait_indirect_dma semaphore(%arg11 : memref<!tpu.dma_semaphore, #tpu.memory_space<semaphore_mem>>) src(%dma_wait3A_254 : memref<20000x128xf32, #tpu.memory_space<hbm>>) dst(%dma_wait3A_248 : memref<125x128xf32, #tpu.memory_space<vmem>>)
    %add3A_255 = arith.constant 1 : i32
    %add3A_256 = arith.addi %mul3A_4, %add3A_255 : i32
    %dma_wait3A_257 = arith.constant 1 : i32
    %dma_wait3A_258 = arith.constant 0 : i32
    %dma_wait3A_259 = tpu.memref_slice %arg9[%dma_wait3A_257, %dma_wait3A_258] : memref<3x125xi32, #tpu.memory_space<vmem>> -> memref<1x125xi32, #tpu.memory_space<vmem>>
    %dma_wait3A_260 = tpu.memref_squeeze %dma_wait3A_259 : memref<1x125xi32, #tpu.memory_space<vmem>> -> memref<125xi32, #tpu.memory_space<vmem>>
    %dma_wait3A_261 = arith.constant 0 : i32
    %dma_wait3A_262 = tpu.memref_slice %arg4[%add3A_256, %dma_wait3A_261] : memref<1280x125xi32, #tpu.memory_space<hbm>> -> memref<1x125xi32, #tpu.memory_space<hbm>>
    %dma_wait3A_263 = tpu.memref_squeeze %dma_wait3A_262 : memref<1x125xi32, #tpu.memory_space<hbm>> -> memref<125xi32, #tpu.memory_space<hbm>>
    %dma_wait3A_264 = arith.constant 0 : i32
    %dma_wait3A_265 = tpu.memref_slice %arg9[%dma_wait3A_257, %dma_wait3A_264] : memref<3x125xi32, #tpu.memory_space<vmem>> -> memref<1x125xi32, #tpu.memory_space<vmem>>
    %dma_wait3A_266 = tpu.memref_squeeze %dma_wait3A_265 : memref<1x125xi32, #tpu.memory_space<vmem>> -> memref<125xi32, #tpu.memory_space<vmem>>
    %dma_wait3A_267 = arith.constant 0 : i32
    %dma_wait3A_268 = tpu.memref_slice %arg4[%add3A_256, %dma_wait3A_267] : memref<1280x125xi32, #tpu.memory_space<hbm>> -> memref<1x125xi32, #tpu.memory_space<hbm>>
    %dma_wait3A_269 = tpu.memref_squeeze %dma_wait3A_268 : memref<1x125xi32, #tpu.memory_space<hbm>> -> memref<125xi32, #tpu.memory_space<hbm>>
    tpu.wait_dma2 semaphore(%arg17 : memref<!tpu.dma_semaphore, #tpu.memory_space<semaphore_mem>>) src(%dma_wait3A_269 : memref<125xi32, #tpu.memory_space<hbm>>) dst(%dma_wait3A_266 : memref<125xi32, #tpu.memory_space<vmem>>)
    %dma_start3A_270 = arith.constant 1 : i32
    %dma_start3A_271 = arith.constant 1 : i32
    %dma_start3A_272 = arith.constant 0 : i32
    %dma_start3A_273 = arith.constant 0 : i32
    %dma_start3A_274 = tpu.memref_slice %arg7[%dma_start3A_270, %dma_start3A_272, %dma_start3A_273] : memref<3x125x128xf32, #tpu.memory_space<vmem>> -> memref<1x125x128xf32, #tpu.memory_space<vmem>>
    %dma_start3A_275 = tpu.memref_squeeze %dma_start3A_274 : memref<1x125x128xf32, #tpu.memory_space<vmem>> -> memref<125x128xf32, #tpu.memory_space<vmem>>
    %dma_start3A_276 = arith.constant 0 : i32
    %dma_start3A_277 = tpu.memref_slice %arg9[%dma_start3A_271, %dma_start3A_276] : memref<3x125xi32, #tpu.memory_space<vmem>> -> memref<1x125xi32, #tpu.memory_space<vmem>>
    %dma_start3A_278 = tpu.memref_squeeze %dma_start3A_277 : memref<1x125xi32, #tpu.memory_space<vmem>> -> memref<125xi32, #tpu.memory_space<vmem>>
    %dma_start3A_279 = arith.constant 0 : i32
    %dma_start3A_280 = arith.constant 0 : i32
    %dma_start3A_281 = tpu.memref_slice %arg6[%dma_start3A_279, %dma_start3A_280] : memref<10000x128xf32, #tpu.memory_space<vmem_shared>> -> memref<10000x128xf32, #tpu.memory_space<vmem_shared>>
    tpu.enqueue_indirect_dma source(%dma_start3A_275 : memref<125x128xf32, #tpu.memory_space<vmem>>) target(%dma_start3A_281 : memref<10000x128xf32, #tpu.memory_space<vmem_shared>>) offsets(%dma_start3A_278 : memref<125xi32, #tpu.memory_space<vmem>>) semaphore(%arg20 : memref<!tpu.dma_semaphore, #tpu.memory_space<semaphore_mem>>) {add = true}
    %dma_wait3A_282 = arith.constant 0 : i32
    %dma_wait3A_283 = arith.constant 0 : i32
    %dma_wait3A_284 = arith.constant 0 : i32
    %dma_wait3A_285 = arith.constant 0 : i32
    %dma_wait3A_286 = tpu.memref_slice %arg7[%dma_wait3A_282, %dma_wait3A_284, %dma_wait3A_285] : memref<3x125x128xf32, #tpu.memory_space<vmem>> -> memref<1x125x128xf32, #tpu.memory_space<vmem>>
    %dma_wait3A_287 = tpu.memref_squeeze %dma_wait3A_286 : memref<1x125x128xf32, #tpu.memory_space<vmem>> -> memref<125x128xf32, #tpu.memory_space<vmem>>
    %dma_wait3A_288 = arith.constant 0 : i32
    %dma_wait3A_289 = tpu.memref_slice %arg9[%dma_wait3A_283, %dma_wait3A_288] : memref<3x125xi32, #tpu.memory_space<vmem>> -> memref<1x125xi32, #tpu.memory_space<vmem>>
    %dma_wait3A_290 = tpu.memref_squeeze %dma_wait3A_289 : memref<1x125xi32, #tpu.memory_space<vmem>> -> memref<125xi32, #tpu.memory_space<vmem>>
    %dma_wait3A_291 = arith.constant 0 : i32
    %dma_wait3A_292 = arith.constant 0 : i32
    %dma_wait3A_293 = tpu.memref_slice %arg6[%dma_wait3A_291, %dma_wait3A_292] : memref<10000x128xf32, #tpu.memory_space<vmem_shared>> -> memref<10000x128xf32, #tpu.memory_space<vmem_shared>>
    tpu.wait_indirect_dma semaphore(%arg19 : memref<!tpu.dma_semaphore, #tpu.memory_space<semaphore_mem>>) src(%dma_wait3A_287 : memref<125x128xf32, #tpu.memory_space<vmem>>) dst(%dma_wait3A_293 : memref<10000x128xf32, #tpu.memory_space<vmem_shared>>)
    %add3A_294 = arith.constant 3 : i32
    %add3A_295 = arith.addi %mul3A_4, %add3A_294 : i32
    %dma_start3A_296 = arith.constant 0 : i32
    %dma_start3A_297 = arith.constant 0 : i32
    %dma_start3A_298 = tpu.memref_slice %arg9[%dma_start3A_296, %dma_start3A_297] : memref<3x125xi32, #tpu.memory_space<vmem>> -> memref<1x125xi32, #tpu.memory_space<vmem>>
    %dma_start3A_299 = tpu.memref_squeeze %dma_start3A_298 : memref<1x125xi32, #tpu.memory_space<vmem>> -> memref<125xi32, #tpu.memory_space<vmem>>
    %dma_start3A_300 = arith.constant 0 : i32
    %dma_start3A_301 = tpu.memref_slice %arg4[%add3A_295, %dma_start3A_300] : memref<1280x125xi32, #tpu.memory_space<hbm>> -> memref<1x125xi32, #tpu.memory_space<hbm>>
    %dma_start3A_302 = tpu.memref_squeeze %dma_start3A_301 : memref<1x125xi32, #tpu.memory_space<hbm>> -> memref<125xi32, #tpu.memory_space<hbm>>
    %dma_start3A_303 = arith.constant 0 : i32
    %dma_start3A_304 = tpu.memref_slice %arg9[%dma_start3A_296, %dma_start3A_303] : memref<3x125xi32, #tpu.memory_space<vmem>> -> memref<1x125xi32, #tpu.memory_space<vmem>>
    %dma_start3A_305 = tpu.memref_squeeze %dma_start3A_304 : memref<1x125xi32, #tpu.memory_space<vmem>> -> memref<125xi32, #tpu.memory_space<vmem>>
    %dma_start3A_306 = arith.constant 0 : i32
    %dma_start3A_307 = tpu.memref_slice %arg4[%add3A_295, %dma_start3A_306] : memref<1280x125xi32, #tpu.memory_space<hbm>> -> memref<1x125xi32, #tpu.memory_space<hbm>>
    %dma_start3A_308 = tpu.memref_squeeze %dma_start3A_307 : memref<1x125xi32, #tpu.memory_space<hbm>> -> memref<125xi32, #tpu.memory_space<hbm>>
    tpu.enqueue_dma source(%dma_start3A_308 : memref<125xi32, #tpu.memory_space<hbm>>) target(%dma_start3A_305 : memref<125xi32, #tpu.memory_space<vmem>>) target_semaphore(%arg16 : memref<!tpu.dma_semaphore, #tpu.memory_space<semaphore_mem>>)
    %add3A_309 = arith.constant 4 : i32
    %add3A_310 = arith.addi %mul3A_2, %add3A_309 : i32
    %dma_start3A_311 = arith.constant 1 : i32
    %dma_start3A_312 = arith.constant 0 : i32
    %dma_start3A_313 = tpu.memref_slice %arg8[%dma_start3A_311, %dma_start3A_312] : memref<3x125xi32, #tpu.memory_space<vmem>> -> memref<1x125xi32, #tpu.memory_space<vmem>>
    %dma_start3A_314 = tpu.memref_squeeze %dma_start3A_313 : memref<1x125xi32, #tpu.memory_space<vmem>> -> memref<125xi32, #tpu.memory_space<vmem>>
    %dma_start3A_315 = arith.constant 0 : i32
    %dma_start3A_316 = tpu.memref_slice %arg3[%add3A_310, %dma_start3A_315] : memref<2560x125xi32, #tpu.memory_space<hbm>> -> memref<1x125xi32, #tpu.memory_space<hbm>>
    %dma_start3A_317 = tpu.memref_squeeze %dma_start3A_316 : memref<1x125xi32, #tpu.memory_space<hbm>> -> memref<125xi32, #tpu.memory_space<hbm>>
    %dma_start3A_318 = arith.constant 0 : i32
    %dma_start3A_319 = tpu.memref_slice %arg8[%dma_start3A_311, %dma_start3A_318] : memref<3x125xi32, #tpu.memory_space<vmem>> -> memref<1x125xi32, #tpu.memory_space<vmem>>
    %dma_start3A_320 = tpu.memref_squeeze %dma_start3A_319 : memref<1x125xi32, #tpu.memory_space<vmem>> -> memref<125xi32, #tpu.memory_space<vmem>>
    %dma_start3A_321 = arith.constant 0 : i32
    %dma_start3A_322 = tpu.memref_slice %arg3[%add3A_310, %dma_start3A_321] : memref<2560x125xi32, #tpu.memory_space<hbm>> -> memref<1x125xi32, #tpu.memory_space<hbm>>
    %dma_start3A_323 = tpu.memref_squeeze %dma_start3A_322 : memref<1x125xi32, #tpu.memory_space<hbm>> -> memref<125xi32, #tpu.memory_space<hbm>>
    tpu.enqueue_dma source(%dma_start3A_323 : memref<125xi32, #tpu.memory_space<hbm>>) target(%dma_start3A_320 : memref<125xi32, #tpu.memory_space<vmem>>) target_semaphore(%arg14 : memref<!tpu.dma_semaphore, #tpu.memory_space<semaphore_mem>>)
    %add3A_324 = arith.constant 3 : i32
    %add3A_325 = arith.addi %mul3A_2, %add3A_324 : i32
    %dma_wait3A_326 = arith.constant 0 : i32
    %dma_wait3A_327 = arith.constant 0 : i32
    %dma_wait3A_328 = tpu.memref_slice %arg8[%dma_wait3A_326, %dma_wait3A_327] : memref<3x125xi32, #tpu.memory_space<vmem>> -> memref<1x125xi32, #tpu.memory_space<vmem>>
    %dma_wait3A_329 = tpu.memref_squeeze %dma_wait3A_328 : memref<1x125xi32, #tpu.memory_space<vmem>> -> memref<125xi32, #tpu.memory_space<vmem>>
    %dma_wait3A_330 = arith.constant 0 : i32
    %dma_wait3A_331 = tpu.memref_slice %arg3[%add3A_325, %dma_wait3A_330] : memref<2560x125xi32, #tpu.memory_space<hbm>> -> memref<1x125xi32, #tpu.memory_space<hbm>>
    %dma_wait3A_332 = tpu.memref_squeeze %dma_wait3A_331 : memref<1x125xi32, #tpu.memory_space<hbm>> -> memref<125xi32, #tpu.memory_space<hbm>>
    %dma_wait3A_333 = arith.constant 0 : i32
    %dma_wait3A_334 = tpu.memref_slice %arg8[%dma_wait3A_326, %dma_wait3A_333] : memref<3x125xi32, #tpu.memory_space<vmem>> -> memref<1x125xi32, #tpu.memory_space<vmem>>
    %dma_wait3A_335 = tpu.memref_squeeze %dma_wait3A_334 : memref<1x125xi32, #tpu.memory_space<vmem>> -> memref<125xi32, #tpu.memory_space<vmem>>
    %dma_wait3A_336 = arith.constant 0 : i32
    %dma_wait3A_337 = tpu.memref_slice %arg3[%add3A_325, %dma_wait3A_336] : memref<2560x125xi32, #tpu.memory_space<hbm>> -> memref<1x125xi32, #tpu.memory_space<hbm>>
    %dma_wait3A_338 = tpu.memref_squeeze %dma_wait3A_337 : memref<1x125xi32, #tpu.memory_space<hbm>> -> memref<125xi32, #tpu.memory_space<hbm>>
    tpu.wait_dma2 semaphore(%arg13 : memref<!tpu.dma_semaphore, #tpu.memory_space<semaphore_mem>>) src(%dma_wait3A_338 : memref<125xi32, #tpu.memory_space<hbm>>) dst(%dma_wait3A_335 : memref<125xi32, #tpu.memory_space<vmem>>)
    %dma_start3A_339 = arith.constant 0 : i32
    %dma_start3A_340 = arith.constant 0 : i32
    %dma_start3A_341 = arith.constant 0 : i32
    %dma_start3A_342 = arith.constant 0 : i32
    %dma_start3A_343 = tpu.memref_slice %arg7[%dma_start3A_340, %dma_start3A_341, %dma_start3A_342] : memref<3x125x128xf32, #tpu.memory_space<vmem>> -> memref<1x125x128xf32, #tpu.memory_space<vmem>>
    %dma_start3A_344 = tpu.memref_squeeze %dma_start3A_343 : memref<1x125x128xf32, #tpu.memory_space<vmem>> -> memref<125x128xf32, #tpu.memory_space<vmem>>
    %dma_start3A_345 = arith.constant 0 : i32
    %dma_start3A_346 = tpu.memref_slice %arg8[%dma_start3A_339, %dma_start3A_345] : memref<3x125xi32, #tpu.memory_space<vmem>> -> memref<1x125xi32, #tpu.memory_space<vmem>>
    %dma_start3A_347 = tpu.memref_squeeze %dma_start3A_346 : memref<1x125xi32, #tpu.memory_space<vmem>> -> memref<125xi32, #tpu.memory_space<vmem>>
    %dma_start3A_348 = arith.constant 0 : i32
    %dma_start3A_349 = arith.constant 0 : i32
    %dma_start3A_350 = tpu.memref_slice %arg2[%dma_start3A_348, %dma_start3A_349] : memref<20000x128xf32, #tpu.memory_space<hbm>> -> memref<20000x128xf32, #tpu.memory_space<hbm>>
    tpu.enqueue_indirect_dma source(%dma_start3A_350 : memref<20000x128xf32, #tpu.memory_space<hbm>>) target(%dma_start3A_344 : memref<125x128xf32, #tpu.memory_space<vmem>>) offsets(%dma_start3A_347 : memref<125xi32, #tpu.memory_space<vmem>>) semaphore(%arg10 : memref<!tpu.dma_semaphore, #tpu.memory_space<semaphore_mem>>)
    %scan3A = arith.constant 0 : i32
    %scan3A_351 = arith.constant 0 : i32
    %scan3A_352 = arith.constant 25 : i32
    %scan3A_353 = arith.addi %scan3A_351, %scan3A_352 : i32
    %scan3A_354 = arith.constant 1 : i32
    %scan3A_355 = scf.for %scan3A_572 = %scan3A_351 to %scan3A_353 step %scan3A_354 iter_args(%scan3A_573 = %scan3A) -> (i32)  : i32 {
      %mul3A_574 = arith.constant 3 : i32
      %mul3A_575 = arith.muli %mul3A_574, %scan3A_572 : i32
      %add3A_576 = arith.constant 2 : i32
      %add3A_577 = arith.addi %add3A_576, %mul3A_575 : i32
      %dma_wait3A_578 = arith.constant 2 : i32
      %dma_wait3A_579 = arith.constant 2 : i32
      %dma_wait3A_580 = arith.constant 0 : i32
      %dma_wait3A_581 = arith.constant 0 : i32
      %dma_wait3A_582 = tpu.memref_slice %arg7[%dma_wait3A_579, %dma_wait3A_580, %dma_wait3A_581] : memref<3x125x128xf32, #tpu.memory_space<vmem>> -> memref<1x125x128xf32, #tpu.memory_space<vmem>>
      %dma_wait3A_583 = tpu.memref_squeeze %dma_wait3A_582 : memref<1x125x128xf32, #tpu.memory_space<vmem>> -> memref<125x128xf32, #tpu.memory_space<vmem>>
      %dma_wait3A_584 = arith.constant 0 : i32
      %dma_wait3A_585 = tpu.memref_slice %arg8[%dma_wait3A_578, %dma_wait3A_584] : memref<3x125xi32, #tpu.memory_space<vmem>> -> memref<1x125xi32, #tpu.memory_space<vmem>>
      %dma_wait3A_586 = tpu.memref_squeeze %dma_wait3A_585 : memref<1x125xi32, #tpu.memory_space<vmem>> -> memref<125xi32, #tpu.memory_space<vmem>>
      %dma_wait3A_587 = arith.constant 0 : i32
      %dma_wait3A_588 = arith.constant 0 : i32
      %dma_wait3A_589 = tpu.memref_slice %arg2[%dma_wait3A_587, %dma_wait3A_588] : memref<20000x128xf32, #tpu.memory_space<hbm>> -> memref<20000x128xf32, #tpu.memory_space<hbm>>
      tpu.wait_indirect_dma semaphore(%arg12 : memref<!tpu.dma_semaphore, #tpu.memory_space<semaphore_mem>>) src(%dma_wait3A_589 : memref<20000x128xf32, #tpu.memory_space<hbm>>) dst(%dma_wait3A_583 : memref<125x128xf32, #tpu.memory_space<vmem>>)
      %add3A_590 = arith.addi %mul3A_4, %add3A_577 : i32
      %dma_wait3A_591 = arith.constant 2 : i32
      %dma_wait3A_592 = arith.constant 0 : i32
      %dma_wait3A_593 = tpu.memref_slice %arg9[%dma_wait3A_591, %dma_wait3A_592] : memref<3x125xi32, #tpu.memory_space<vmem>> -> memref<1x125xi32, #tpu.memory_space<vmem>>
      %dma_wait3A_594 = tpu.memref_squeeze %dma_wait3A_593 : memref<1x125xi32, #tpu.memory_space<vmem>> -> memref<125xi32, #tpu.memory_space<vmem>>
      %dma_wait3A_595 = arith.constant 0 : i32
      %dma_wait3A_596 = tpu.memref_slice %arg4[%add3A_590, %dma_wait3A_595] : memref<1280x125xi32, #tpu.memory_space<hbm>> -> memref<1x125xi32, #tpu.memory_space<hbm>>
      %dma_wait3A_597 = tpu.memref_squeeze %dma_wait3A_596 : memref<1x125xi32, #tpu.memory_space<hbm>> -> memref<125xi32, #tpu.memory_space<hbm>>
      %dma_wait3A_598 = arith.constant 0 : i32
      %dma_wait3A_599 = tpu.memref_slice %arg9[%dma_wait3A_591, %dma_wait3A_598] : memref<3x125xi32, #tpu.memory_space<vmem>> -> memref<1x125xi32, #tpu.memory_space<vmem>>
      %dma_wait3A_600 = tpu.memref_squeeze %dma_wait3A_599 : memref<1x125xi32, #tpu.memory_space<vmem>> -> memref<125xi32, #tpu.memory_space<vmem>>
      %dma_wait3A_601 = arith.constant 0 : i32
      %dma_wait3A_602 = tpu.memref_slice %arg4[%add3A_590, %dma_wait3A_601] : memref<1280x125xi32, #tpu.memory_space<hbm>> -> memref<1x125xi32, #tpu.memory_space<hbm>>
      %dma_wait3A_603 = tpu.memref_squeeze %dma_wait3A_602 : memref<1x125xi32, #tpu.memory_space<hbm>> -> memref<125xi32, #tpu.memory_space<hbm>>
      tpu.wait_dma2 semaphore(%arg18 : memref<!tpu.dma_semaphore, #tpu.memory_space<semaphore_mem>>) src(%dma_wait3A_603 : memref<125xi32, #tpu.memory_space<hbm>>) dst(%dma_wait3A_600 : memref<125xi32, #tpu.memory_space<vmem>>)
      %dma_start3A_604 = arith.constant 2 : i32
      %dma_start3A_605 = arith.constant 2 : i32
      %dma_start3A_606 = arith.constant 0 : i32
      %dma_start3A_607 = arith.constant 0 : i32
      %dma_start3A_608 = tpu.memref_slice %arg7[%dma_start3A_604, %dma_start3A_606, %dma_start3A_607] : memref<3x125x128xf32, #tpu.memory_space<vmem>> -> memref<1x125x128xf32, #tpu.memory_space<vmem>>
      %dma_start3A_609 = tpu.memref_squeeze %dma_start3A_608 : memref<1x125x128xf32, #tpu.memory_space<vmem>> -> memref<125x128xf32, #tpu.memory_space<vmem>>
      %dma_start3A_610 = arith.constant 0 : i32
      %dma_start3A_611 = tpu.memref_slice %arg9[%dma_start3A_605, %dma_start3A_610] : memref<3x125xi32, #tpu.memory_space<vmem>> -> memref<1x125xi32, #tpu.memory_space<vmem>>
      %dma_start3A_612 = tpu.memref_squeeze %dma_start3A_611 : memref<1x125xi32, #tpu.memory_space<vmem>> -> memref<125xi32, #tpu.memory_space<vmem>>
      %dma_start3A_613 = arith.constant 0 : i32
      %dma_start3A_614 = arith.constant 0 : i32
      %dma_start3A_615 = tpu.memref_slice %arg6[%dma_start3A_613, %dma_start3A_614] : memref<10000x128xf32, #tpu.memory_space<vmem_shared>> -> memref<10000x128xf32, #tpu.memory_space<vmem_shared>>
      tpu.enqueue_indirect_dma source(%dma_start3A_609 : memref<125x128xf32, #tpu.memory_space<vmem>>) target(%dma_start3A_615 : memref<10000x128xf32, #tpu.memory_space<vmem_shared>>) offsets(%dma_start3A_612 : memref<125xi32, #tpu.memory_space<vmem>>) semaphore(%arg21 : memref<!tpu.dma_semaphore, #tpu.memory_space<semaphore_mem>>) {add = true}
      %dma_wait3A_616 = arith.constant 1 : i32
      %dma_wait3A_617 = arith.constant 1 : i32
      %dma_wait3A_618 = arith.constant 0 : i32
      %dma_wait3A_619 = arith.constant 0 : i32
      %dma_wait3A_620 = tpu.memref_slice %arg7[%dma_wait3A_616, %dma_wait3A_618, %dma_wait3A_619] : memref<3x125x128xf32, #tpu.memory_space<vmem>> -> memref<1x125x128xf32, #tpu.memory_space<vmem>>
      %dma_wait3A_621 = tpu.memref_squeeze %dma_wait3A_620 : memref<1x125x128xf32, #tpu.memory_space<vmem>> -> memref<125x128xf32, #tpu.memory_space<vmem>>
      %dma_wait3A_622 = arith.constant 0 : i32
      %dma_wait3A_623 = tpu.memref_slice %arg9[%dma_wait3A_617, %dma_wait3A_622] : memref<3x125xi32, #tpu.memory_space<vmem>> -> memref<1x125xi32, #tpu.memory_space<vmem>>
      %dma_wait3A_624 = tpu.memref_squeeze %dma_wait3A_623 : memref<1x125xi32, #tpu.memory_space<vmem>> -> memref<125xi32, #tpu.memory_space<vmem>>
      %dma_wait3A_625 = arith.constant 0 : i32
      %dma_wait3A_626 = arith.constant 0 : i32
      %dma_wait3A_627 = tpu.memref_slice %arg6[%dma_wait3A_625, %dma_wait3A_626] : memref<10000x128xf32, #tpu.memory_space<vmem_shared>> -> memref<10000x128xf32, #tpu.memory_space<vmem_shared>>
      tpu.wait_indirect_dma semaphore(%arg20 : memref<!tpu.dma_semaphore, #tpu.memory_space<semaphore_mem>>) src(%dma_wait3A_621 : memref<125x128xf32, #tpu.memory_space<vmem>>) dst(%dma_wait3A_627 : memref<10000x128xf32, #tpu.memory_space<vmem_shared>>)
      %add3A_628 = arith.constant 2 : i32
      %add3A_629 = arith.addi %add3A_577, %add3A_628 : i32
      %add3A_630 = arith.addi %mul3A_4, %add3A_629 : i32
      %dma_start3A_631 = arith.constant 1 : i32
      %dma_start3A_632 = arith.constant 0 : i32
      %dma_start3A_633 = tpu.memref_slice %arg9[%dma_start3A_631, %dma_start3A_632] : memref<3x125xi32, #tpu.memory_space<vmem>> -> memref<1x125xi32, #tpu.memory_space<vmem>>
      %dma_start3A_634 = tpu.memref_squeeze %dma_start3A_633 : memref<1x125xi32, #tpu.memory_space<vmem>> -> memref<125xi32, #tpu.memory_space<vmem>>
      %dma_start3A_635 = arith.constant 0 : i32
      %dma_start3A_636 = tpu.memref_slice %arg4[%add3A_630, %dma_start3A_635] : memref<1280x125xi32, #tpu.memory_space<hbm>> -> memref<1x125xi32, #tpu.memory_space<hbm>>
      %dma_start3A_637 = tpu.memref_squeeze %dma_start3A_636 : memref<1x125xi32, #tpu.memory_space<hbm>> -> memref<125xi32, #tpu.memory_space<hbm>>
      %dma_start3A_638 = arith.constant 0 : i32
      %dma_start3A_639 = tpu.memref_slice %arg9[%dma_start3A_631, %dma_start3A_638] : memref<3x125xi32, #tpu.memory_space<vmem>> -> memref<1x125xi32, #tpu.memory_space<vmem>>
      %dma_start3A_640 = tpu.memref_squeeze %dma_start3A_639 : memref<1x125xi32, #tpu.memory_space<vmem>> -> memref<125xi32, #tpu.memory_space<vmem>>
      %dma_start3A_641 = arith.constant 0 : i32
      %dma_start3A_642 = tpu.memref_slice %arg4[%add3A_630, %dma_start3A_641] : memref<1280x125xi32, #tpu.memory_space<hbm>> -> memref<1x125xi32, #tpu.memory_space<hbm>>
      %dma_start3A_643 = tpu.memref_squeeze %dma_start3A_642 : memref<1x125xi32, #tpu.memory_space<hbm>> -> memref<125xi32, #tpu.memory_space<hbm>>
      tpu.enqueue_dma source(%dma_start3A_643 : memref<125xi32, #tpu.memory_space<hbm>>) target(%dma_start3A_640 : memref<125xi32, #tpu.memory_space<vmem>>) target_semaphore(%arg17 : memref<!tpu.dma_semaphore, #tpu.memory_space<semaphore_mem>>)
      %add3A_644 = arith.constant 3 : i32
      %add3A_645 = arith.addi %add3A_577, %add3A_644 : i32
      %add3A_646 = arith.addi %mul3A_2, %add3A_645 : i32
      %dma_start3A_647 = arith.constant 2 : i32
      %dma_start3A_648 = arith.constant 0 : i32
      %dma_start3A_649 = tpu.memref_slice %arg8[%dma_start3A_647, %dma_start3A_648] : memref<3x125xi32, #tpu.memory_space<vmem>> -> memref<1x125xi32, #tpu.memory_space<vmem>>
      %dma_start3A_650 = tpu.memref_squeeze %dma_start3A_649 : memref<1x125xi32, #tpu.memory_space<vmem>> -> memref<125xi32, #tpu.memory_space<vmem>>
      %dma_start3A_651 = arith.constant 0 : i32
      %dma_start3A_652 = tpu.memref_slice %arg3[%add3A_646, %dma_start3A_651] : memref<2560x125xi32, #tpu.memory_space<hbm>> -> memref<1x125xi32, #tpu.memory_space<hbm>>
      %dma_start3A_653 = tpu.memref_squeeze %dma_start3A_652 : memref<1x125xi32, #tpu.memory_space<hbm>> -> memref<125xi32, #tpu.memory_space<hbm>>
      %dma_start3A_654 = arith.constant 0 : i32
      %dma_start3A_655 = tpu.memref_slice %arg8[%dma_start3A_647, %dma_start3A_654] : memref<3x125xi32, #tpu.memory_space<vmem>> -> memref<1x125xi32, #tpu.memory_space<vmem>>
      %dma_start3A_656 = tpu.memref_squeeze %dma_start3A_655 : memref<1x125xi32, #tpu.memory_space<vmem>> -> memref<125xi32, #tpu.memory_space<vmem>>
      %dma_start3A_657 = arith.constant 0 : i32
      %dma_start3A_658 = tpu.memref_slice %arg3[%add3A_646, %dma_start3A_657] : memref<2560x125xi32, #tpu.memory_space<hbm>> -> memref<1x125xi32, #tpu.memory_space<hbm>>
      %dma_start3A_659 = tpu.memref_squeeze %dma_start3A_658 : memref<1x125xi32, #tpu.memory_space<hbm>> -> memref<125xi32, #tpu.memory_space<hbm>>
      tpu.enqueue_dma source(%dma_start3A_659 : memref<125xi32, #tpu.memory_space<hbm>>) target(%dma_start3A_656 : memref<125xi32, #tpu.memory_space<vmem>>) target_semaphore(%arg15 : memref<!tpu.dma_semaphore, #tpu.memory_space<semaphore_mem>>)
      %add3A_660 = arith.constant 2 : i32
      %add3A_661 = arith.addi %add3A_577, %add3A_660 : i32
      %add3A_662 = arith.addi %mul3A_2, %add3A_661 : i32
      %dma_wait3A_663 = arith.constant 1 : i32
      %dma_wait3A_664 = arith.constant 0 : i32
      %dma_wait3A_665 = tpu.memref_slice %arg8[%dma_wait3A_663, %dma_wait3A_664] : memref<3x125xi32, #tpu.memory_space<vmem>> -> memref<1x125xi32, #tpu.memory_space<vmem>>
      %dma_wait3A_666 = tpu.memref_squeeze %dma_wait3A_665 : memref<1x125xi32, #tpu.memory_space<vmem>> -> memref<125xi32, #tpu.memory_space<vmem>>
      %dma_wait3A_667 = arith.constant 0 : i32
      %dma_wait3A_668 = tpu.memref_slice %arg3[%add3A_662, %dma_wait3A_667] : memref<2560x125xi32, #tpu.memory_space<hbm>> -> memref<1x125xi32, #tpu.memory_space<hbm>>
      %dma_wait3A_669 = tpu.memref_squeeze %dma_wait3A_668 : memref<1x125xi32, #tpu.memory_space<hbm>> -> memref<125xi32, #tpu.memory_space<hbm>>
      %dma_wait3A_670 = arith.constant 0 : i32
      %dma_wait3A_671 = tpu.memref_slice %arg8[%dma_wait3A_663, %dma_wait3A_670] : memref<3x125xi32, #tpu.memory_space<vmem>> -> memref<1x125xi32, #tpu.memory_space<vmem>>
      %dma_wait3A_672 = tpu.memref_squeeze %dma_wait3A_671 : memref<1x125xi32, #tpu.memory_space<vmem>> -> memref<125xi32, #tpu.memory_space<vmem>>
      %dma_wait3A_673 = arith.constant 0 : i32
      %dma_wait3A_674 = tpu.memref_slice %arg3[%add3A_662, %dma_wait3A_673] : memref<2560x125xi32, #tpu.memory_space<hbm>> -> memref<1x125xi32, #tpu.memory_space<hbm>>
      %dma_wait3A_675 = tpu.memref_squeeze %dma_wait3A_674 : memref<1x125xi32, #tpu.memory_space<hbm>> -> memref<125xi32, #tpu.memory_space<hbm>>
      tpu.wait_dma2 semaphore(%arg14 : memref<!tpu.dma_semaphore, #tpu.memory_space<semaphore_mem>>) src(%dma_wait3A_675 : memref<125xi32, #tpu.memory_space<hbm>>) dst(%dma_wait3A_672 : memref<125xi32, #tpu.memory_space<vmem>>)
      %dma_start3A_676 = arith.constant 1 : i32
      %dma_start3A_677 = arith.constant 1 : i32
      %dma_start3A_678 = arith.constant 0 : i32
      %dma_start3A_679 = arith.constant 0 : i32
      %dma_start3A_680 = tpu.memref_slice %arg7[%dma_start3A_677, %dma_start3A_678, %dma_start3A_679] : memref<3x125x128xf32, #tpu.memory_space<vmem>> -> memref<1x125x128xf32, #tpu.memory_space<vmem>>
      %dma_start3A_681 = tpu.memref_squeeze %dma_start3A_680 : memref<1x125x128xf32, #tpu.memory_space<vmem>> -> memref<125x128xf32, #tpu.memory_space<vmem>>
      %dma_start3A_682 = arith.constant 0 : i32
      %dma_start3A_683 = tpu.memref_slice %arg8[%dma_start3A_676, %dma_start3A_682] : memref<3x125xi32, #tpu.memory_space<vmem>> -> memref<1x125xi32, #tpu.memory_space<vmem>>
      %dma_start3A_684 = tpu.memref_squeeze %dma_start3A_683 : memref<1x125xi32, #tpu.memory_space<vmem>> -> memref<125xi32, #tpu.memory_space<vmem>>
      %dma_start3A_685 = arith.constant 0 : i32
      %dma_start3A_686 = arith.constant 0 : i32
      %dma_start3A_687 = tpu.memref_slice %arg2[%dma_start3A_685, %dma_start3A_686] : memref<20000x128xf32, #tpu.memory_space<hbm>> -> memref<20000x128xf32, #tpu.memory_space<hbm>>
      tpu.enqueue_indirect_dma source(%dma_start3A_687 : memref<20000x128xf32, #tpu.memory_space<hbm>>) target(%dma_start3A_681 : memref<125x128xf32, #tpu.memory_space<vmem>>) offsets(%dma_start3A_684 : memref<125xi32, #tpu.memory_space<vmem>>) semaphore(%arg11 : memref<!tpu.dma_semaphore, #tpu.memory_space<semaphore_mem>>)
      %add3A_688 = arith.constant 1 : i32
      %add3A_689 = arith.addi %add3A_577, %add3A_688 : i32
      %dma_wait3A_690 = arith.constant 0 : i32
      %dma_wait3A_691 = arith.constant 0 : i32
      %dma_wait3A_692 = arith.constant 0 : i32
      %dma_wait3A_693 = arith.constant 0 : i32
      %dma_wait3A_694 = tpu.memref_slice %arg7[%dma_wait3A_691, %dma_wait3A_692, %dma_wait3A_693] : memref<3x125x128xf32, #tpu.memory_space<vmem>> -> memref<1x125x128xf32, #tpu.memory_space<vmem>>
      %dma_wait3A_695 = tpu.memref_squeeze %dma_wait3A_694 : memref<1x125x128xf32, #tpu.memory_space<vmem>> -> memref<125x128xf32, #tpu.memory_space<vmem>>
      %dma_wait3A_696 = arith.constant 0 : i32
      %dma_wait3A_697 = tpu.memref_slice %arg8[%dma_wait3A_690, %dma_wait3A_696] : memref<3x125xi32, #tpu.memory_space<vmem>> -> memref<1x125xi32, #tpu.memory_space<vmem>>
      %dma_wait3A_698 = tpu.memref_squeeze %dma_wait3A_697 : memref<1x125xi32, #tpu.memory_space<vmem>> -> memref<125xi32, #tpu.memory_space<vmem>>
      %dma_wait3A_699 = arith.constant 0 : i32
      %dma_wait3A_700 = arith.constant 0 : i32
      %dma_wait3A_701 = tpu.memref_slice %arg2[%dma_wait3A_699, %dma_wait3A_700] : memref<20000x128xf32, #tpu.memory_space<hbm>> -> memref<20000x128xf32, #tpu.memory_space<hbm>>
      tpu.wait_indirect_dma semaphore(%arg10 : memref<!tpu.dma_semaphore, #tpu.memory_space<semaphore_mem>>) src(%dma_wait3A_701 : memref<20000x128xf32, #tpu.memory_space<hbm>>) dst(%dma_wait3A_695 : memref<125x128xf32, #tpu.memory_space<vmem>>)
      %add3A_702 = arith.addi %mul3A_4, %add3A_689 : i32
      %dma_wait3A_703 = arith.constant 0 : i32
      %dma_wait3A_704 = arith.constant 0 : i32
      %dma_wait3A_705 = tpu.memref_slice %arg9[%dma_wait3A_703, %dma_wait3A_704] : memref<3x125xi32, #tpu.memory_space<vmem>> -> memref<1x125xi32, #tpu.memory_space<vmem>>
      %dma_wait3A_706 = tpu.memref_squeeze %dma_wait3A_705 : memref<1x125xi32, #tpu.memory_space<vmem>> -> memref<125xi32, #tpu.memory_space<vmem>>
      %dma_wait3A_707 = arith.constant 0 : i32
      %dma_wait3A_708 = tpu.memref_slice %arg4[%add3A_702, %dma_wait3A_707] : memref<1280x125xi32, #tpu.memory_space<hbm>> -> memref<1x125xi32, #tpu.memory_space<hbm>>
      %dma_wait3A_709 = tpu.memref_squeeze %dma_wait3A_708 : memref<1x125xi32, #tpu.memory_space<hbm>> -> memref<125xi32, #tpu.memory_space<hbm>>
      %dma_wait3A_710 = arith.constant 0 : i32
      %dma_wait3A_711 = tpu.memref_slice %arg9[%dma_wait3A_703, %dma_wait3A_710] : memref<3x125xi32, #tpu.memory_space<vmem>> -> memref<1x125xi32, #tpu.memory_space<vmem>>
      %dma_wait3A_712 = tpu.memref_squeeze %dma_wait3A_711 : memref<1x125xi32, #tpu.memory_space<vmem>> -> memref<125xi32, #tpu.memory_space<vmem>>
      %dma_wait3A_713 = arith.constant 0 : i32
      %dma_wait3A_714 = tpu.memref_slice %arg4[%add3A_702, %dma_wait3A_713] : memref<1280x125xi32, #tpu.memory_space<hbm>> -> memref<1x125xi32, #tpu.memory_space<hbm>>
      %dma_wait3A_715 = tpu.memref_squeeze %dma_wait3A_714 : memref<1x125xi32, #tpu.memory_space<hbm>> -> memref<125xi32, #tpu.memory_space<hbm>>
      tpu.wait_dma2 semaphore(%arg16 : memref<!tpu.dma_semaphore, #tpu.memory_space<semaphore_mem>>) src(%dma_wait3A_715 : memref<125xi32, #tpu.memory_space<hbm>>) dst(%dma_wait3A_712 : memref<125xi32, #tpu.memory_space<vmem>>)
      %dma_start3A_716 = arith.constant 0 : i32
      %dma_start3A_717 = arith.constant 0 : i32
      %dma_start3A_718 = arith.constant 0 : i32
      %dma_start3A_719 = arith.constant 0 : i32
      %dma_start3A_720 = tpu.memref_slice %arg7[%dma_start3A_716, %dma_start3A_718, %dma_start3A_719] : memref<3x125x128xf32, #tpu.memory_space<vmem>> -> memref<1x125x128xf32, #tpu.memory_space<vmem>>
      %dma_start3A_721 = tpu.memref_squeeze %dma_start3A_720 : memref<1x125x128xf32, #tpu.memory_space<vmem>> -> memref<125x128xf32, #tpu.memory_space<vmem>>
      %dma_start3A_722 = arith.constant 0 : i32
      %dma_start3A_723 = tpu.memref_slice %arg9[%dma_start3A_717, %dma_start3A_722] : memref<3x125xi32, #tpu.memory_space<vmem>> -> memref<1x125xi32, #tpu.memory_space<vmem>>
      %dma_start3A_724 = tpu.memref_squeeze %dma_start3A_723 : memref<1x125xi32, #tpu.memory_space<vmem>> -> memref<125xi32, #tpu.memory_space<vmem>>
      %dma_start3A_725 = arith.constant 0 : i32
      %dma_start3A_726 = arith.constant 0 : i32
      %dma_start3A_727 = tpu.memref_slice %arg6[%dma_start3A_725, %dma_start3A_726] : memref<10000x128xf32, #tpu.memory_space<vmem_shared>> -> memref<10000x128xf32, #tpu.memory_space<vmem_shared>>
      tpu.enqueue_indirect_dma source(%dma_start3A_721 : memref<125x128xf32, #tpu.memory_space<vmem>>) target(%dma_start3A_727 : memref<10000x128xf32, #tpu.memory_space<vmem_shared>>) offsets(%dma_start3A_724 : memref<125xi32, #tpu.memory_space<vmem>>) semaphore(%arg19 : memref<!tpu.dma_semaphore, #tpu.memory_space<semaphore_mem>>) {add = true}
      %dma_wait3A_728 = arith.constant 2 : i32
      %dma_wait3A_729 = arith.constant 2 : i32
      %dma_wait3A_730 = arith.constant 0 : i32
      %dma_wait3A_731 = arith.constant 0 : i32
      %dma_wait3A_732 = tpu.memref_slice %arg7[%dma_wait3A_728, %dma_wait3A_730, %dma_wait3A_731] : memref<3x125x128xf32, #tpu.memory_space<vmem>> -> memref<1x125x128xf32, #tpu.memory_space<vmem>>
      %dma_wait3A_733 = tpu.memref_squeeze %dma_wait3A_732 : memref<1x125x128xf32, #tpu.memory_space<vmem>> -> memref<125x128xf32, #tpu.memory_space<vmem>>
      %dma_wait3A_734 = arith.constant 0 : i32
      %dma_wait3A_735 = tpu.memref_slice %arg9[%dma_wait3A_729, %dma_wait3A_734] : memref<3x125xi32, #tpu.memory_space<vmem>> -> memref<1x125xi32, #tpu.memory_space<vmem>>
      %dma_wait3A_736 = tpu.memref_squeeze %dma_wait3A_735 : memref<1x125xi32, #tpu.memory_space<vmem>> -> memref<125xi32, #tpu.memory_space<vmem>>
      %dma_wait3A_737 = arith.constant 0 : i32
      %dma_wait3A_738 = arith.constant 0 : i32
      %dma_wait3A_739 = tpu.memref_slice %arg6[%dma_wait3A_737, %dma_wait3A_738] : memref<10000x128xf32, #tpu.memory_space<vmem_shared>> -> memref<10000x128xf32, #tpu.memory_space<vmem_shared>>
      tpu.wait_indirect_dma semaphore(%arg21 : memref<!tpu.dma_semaphore, #tpu.memory_space<semaphore_mem>>) src(%dma_wait3A_733 : memref<125x128xf32, #tpu.memory_space<vmem>>) dst(%dma_wait3A_739 : memref<10000x128xf32, #tpu.memory_space<vmem_shared>>)
      %add3A_740 = arith.constant 2 : i32
      %add3A_741 = arith.addi %add3A_689, %add3A_740 : i32
      %add3A_742 = arith.addi %mul3A_4, %add3A_741 : i32
      %dma_start3A_743 = arith.constant 2 : i32
      %dma_start3A_744 = arith.constant 0 : i32
      %dma_start3A_745 = tpu.memref_slice %arg9[%dma_start3A_743, %dma_start3A_744] : memref<3x125xi32, #tpu.memory_space<vmem>> -> memref<1x125xi32, #tpu.memory_space<vmem>>
      %dma_start3A_746 = tpu.memref_squeeze %dma_start3A_745 : memref<1x125xi32, #tpu.memory_space<vmem>> -> memref<125xi32, #tpu.memory_space<vmem>>
      %dma_start3A_747 = arith.constant 0 : i32
      %dma_start3A_748 = tpu.memref_slice %arg4[%add3A_742, %dma_start3A_747] : memref<1280x125xi32, #tpu.memory_space<hbm>> -> memref<1x125xi32, #tpu.memory_space<hbm>>
      %dma_start3A_749 = tpu.memref_squeeze %dma_start3A_748 : memref<1x125xi32, #tpu.memory_space<hbm>> -> memref<125xi32, #tpu.memory_space<hbm>>
      %dma_start3A_750 = arith.constant 0 : i32
      %dma_start3A_751 = tpu.memref_slice %arg9[%dma_start3A_743, %dma_start3A_750] : memref<3x125xi32, #tpu.memory_space<vmem>> -> memref<1x125xi32, #tpu.memory_space<vmem>>
      %dma_start3A_752 = tpu.memref_squeeze %dma_start3A_751 : memref<1x125xi32, #tpu.memory_space<vmem>> -> memref<125xi32, #tpu.memory_space<vmem>>
      %dma_start3A_753 = arith.constant 0 : i32
      %dma_start3A_754 = tpu.memref_slice %arg4[%add3A_742, %dma_start3A_753] : memref<1280x125xi32, #tpu.memory_space<hbm>> -> memref<1x125xi32, #tpu.memory_space<hbm>>
      %dma_start3A_755 = tpu.memref_squeeze %dma_start3A_754 : memref<1x125xi32, #tpu.memory_space<hbm>> -> memref<125xi32, #tpu.memory_space<hbm>>
      tpu.enqueue_dma source(%dma_start3A_755 : memref<125xi32, #tpu.memory_space<hbm>>) target(%dma_start3A_752 : memref<125xi32, #tpu.memory_space<vmem>>) target_semaphore(%arg18 : memref<!tpu.dma_semaphore, #tpu.memory_space<semaphore_mem>>)
      %add3A_756 = arith.constant 3 : i32
      %add3A_757 = arith.addi %add3A_689, %add3A_756 : i32
      %add3A_758 = arith.addi %mul3A_2, %add3A_757 : i32
      %dma_start3A_759 = arith.constant 0 : i32
      %dma_start3A_760 = arith.constant 0 : i32
      %dma_start3A_761 = tpu.memref_slice %arg8[%dma_start3A_759, %dma_start3A_760] : memref<3x125xi32, #tpu.memory_space<vmem>> -> memref<1x125xi32, #tpu.memory_space<vmem>>
      %dma_start3A_762 = tpu.memref_squeeze %dma_start3A_761 : memref<1x125xi32, #tpu.memory_space<vmem>> -> memref<125xi32, #tpu.memory_space<vmem>>
      %dma_start3A_763 = arith.constant 0 : i32
      %dma_start3A_764 = tpu.memref_slice %arg3[%add3A_758, %dma_start3A_763] : memref<2560x125xi32, #tpu.memory_space<hbm>> -> memref<1x125xi32, #tpu.memory_space<hbm>>
      %dma_start3A_765 = tpu.memref_squeeze %dma_start3A_764 : memref<1x125xi32, #tpu.memory_space<hbm>> -> memref<125xi32, #tpu.memory_space<hbm>>
      %dma_start3A_766 = arith.constant 0 : i32
      %dma_start3A_767 = tpu.memref_slice %arg8[%dma_start3A_759, %dma_start3A_766] : memref<3x125xi32, #tpu.memory_space<vmem>> -> memref<1x125xi32, #tpu.memory_space<vmem>>
      %dma_start3A_768 = tpu.memref_squeeze %dma_start3A_767 : memref<1x125xi32, #tpu.memory_space<vmem>> -> memref<125xi32, #tpu.memory_space<vmem>>
      %dma_start3A_769 = arith.constant 0 : i32
      %dma_start3A_770 = tpu.memref_slice %arg3[%add3A_758, %dma_start3A_769] : memref<2560x125xi32, #tpu.memory_space<hbm>> -> memref<1x125xi32, #tpu.memory_space<hbm>>
      %dma_start3A_771 = tpu.memref_squeeze %dma_start3A_770 : memref<1x125xi32, #tpu.memory_space<hbm>> -> memref<125xi32, #tpu.memory_space<hbm>>
      tpu.enqueue_dma source(%dma_start3A_771 : memref<125xi32, #tpu.memory_space<hbm>>) target(%dma_start3A_768 : memref<125xi32, #tpu.memory_space<vmem>>) target_semaphore(%arg13 : memref<!tpu.dma_semaphore, #tpu.memory_space<semaphore_mem>>)
      %add3A_772 = arith.constant 2 : i32
      %add3A_773 = arith.addi %add3A_689, %add3A_772 : i32
      %add3A_774 = arith.addi %mul3A_2, %add3A_773 : i32
      %dma_wait3A_775 = arith.constant 2 : i32
      %dma_wait3A_776 = arith.constant 0 : i32
      %dma_wait3A_777 = tpu.memref_slice %arg8[%dma_wait3A_775, %dma_wait3A_776] : memref<3x125xi32, #tpu.memory_space<vmem>> -> memref<1x125xi32, #tpu.memory_space<vmem>>
      %dma_wait3A_778 = tpu.memref_squeeze %dma_wait3A_777 : memref<1x125xi32, #tpu.memory_space<vmem>> -> memref<125xi32, #tpu.memory_space<vmem>>
      %dma_wait3A_779 = arith.constant 0 : i32
      %dma_wait3A_780 = tpu.memref_slice %arg3[%add3A_774, %dma_wait3A_779] : memref<2560x125xi32, #tpu.memory_space<hbm>> -> memref<1x125xi32, #tpu.memory_space<hbm>>
      %dma_wait3A_781 = tpu.memref_squeeze %dma_wait3A_780 : memref<1x125xi32, #tpu.memory_space<hbm>> -> memref<125xi32, #tpu.memory_space<hbm>>
      %dma_wait3A_782 = arith.constant 0 : i32
      %dma_wait3A_783 = tpu.memref_slice %arg8[%dma_wait3A_775, %dma_wait3A_782] : memref<3x125xi32, #tpu.memory_space<vmem>> -> memref<1x125xi32, #tpu.memory_space<vmem>>
      %dma_wait3A_784 = tpu.memref_squeeze %dma_wait3A_783 : memref<1x125xi32, #tpu.memory_space<vmem>> -> memref<125xi32, #tpu.memory_space<vmem>>
      %dma_wait3A_785 = arith.constant 0 : i32
      %dma_wait3A_786 = tpu.memref_slice %arg3[%add3A_774, %dma_wait3A_785] : memref<2560x125xi32, #tpu.memory_space<hbm>> -> memref<1x125xi32, #tpu.memory_space<hbm>>
      %dma_wait3A_787 = tpu.memref_squeeze %dma_wait3A_786 : memref<1x125xi32, #tpu.memory_space<hbm>> -> memref<125xi32, #tpu.memory_space<hbm>>
      tpu.wait_dma2 semaphore(%arg15 : memref<!tpu.dma_semaphore, #tpu.memory_space<semaphore_mem>>) src(%dma_wait3A_787 : memref<125xi32, #tpu.memory_space<hbm>>) dst(%dma_wait3A_784 : memref<125xi32, #tpu.memory_space<vmem>>)
      %dma_start3A_788 = arith.constant 2 : i32
      %dma_start3A_789 = arith.constant 2 : i32
      %dma_start3A_790 = arith.constant 0 : i32
      %dma_start3A_791 = arith.constant 0 : i32
      %dma_start3A_792 = tpu.memref_slice %arg7[%dma_start3A_789, %dma_start3A_790, %dma_start3A_791] : memref<3x125x128xf32, #tpu.memory_space<vmem>> -> memref<1x125x128xf32, #tpu.memory_space<vmem>>
      %dma_start3A_793 = tpu.memref_squeeze %dma_start3A_792 : memref<1x125x128xf32, #tpu.memory_space<vmem>> -> memref<125x128xf32, #tpu.memory_space<vmem>>
      %dma_start3A_794 = arith.constant 0 : i32
      %dma_start3A_795 = tpu.memref_slice %arg8[%dma_start3A_788, %dma_start3A_794] : memref<3x125xi32, #tpu.memory_space<vmem>> -> memref<1x125xi32, #tpu.memory_space<vmem>>
      %dma_start3A_796 = tpu.memref_squeeze %dma_start3A_795 : memref<1x125xi32, #tpu.memory_space<vmem>> -> memref<125xi32, #tpu.memory_space<vmem>>
      %dma_start3A_797 = arith.constant 0 : i32
      %dma_start3A_798 = arith.constant 0 : i32
      %dma_start3A_799 = tpu.memref_slice %arg2[%dma_start3A_797, %dma_start3A_798] : memref<20000x128xf32, #tpu.memory_space<hbm>> -> memref<20000x128xf32, #tpu.memory_space<hbm>>
      tpu.enqueue_indirect_dma source(%dma_start3A_799 : memref<20000x128xf32, #tpu.memory_space<hbm>>) target(%dma_start3A_793 : memref<125x128xf32, #tpu.memory_space<vmem>>) offsets(%dma_start3A_796 : memref<125xi32, #tpu.memory_space<vmem>>) semaphore(%arg12 : memref<!tpu.dma_semaphore, #tpu.memory_space<semaphore_mem>>)
      %add3A_800 = arith.constant 2 : i32
      %add3A_801 = arith.addi %add3A_577, %add3A_800 : i32
      %dma_wait3A_802 = arith.constant 1 : i32
      %dma_wait3A_803 = arith.constant 1 : i32
      %dma_wait3A_804 = arith.constant 0 : i32
      %dma_wait3A_805 = arith.constant 0 : i32
      %dma_wait3A_806 = tpu.memref_slice %arg7[%dma_wait3A_803, %dma_wait3A_804, %dma_wait3A_805] : memref<3x125x128xf32, #tpu.memory_space<vmem>> -> memref<1x125x128xf32, #tpu.memory_space<vmem>>
      %dma_wait3A_807 = tpu.memref_squeeze %dma_wait3A_806 : memref<1x125x128xf32, #tpu.memory_space<vmem>> -> memref<125x128xf32, #tpu.memory_space<vmem>>
      %dma_wait3A_808 = arith.constant 0 : i32
      %dma_wait3A_809 = tpu.memref_slice %arg8[%dma_wait3A_802, %dma_wait3A_808] : memref<3x125xi32, #tpu.memory_space<vmem>> -> memref<1x125xi32, #tpu.memory_space<vmem>>
      %dma_wait3A_810 = tpu.memref_squeeze %dma_wait3A_809 : memref<1x125xi32, #tpu.memory_space<vmem>> -> memref<125xi32, #tpu.memory_space<vmem>>
      %dma_wait3A_811 = arith.constant 0 : i32
      %dma_wait3A_812 = arith.constant 0 : i32
      %dma_wait3A_813 = tpu.memref_slice %arg2[%dma_wait3A_811, %dma_wait3A_812] : memref<20000x128xf32, #tpu.memory_space<hbm>> -> memref<20000x128xf32, #tpu.memory_space<hbm>>
      tpu.wait_indirect_dma semaphore(%arg11 : memref<!tpu.dma_semaphore, #tpu.memory_space<semaphore_mem>>) src(%dma_wait3A_813 : memref<20000x128xf32, #tpu.memory_space<hbm>>) dst(%dma_wait3A_807 : memref<125x128xf32, #tpu.memory_space<vmem>>)
      %add3A_814 = arith.addi %mul3A_4, %add3A_801 : i32
      %dma_wait3A_815 = arith.constant 1 : i32
      %dma_wait3A_816 = arith.constant 0 : i32
      %dma_wait3A_817 = tpu.memref_slice %arg9[%dma_wait3A_815, %dma_wait3A_816] : memref<3x125xi32, #tpu.memory_space<vmem>> -> memref<1x125xi32, #tpu.memory_space<vmem>>
      %dma_wait3A_818 = tpu.memref_squeeze %dma_wait3A_817 : memref<1x125xi32, #tpu.memory_space<vmem>> -> memref<125xi32, #tpu.memory_space<vmem>>
      %dma_wait3A_819 = arith.constant 0 : i32
      %dma_wait3A_820 = tpu.memref_slice %arg4[%add3A_814, %dma_wait3A_819] : memref<1280x125xi32, #tpu.memory_space<hbm>> -> memref<1x125xi32, #tpu.memory_space<hbm>>
      %dma_wait3A_821 = tpu.memref_squeeze %dma_wait3A_820 : memref<1x125xi32, #tpu.memory_space<hbm>> -> memref<125xi32, #tpu.memory_space<hbm>>
      %dma_wait3A_822 = arith.constant 0 : i32
      %dma_wait3A_823 = tpu.memref_slice %arg9[%dma_wait3A_815, %dma_wait3A_822] : memref<3x125xi32, #tpu.memory_space<vmem>> -> memref<1x125xi32, #tpu.memory_space<vmem>>
      %dma_wait3A_824 = tpu.memref_squeeze %dma_wait3A_823 : memref<1x125xi32, #tpu.memory_space<vmem>> -> memref<125xi32, #tpu.memory_space<vmem>>
      %dma_wait3A_825 = arith.constant 0 : i32
      %dma_wait3A_826 = tpu.memref_slice %arg4[%add3A_814, %dma_wait3A_825] : memref<1280x125xi32, #tpu.memory_space<hbm>> -> memref<1x125xi32, #tpu.memory_space<hbm>>
      %dma_wait3A_827 = tpu.memref_squeeze %dma_wait3A_826 : memref<1x125xi32, #tpu.memory_space<hbm>> -> memref<125xi32, #tpu.memory_space<hbm>>
      tpu.wait_dma2 semaphore(%arg17 : memref<!tpu.dma_semaphore, #tpu.memory_space<semaphore_mem>>) src(%dma_wait3A_827 : memref<125xi32, #tpu.memory_space<hbm>>) dst(%dma_wait3A_824 : memref<125xi32, #tpu.memory_space<vmem>>)
      %dma_start3A_828 = arith.constant 1 : i32
      %dma_start3A_829 = arith.constant 1 : i32
      %dma_start3A_830 = arith.constant 0 : i32
      %dma_start3A_831 = arith.constant 0 : i32
      %dma_start3A_832 = tpu.memref_slice %arg7[%dma_start3A_828, %dma_start3A_830, %dma_start3A_831] : memref<3x125x128xf32, #tpu.memory_space<vmem>> -> memref<1x125x128xf32, #tpu.memory_space<vmem>>
      %dma_start3A_833 = tpu.memref_squeeze %dma_start3A_832 : memref<1x125x128xf32, #tpu.memory_space<vmem>> -> memref<125x128xf32, #tpu.memory_space<vmem>>
      %dma_start3A_834 = arith.constant 0 : i32
      %dma_start3A_835 = tpu.memref_slice %arg9[%dma_start3A_829, %dma_start3A_834] : memref<3x125xi32, #tpu.memory_space<vmem>> -> memref<1x125xi32, #tpu.memory_space<vmem>>
      %dma_start3A_836 = tpu.memref_squeeze %dma_start3A_835 : memref<1x125xi32, #tpu.memory_space<vmem>> -> memref<125xi32, #tpu.memory_space<vmem>>
      %dma_start3A_837 = arith.constant 0 : i32
      %dma_start3A_838 = arith.constant 0 : i32
      %dma_start3A_839 = tpu.memref_slice %arg6[%dma_start3A_837, %dma_start3A_838] : memref<10000x128xf32, #tpu.memory_space<vmem_shared>> -> memref<10000x128xf32, #tpu.memory_space<vmem_shared>>
      tpu.enqueue_indirect_dma source(%dma_start3A_833 : memref<125x128xf32, #tpu.memory_space<vmem>>) target(%dma_start3A_839 : memref<10000x128xf32, #tpu.memory_space<vmem_shared>>) offsets(%dma_start3A_836 : memref<125xi32, #tpu.memory_space<vmem>>) semaphore(%arg20 : memref<!tpu.dma_semaphore, #tpu.memory_space<semaphore_mem>>) {add = true}
      %dma_wait3A_840 = arith.constant 0 : i32
      %dma_wait3A_841 = arith.constant 0 : i32
      %dma_wait3A_842 = arith.constant 0 : i32
      %dma_wait3A_843 = arith.constant 0 : i32
      %dma_wait3A_844 = tpu.memref_slice %arg7[%dma_wait3A_840, %dma_wait3A_842, %dma_wait3A_843] : memref<3x125x128xf32, #tpu.memory_space<vmem>> -> memref<1x125x128xf32, #tpu.memory_space<vmem>>
      %dma_wait3A_845 = tpu.memref_squeeze %dma_wait3A_844 : memref<1x125x128xf32, #tpu.memory_space<vmem>> -> memref<125x128xf32, #tpu.memory_space<vmem>>
      %dma_wait3A_846 = arith.constant 0 : i32
      %dma_wait3A_847 = tpu.memref_slice %arg9[%dma_wait3A_841, %dma_wait3A_846] : memref<3x125xi32, #tpu.memory_space<vmem>> -> memref<1x125xi32, #tpu.memory_space<vmem>>
      %dma_wait3A_848 = tpu.memref_squeeze %dma_wait3A_847 : memref<1x125xi32, #tpu.memory_space<vmem>> -> memref<125xi32, #tpu.memory_space<vmem>>
      %dma_wait3A_849 = arith.constant 0 : i32
      %dma_wait3A_850 = arith.constant 0 : i32
      %dma_wait3A_851 = tpu.memref_slice %arg6[%dma_wait3A_849, %dma_wait3A_850] : memref<10000x128xf32, #tpu.memory_space<vmem_shared>> -> memref<10000x128xf32, #tpu.memory_space<vmem_shared>>
      tpu.wait_indirect_dma semaphore(%arg19 : memref<!tpu.dma_semaphore, #tpu.memory_space<semaphore_mem>>) src(%dma_wait3A_845 : memref<125x128xf32, #tpu.memory_space<vmem>>) dst(%dma_wait3A_851 : memref<10000x128xf32, #tpu.memory_space<vmem_shared>>)
      %add3A_852 = arith.constant 2 : i32
      %add3A_853 = arith.addi %add3A_801, %add3A_852 : i32
      %add3A_854 = arith.addi %mul3A_4, %add3A_853 : i32
      %dma_start3A_855 = arith.constant 0 : i32
      %dma_start3A_856 = arith.constant 0 : i32
      %dma_start3A_857 = tpu.memref_slice %arg9[%dma_start3A_855, %dma_start3A_856] : memref<3x125xi32, #tpu.memory_space<vmem>> -> memref<1x125xi32, #tpu.memory_space<vmem>>
      %dma_start3A_858 = tpu.memref_squeeze %dma_start3A_857 : memref<1x125xi32, #tpu.memory_space<vmem>> -> memref<125xi32, #tpu.memory_space<vmem>>
      %dma_start3A_859 = arith.constant 0 : i32
      %dma_start3A_860 = tpu.memref_slice %arg4[%add3A_854, %dma_start3A_859] : memref<1280x125xi32, #tpu.memory_space<hbm>> -> memref<1x125xi32, #tpu.memory_space<hbm>>
      %dma_start3A_861 = tpu.memref_squeeze %dma_start3A_860 : memref<1x125xi32, #tpu.memory_space<hbm>> -> memref<125xi32, #tpu.memory_space<hbm>>
      %dma_start3A_862 = arith.constant 0 : i32
      %dma_start3A_863 = tpu.memref_slice %arg9[%dma_start3A_855, %dma_start3A_862] : memref<3x125xi32, #tpu.memory_space<vmem>> -> memref<1x125xi32, #tpu.memory_space<vmem>>
      %dma_start3A_864 = tpu.memref_squeeze %dma_start3A_863 : memref<1x125xi32, #tpu.memory_space<vmem>> -> memref<125xi32, #tpu.memory_space<vmem>>
      %dma_start3A_865 = arith.constant 0 : i32
      %dma_start3A_866 = tpu.memref_slice %arg4[%add3A_854, %dma_start3A_865] : memref<1280x125xi32, #tpu.memory_space<hbm>> -> memref<1x125xi32, #tpu.memory_space<hbm>>
      %dma_start3A_867 = tpu.memref_squeeze %dma_start3A_866 : memref<1x125xi32, #tpu.memory_space<hbm>> -> memref<125xi32, #tpu.memory_space<hbm>>
      tpu.enqueue_dma source(%dma_start3A_867 : memref<125xi32, #tpu.memory_space<hbm>>) target(%dma_start3A_864 : memref<125xi32, #tpu.memory_space<vmem>>) target_semaphore(%arg16 : memref<!tpu.dma_semaphore, #tpu.memory_space<semaphore_mem>>)
      %add3A_868 = arith.constant 3 : i32
      %add3A_869 = arith.addi %add3A_801, %add3A_868 : i32
      %add3A_870 = arith.addi %mul3A_2, %add3A_869 : i32
      %dma_start3A_871 = arith.constant 1 : i32
      %dma_start3A_872 = arith.constant 0 : i32
      %dma_start3A_873 = tpu.memref_slice %arg8[%dma_start3A_871, %dma_start3A_872] : memref<3x125xi32, #tpu.memory_space<vmem>> -> memref<1x125xi32, #tpu.memory_space<vmem>>
      %dma_start3A_874 = tpu.memref_squeeze %dma_start3A_873 : memref<1x125xi32, #tpu.memory_space<vmem>> -> memref<125xi32, #tpu.memory_space<vmem>>
      %dma_start3A_875 = arith.constant 0 : i32
      %dma_start3A_876 = tpu.memref_slice %arg3[%add3A_870, %dma_start3A_875] : memref<2560x125xi32, #tpu.memory_space<hbm>> -> memref<1x125xi32, #tpu.memory_space<hbm>>
      %dma_start3A_877 = tpu.memref_squeeze %dma_start3A_876 : memref<1x125xi32, #tpu.memory_space<hbm>> -> memref<125xi32, #tpu.memory_space<hbm>>
      %dma_start3A_878 = arith.constant 0 : i32
      %dma_start3A_879 = tpu.memref_slice %arg8[%dma_start3A_871, %dma_start3A_878] : memref<3x125xi32, #tpu.memory_space<vmem>> -> memref<1x125xi32, #tpu.memory_space<vmem>>
      %dma_start3A_880 = tpu.memref_squeeze %dma_start3A_879 : memref<1x125xi32, #tpu.memory_space<vmem>> -> memref<125xi32, #tpu.memory_space<vmem>>
      %dma_start3A_881 = arith.constant 0 : i32
      %dma_start3A_882 = tpu.memref_slice %arg3[%add3A_870, %dma_start3A_881] : memref<2560x125xi32, #tpu.memory_space<hbm>> -> memref<1x125xi32, #tpu.memory_space<hbm>>
      %dma_start3A_883 = tpu.memref_squeeze %dma_start3A_882 : memref<1x125xi32, #tpu.memory_space<hbm>> -> memref<125xi32, #tpu.memory_space<hbm>>
      tpu.enqueue_dma source(%dma_start3A_883 : memref<125xi32, #tpu.memory_space<hbm>>) target(%dma_start3A_880 : memref<125xi32, #tpu.memory_space<vmem>>) target_semaphore(%arg14 : memref<!tpu.dma_semaphore, #tpu.memory_space<semaphore_mem>>)
      %add3A_884 = arith.constant 2 : i32
      %add3A_885 = arith.addi %add3A_801, %add3A_884 : i32
      %add3A_886 = arith.addi %mul3A_2, %add3A_885 : i32
      %dma_wait3A_887 = arith.constant 0 : i32
      %dma_wait3A_888 = arith.constant 0 : i32
      %dma_wait3A_889 = tpu.memref_slice %arg8[%dma_wait3A_887, %dma_wait3A_888] : memref<3x125xi32, #tpu.memory_space<vmem>> -> memref<1x125xi32, #tpu.memory_space<vmem>>
      %dma_wait3A_890 = tpu.memref_squeeze %dma_wait3A_889 : memref<1x125xi32, #tpu.memory_space<vmem>> -> memref<125xi32, #tpu.memory_space<vmem>>
      %dma_wait3A_891 = arith.constant 0 : i32
      %dma_wait3A_892 = tpu.memref_slice %arg3[%add3A_886, %dma_wait3A_891] : memref<2560x125xi32, #tpu.memory_space<hbm>> -> memref<1x125xi32, #tpu.memory_space<hbm>>
      %dma_wait3A_893 = tpu.memref_squeeze %dma_wait3A_892 : memref<1x125xi32, #tpu.memory_space<hbm>> -> memref<125xi32, #tpu.memory_space<hbm>>
      %dma_wait3A_894 = arith.constant 0 : i32
      %dma_wait3A_895 = tpu.memref_slice %arg8[%dma_wait3A_887, %dma_wait3A_894] : memref<3x125xi32, #tpu.memory_space<vmem>> -> memref<1x125xi32, #tpu.memory_space<vmem>>
      %dma_wait3A_896 = tpu.memref_squeeze %dma_wait3A_895 : memref<1x125xi32, #tpu.memory_space<vmem>> -> memref<125xi32, #tpu.memory_space<vmem>>
      %dma_wait3A_897 = arith.constant 0 : i32
      %dma_wait3A_898 = tpu.memref_slice %arg3[%add3A_886, %dma_wait3A_897] : memref<2560x125xi32, #tpu.memory_space<hbm>> -> memref<1x125xi32, #tpu.memory_space<hbm>>
      %dma_wait3A_899 = tpu.memref_squeeze %dma_wait3A_898 : memref<1x125xi32, #tpu.memory_space<hbm>> -> memref<125xi32, #tpu.memory_space<hbm>>
      tpu.wait_dma2 semaphore(%arg13 : memref<!tpu.dma_semaphore, #tpu.memory_space<semaphore_mem>>) src(%dma_wait3A_899 : memref<125xi32, #tpu.memory_space<hbm>>) dst(%dma_wait3A_896 : memref<125xi32, #tpu.memory_space<vmem>>)
      %dma_start3A_900 = arith.constant 0 : i32
      %dma_start3A_901 = arith.constant 0 : i32
      %dma_start3A_902 = arith.constant 0 : i32
      %dma_start3A_903 = arith.constant 0 : i32
      %dma_start3A_904 = tpu.memref_slice %arg7[%dma_start3A_901, %dma_start3A_902, %dma_start3A_903] : memref<3x125x128xf32, #tpu.memory_space<vmem>> -> memref<1x125x128xf32, #tpu.memory_space<vmem>>
      %dma_start3A_905 = tpu.memref_squeeze %dma_start3A_904 : memref<1x125x128xf32, #tpu.memory_space<vmem>> -> memref<125x128xf32, #tpu.memory_space<vmem>>
      %dma_start3A_906 = arith.constant 0 : i32
      %dma_start3A_907 = tpu.memref_slice %arg8[%dma_start3A_900, %dma_start3A_906] : memref<3x125xi32, #tpu.memory_space<vmem>> -> memref<1x125xi32, #tpu.memory_space<vmem>>
      %dma_start3A_908 = tpu.memref_squeeze %dma_start3A_907 : memref<1x125xi32, #tpu.memory_space<vmem>> -> memref<125xi32, #tpu.memory_space<vmem>>
      %dma_start3A_909 = arith.constant 0 : i32
      %dma_start3A_910 = arith.constant 0 : i32
      %dma_start3A_911 = tpu.memref_slice %arg2[%dma_start3A_909, %dma_start3A_910] : memref<20000x128xf32, #tpu.memory_space<hbm>> -> memref<20000x128xf32, #tpu.memory_space<hbm>>
      tpu.enqueue_indirect_dma source(%dma_start3A_911 : memref<20000x128xf32, #tpu.memory_space<hbm>>) target(%dma_start3A_905 : memref<125x128xf32, #tpu.memory_space<vmem>>) offsets(%dma_start3A_908 : memref<125xi32, #tpu.memory_space<vmem>>) semaphore(%arg10 : memref<!tpu.dma_semaphore, #tpu.memory_space<semaphore_mem>>)
      %scan3A_912 = arith.constant 0 : i32
      scf.yield %scan3A_912 : i32
    }
    %scan3A_356 = arith.constant 25 : i32
    %dma_wait3A_357 = arith.constant 2 : i32
    %dma_wait3A_358 = arith.constant 2 : i32
    %dma_wait3A_359 = arith.constant 0 : i32
    %dma_wait3A_360 = arith.constant 0 : i32
    %dma_wait3A_361 = tpu.memref_slice %arg7[%dma_wait3A_358, %dma_wait3A_359, %dma_wait3A_360] : memref<3x125x128xf32, #tpu.memory_space<vmem>> -> memref<1x125x128xf32, #tpu.memory_space<vmem>>
    %dma_wait3A_362 = tpu.memref_squeeze %dma_wait3A_361 : memref<1x125x128xf32, #tpu.memory_space<vmem>> -> memref<125x128xf32, #tpu.memory_space<vmem>>
    %dma_wait3A_363 = arith.constant 0 : i32
    %dma_wait3A_364 = tpu.memref_slice %arg8[%dma_wait3A_357, %dma_wait3A_363] : memref<3x125xi32, #tpu.memory_space<vmem>> -> memref<1x125xi32, #tpu.memory_space<vmem>>
    %dma_wait3A_365 = tpu.memref_squeeze %dma_wait3A_364 : memref<1x125xi32, #tpu.memory_space<vmem>> -> memref<125xi32, #tpu.memory_space<vmem>>
    %dma_wait3A_366 = arith.constant 0 : i32
    %dma_wait3A_367 = arith.constant 0 : i32
    %dma_wait3A_368 = tpu.memref_slice %arg2[%dma_wait3A_366, %dma_wait3A_367] : memref<20000x128xf32, #tpu.memory_space<hbm>> -> memref<20000x128xf32, #tpu.memory_space<hbm>>
    tpu.wait_indirect_dma semaphore(%arg12 : memref<!tpu.dma_semaphore, #tpu.memory_space<semaphore_mem>>) src(%dma_wait3A_368 : memref<20000x128xf32, #tpu.memory_space<hbm>>) dst(%dma_wait3A_362 : memref<125x128xf32, #tpu.memory_space<vmem>>)
    %add3A_369 = arith.constant 77 : i32
    %add3A_370 = arith.addi %mul3A_4, %add3A_369 : i32
    %dma_wait3A_371 = arith.constant 2 : i32
    %dma_wait3A_372 = arith.constant 0 : i32
    %dma_wait3A_373 = tpu.memref_slice %arg9[%dma_wait3A_371, %dma_wait3A_372] : memref<3x125xi32, #tpu.memory_space<vmem>> -> memref<1x125xi32, #tpu.memory_space<vmem>>
    %dma_wait3A_374 = tpu.memref_squeeze %dma_wait3A_373 : memref<1x125xi32, #tpu.memory_space<vmem>> -> memref<125xi32, #tpu.memory_space<vmem>>
    %dma_wait3A_375 = arith.constant 0 : i32
    %dma_wait3A_376 = tpu.memref_slice %arg4[%add3A_370, %dma_wait3A_375] : memref<1280x125xi32, #tpu.memory_space<hbm>> -> memref<1x125xi32, #tpu.memory_space<hbm>>
    %dma_wait3A_377 = tpu.memref_squeeze %dma_wait3A_376 : memref<1x125xi32, #tpu.memory_space<hbm>> -> memref<125xi32, #tpu.memory_space<hbm>>
    %dma_wait3A_378 = arith.constant 0 : i32
    %dma_wait3A_379 = tpu.memref_slice %arg9[%dma_wait3A_371, %dma_wait3A_378] : memref<3x125xi32, #tpu.memory_space<vmem>> -> memref<1x125xi32, #tpu.memory_space<vmem>>
    %dma_wait3A_380 = tpu.memref_squeeze %dma_wait3A_379 : memref<1x125xi32, #tpu.memory_space<vmem>> -> memref<125xi32, #tpu.memory_space<vmem>>
    %dma_wait3A_381 = arith.constant 0 : i32
    %dma_wait3A_382 = tpu.memref_slice %arg4[%add3A_370, %dma_wait3A_381] : memref<1280x125xi32, #tpu.memory_space<hbm>> -> memref<1x125xi32, #tpu.memory_space<hbm>>
    %dma_wait3A_383 = tpu.memref_squeeze %dma_wait3A_382 : memref<1x125xi32, #tpu.memory_space<hbm>> -> memref<125xi32, #tpu.memory_space<hbm>>
    tpu.wait_dma2 semaphore(%arg18 : memref<!tpu.dma_semaphore, #tpu.memory_space<semaphore_mem>>) src(%dma_wait3A_383 : memref<125xi32, #tpu.memory_space<hbm>>) dst(%dma_wait3A_380 : memref<125xi32, #tpu.memory_space<vmem>>)
    %dma_start3A_384 = arith.constant 2 : i32
    %dma_start3A_385 = arith.constant 2 : i32
    %dma_start3A_386 = arith.constant 0 : i32
    %dma_start3A_387 = arith.constant 0 : i32
    %dma_start3A_388 = tpu.memref_slice %arg7[%dma_start3A_384, %dma_start3A_386, %dma_start3A_387] : memref<3x125x128xf32, #tpu.memory_space<vmem>> -> memref<1x125x128xf32, #tpu.memory_space<vmem>>
    %dma_start3A_389 = tpu.memref_squeeze %dma_start3A_388 : memref<1x125x128xf32, #tpu.memory_space<vmem>> -> memref<125x128xf32, #tpu.memory_space<vmem>>
    %dma_start3A_390 = arith.constant 0 : i32
    %dma_start3A_391 = tpu.memref_slice %arg9[%dma_start3A_385, %dma_start3A_390] : memref<3x125xi32, #tpu.memory_space<vmem>> -> memref<1x125xi32, #tpu.memory_space<vmem>>
    %dma_start3A_392 = tpu.memref_squeeze %dma_start3A_391 : memref<1x125xi32, #tpu.memory_space<vmem>> -> memref<125xi32, #tpu.memory_space<vmem>>
    %dma_start3A_393 = arith.constant 0 : i32
    %dma_start3A_394 = arith.constant 0 : i32
    %dma_start3A_395 = tpu.memref_slice %arg6[%dma_start3A_393, %dma_start3A_394] : memref<10000x128xf32, #tpu.memory_space<vmem_shared>> -> memref<10000x128xf32, #tpu.memory_space<vmem_shared>>
    tpu.enqueue_indirect_dma source(%dma_start3A_389 : memref<125x128xf32, #tpu.memory_space<vmem>>) target(%dma_start3A_395 : memref<10000x128xf32, #tpu.memory_space<vmem_shared>>) offsets(%dma_start3A_392 : memref<125xi32, #tpu.memory_space<vmem>>) semaphore(%arg21 : memref<!tpu.dma_semaphore, #tpu.memory_space<semaphore_mem>>) {add = true}
    %dma_wait3A_396 = arith.constant 1 : i32
    %dma_wait3A_397 = arith.constant 1 : i32
    %dma_wait3A_398 = arith.constant 0 : i32
    %dma_wait3A_399 = arith.constant 0 : i32
    %dma_wait3A_400 = tpu.memref_slice %arg7[%dma_wait3A_396, %dma_wait3A_398, %dma_wait3A_399] : memref<3x125x128xf32, #tpu.memory_space<vmem>> -> memref<1x125x128xf32, #tpu.memory_space<vmem>>
    %dma_wait3A_401 = tpu.memref_squeeze %dma_wait3A_400 : memref<1x125x128xf32, #tpu.memory_space<vmem>> -> memref<125x128xf32, #tpu.memory_space<vmem>>
    %dma_wait3A_402 = arith.constant 0 : i32
    %dma_wait3A_403 = tpu.memref_slice %arg9[%dma_wait3A_397, %dma_wait3A_402] : memref<3x125xi32, #tpu.memory_space<vmem>> -> memref<1x125xi32, #tpu.memory_space<vmem>>
    %dma_wait3A_404 = tpu.memref_squeeze %dma_wait3A_403 : memref<1x125xi32, #tpu.memory_space<vmem>> -> memref<125xi32, #tpu.memory_space<vmem>>
    %dma_wait3A_405 = arith.constant 0 : i32
    %dma_wait3A_406 = arith.constant 0 : i32
    %dma_wait3A_407 = tpu.memref_slice %arg6[%dma_wait3A_405, %dma_wait3A_406] : memref<10000x128xf32, #tpu.memory_space<vmem_shared>> -> memref<10000x128xf32, #tpu.memory_space<vmem_shared>>
    tpu.wait_indirect_dma semaphore(%arg20 : memref<!tpu.dma_semaphore, #tpu.memory_space<semaphore_mem>>) src(%dma_wait3A_401 : memref<125x128xf32, #tpu.memory_space<vmem>>) dst(%dma_wait3A_407 : memref<10000x128xf32, #tpu.memory_space<vmem_shared>>)
    %add3A_408 = arith.constant 79 : i32
    %add3A_409 = arith.addi %mul3A_4, %add3A_408 : i32
    %dma_start3A_410 = arith.constant 1 : i32
    %dma_start3A_411 = arith.constant 0 : i32
    %dma_start3A_412 = tpu.memref_slice %arg9[%dma_start3A_410, %dma_start3A_411] : memref<3x125xi32, #tpu.memory_space<vmem>> -> memref<1x125xi32, #tpu.memory_space<vmem>>
    %dma_start3A_413 = tpu.memref_squeeze %dma_start3A_412 : memref<1x125xi32, #tpu.memory_space<vmem>> -> memref<125xi32, #tpu.memory_space<vmem>>
    %dma_start3A_414 = arith.constant 0 : i32
    %dma_start3A_415 = tpu.memref_slice %arg4[%add3A_409, %dma_start3A_414] : memref<1280x125xi32, #tpu.memory_space<hbm>> -> memref<1x125xi32, #tpu.memory_space<hbm>>
    %dma_start3A_416 = tpu.memref_squeeze %dma_start3A_415 : memref<1x125xi32, #tpu.memory_space<hbm>> -> memref<125xi32, #tpu.memory_space<hbm>>
    %dma_start3A_417 = arith.constant 0 : i32
    %dma_start3A_418 = tpu.memref_slice %arg9[%dma_start3A_410, %dma_start3A_417] : memref<3x125xi32, #tpu.memory_space<vmem>> -> memref<1x125xi32, #tpu.memory_space<vmem>>
    %dma_start3A_419 = tpu.memref_squeeze %dma_start3A_418 : memref<1x125xi32, #tpu.memory_space<vmem>> -> memref<125xi32, #tpu.memory_space<vmem>>
    %dma_start3A_420 = arith.constant 0 : i32
    %dma_start3A_421 = tpu.memref_slice %arg4[%add3A_409, %dma_start3A_420] : memref<1280x125xi32, #tpu.memory_space<hbm>> -> memref<1x125xi32, #tpu.memory_space<hbm>>
    %dma_start3A_422 = tpu.memref_squeeze %dma_start3A_421 : memref<1x125xi32, #tpu.memory_space<hbm>> -> memref<125xi32, #tpu.memory_space<hbm>>
    tpu.enqueue_dma source(%dma_start3A_422 : memref<125xi32, #tpu.memory_space<hbm>>) target(%dma_start3A_419 : memref<125xi32, #tpu.memory_space<vmem>>) target_semaphore(%arg17 : memref<!tpu.dma_semaphore, #tpu.memory_space<semaphore_mem>>)
    %add3A_423 = arith.constant 79 : i32
    %add3A_424 = arith.addi %mul3A_2, %add3A_423 : i32
    %dma_wait3A_425 = arith.constant 1 : i32
    %dma_wait3A_426 = arith.constant 0 : i32
    %dma_wait3A_427 = tpu.memref_slice %arg8[%dma_wait3A_425, %dma_wait3A_426] : memref<3x125xi32, #tpu.memory_space<vmem>> -> memref<1x125xi32, #tpu.memory_space<vmem>>
    %dma_wait3A_428 = tpu.memref_squeeze %dma_wait3A_427 : memref<1x125xi32, #tpu.memory_space<vmem>> -> memref<125xi32, #tpu.memory_space<vmem>>
    %dma_wait3A_429 = arith.constant 0 : i32
    %dma_wait3A_430 = tpu.memref_slice %arg3[%add3A_424, %dma_wait3A_429] : memref<2560x125xi32, #tpu.memory_space<hbm>> -> memref<1x125xi32, #tpu.memory_space<hbm>>
    %dma_wait3A_431 = tpu.memref_squeeze %dma_wait3A_430 : memref<1x125xi32, #tpu.memory_space<hbm>> -> memref<125xi32, #tpu.memory_space<hbm>>
    %dma_wait3A_432 = arith.constant 0 : i32
    %dma_wait3A_433 = tpu.memref_slice %arg8[%dma_wait3A_425, %dma_wait3A_432] : memref<3x125xi32, #tpu.memory_space<vmem>> -> memref<1x125xi32, #tpu.memory_space<vmem>>
    %dma_wait3A_434 = tpu.memref_squeeze %dma_wait3A_433 : memref<1x125xi32, #tpu.memory_space<vmem>> -> memref<125xi32, #tpu.memory_space<vmem>>
    %dma_wait3A_435 = arith.constant 0 : i32
    %dma_wait3A_436 = tpu.memref_slice %arg3[%add3A_424, %dma_wait3A_435] : memref<2560x125xi32, #tpu.memory_space<hbm>> -> memref<1x125xi32, #tpu.memory_space<hbm>>
    %dma_wait3A_437 = tpu.memref_squeeze %dma_wait3A_436 : memref<1x125xi32, #tpu.memory_space<hbm>> -> memref<125xi32, #tpu.memory_space<hbm>>
    tpu.wait_dma2 semaphore(%arg14 : memref<!tpu.dma_semaphore, #tpu.memory_space<semaphore_mem>>) src(%dma_wait3A_437 : memref<125xi32, #tpu.memory_space<hbm>>) dst(%dma_wait3A_434 : memref<125xi32, #tpu.memory_space<vmem>>)
    %dma_start3A_438 = arith.constant 1 : i32
    %dma_start3A_439 = arith.constant 1 : i32
    %dma_start3A_440 = arith.constant 0 : i32
    %dma_start3A_441 = arith.constant 0 : i32
    %dma_start3A_442 = tpu.memref_slice %arg7[%dma_start3A_439, %dma_start3A_440, %dma_start3A_441] : memref<3x125x128xf32, #tpu.memory_space<vmem>> -> memref<1x125x128xf32, #tpu.memory_space<vmem>>
    %dma_start3A_443 = tpu.memref_squeeze %dma_start3A_442 : memref<1x125x128xf32, #tpu.memory_space<vmem>> -> memref<125x128xf32, #tpu.memory_space<vmem>>
    %dma_start3A_444 = arith.constant 0 : i32
    %dma_start3A_445 = tpu.memref_slice %arg8[%dma_start3A_438, %dma_start3A_444] : memref<3x125xi32, #tpu.memory_space<vmem>> -> memref<1x125xi32, #tpu.memory_space<vmem>>
    %dma_start3A_446 = tpu.memref_squeeze %dma_start3A_445 : memref<1x125xi32, #tpu.memory_space<vmem>> -> memref<125xi32, #tpu.memory_space<vmem>>
    %dma_start3A_447 = arith.constant 0 : i32
    %dma_start3A_448 = arith.constant 0 : i32
    %dma_start3A_449 = tpu.memref_slice %arg2[%dma_start3A_447, %dma_start3A_448] : memref<20000x128xf32, #tpu.memory_space<hbm>> -> memref<20000x128xf32, #tpu.memory_space<hbm>>
    tpu.enqueue_indirect_dma source(%dma_start3A_449 : memref<20000x128xf32, #tpu.memory_space<hbm>>) target(%dma_start3A_443 : memref<125x128xf32, #tpu.memory_space<vmem>>) offsets(%dma_start3A_446 : memref<125xi32, #tpu.memory_space<vmem>>) semaphore(%arg11 : memref<!tpu.dma_semaphore, #tpu.memory_space<semaphore_mem>>)
    %dma_wait3A_450 = arith.constant 0 : i32
    %dma_wait3A_451 = arith.constant 0 : i32
    %dma_wait3A_452 = arith.constant 0 : i32
    %dma_wait3A_453 = arith.constant 0 : i32
    %dma_wait3A_454 = tpu.memref_slice %arg7[%dma_wait3A_451, %dma_wait3A_452, %dma_wait3A_453] : memref<3x125x128xf32, #tpu.memory_space<vmem>> -> memref<1x125x128xf32, #tpu.memory_space<vmem>>
    %dma_wait3A_455 = tpu.memref_squeeze %dma_wait3A_454 : memref<1x125x128xf32, #tpu.memory_space<vmem>> -> memref<125x128xf32, #tpu.memory_space<vmem>>
    %dma_wait3A_456 = arith.constant 0 : i32
    %dma_wait3A_457 = tpu.memref_slice %arg8[%dma_wait3A_450, %dma_wait3A_456] : memref<3x125xi32, #tpu.memory_space<vmem>> -> memref<1x125xi32, #tpu.memory_space<vmem>>
    %dma_wait3A_458 = tpu.memref_squeeze %dma_wait3A_457 : memref<1x125xi32, #tpu.memory_space<vmem>> -> memref<125xi32, #tpu.memory_space<vmem>>
    %dma_wait3A_459 = arith.constant 0 : i32
    %dma_wait3A_460 = arith.constant 0 : i32
    %dma_wait3A_461 = tpu.memref_slice %arg2[%dma_wait3A_459, %dma_wait3A_460] : memref<20000x128xf32, #tpu.memory_space<hbm>> -> memref<20000x128xf32, #tpu.memory_space<hbm>>
    tpu.wait_indirect_dma semaphore(%arg10 : memref<!tpu.dma_semaphore, #tpu.memory_space<semaphore_mem>>) src(%dma_wait3A_461 : memref<20000x128xf32, #tpu.memory_space<hbm>>) dst(%dma_wait3A_455 : memref<125x128xf32, #tpu.memory_space<vmem>>)
    %add3A_462 = arith.constant 78 : i32
    %add3A_463 = arith.addi %mul3A_4, %add3A_462 : i32
    %dma_wait3A_464 = arith.constant 0 : i32
    %dma_wait3A_465 = arith.constant 0 : i32
    %dma_wait3A_466 = tpu.memref_slice %arg9[%dma_wait3A_464, %dma_wait3A_465] : memref<3x125xi32, #tpu.memory_space<vmem>> -> memref<1x125xi32, #tpu.memory_space<vmem>>
    %dma_wait3A_467 = tpu.memref_squeeze %dma_wait3A_466 : memref<1x125xi32, #tpu.memory_space<vmem>> -> memref<125xi32, #tpu.memory_space<vmem>>
    %dma_wait3A_468 = arith.constant 0 : i32
    %dma_wait3A_469 = tpu.memref_slice %arg4[%add3A_463, %dma_wait3A_468] : memref<1280x125xi32, #tpu.memory_space<hbm>> -> memref<1x125xi32, #tpu.memory_space<hbm>>
    %dma_wait3A_470 = tpu.memref_squeeze %dma_wait3A_469 : memref<1x125xi32, #tpu.memory_space<hbm>> -> memref<125xi32, #tpu.memory_space<hbm>>
    %dma_wait3A_471 = arith.constant 0 : i32
    %dma_wait3A_472 = tpu.memref_slice %arg9[%dma_wait3A_464, %dma_wait3A_471] : memref<3x125xi32, #tpu.memory_space<vmem>> -> memref<1x125xi32, #tpu.memory_space<vmem>>
    %dma_wait3A_473 = tpu.memref_squeeze %dma_wait3A_472 : memref<1x125xi32, #tpu.memory_space<vmem>> -> memref<125xi32, #tpu.memory_space<vmem>>
    %dma_wait3A_474 = arith.constant 0 : i32
    %dma_wait3A_475 = tpu.memref_slice %arg4[%add3A_463, %dma_wait3A_474] : memref<1280x125xi32, #tpu.memory_space<hbm>> -> memref<1x125xi32, #tpu.memory_space<hbm>>
    %dma_wait3A_476 = tpu.memref_squeeze %dma_wait3A_475 : memref<1x125xi32, #tpu.memory_space<hbm>> -> memref<125xi32, #tpu.memory_space<hbm>>
    tpu.wait_dma2 semaphore(%arg16 : memref<!tpu.dma_semaphore, #tpu.memory_space<semaphore_mem>>) src(%dma_wait3A_476 : memref<125xi32, #tpu.memory_space<hbm>>) dst(%dma_wait3A_473 : memref<125xi32, #tpu.memory_space<vmem>>)
    %dma_start3A_477 = arith.constant 0 : i32
    %dma_start3A_478 = arith.constant 0 : i32
    %dma_start3A_479 = arith.constant 0 : i32
    %dma_start3A_480 = arith.constant 0 : i32
    %dma_start3A_481 = tpu.memref_slice %arg7[%dma_start3A_477, %dma_start3A_479, %dma_start3A_480] : memref<3x125x128xf32, #tpu.memory_space<vmem>> -> memref<1x125x128xf32, #tpu.memory_space<vmem>>
    %dma_start3A_482 = tpu.memref_squeeze %dma_start3A_481 : memref<1x125x128xf32, #tpu.memory_space<vmem>> -> memref<125x128xf32, #tpu.memory_space<vmem>>
    %dma_start3A_483 = arith.constant 0 : i32
    %dma_start3A_484 = tpu.memref_slice %arg9[%dma_start3A_478, %dma_start3A_483] : memref<3x125xi32, #tpu.memory_space<vmem>> -> memref<1x125xi32, #tpu.memory_space<vmem>>
    %dma_start3A_485 = tpu.memref_squeeze %dma_start3A_484 : memref<1x125xi32, #tpu.memory_space<vmem>> -> memref<125xi32, #tpu.memory_space<vmem>>
    %dma_start3A_486 = arith.constant 0 : i32
    %dma_start3A_487 = arith.constant 0 : i32
    %dma_start3A_488 = tpu.memref_slice %arg6[%dma_start3A_486, %dma_start3A_487] : memref<10000x128xf32, #tpu.memory_space<vmem_shared>> -> memref<10000x128xf32, #tpu.memory_space<vmem_shared>>
    tpu.enqueue_indirect_dma source(%dma_start3A_482 : memref<125x128xf32, #tpu.memory_space<vmem>>) target(%dma_start3A_488 : memref<10000x128xf32, #tpu.memory_space<vmem_shared>>) offsets(%dma_start3A_485 : memref<125xi32, #tpu.memory_space<vmem>>) semaphore(%arg19 : memref<!tpu.dma_semaphore, #tpu.memory_space<semaphore_mem>>) {add = true}
    %dma_wait3A_489 = arith.constant 2 : i32
    %dma_wait3A_490 = arith.constant 2 : i32
    %dma_wait3A_491 = arith.constant 0 : i32
    %dma_wait3A_492 = arith.constant 0 : i32
    %dma_wait3A_493 = tpu.memref_slice %arg7[%dma_wait3A_489, %dma_wait3A_491, %dma_wait3A_492] : memref<3x125x128xf32, #tpu.memory_space<vmem>> -> memref<1x125x128xf32, #tpu.memory_space<vmem>>
    %dma_wait3A_494 = tpu.memref_squeeze %dma_wait3A_493 : memref<1x125x128xf32, #tpu.memory_space<vmem>> -> memref<125x128xf32, #tpu.memory_space<vmem>>
    %dma_wait3A_495 = arith.constant 0 : i32
    %dma_wait3A_496 = tpu.memref_slice %arg9[%dma_wait3A_490, %dma_wait3A_495] : memref<3x125xi32, #tpu.memory_space<vmem>> -> memref<1x125xi32, #tpu.memory_space<vmem>>
    %dma_wait3A_497 = tpu.memref_squeeze %dma_wait3A_496 : memref<1x125xi32, #tpu.memory_space<vmem>> -> memref<125xi32, #tpu.memory_space<vmem>>
    %dma_wait3A_498 = arith.constant 0 : i32
    %dma_wait3A_499 = arith.constant 0 : i32
    %dma_wait3A_500 = tpu.memref_slice %arg6[%dma_wait3A_498, %dma_wait3A_499] : memref<10000x128xf32, #tpu.memory_space<vmem_shared>> -> memref<10000x128xf32, #tpu.memory_space<vmem_shared>>
    tpu.wait_indirect_dma semaphore(%arg21 : memref<!tpu.dma_semaphore, #tpu.memory_space<semaphore_mem>>) src(%dma_wait3A_494 : memref<125x128xf32, #tpu.memory_space<vmem>>) dst(%dma_wait3A_500 : memref<10000x128xf32, #tpu.memory_space<vmem_shared>>)
    %dma_wait3A_501 = arith.constant 1 : i32
    %dma_wait3A_502 = arith.constant 1 : i32
    %dma_wait3A_503 = arith.constant 0 : i32
    %dma_wait3A_504 = arith.constant 0 : i32
    %dma_wait3A_505 = tpu.memref_slice %arg7[%dma_wait3A_502, %dma_wait3A_503, %dma_wait3A_504] : memref<3x125x128xf32, #tpu.memory_space<vmem>> -> memref<1x125x128xf32, #tpu.memory_space<vmem>>
    %dma_wait3A_506 = tpu.memref_squeeze %dma_wait3A_505 : memref<1x125x128xf32, #tpu.memory_space<vmem>> -> memref<125x128xf32, #tpu.memory_space<vmem>>
    %dma_wait3A_507 = arith.constant 0 : i32
    %dma_wait3A_508 = tpu.memref_slice %arg8[%dma_wait3A_501, %dma_wait3A_507] : memref<3x125xi32, #tpu.memory_space<vmem>> -> memref<1x125xi32, #tpu.memory_space<vmem>>
    %dma_wait3A_509 = tpu.memref_squeeze %dma_wait3A_508 : memref<1x125xi32, #tpu.memory_space<vmem>> -> memref<125xi32, #tpu.memory_space<vmem>>
    %dma_wait3A_510 = arith.constant 0 : i32
    %dma_wait3A_511 = arith.constant 0 : i32
    %dma_wait3A_512 = tpu.memref_slice %arg2[%dma_wait3A_510, %dma_wait3A_511] : memref<20000x128xf32, #tpu.memory_space<hbm>> -> memref<20000x128xf32, #tpu.memory_space<hbm>>
    tpu.wait_indirect_dma semaphore(%arg11 : memref<!tpu.dma_semaphore, #tpu.memory_space<semaphore_mem>>) src(%dma_wait3A_512 : memref<20000x128xf32, #tpu.memory_space<hbm>>) dst(%dma_wait3A_506 : memref<125x128xf32, #tpu.memory_space<vmem>>)
    %add3A_513 = arith.constant 79 : i32
    %add3A_514 = arith.addi %mul3A_4, %add3A_513 : i32
    %dma_wait3A_515 = arith.constant 1 : i32
    %dma_wait3A_516 = arith.constant 0 : i32
    %dma_wait3A_517 = tpu.memref_slice %arg9[%dma_wait3A_515, %dma_wait3A_516] : memref<3x125xi32, #tpu.memory_space<vmem>> -> memref<1x125xi32, #tpu.memory_space<vmem>>
    %dma_wait3A_518 = tpu.memref_squeeze %dma_wait3A_517 : memref<1x125xi32, #tpu.memory_space<vmem>> -> memref<125xi32, #tpu.memory_space<vmem>>
    %dma_wait3A_519 = arith.constant 0 : i32
    %dma_wait3A_520 = tpu.memref_slice %arg4[%add3A_514, %dma_wait3A_519] : memref<1280x125xi32, #tpu.memory_space<hbm>> -> memref<1x125xi32, #tpu.memory_space<hbm>>
    %dma_wait3A_521 = tpu.memref_squeeze %dma_wait3A_520 : memref<1x125xi32, #tpu.memory_space<hbm>> -> memref<125xi32, #tpu.memory_space<hbm>>
    %dma_wait3A_522 = arith.constant 0 : i32
    %dma_wait3A_523 = tpu.memref_slice %arg9[%dma_wait3A_515, %dma_wait3A_522] : memref<3x125xi32, #tpu.memory_space<vmem>> -> memref<1x125xi32, #tpu.memory_space<vmem>>
    %dma_wait3A_524 = tpu.memref_squeeze %dma_wait3A_523 : memref<1x125xi32, #tpu.memory_space<vmem>> -> memref<125xi32, #tpu.memory_space<vmem>>
    %dma_wait3A_525 = arith.constant 0 : i32
    %dma_wait3A_526 = tpu.memref_slice %arg4[%add3A_514, %dma_wait3A_525] : memref<1280x125xi32, #tpu.memory_space<hbm>> -> memref<1x125xi32, #tpu.memory_space<hbm>>
    %dma_wait3A_527 = tpu.memref_squeeze %dma_wait3A_526 : memref<1x125xi32, #tpu.memory_space<hbm>> -> memref<125xi32, #tpu.memory_space<hbm>>
    tpu.wait_dma2 semaphore(%arg17 : memref<!tpu.dma_semaphore, #tpu.memory_space<semaphore_mem>>) src(%dma_wait3A_527 : memref<125xi32, #tpu.memory_space<hbm>>) dst(%dma_wait3A_524 : memref<125xi32, #tpu.memory_space<vmem>>)
    %dma_start3A_528 = arith.constant 1 : i32
    %dma_start3A_529 = arith.constant 1 : i32
    %dma_start3A_530 = arith.constant 0 : i32
    %dma_start3A_531 = arith.constant 0 : i32
    %dma_start3A_532 = tpu.memref_slice %arg7[%dma_start3A_528, %dma_start3A_530, %dma_start3A_531] : memref<3x125x128xf32, #tpu.memory_space<vmem>> -> memref<1x125x128xf32, #tpu.memory_space<vmem>>
    %dma_start3A_533 = tpu.memref_squeeze %dma_start3A_532 : memref<1x125x128xf32, #tpu.memory_space<vmem>> -> memref<125x128xf32, #tpu.memory_space<vmem>>
    %dma_start3A_534 = arith.constant 0 : i32
    %dma_start3A_535 = tpu.memref_slice %arg9[%dma_start3A_529, %dma_start3A_534] : memref<3x125xi32, #tpu.memory_space<vmem>> -> memref<1x125xi32, #tpu.memory_space<vmem>>
    %dma_start3A_536 = tpu.memref_squeeze %dma_start3A_535 : memref<1x125xi32, #tpu.memory_space<vmem>> -> memref<125xi32, #tpu.memory_space<vmem>>
    %dma_start3A_537 = arith.constant 0 : i32
    %dma_start3A_538 = arith.constant 0 : i32
    %dma_start3A_539 = tpu.memref_slice %arg6[%dma_start3A_537, %dma_start3A_538] : memref<10000x128xf32, #tpu.memory_space<vmem_shared>> -> memref<10000x128xf32, #tpu.memory_space<vmem_shared>>
    tpu.enqueue_indirect_dma source(%dma_start3A_533 : memref<125x128xf32, #tpu.memory_space<vmem>>) target(%dma_start3A_539 : memref<10000x128xf32, #tpu.memory_space<vmem_shared>>) offsets(%dma_start3A_536 : memref<125xi32, #tpu.memory_space<vmem>>) semaphore(%arg20 : memref<!tpu.dma_semaphore, #tpu.memory_space<semaphore_mem>>) {add = true}
    %dma_wait3A_540 = arith.constant 0 : i32
    %dma_wait3A_541 = arith.constant 0 : i32
    %dma_wait3A_542 = arith.constant 0 : i32
    %dma_wait3A_543 = arith.constant 0 : i32
    %dma_wait3A_544 = tpu.memref_slice %arg7[%dma_wait3A_540, %dma_wait3A_542, %dma_wait3A_543] : memref<3x125x128xf32, #tpu.memory_space<vmem>> -> memref<1x125x128xf32, #tpu.memory_space<vmem>>
    %dma_wait3A_545 = tpu.memref_squeeze %dma_wait3A_544 : memref<1x125x128xf32, #tpu.memory_space<vmem>> -> memref<125x128xf32, #tpu.memory_space<vmem>>
    %dma_wait3A_546 = arith.constant 0 : i32
    %dma_wait3A_547 = tpu.memref_slice %arg9[%dma_wait3A_541, %dma_wait3A_546] : memref<3x125xi32, #tpu.memory_space<vmem>> -> memref<1x125xi32, #tpu.memory_space<vmem>>
    %dma_wait3A_548 = tpu.memref_squeeze %dma_wait3A_547 : memref<1x125xi32, #tpu.memory_space<vmem>> -> memref<125xi32, #tpu.memory_space<vmem>>
    %dma_wait3A_549 = arith.constant 0 : i32
    %dma_wait3A_550 = arith.constant 0 : i32
    %dma_wait3A_551 = tpu.memref_slice %arg6[%dma_wait3A_549, %dma_wait3A_550] : memref<10000x128xf32, #tpu.memory_space<vmem_shared>> -> memref<10000x128xf32, #tpu.memory_space<vmem_shared>>
    tpu.wait_indirect_dma semaphore(%arg19 : memref<!tpu.dma_semaphore, #tpu.memory_space<semaphore_mem>>) src(%dma_wait3A_545 : memref<125x128xf32, #tpu.memory_space<vmem>>) dst(%dma_wait3A_551 : memref<10000x128xf32, #tpu.memory_space<vmem_shared>>)
    %dma_wait3A_552 = arith.constant 1 : i32
    %dma_wait3A_553 = arith.constant 1 : i32
    %dma_wait3A_554 = arith.constant 0 : i32
    %dma_wait3A_555 = arith.constant 0 : i32
    %dma_wait3A_556 = tpu.memref_slice %arg7[%dma_wait3A_552, %dma_wait3A_554, %dma_wait3A_555] : memref<3x125x128xf32, #tpu.memory_space<vmem>> -> memref<1x125x128xf32, #tpu.memory_space<vmem>>
    %dma_wait3A_557 = tpu.memref_squeeze %dma_wait3A_556 : memref<1x125x128xf32, #tpu.memory_space<vmem>> -> memref<125x128xf32, #tpu.memory_space<vmem>>
    %dma_wait3A_558 = arith.constant 0 : i32
    %dma_wait3A_559 = tpu.memref_slice %arg9[%dma_wait3A_553, %dma_wait3A_558] : memref<3x125xi32, #tpu.memory_space<vmem>> -> memref<1x125xi32, #tpu.memory_space<vmem>>
    %dma_wait3A_560 = tpu.memref_squeeze %dma_wait3A_559 : memref<1x125xi32, #tpu.memory_space<vmem>> -> memref<125xi32, #tpu.memory_space<vmem>>
    %dma_wait3A_561 = arith.constant 0 : i32
    %dma_wait3A_562 = arith.constant 0 : i32
    %dma_wait3A_563 = tpu.memref_slice %arg6[%dma_wait3A_561, %dma_wait3A_562] : memref<10000x128xf32, #tpu.memory_space<vmem_shared>> -> memref<10000x128xf32, #tpu.memory_space<vmem_shared>>
    tpu.wait_indirect_dma semaphore(%arg20 : memref<!tpu.dma_semaphore, #tpu.memory_space<semaphore_mem>>) src(%dma_wait3A_557 : memref<125x128xf32, #tpu.memory_space<vmem>>) dst(%dma_wait3A_563 : memref<10000x128xf32, #tpu.memory_space<vmem_shared>>)
    %barrier3A_564 = arith.constant 0 : index
    tpu.barrier barrier_id(%barrier3A_564)
    %mul3A_565 = arith.constant 625 : i32
    %mul3A_566 = arith.muli %arg1, %mul3A_565 : i32
    %mul3A_567 = arith.constant 10000 : i32
    %mul3A_568 = arith.muli %arg0, %mul3A_567 : i32
    %mul3A_569 = arith.constant 625 : i32
    %mul3A_570 = arith.muli %arg1, %mul3A_569 : i32
    %add3A_571 = arith.addi %mul3A_568, %mul3A_570 : i32
    "tpu.region"() ({
      %run_scoped3A = tpu.sem_alloc : memref<!tpu.dma_semaphore, #tpu.memory_space<semaphore_mem>>
      %dma_start3A_572 = arith.constant 0 : i32
      %dma_start3A_573 = tpu.memref_slice %arg5[%add3A_571, %dma_start3A_572] : memref<20000x128xf32, #tpu.memory_space<hbm>> -> memref<625x128xf32, #tpu.memory_space<hbm>>
      %dma_start3A_574 = arith.constant 0 : i32
      %dma_start3A_575 = tpu.memref_slice %arg6[%mul3A_566, %dma_start3A_574] : memref<10000x128xf32, #tpu.memory_space<vmem_shared>> -> memref<625x128xf32, #tpu.memory_space<vmem_shared>>
      tpu.enqueue_dma source(%dma_start3A_575 : memref<625x128xf32, #tpu.memory_space<vmem_shared>>) target(%dma_start3A_573 : memref<625x128xf32, #tpu.memory_space<hbm>>) target_semaphore(%run_scoped3A : memref<!tpu.dma_semaphore, #tpu.memory_space<semaphore_mem>>)
      %dma_wait3A_576 = arith.constant 0 : i32
      %dma_wait3A_577 = tpu.memref_slice %arg5[%add3A_571, %dma_wait3A_576] : memref<20000x128xf32, #tpu.memory_space<hbm>> -> memref<625x128xf32, #tpu.memory_space<hbm>>
      %dma_wait3A_578 = arith.constant 0 : i32
      %dma_wait3A_579 = tpu.memref_slice %arg6[%mul3A_566, %dma_wait3A_578] : memref<10000x128xf32, #tpu.memory_space<vmem_shared>> -> memref<625x128xf32, #tpu.memory_space<vmem_shared>>
      tpu.wait_dma2 semaphore(%run_scoped3A : memref<!tpu.dma_semaphore, #tpu.memory_space<semaphore_mem>>) src(%dma_wait3A_579 : memref<625x128xf32, #tpu.memory_space<vmem_shared>>) dst(%dma_wait3A_577 : memref<625x128xf32, #tpu.memory_space<hbm>>)
      tpu.yield
    }) : () -> ()
    return
  }
}

#map = affine_map<(d0, d1) -> (0, 0)>
module attributes {stable_mosaic.version = 14 : i64} {
  func.func @_sc_propagate(%arg0: i32, %arg1: i32, %arg2: memref<20000x128xf32, #tpu.memory_space<hbm>>, %arg3: memref<2560x125xi32, #tpu.memory_space<hbm>>, %arg4: memref<1280x125xi32, #tpu.memory_space<hbm>>, %arg5: memref<20000x128xf32, #tpu.memory_space<hbm>>, %arg6: memref<10000x128xf32, #tpu.memory_space<vmem_shared>>, %arg7: memref<3x125x128xf32, #tpu.memory_space<vmem>>, %arg8: memref<3x125xi32, #tpu.memory_space<vmem>>, %arg9: memref<3x125xi32, #tpu.memory_space<vmem>>, %arg10: memref<!tpu.dma_semaphore, #tpu.memory_space<semaphore_mem>>, %arg11: memref<!tpu.dma_semaphore, #tpu.memory_space<semaphore_mem>>, %arg12: memref<!tpu.dma_semaphore, #tpu.memory_space<semaphore_mem>>, %arg13: memref<!tpu.dma_semaphore, #tpu.memory_space<semaphore_mem>>, %arg14: memref<!tpu.dma_semaphore, #tpu.memory_space<semaphore_mem>>, %arg15: memref<!tpu.dma_semaphore, #tpu.memory_space<semaphore_mem>>, %arg16: memref<!tpu.dma_semaphore, #tpu.memory_space<semaphore_mem>>, %arg17: memref<!tpu.dma_semaphore, #tpu.memory_space<semaphore_mem>>, %arg18: memref<!tpu.dma_semaphore, #tpu.memory_space<semaphore_mem>>, %arg19: memref<!tpu.dma_semaphore, #tpu.memory_space<semaphore_mem>>, %arg20: memref<!tpu.dma_semaphore, #tpu.memory_space<semaphore_mem>>, %arg21: memref<!tpu.dma_semaphore, #tpu.memory_space<semaphore_mem>>, %arg22: memref<!tpu.dma_semaphore, #tpu.memory_space<semaphore_mem>>) attributes {dimension_semantics = [#tpu.dimension_semantics<core_parallel>, #tpu.dimension_semantics<subcore_parallel>], iteration_bounds = array<i64: 2, 16>, scalar_prefetch = 0 : i64, scratch_operands = 17 : i64, tpu.core_type = #tpu.core_type<sc_vector_subcore>, window_params = [{transform_indices = #map}, {transform_indices = #map}, {transform_indices = #map}, {transform_indices = #map}]} {
    %mul3A = arith.constant 16 : i32
    %mul3A_0 = arith.muli %arg0, %mul3A : i32
    %add3A = arith.addi %mul3A_0, %arg1 : i32
    %mul3A_1 = arith.constant 80 : i32
    %mul3A_2 = arith.muli %add3A, %mul3A_1 : i32
    %mul3A_3 = arith.constant 80 : i32
    %mul3A_4 = arith.muli %arg1, %mul3A_3 : i32
    %mul3A_5 = arith.constant 10000 : i32
    %mul3A_6 = arith.muli %arg0, %mul3A_5 : i32
    %mul3A_7 = arith.constant 625 : i32
    %mul3A_8 = arith.muli %arg1, %mul3A_7 : i32
    %add3A_9 = arith.addi %mul3A_6, %mul3A_8 : i32
    %mul3A_10 = arith.constant 625 : i32
    %mul3A_11 = arith.muli %arg1, %mul3A_10 : i32
    %dma_start3A = arith.constant 0 : i32
    %dma_start3A_12 = tpu.memref_slice %arg6[%mul3A_11, %dma_start3A] : memref<10000x128xf32, #tpu.memory_space<vmem_shared>> -> memref<625x128xf32, #tpu.memory_space<vmem_shared>>
    %dma_start3A_13 = arith.constant 0 : i32
    %dma_start3A_14 = tpu.memref_slice %arg2[%add3A_9, %dma_start3A_13] : memref<20000x128xf32, #tpu.memory_space<hbm>> -> memref<625x128xf32, #tpu.memory_space<hbm>>
    tpu.enqueue_dma source(%dma_start3A_14 : memref<625x128xf32, #tpu.memory_space<hbm>>) target(%dma_start3A_12 : memref<625x128xf32, #tpu.memory_space<vmem_shared>>) target_semaphore(%arg22 : memref<!tpu.dma_semaphore, #tpu.memory_space<semaphore_mem>>)
    %add3A_15 = arith.constant 0 : i32
    %add3A_16 = arith.addi %mul3A_2, %add3A_15 : i32
    %dma_start3A_17 = arith.constant 0 : i32
    %dma_start3A_18 = arith.constant 0 : i32
    %dma_start3A_19 = tpu.memref_slice %arg8[%dma_start3A_17, %dma_start3A_18] : memref<3x125xi32, #tpu.memory_space<vmem>> -> memref<1x125xi32, #tpu.memory_space<vmem>>
    %dma_start3A_20 = tpu.memref_squeeze %dma_start3A_19 : memref<1x125xi32, #tpu.memory_space<vmem>> -> memref<125xi32, #tpu.memory_space<vmem>>
    %dma_start3A_21 = arith.constant 0 : i32
    %dma_start3A_22 = tpu.memref_slice %arg3[%add3A_16, %dma_start3A_21] : memref<2560x125xi32, #tpu.memory_space<hbm>> -> memref<1x125xi32, #tpu.memory_space<hbm>>
    %dma_start3A_23 = tpu.memref_squeeze %dma_start3A_22 : memref<1x125xi32, #tpu.memory_space<hbm>> -> memref<125xi32, #tpu.memory_space<hbm>>
    %dma_start3A_24 = arith.constant 0 : i32
    %dma_start3A_25 = tpu.memref_slice %arg8[%dma_start3A_17, %dma_start3A_24] : memref<3x125xi32, #tpu.memory_space<vmem>> -> memref<1x125xi32, #tpu.memory_space<vmem>>
    %dma_start3A_26 = tpu.memref_squeeze %dma_start3A_25 : memref<1x125xi32, #tpu.memory_space<vmem>> -> memref<125xi32, #tpu.memory_space<vmem>>
    %dma_start3A_27 = arith.constant 0 : i32
    %dma_start3A_28 = tpu.memref_slice %arg3[%add3A_16, %dma_start3A_27] : memref<2560x125xi32, #tpu.memory_space<hbm>> -> memref<1x125xi32, #tpu.memory_space<hbm>>
    %dma_start3A_29 = tpu.memref_squeeze %dma_start3A_28 : memref<1x125xi32, #tpu.memory_space<hbm>> -> memref<125xi32, #tpu.memory_space<hbm>>
    tpu.enqueue_dma source(%dma_start3A_29 : memref<125xi32, #tpu.memory_space<hbm>>) target(%dma_start3A_26 : memref<125xi32, #tpu.memory_space<vmem>>) target_semaphore(%arg13 : memref<!tpu.dma_semaphore, #tpu.memory_space<semaphore_mem>>)
    %add3A_30 = arith.constant 1 : i32
    %add3A_31 = arith.addi %mul3A_2, %add3A_30 : i32
    %dma_start3A_32 = arith.constant 1 : i32
    %dma_start3A_33 = arith.constant 0 : i32
    %dma_start3A_34 = tpu.memref_slice %arg8[%dma_start3A_32, %dma_start3A_33] : memref<3x125xi32, #tpu.memory_space<vmem>> -> memref<1x125xi32, #tpu.memory_space<vmem>>
    %dma_start3A_35 = tpu.memref_squeeze %dma_start3A_34 : memref<1x125xi32, #tpu.memory_space<vmem>> -> memref<125xi32, #tpu.memory_space<vmem>>
    %dma_start3A_36 = arith.constant 0 : i32
    %dma_start3A_37 = tpu.memref_slice %arg3[%add3A_31, %dma_start3A_36] : memref<2560x125xi32, #tpu.memory_space<hbm>> -> memref<1x125xi32, #tpu.memory_space<hbm>>
    %dma_start3A_38 = tpu.memref_squeeze %dma_start3A_37 : memref<1x125xi32, #tpu.memory_space<hbm>> -> memref<125xi32, #tpu.memory_space<hbm>>
    %dma_start3A_39 = arith.constant 0 : i32
    %dma_start3A_40 = tpu.memref_slice %arg8[%dma_start3A_32, %dma_start3A_39] : memref<3x125xi32, #tpu.memory_space<vmem>> -> memref<1x125xi32, #tpu.memory_space<vmem>>
    %dma_start3A_41 = tpu.memref_squeeze %dma_start3A_40 : memref<1x125xi32, #tpu.memory_space<vmem>> -> memref<125xi32, #tpu.memory_space<vmem>>
    %dma_start3A_42 = arith.constant 0 : i32
    %dma_start3A_43 = tpu.memref_slice %arg3[%add3A_31, %dma_start3A_42] : memref<2560x125xi32, #tpu.memory_space<hbm>> -> memref<1x125xi32, #tpu.memory_space<hbm>>
    %dma_start3A_44 = tpu.memref_squeeze %dma_start3A_43 : memref<1x125xi32, #tpu.memory_space<hbm>> -> memref<125xi32, #tpu.memory_space<hbm>>
    tpu.enqueue_dma source(%dma_start3A_44 : memref<125xi32, #tpu.memory_space<hbm>>) target(%dma_start3A_41 : memref<125xi32, #tpu.memory_space<vmem>>) target_semaphore(%arg14 : memref<!tpu.dma_semaphore, #tpu.memory_space<semaphore_mem>>)
    %add3A_45 = arith.constant 2 : i32
    %add3A_46 = arith.addi %mul3A_2, %add3A_45 : i32
    %dma_start3A_47 = arith.constant 2 : i32
    %dma_start3A_48 = arith.constant 0 : i32
    %dma_start3A_49 = tpu.memref_slice %arg8[%dma_start3A_47, %dma_start3A_48] : memref<3x125xi32, #tpu.memory_space<vmem>> -> memref<1x125xi32, #tpu.memory_space<vmem>>
    %dma_start3A_50 = tpu.memref_squeeze %dma_start3A_49 : memref<1x125xi32, #tpu.memory_space<vmem>> -> memref<125xi32, #tpu.memory_space<vmem>>
    %dma_start3A_51 = arith.constant 0 : i32
    %dma_start3A_52 = tpu.memref_slice %arg3[%add3A_46, %dma_start3A_51] : memref<2560x125xi32, #tpu.memory_space<hbm>> -> memref<1x125xi32, #tpu.memory_space<hbm>>
    %dma_start3A_53 = tpu.memref_squeeze %dma_start3A_52 : memref<1x125xi32, #tpu.memory_space<hbm>> -> memref<125xi32, #tpu.memory_space<hbm>>
    %dma_start3A_54 = arith.constant 0 : i32
    %dma_start3A_55 = tpu.memref_slice %arg8[%dma_start3A_47, %dma_start3A_54] : memref<3x125xi32, #tpu.memory_space<vmem>> -> memref<1x125xi32, #tpu.memory_space<vmem>>
    %dma_start3A_56 = tpu.memref_squeeze %dma_start3A_55 : memref<1x125xi32, #tpu.memory_space<vmem>> -> memref<125xi32, #tpu.memory_space<vmem>>
    %dma_start3A_57 = arith.constant 0 : i32
    %dma_start3A_58 = tpu.memref_slice %arg3[%add3A_46, %dma_start3A_57] : memref<2560x125xi32, #tpu.memory_space<hbm>> -> memref<1x125xi32, #tpu.memory_space<hbm>>
    %dma_start3A_59 = tpu.memref_squeeze %dma_start3A_58 : memref<1x125xi32, #tpu.memory_space<hbm>> -> memref<125xi32, #tpu.memory_space<hbm>>
    tpu.enqueue_dma source(%dma_start3A_59 : memref<125xi32, #tpu.memory_space<hbm>>) target(%dma_start3A_56 : memref<125xi32, #tpu.memory_space<vmem>>) target_semaphore(%arg15 : memref<!tpu.dma_semaphore, #tpu.memory_space<semaphore_mem>>)
    %add3A_60 = arith.constant 0 : i32
    %add3A_61 = arith.addi %mul3A_4, %add3A_60 : i32
    %dma_start3A_62 = arith.constant 0 : i32
    %dma_start3A_63 = arith.constant 0 : i32
    %dma_start3A_64 = tpu.memref_slice %arg9[%dma_start3A_62, %dma_start3A_63] : memref<3x125xi32, #tpu.memory_space<vmem>> -> memref<1x125xi32, #tpu.memory_space<vmem>>
    %dma_start3A_65 = tpu.memref_squeeze %dma_start3A_64 : memref<1x125xi32, #tpu.memory_space<vmem>> -> memref<125xi32, #tpu.memory_space<vmem>>
    %dma_start3A_66 = arith.constant 0 : i32
    %dma_start3A_67 = tpu.memref_slice %arg4[%add3A_61, %dma_start3A_66] : memref<1280x125xi32, #tpu.memory_space<hbm>> -> memref<1x125xi32, #tpu.memory_space<hbm>>
    %dma_start3A_68 = tpu.memref_squeeze %dma_start3A_67 : memref<1x125xi32, #tpu.memory_space<hbm>> -> memref<125xi32, #tpu.memory_space<hbm>>
    %dma_start3A_69 = arith.constant 0 : i32
    %dma_start3A_70 = tpu.memref_slice %arg9[%dma_start3A_62, %dma_start3A_69] : memref<3x125xi32, #tpu.memory_space<vmem>> -> memref<1x125xi32, #tpu.memory_space<vmem>>
    %dma_start3A_71 = tpu.memref_squeeze %dma_start3A_70 : memref<1x125xi32, #tpu.memory_space<vmem>> -> memref<125xi32, #tpu.memory_space<vmem>>
    %dma_start3A_72 = arith.constant 0 : i32
    %dma_start3A_73 = tpu.memref_slice %arg4[%add3A_61, %dma_start3A_72] : memref<1280x125xi32, #tpu.memory_space<hbm>> -> memref<1x125xi32, #tpu.memory_space<hbm>>
    %dma_start3A_74 = tpu.memref_squeeze %dma_start3A_73 : memref<1x125xi32, #tpu.memory_space<hbm>> -> memref<125xi32, #tpu.memory_space<hbm>>
    tpu.enqueue_dma source(%dma_start3A_74 : memref<125xi32, #tpu.memory_space<hbm>>) target(%dma_start3A_71 : memref<125xi32, #tpu.memory_space<vmem>>) target_semaphore(%arg16 : memref<!tpu.dma_semaphore, #tpu.memory_space<semaphore_mem>>)
    %add3A_75 = arith.constant 1 : i32
    %add3A_76 = arith.addi %mul3A_4, %add3A_75 : i32
    %dma_start3A_77 = arith.constant 1 : i32
    %dma_start3A_78 = arith.constant 0 : i32
    %dma_start3A_79 = tpu.memref_slice %arg9[%dma_start3A_77, %dma_start3A_78] : memref<3x125xi32, #tpu.memory_space<vmem>> -> memref<1x125xi32, #tpu.memory_space<vmem>>
    %dma_start3A_80 = tpu.memref_squeeze %dma_start3A_79 : memref<1x125xi32, #tpu.memory_space<vmem>> -> memref<125xi32, #tpu.memory_space<vmem>>
    %dma_start3A_81 = arith.constant 0 : i32
    %dma_start3A_82 = tpu.memref_slice %arg4[%add3A_76, %dma_start3A_81] : memref<1280x125xi32, #tpu.memory_space<hbm>> -> memref<1x125xi32, #tpu.memory_space<hbm>>
    %dma_start3A_83 = tpu.memref_squeeze %dma_start3A_82 : memref<1x125xi32, #tpu.memory_space<hbm>> -> memref<125xi32, #tpu.memory_space<hbm>>
    %dma_start3A_84 = arith.constant 0 : i32
    %dma_start3A_85 = tpu.memref_slice %arg9[%dma_start3A_77, %dma_start3A_84] : memref<3x125xi32, #tpu.memory_space<vmem>> -> memref<1x125xi32, #tpu.memory_space<vmem>>
    %dma_start3A_86 = tpu.memref_squeeze %dma_start3A_85 : memref<1x125xi32, #tpu.memory_space<vmem>> -> memref<125xi32, #tpu.memory_space<vmem>>
    %dma_start3A_87 = arith.constant 0 : i32
    %dma_start3A_88 = tpu.memref_slice %arg4[%add3A_76, %dma_start3A_87] : memref<1280x125xi32, #tpu.memory_space<hbm>> -> memref<1x125xi32, #tpu.memory_space<hbm>>
    %dma_start3A_89 = tpu.memref_squeeze %dma_start3A_88 : memref<1x125xi32, #tpu.memory_space<hbm>> -> memref<125xi32, #tpu.memory_space<hbm>>
    tpu.enqueue_dma source(%dma_start3A_89 : memref<125xi32, #tpu.memory_space<hbm>>) target(%dma_start3A_86 : memref<125xi32, #tpu.memory_space<vmem>>) target_semaphore(%arg17 : memref<!tpu.dma_semaphore, #tpu.memory_space<semaphore_mem>>)
    %add3A_90 = arith.constant 0 : i32
    %add3A_91 = arith.addi %mul3A_2, %add3A_90 : i32
    %dma_wait3A = arith.constant 0 : i32
    %dma_wait3A_92 = arith.constant 0 : i32
    %dma_wait3A_93 = tpu.memref_slice %arg8[%dma_wait3A, %dma_wait3A_92] : memref<3x125xi32, #tpu.memory_space<vmem>> -> memref<1x125xi32, #tpu.memory_space<vmem>>
    %dma_wait3A_94 = tpu.memref_squeeze %dma_wait3A_93 : memref<1x125xi32, #tpu.memory_space<vmem>> -> memref<125xi32, #tpu.memory_space<vmem>>
    %dma_wait3A_95 = arith.constant 0 : i32
    %dma_wait3A_96 = tpu.memref_slice %arg3[%add3A_91, %dma_wait3A_95] : memref<2560x125xi32, #tpu.memory_space<hbm>> -> memref<1x125xi32, #tpu.memory_space<hbm>>
    %dma_wait3A_97 = tpu.memref_squeeze %dma_wait3A_96 : memref<1x125xi32, #tpu.memory_space<hbm>> -> memref<125xi32, #tpu.memory_space<hbm>>
    %dma_wait3A_98 = arith.constant 0 : i32
    %dma_wait3A_99 = tpu.memref_slice %arg8[%dma_wait3A, %dma_wait3A_98] : memref<3x125xi32, #tpu.memory_space<vmem>> -> memref<1x125xi32, #tpu.memory_space<vmem>>
    %dma_wait3A_100 = tpu.memref_squeeze %dma_wait3A_99 : memref<1x125xi32, #tpu.memory_space<vmem>> -> memref<125xi32, #tpu.memory_space<vmem>>
    %dma_wait3A_101 = arith.constant 0 : i32
    %dma_wait3A_102 = tpu.memref_slice %arg3[%add3A_91, %dma_wait3A_101] : memref<2560x125xi32, #tpu.memory_space<hbm>> -> memref<1x125xi32, #tpu.memory_space<hbm>>
    %dma_wait3A_103 = tpu.memref_squeeze %dma_wait3A_102 : memref<1x125xi32, #tpu.memory_space<hbm>> -> memref<125xi32, #tpu.memory_space<hbm>>
    tpu.wait_dma2 semaphore(%arg13 : memref<!tpu.dma_semaphore, #tpu.memory_space<semaphore_mem>>) src(%dma_wait3A_103 : memref<125xi32, #tpu.memory_space<hbm>>) dst(%dma_wait3A_100 : memref<125xi32, #tpu.memory_space<vmem>>)
    %dma_start3A_104 = arith.constant 0 : i32
    %dma_start3A_105 = arith.constant 0 : i32
    %dma_start3A_106 = arith.constant 0 : i32
    %dma_start3A_107 = arith.constant 0 : i32
    %dma_start3A_108 = tpu.memref_slice %arg7[%dma_start3A_105, %dma_start3A_106, %dma_start3A_107] : memref<3x125x128xf32, #tpu.memory_space<vmem>> -> memref<1x125x128xf32, #tpu.memory_space<vmem>>
    %dma_start3A_109 = tpu.memref_squeeze %dma_start3A_108 : memref<1x125x128xf32, #tpu.memory_space<vmem>> -> memref<125x128xf32, #tpu.memory_space<vmem>>
    %dma_start3A_110 = arith.constant 0 : i32
    %dma_start3A_111 = tpu.memref_slice %arg8[%dma_start3A_104, %dma_start3A_110] : memref<3x125xi32, #tpu.memory_space<vmem>> -> memref<1x125xi32, #tpu.memory_space<vmem>>
    %dma_start3A_112 = tpu.memref_squeeze %dma_start3A_111 : memref<1x125xi32, #tpu.memory_space<vmem>> -> memref<125xi32, #tpu.memory_space<vmem>>
    %dma_start3A_113 = arith.constant 0 : i32
    %dma_start3A_114 = arith.constant 0 : i32
    %dma_start3A_115 = tpu.memref_slice %arg2[%dma_start3A_113, %dma_start3A_114] : memref<20000x128xf32, #tpu.memory_space<hbm>> -> memref<20000x128xf32, #tpu.memory_space<hbm>>
    tpu.enqueue_indirect_dma source(%dma_start3A_115 : memref<20000x128xf32, #tpu.memory_space<hbm>>) target(%dma_start3A_109 : memref<125x128xf32, #tpu.memory_space<vmem>>) offsets(%dma_start3A_112 : memref<125xi32, #tpu.memory_space<vmem>>) semaphore(%arg10 : memref<!tpu.dma_semaphore, #tpu.memory_space<semaphore_mem>>)
    %add3A_116 = arith.constant 1 : i32
    %add3A_117 = arith.addi %mul3A_2, %add3A_116 : i32
    %dma_wait3A_118 = arith.constant 1 : i32
    %dma_wait3A_119 = arith.constant 0 : i32
    %dma_wait3A_120 = tpu.memref_slice %arg8[%dma_wait3A_118, %dma_wait3A_119] : memref<3x125xi32, #tpu.memory_space<vmem>> -> memref<1x125xi32, #tpu.memory_space<vmem>>
    %dma_wait3A_121 = tpu.memref_squeeze %dma_wait3A_120 : memref<1x125xi32, #tpu.memory_space<vmem>> -> memref<125xi32, #tpu.memory_space<vmem>>
    %dma_wait3A_122 = arith.constant 0 : i32
    %dma_wait3A_123 = tpu.memref_slice %arg3[%add3A_117, %dma_wait3A_122] : memref<2560x125xi32, #tpu.memory_space<hbm>> -> memref<1x125xi32, #tpu.memory_space<hbm>>
    %dma_wait3A_124 = tpu.memref_squeeze %dma_wait3A_123 : memref<1x125xi32, #tpu.memory_space<hbm>> -> memref<125xi32, #tpu.memory_space<hbm>>
    %dma_wait3A_125 = arith.constant 0 : i32
    %dma_wait3A_126 = tpu.memref_slice %arg8[%dma_wait3A_118, %dma_wait3A_125] : memref<3x125xi32, #tpu.memory_space<vmem>> -> memref<1x125xi32, #tpu.memory_space<vmem>>
    %dma_wait3A_127 = tpu.memref_squeeze %dma_wait3A_126 : memref<1x125xi32, #tpu.memory_space<vmem>> -> memref<125xi32, #tpu.memory_space<vmem>>
    %dma_wait3A_128 = arith.constant 0 : i32
    %dma_wait3A_129 = tpu.memref_slice %arg3[%add3A_117, %dma_wait3A_128] : memref<2560x125xi32, #tpu.memory_space<hbm>> -> memref<1x125xi32, #tpu.memory_space<hbm>>
    %dma_wait3A_130 = tpu.memref_squeeze %dma_wait3A_129 : memref<1x125xi32, #tpu.memory_space<hbm>> -> memref<125xi32, #tpu.memory_space<hbm>>
    tpu.wait_dma2 semaphore(%arg14 : memref<!tpu.dma_semaphore, #tpu.memory_space<semaphore_mem>>) src(%dma_wait3A_130 : memref<125xi32, #tpu.memory_space<hbm>>) dst(%dma_wait3A_127 : memref<125xi32, #tpu.memory_space<vmem>>)
    %dma_start3A_131 = arith.constant 1 : i32
    %dma_start3A_132 = arith.constant 1 : i32
    %dma_start3A_133 = arith.constant 0 : i32
    %dma_start3A_134 = arith.constant 0 : i32
    %dma_start3A_135 = tpu.memref_slice %arg7[%dma_start3A_132, %dma_start3A_133, %dma_start3A_134] : memref<3x125x128xf32, #tpu.memory_space<vmem>> -> memref<1x125x128xf32, #tpu.memory_space<vmem>>
    %dma_start3A_136 = tpu.memref_squeeze %dma_start3A_135 : memref<1x125x128xf32, #tpu.memory_space<vmem>> -> memref<125x128xf32, #tpu.memory_space<vmem>>
    %dma_start3A_137 = arith.constant 0 : i32
    %dma_start3A_138 = tpu.memref_slice %arg8[%dma_start3A_131, %dma_start3A_137] : memref<3x125xi32, #tpu.memory_space<vmem>> -> memref<1x125xi32, #tpu.memory_space<vmem>>
    %dma_start3A_139 = tpu.memref_squeeze %dma_start3A_138 : memref<1x125xi32, #tpu.memory_space<vmem>> -> memref<125xi32, #tpu.memory_space<vmem>>
    %dma_start3A_140 = arith.constant 0 : i32
    %dma_start3A_141 = arith.constant 0 : i32
    %dma_start3A_142 = tpu.memref_slice %arg2[%dma_start3A_140, %dma_start3A_141] : memref<20000x128xf32, #tpu.memory_space<hbm>> -> memref<20000x128xf32, #tpu.memory_space<hbm>>
    tpu.enqueue_indirect_dma source(%dma_start3A_142 : memref<20000x128xf32, #tpu.memory_space<hbm>>) target(%dma_start3A_136 : memref<125x128xf32, #tpu.memory_space<vmem>>) offsets(%dma_start3A_139 : memref<125xi32, #tpu.memory_space<vmem>>) semaphore(%arg11 : memref<!tpu.dma_semaphore, #tpu.memory_space<semaphore_mem>>)
    %dma_wait3A_143 = arith.constant 0 : i32
    %dma_wait3A_144 = tpu.memref_slice %arg6[%mul3A_11, %dma_wait3A_143] : memref<10000x128xf32, #tpu.memory_space<vmem_shared>> -> memref<625x128xf32, #tpu.memory_space<vmem_shared>>
    %dma_wait3A_145 = arith.constant 0 : i32
    %dma_wait3A_146 = tpu.memref_slice %arg2[%add3A_9, %dma_wait3A_145] : memref<20000x128xf32, #tpu.memory_space<hbm>> -> memref<625x128xf32, #tpu.memory_space<hbm>>
    tpu.wait_dma2 semaphore(%arg22 : memref<!tpu.dma_semaphore, #tpu.memory_space<semaphore_mem>>) src(%dma_wait3A_146 : memref<625x128xf32, #tpu.memory_space<hbm>>) dst(%dma_wait3A_144 : memref<625x128xf32, #tpu.memory_space<vmem_shared>>)
    %barrier3A = arith.constant 0 : index
    tpu.barrier barrier_id(%barrier3A)
    %dma_wait3A_147 = arith.constant 0 : i32
    %dma_wait3A_148 = arith.constant 0 : i32
    %dma_wait3A_149 = arith.constant 0 : i32
    %dma_wait3A_150 = arith.constant 0 : i32
    %dma_wait3A_151 = tpu.memref_slice %arg7[%dma_wait3A_148, %dma_wait3A_149, %dma_wait3A_150] : memref<3x125x128xf32, #tpu.memory_space<vmem>> -> memref<1x125x128xf32, #tpu.memory_space<vmem>>
    %dma_wait3A_152 = tpu.memref_squeeze %dma_wait3A_151 : memref<1x125x128xf32, #tpu.memory_space<vmem>> -> memref<125x128xf32, #tpu.memory_space<vmem>>
    %dma_wait3A_153 = arith.constant 0 : i32
    %dma_wait3A_154 = tpu.memref_slice %arg8[%dma_wait3A_147, %dma_wait3A_153] : memref<3x125xi32, #tpu.memory_space<vmem>> -> memref<1x125xi32, #tpu.memory_space<vmem>>
    %dma_wait3A_155 = tpu.memref_squeeze %dma_wait3A_154 : memref<1x125xi32, #tpu.memory_space<vmem>> -> memref<125xi32, #tpu.memory_space<vmem>>
    %dma_wait3A_156 = arith.constant 0 : i32
    %dma_wait3A_157 = arith.constant 0 : i32
    %dma_wait3A_158 = tpu.memref_slice %arg2[%dma_wait3A_156, %dma_wait3A_157] : memref<20000x128xf32, #tpu.memory_space<hbm>> -> memref<20000x128xf32, #tpu.memory_space<hbm>>
    tpu.wait_indirect_dma semaphore(%arg10 : memref<!tpu.dma_semaphore, #tpu.memory_space<semaphore_mem>>) src(%dma_wait3A_158 : memref<20000x128xf32, #tpu.memory_space<hbm>>) dst(%dma_wait3A_152 : memref<125x128xf32, #tpu.memory_space<vmem>>)
    %add3A_159 = arith.constant 0 : i32
    %add3A_160 = arith.addi %mul3A_4, %add3A_159 : i32
    %dma_wait3A_161 = arith.constant 0 : i32
    %dma_wait3A_162 = arith.constant 0 : i32
    %dma_wait3A_163 = tpu.memref_slice %arg9[%dma_wait3A_161, %dma_wait3A_162] : memref<3x125xi32, #tpu.memory_space<vmem>> -> memref<1x125xi32, #tpu.memory_space<vmem>>
    %dma_wait3A_164 = tpu.memref_squeeze %dma_wait3A_163 : memref<1x125xi32, #tpu.memory_space<vmem>> -> memref<125xi32, #tpu.memory_space<vmem>>
    %dma_wait3A_165 = arith.constant 0 : i32
    %dma_wait3A_166 = tpu.memref_slice %arg4[%add3A_160, %dma_wait3A_165] : memref<1280x125xi32, #tpu.memory_space<hbm>> -> memref<1x125xi32, #tpu.memory_space<hbm>>
    %dma_wait3A_167 = tpu.memref_squeeze %dma_wait3A_166 : memref<1x125xi32, #tpu.memory_space<hbm>> -> memref<125xi32, #tpu.memory_space<hbm>>
    %dma_wait3A_168 = arith.constant 0 : i32
    %dma_wait3A_169 = tpu.memref_slice %arg9[%dma_wait3A_161, %dma_wait3A_168] : memref<3x125xi32, #tpu.memory_space<vmem>> -> memref<1x125xi32, #tpu.memory_space<vmem>>
    %dma_wait3A_170 = tpu.memref_squeeze %dma_wait3A_169 : memref<1x125xi32, #tpu.memory_space<vmem>> -> memref<125xi32, #tpu.memory_space<vmem>>
    %dma_wait3A_171 = arith.constant 0 : i32
    %dma_wait3A_172 = tpu.memref_slice %arg4[%add3A_160, %dma_wait3A_171] : memref<1280x125xi32, #tpu.memory_space<hbm>> -> memref<1x125xi32, #tpu.memory_space<hbm>>
    %dma_wait3A_173 = tpu.memref_squeeze %dma_wait3A_172 : memref<1x125xi32, #tpu.memory_space<hbm>> -> memref<125xi32, #tpu.memory_space<hbm>>
    tpu.wait_dma2 semaphore(%arg16 : memref<!tpu.dma_semaphore, #tpu.memory_space<semaphore_mem>>) src(%dma_wait3A_173 : memref<125xi32, #tpu.memory_space<hbm>>) dst(%dma_wait3A_170 : memref<125xi32, #tpu.memory_space<vmem>>)
    %dma_start3A_174 = arith.constant 0 : i32
    %dma_start3A_175 = arith.constant 0 : i32
    %dma_start3A_176 = arith.constant 0 : i32
    %dma_start3A_177 = arith.constant 0 : i32
    %dma_start3A_178 = tpu.memref_slice %arg7[%dma_start3A_174, %dma_start3A_176, %dma_start3A_177] : memref<3x125x128xf32, #tpu.memory_space<vmem>> -> memref<1x125x128xf32, #tpu.memory_space<vmem>>
    %dma_start3A_179 = tpu.memref_squeeze %dma_start3A_178 : memref<1x125x128xf32, #tpu.memory_space<vmem>> -> memref<125x128xf32, #tpu.memory_space<vmem>>
    %dma_start3A_180 = arith.constant 0 : i32
    %dma_start3A_181 = tpu.memref_slice %arg9[%dma_start3A_175, %dma_start3A_180] : memref<3x125xi32, #tpu.memory_space<vmem>> -> memref<1x125xi32, #tpu.memory_space<vmem>>
    %dma_start3A_182 = tpu.memref_squeeze %dma_start3A_181 : memref<1x125xi32, #tpu.memory_space<vmem>> -> memref<125xi32, #tpu.memory_space<vmem>>
    %dma_start3A_183 = arith.constant 0 : i32
    %dma_start3A_184 = arith.constant 0 : i32
    %dma_start3A_185 = tpu.memref_slice %arg6[%dma_start3A_183, %dma_start3A_184] : memref<10000x128xf32, #tpu.memory_space<vmem_shared>> -> memref<10000x128xf32, #tpu.memory_space<vmem_shared>>
    tpu.enqueue_indirect_dma source(%dma_start3A_179 : memref<125x128xf32, #tpu.memory_space<vmem>>) target(%dma_start3A_185 : memref<10000x128xf32, #tpu.memory_space<vmem_shared>>) offsets(%dma_start3A_182 : memref<125xi32, #tpu.memory_space<vmem>>) semaphore(%arg19 : memref<!tpu.dma_semaphore, #tpu.memory_space<semaphore_mem>>) {add = true}
    %add3A_186 = arith.constant 2 : i32
    %add3A_187 = arith.addi %mul3A_4, %add3A_186 : i32
    %dma_start3A_188 = arith.constant 2 : i32
    %dma_start3A_189 = arith.constant 0 : i32
    %dma_start3A_190 = tpu.memref_slice %arg9[%dma_start3A_188, %dma_start3A_189] : memref<3x125xi32, #tpu.memory_space<vmem>> -> memref<1x125xi32, #tpu.memory_space<vmem>>
    %dma_start3A_191 = tpu.memref_squeeze %dma_start3A_190 : memref<1x125xi32, #tpu.memory_space<vmem>> -> memref<125xi32, #tpu.memory_space<vmem>>
    %dma_start3A_192 = arith.constant 0 : i32
    %dma_start3A_193 = tpu.memref_slice %arg4[%add3A_187, %dma_start3A_192] : memref<1280x125xi32, #tpu.memory_space<hbm>> -> memref<1x125xi32, #tpu.memory_space<hbm>>
    %dma_start3A_194 = tpu.memref_squeeze %dma_start3A_193 : memref<1x125xi32, #tpu.memory_space<hbm>> -> memref<125xi32, #tpu.memory_space<hbm>>
    %dma_start3A_195 = arith.constant 0 : i32
    %dma_start3A_196 = tpu.memref_slice %arg9[%dma_start3A_188, %dma_start3A_195] : memref<3x125xi32, #tpu.memory_space<vmem>> -> memref<1x125xi32, #tpu.memory_space<vmem>>
    %dma_start3A_197 = tpu.memref_squeeze %dma_start3A_196 : memref<1x125xi32, #tpu.memory_space<vmem>> -> memref<125xi32, #tpu.memory_space<vmem>>
    %dma_start3A_198 = arith.constant 0 : i32
    %dma_start3A_199 = tpu.memref_slice %arg4[%add3A_187, %dma_start3A_198] : memref<1280x125xi32, #tpu.memory_space<hbm>> -> memref<1x125xi32, #tpu.memory_space<hbm>>
    %dma_start3A_200 = tpu.memref_squeeze %dma_start3A_199 : memref<1x125xi32, #tpu.memory_space<hbm>> -> memref<125xi32, #tpu.memory_space<hbm>>
    tpu.enqueue_dma source(%dma_start3A_200 : memref<125xi32, #tpu.memory_space<hbm>>) target(%dma_start3A_197 : memref<125xi32, #tpu.memory_space<vmem>>) target_semaphore(%arg18 : memref<!tpu.dma_semaphore, #tpu.memory_space<semaphore_mem>>)
    %add3A_201 = arith.constant 3 : i32
    %add3A_202 = arith.addi %mul3A_2, %add3A_201 : i32
    %dma_start3A_203 = arith.constant 0 : i32
    %dma_start3A_204 = arith.constant 0 : i32
    %dma_start3A_205 = tpu.memref_slice %arg8[%dma_start3A_203, %dma_start3A_204] : memref<3x125xi32, #tpu.memory_space<vmem>> -> memref<1x125xi32, #tpu.memory_space<vmem>>
    %dma_start3A_206 = tpu.memref_squeeze %dma_start3A_205 : memref<1x125xi32, #tpu.memory_space<vmem>> -> memref<125xi32, #tpu.memory_space<vmem>>
    %dma_start3A_207 = arith.constant 0 : i32
    %dma_start3A_208 = tpu.memref_slice %arg3[%add3A_202, %dma_start3A_207] : memref<2560x125xi32, #tpu.memory_space<hbm>> -> memref<1x125xi32, #tpu.memory_space<hbm>>
    %dma_start3A_209 = tpu.memref_squeeze %dma_start3A_208 : memref<1x125xi32, #tpu.memory_space<hbm>> -> memref<125xi32, #tpu.memory_space<hbm>>
    %dma_start3A_210 = arith.constant 0 : i32
    %dma_start3A_211 = tpu.memref_slice %arg8[%dma_start3A_203, %dma_start3A_210] : memref<3x125xi32, #tpu.memory_space<vmem>> -> memref<1x125xi32, #tpu.memory_space<vmem>>
    %dma_start3A_212 = tpu.memref_squeeze %dma_start3A_211 : memref<1x125xi32, #tpu.memory_space<vmem>> -> memref<125xi32, #tpu.memory_space<vmem>>
    %dma_start3A_213 = arith.constant 0 : i32
    %dma_start3A_214 = tpu.memref_slice %arg3[%add3A_202, %dma_start3A_213] : memref<2560x125xi32, #tpu.memory_space<hbm>> -> memref<1x125xi32, #tpu.memory_space<hbm>>
    %dma_start3A_215 = tpu.memref_squeeze %dma_start3A_214 : memref<1x125xi32, #tpu.memory_space<hbm>> -> memref<125xi32, #tpu.memory_space<hbm>>
    tpu.enqueue_dma source(%dma_start3A_215 : memref<125xi32, #tpu.memory_space<hbm>>) target(%dma_start3A_212 : memref<125xi32, #tpu.memory_space<vmem>>) target_semaphore(%arg13 : memref<!tpu.dma_semaphore, #tpu.memory_space<semaphore_mem>>)
    %add3A_216 = arith.constant 2 : i32
    %add3A_217 = arith.addi %mul3A_2, %add3A_216 : i32
    %dma_wait3A_218 = arith.constant 2 : i32
    %dma_wait3A_219 = arith.constant 0 : i32
    %dma_wait3A_220 = tpu.memref_slice %arg8[%dma_wait3A_218, %dma_wait3A_219] : memref<3x125xi32, #tpu.memory_space<vmem>> -> memref<1x125xi32, #tpu.memory_space<vmem>>
    %dma_wait3A_221 = tpu.memref_squeeze %dma_wait3A_220 : memref<1x125xi32, #tpu.memory_space<vmem>> -> memref<125xi32, #tpu.memory_space<vmem>>
    %dma_wait3A_222 = arith.constant 0 : i32
    %dma_wait3A_223 = tpu.memref_slice %arg3[%add3A_217, %dma_wait3A_222] : memref<2560x125xi32, #tpu.memory_space<hbm>> -> memref<1x125xi32, #tpu.memory_space<hbm>>
    %dma_wait3A_224 = tpu.memref_squeeze %dma_wait3A_223 : memref<1x125xi32, #tpu.memory_space<hbm>> -> memref<125xi32, #tpu.memory_space<hbm>>
    %dma_wait3A_225 = arith.constant 0 : i32
    %dma_wait3A_226 = tpu.memref_slice %arg8[%dma_wait3A_218, %dma_wait3A_225] : memref<3x125xi32, #tpu.memory_space<vmem>> -> memref<1x125xi32, #tpu.memory_space<vmem>>
    %dma_wait3A_227 = tpu.memref_squeeze %dma_wait3A_226 : memref<1x125xi32, #tpu.memory_space<vmem>> -> memref<125xi32, #tpu.memory_space<vmem>>
    %dma_wait3A_228 = arith.constant 0 : i32
    %dma_wait3A_229 = tpu.memref_slice %arg3[%add3A_217, %dma_wait3A_228] : memref<2560x125xi32, #tpu.memory_space<hbm>> -> memref<1x125xi32, #tpu.memory_space<hbm>>
    %dma_wait3A_230 = tpu.memref_squeeze %dma_wait3A_229 : memref<1x125xi32, #tpu.memory_space<hbm>> -> memref<125xi32, #tpu.memory_space<hbm>>
    tpu.wait_dma2 semaphore(%arg15 : memref<!tpu.dma_semaphore, #tpu.memory_space<semaphore_mem>>) src(%dma_wait3A_230 : memref<125xi32, #tpu.memory_space<hbm>>) dst(%dma_wait3A_227 : memref<125xi32, #tpu.memory_space<vmem>>)
    %dma_start3A_231 = arith.constant 2 : i32
    %dma_start3A_232 = arith.constant 2 : i32
    %dma_start3A_233 = arith.constant 0 : i32
    %dma_start3A_234 = arith.constant 0 : i32
    %dma_start3A_235 = tpu.memref_slice %arg7[%dma_start3A_232, %dma_start3A_233, %dma_start3A_234] : memref<3x125x128xf32, #tpu.memory_space<vmem>> -> memref<1x125x128xf32, #tpu.memory_space<vmem>>
    %dma_start3A_236 = tpu.memref_squeeze %dma_start3A_235 : memref<1x125x128xf32, #tpu.memory_space<vmem>> -> memref<125x128xf32, #tpu.memory_space<vmem>>
    %dma_start3A_237 = arith.constant 0 : i32
    %dma_start3A_238 = tpu.memref_slice %arg8[%dma_start3A_231, %dma_start3A_237] : memref<3x125xi32, #tpu.memory_space<vmem>> -> memref<1x125xi32, #tpu.memory_space<vmem>>
    %dma_start3A_239 = tpu.memref_squeeze %dma_start3A_238 : memref<1x125xi32, #tpu.memory_space<vmem>> -> memref<125xi32, #tpu.memory_space<vmem>>
    %dma_start3A_240 = arith.constant 0 : i32
    %dma_start3A_241 = arith.constant 0 : i32
    %dma_start3A_242 = tpu.memref_slice %arg2[%dma_start3A_240, %dma_start3A_241] : memref<20000x128xf32, #tpu.memory_space<hbm>> -> memref<20000x128xf32, #tpu.memory_space<hbm>>
    tpu.enqueue_indirect_dma source(%dma_start3A_242 : memref<20000x128xf32, #tpu.memory_space<hbm>>) target(%dma_start3A_236 : memref<125x128xf32, #tpu.memory_space<vmem>>) offsets(%dma_start3A_239 : memref<125xi32, #tpu.memory_space<vmem>>) semaphore(%arg12 : memref<!tpu.dma_semaphore, #tpu.memory_space<semaphore_mem>>)
    %dma_wait3A_243 = arith.constant 1 : i32
    %dma_wait3A_244 = arith.constant 1 : i32
    %dma_wait3A_245 = arith.constant 0 : i32
    %dma_wait3A_246 = arith.constant 0 : i32
    %dma_wait3A_247 = tpu.memref_slice %arg7[%dma_wait3A_244, %dma_wait3A_245, %dma_wait3A_246] : memref<3x125x128xf32, #tpu.memory_space<vmem>> -> memref<1x125x128xf32, #tpu.memory_space<vmem>>
    %dma_wait3A_248 = tpu.memref_squeeze %dma_wait3A_247 : memref<1x125x128xf32, #tpu.memory_space<vmem>> -> memref<125x128xf32, #tpu.memory_space<vmem>>
    %dma_wait3A_249 = arith.constant 0 : i32
    %dma_wait3A_250 = tpu.memref_slice %arg8[%dma_wait3A_243, %dma_wait3A_249] : memref<3x125xi32, #tpu.memory_space<vmem>> -> memref<1x125xi32, #tpu.memory_space<vmem>>
    %dma_wait3A_251 = tpu.memref_squeeze %dma_wait3A_250 : memref<1x125xi32, #tpu.memory_space<vmem>> -> memref<125xi32, #tpu.memory_space<vmem>>
    %dma_wait3A_252 = arith.constant 0 : i32
    %dma_wait3A_253 = arith.constant 0 : i32
    %dma_wait3A_254 = tpu.memref_slice %arg2[%dma_wait3A_252, %dma_wait3A_253] : memref<20000x128xf32, #tpu.memory_space<hbm>> -> memref<20000x128xf32, #tpu.memory_space<hbm>>
    tpu.wait_indirect_dma semaphore(%arg11 : memref<!tpu.dma_semaphore, #tpu.memory_space<semaphore_mem>>) src(%dma_wait3A_254 : memref<20000x128xf32, #tpu.memory_space<hbm>>) dst(%dma_wait3A_248 : memref<125x128xf32, #tpu.memory_space<vmem>>)
    %add3A_255 = arith.constant 1 : i32
    %add3A_256 = arith.addi %mul3A_4, %add3A_255 : i32
    %dma_wait3A_257 = arith.constant 1 : i32
    %dma_wait3A_258 = arith.constant 0 : i32
    %dma_wait3A_259 = tpu.memref_slice %arg9[%dma_wait3A_257, %dma_wait3A_258] : memref<3x125xi32, #tpu.memory_space<vmem>> -> memref<1x125xi32, #tpu.memory_space<vmem>>
    %dma_wait3A_260 = tpu.memref_squeeze %dma_wait3A_259 : memref<1x125xi32, #tpu.memory_space<vmem>> -> memref<125xi32, #tpu.memory_space<vmem>>
    %dma_wait3A_261 = arith.constant 0 : i32
    %dma_wait3A_262 = tpu.memref_slice %arg4[%add3A_256, %dma_wait3A_261] : memref<1280x125xi32, #tpu.memory_space<hbm>> -> memref<1x125xi32, #tpu.memory_space<hbm>>
    %dma_wait3A_263 = tpu.memref_squeeze %dma_wait3A_262 : memref<1x125xi32, #tpu.memory_space<hbm>> -> memref<125xi32, #tpu.memory_space<hbm>>
    %dma_wait3A_264 = arith.constant 0 : i32
    %dma_wait3A_265 = tpu.memref_slice %arg9[%dma_wait3A_257, %dma_wait3A_264] : memref<3x125xi32, #tpu.memory_space<vmem>> -> memref<1x125xi32, #tpu.memory_space<vmem>>
    %dma_wait3A_266 = tpu.memref_squeeze %dma_wait3A_265 : memref<1x125xi32, #tpu.memory_space<vmem>> -> memref<125xi32, #tpu.memory_space<vmem>>
    %dma_wait3A_267 = arith.constant 0 : i32
    %dma_wait3A_268 = tpu.memref_slice %arg4[%add3A_256, %dma_wait3A_267] : memref<1280x125xi32, #tpu.memory_space<hbm>> -> memref<1x125xi32, #tpu.memory_space<hbm>>
    %dma_wait3A_269 = tpu.memref_squeeze %dma_wait3A_268 : memref<1x125xi32, #tpu.memory_space<hbm>> -> memref<125xi32, #tpu.memory_space<hbm>>
    tpu.wait_dma2 semaphore(%arg17 : memref<!tpu.dma_semaphore, #tpu.memory_space<semaphore_mem>>) src(%dma_wait3A_269 : memref<125xi32, #tpu.memory_space<hbm>>) dst(%dma_wait3A_266 : memref<125xi32, #tpu.memory_space<vmem>>)
    %dma_start3A_270 = arith.constant 1 : i32
    %dma_start3A_271 = arith.constant 1 : i32
    %dma_start3A_272 = arith.constant 0 : i32
    %dma_start3A_273 = arith.constant 0 : i32
    %dma_start3A_274 = tpu.memref_slice %arg7[%dma_start3A_270, %dma_start3A_272, %dma_start3A_273] : memref<3x125x128xf32, #tpu.memory_space<vmem>> -> memref<1x125x128xf32, #tpu.memory_space<vmem>>
    %dma_start3A_275 = tpu.memref_squeeze %dma_start3A_274 : memref<1x125x128xf32, #tpu.memory_space<vmem>> -> memref<125x128xf32, #tpu.memory_space<vmem>>
    %dma_start3A_276 = arith.constant 0 : i32
    %dma_start3A_277 = tpu.memref_slice %arg9[%dma_start3A_271, %dma_start3A_276] : memref<3x125xi32, #tpu.memory_space<vmem>> -> memref<1x125xi32, #tpu.memory_space<vmem>>
    %dma_start3A_278 = tpu.memref_squeeze %dma_start3A_277 : memref<1x125xi32, #tpu.memory_space<vmem>> -> memref<125xi32, #tpu.memory_space<vmem>>
    %dma_start3A_279 = arith.constant 0 : i32
    %dma_start3A_280 = arith.constant 0 : i32
    %dma_start3A_281 = tpu.memref_slice %arg6[%dma_start3A_279, %dma_start3A_280] : memref<10000x128xf32, #tpu.memory_space<vmem_shared>> -> memref<10000x128xf32, #tpu.memory_space<vmem_shared>>
    tpu.enqueue_indirect_dma source(%dma_start3A_275 : memref<125x128xf32, #tpu.memory_space<vmem>>) target(%dma_start3A_281 : memref<10000x128xf32, #tpu.memory_space<vmem_shared>>) offsets(%dma_start3A_278 : memref<125xi32, #tpu.memory_space<vmem>>) semaphore(%arg20 : memref<!tpu.dma_semaphore, #tpu.memory_space<semaphore_mem>>) {add = true}
    %dma_wait3A_282 = arith.constant 0 : i32
    %dma_wait3A_283 = arith.constant 0 : i32
    %dma_wait3A_284 = arith.constant 0 : i32
    %dma_wait3A_285 = arith.constant 0 : i32
    %dma_wait3A_286 = tpu.memref_slice %arg7[%dma_wait3A_282, %dma_wait3A_284, %dma_wait3A_285] : memref<3x125x128xf32, #tpu.memory_space<vmem>> -> memref<1x125x128xf32, #tpu.memory_space<vmem>>
    %dma_wait3A_287 = tpu.memref_squeeze %dma_wait3A_286 : memref<1x125x128xf32, #tpu.memory_space<vmem>> -> memref<125x128xf32, #tpu.memory_space<vmem>>
    %dma_wait3A_288 = arith.constant 0 : i32
    %dma_wait3A_289 = tpu.memref_slice %arg9[%dma_wait3A_283, %dma_wait3A_288] : memref<3x125xi32, #tpu.memory_space<vmem>> -> memref<1x125xi32, #tpu.memory_space<vmem>>
    %dma_wait3A_290 = tpu.memref_squeeze %dma_wait3A_289 : memref<1x125xi32, #tpu.memory_space<vmem>> -> memref<125xi32, #tpu.memory_space<vmem>>
    %dma_wait3A_291 = arith.constant 0 : i32
    %dma_wait3A_292 = arith.constant 0 : i32
    %dma_wait3A_293 = tpu.memref_slice %arg6[%dma_wait3A_291, %dma_wait3A_292] : memref<10000x128xf32, #tpu.memory_space<vmem_shared>> -> memref<10000x128xf32, #tpu.memory_space<vmem_shared>>
    tpu.wait_indirect_dma semaphore(%arg19 : memref<!tpu.dma_semaphore, #tpu.memory_space<semaphore_mem>>) src(%dma_wait3A_287 : memref<125x128xf32, #tpu.memory_space<vmem>>) dst(%dma_wait3A_293 : memref<10000x128xf32, #tpu.memory_space<vmem_shared>>)
    %add3A_294 = arith.constant 3 : i32
    %add3A_295 = arith.addi %mul3A_4, %add3A_294 : i32
    %dma_start3A_296 = arith.constant 0 : i32
    %dma_start3A_297 = arith.constant 0 : i32
    %dma_start3A_298 = tpu.memref_slice %arg9[%dma_start3A_296, %dma_start3A_297] : memref<3x125xi32, #tpu.memory_space<vmem>> -> memref<1x125xi32, #tpu.memory_space<vmem>>
    %dma_start3A_299 = tpu.memref_squeeze %dma_start3A_298 : memref<1x125xi32, #tpu.memory_space<vmem>> -> memref<125xi32, #tpu.memory_space<vmem>>
    %dma_start3A_300 = arith.constant 0 : i32
    %dma_start3A_301 = tpu.memref_slice %arg4[%add3A_295, %dma_start3A_300] : memref<1280x125xi32, #tpu.memory_space<hbm>> -> memref<1x125xi32, #tpu.memory_space<hbm>>
    %dma_start3A_302 = tpu.memref_squeeze %dma_start3A_301 : memref<1x125xi32, #tpu.memory_space<hbm>> -> memref<125xi32, #tpu.memory_space<hbm>>
    %dma_start3A_303 = arith.constant 0 : i32
    %dma_start3A_304 = tpu.memref_slice %arg9[%dma_start3A_296, %dma_start3A_303] : memref<3x125xi32, #tpu.memory_space<vmem>> -> memref<1x125xi32, #tpu.memory_space<vmem>>
    %dma_start3A_305 = tpu.memref_squeeze %dma_start3A_304 : memref<1x125xi32, #tpu.memory_space<vmem>> -> memref<125xi32, #tpu.memory_space<vmem>>
    %dma_start3A_306 = arith.constant 0 : i32
    %dma_start3A_307 = tpu.memref_slice %arg4[%add3A_295, %dma_start3A_306] : memref<1280x125xi32, #tpu.memory_space<hbm>> -> memref<1x125xi32, #tpu.memory_space<hbm>>
    %dma_start3A_308 = tpu.memref_squeeze %dma_start3A_307 : memref<1x125xi32, #tpu.memory_space<hbm>> -> memref<125xi32, #tpu.memory_space<hbm>>
    tpu.enqueue_dma source(%dma_start3A_308 : memref<125xi32, #tpu.memory_space<hbm>>) target(%dma_start3A_305 : memref<125xi32, #tpu.memory_space<vmem>>) target_semaphore(%arg16 : memref<!tpu.dma_semaphore, #tpu.memory_space<semaphore_mem>>)
    %add3A_309 = arith.constant 4 : i32
    %add3A_310 = arith.addi %mul3A_2, %add3A_309 : i32
    %dma_start3A_311 = arith.constant 1 : i32
    %dma_start3A_312 = arith.constant 0 : i32
    %dma_start3A_313 = tpu.memref_slice %arg8[%dma_start3A_311, %dma_start3A_312] : memref<3x125xi32, #tpu.memory_space<vmem>> -> memref<1x125xi32, #tpu.memory_space<vmem>>
    %dma_start3A_314 = tpu.memref_squeeze %dma_start3A_313 : memref<1x125xi32, #tpu.memory_space<vmem>> -> memref<125xi32, #tpu.memory_space<vmem>>
    %dma_start3A_315 = arith.constant 0 : i32
    %dma_start3A_316 = tpu.memref_slice %arg3[%add3A_310, %dma_start3A_315] : memref<2560x125xi32, #tpu.memory_space<hbm>> -> memref<1x125xi32, #tpu.memory_space<hbm>>
    %dma_start3A_317 = tpu.memref_squeeze %dma_start3A_316 : memref<1x125xi32, #tpu.memory_space<hbm>> -> memref<125xi32, #tpu.memory_space<hbm>>
    %dma_start3A_318 = arith.constant 0 : i32
    %dma_start3A_319 = tpu.memref_slice %arg8[%dma_start3A_311, %dma_start3A_318] : memref<3x125xi32, #tpu.memory_space<vmem>> -> memref<1x125xi32, #tpu.memory_space<vmem>>
    %dma_start3A_320 = tpu.memref_squeeze %dma_start3A_319 : memref<1x125xi32, #tpu.memory_space<vmem>> -> memref<125xi32, #tpu.memory_space<vmem>>
    %dma_start3A_321 = arith.constant 0 : i32
    %dma_start3A_322 = tpu.memref_slice %arg3[%add3A_310, %dma_start3A_321] : memref<2560x125xi32, #tpu.memory_space<hbm>> -> memref<1x125xi32, #tpu.memory_space<hbm>>
    %dma_start3A_323 = tpu.memref_squeeze %dma_start3A_322 : memref<1x125xi32, #tpu.memory_space<hbm>> -> memref<125xi32, #tpu.memory_space<hbm>>
    tpu.enqueue_dma source(%dma_start3A_323 : memref<125xi32, #tpu.memory_space<hbm>>) target(%dma_start3A_320 : memref<125xi32, #tpu.memory_space<vmem>>) target_semaphore(%arg14 : memref<!tpu.dma_semaphore, #tpu.memory_space<semaphore_mem>>)
    %add3A_324 = arith.constant 3 : i32
    %add3A_325 = arith.addi %mul3A_2, %add3A_324 : i32
    %dma_wait3A_326 = arith.constant 0 : i32
    %dma_wait3A_327 = arith.constant 0 : i32
    %dma_wait3A_328 = tpu.memref_slice %arg8[%dma_wait3A_326, %dma_wait3A_327] : memref<3x125xi32, #tpu.memory_space<vmem>> -> memref<1x125xi32, #tpu.memory_space<vmem>>
    %dma_wait3A_329 = tpu.memref_squeeze %dma_wait3A_328 : memref<1x125xi32, #tpu.memory_space<vmem>> -> memref<125xi32, #tpu.memory_space<vmem>>
    %dma_wait3A_330 = arith.constant 0 : i32
    %dma_wait3A_331 = tpu.memref_slice %arg3[%add3A_325, %dma_wait3A_330] : memref<2560x125xi32, #tpu.memory_space<hbm>> -> memref<1x125xi32, #tpu.memory_space<hbm>>
    %dma_wait3A_332 = tpu.memref_squeeze %dma_wait3A_331 : memref<1x125xi32, #tpu.memory_space<hbm>> -> memref<125xi32, #tpu.memory_space<hbm>>
    %dma_wait3A_333 = arith.constant 0 : i32
    %dma_wait3A_334 = tpu.memref_slice %arg8[%dma_wait3A_326, %dma_wait3A_333] : memref<3x125xi32, #tpu.memory_space<vmem>> -> memref<1x125xi32, #tpu.memory_space<vmem>>
    %dma_wait3A_335 = tpu.memref_squeeze %dma_wait3A_334 : memref<1x125xi32, #tpu.memory_space<vmem>> -> memref<125xi32, #tpu.memory_space<vmem>>
    %dma_wait3A_336 = arith.constant 0 : i32
    %dma_wait3A_337 = tpu.memref_slice %arg3[%add3A_325, %dma_wait3A_336] : memref<2560x125xi32, #tpu.memory_space<hbm>> -> memref<1x125xi32, #tpu.memory_space<hbm>>
    %dma_wait3A_338 = tpu.memref_squeeze %dma_wait3A_337 : memref<1x125xi32, #tpu.memory_space<hbm>> -> memref<125xi32, #tpu.memory_space<hbm>>
    tpu.wait_dma2 semaphore(%arg13 : memref<!tpu.dma_semaphore, #tpu.memory_space<semaphore_mem>>) src(%dma_wait3A_338 : memref<125xi32, #tpu.memory_space<hbm>>) dst(%dma_wait3A_335 : memref<125xi32, #tpu.memory_space<vmem>>)
    %dma_start3A_339 = arith.constant 0 : i32
    %dma_start3A_340 = arith.constant 0 : i32
    %dma_start3A_341 = arith.constant 0 : i32
    %dma_start3A_342 = arith.constant 0 : i32
    %dma_start3A_343 = tpu.memref_slice %arg7[%dma_start3A_340, %dma_start3A_341, %dma_start3A_342] : memref<3x125x128xf32, #tpu.memory_space<vmem>> -> memref<1x125x128xf32, #tpu.memory_space<vmem>>
    %dma_start3A_344 = tpu.memref_squeeze %dma_start3A_343 : memref<1x125x128xf32, #tpu.memory_space<vmem>> -> memref<125x128xf32, #tpu.memory_space<vmem>>
    %dma_start3A_345 = arith.constant 0 : i32
    %dma_start3A_346 = tpu.memref_slice %arg8[%dma_start3A_339, %dma_start3A_345] : memref<3x125xi32, #tpu.memory_space<vmem>> -> memref<1x125xi32, #tpu.memory_space<vmem>>
    %dma_start3A_347 = tpu.memref_squeeze %dma_start3A_346 : memref<1x125xi32, #tpu.memory_space<vmem>> -> memref<125xi32, #tpu.memory_space<vmem>>
    %dma_start3A_348 = arith.constant 0 : i32
    %dma_start3A_349 = arith.constant 0 : i32
    %dma_start3A_350 = tpu.memref_slice %arg2[%dma_start3A_348, %dma_start3A_349] : memref<20000x128xf32, #tpu.memory_space<hbm>> -> memref<20000x128xf32, #tpu.memory_space<hbm>>
    tpu.enqueue_indirect_dma source(%dma_start3A_350 : memref<20000x128xf32, #tpu.memory_space<hbm>>) target(%dma_start3A_344 : memref<125x128xf32, #tpu.memory_space<vmem>>) offsets(%dma_start3A_347 : memref<125xi32, #tpu.memory_space<vmem>>) semaphore(%arg10 : memref<!tpu.dma_semaphore, #tpu.memory_space<semaphore_mem>>)
    %scan3A = arith.constant 0 : i32
    %scan3A_351 = arith.constant 0 : i32
    %scan3A_352 = arith.constant 25 : i32
    %scan3A_353 = arith.addi %scan3A_351, %scan3A_352 : i32
    %scan3A_354 = arith.constant 1 : i32
    %scan3A_355 = scf.for %scan3A_572 = %scan3A_351 to %scan3A_353 step %scan3A_354 iter_args(%scan3A_573 = %scan3A) -> (i32)  : i32 {
      %mul3A_574 = arith.constant 3 : i32
      %mul3A_575 = arith.muli %mul3A_574, %scan3A_572 : i32
      %add3A_576 = arith.constant 2 : i32
      %add3A_577 = arith.addi %add3A_576, %mul3A_575 : i32
      %dma_wait3A_578 = arith.constant 2 : i32
      %dma_wait3A_579 = arith.constant 2 : i32
      %dma_wait3A_580 = arith.constant 0 : i32
      %dma_wait3A_581 = arith.constant 0 : i32
      %dma_wait3A_582 = tpu.memref_slice %arg7[%dma_wait3A_579, %dma_wait3A_580, %dma_wait3A_581] : memref<3x125x128xf32, #tpu.memory_space<vmem>> -> memref<1x125x128xf32, #tpu.memory_space<vmem>>
      %dma_wait3A_583 = tpu.memref_squeeze %dma_wait3A_582 : memref<1x125x128xf32, #tpu.memory_space<vmem>> -> memref<125x128xf32, #tpu.memory_space<vmem>>
      %dma_wait3A_584 = arith.constant 0 : i32
      %dma_wait3A_585 = tpu.memref_slice %arg8[%dma_wait3A_578, %dma_wait3A_584] : memref<3x125xi32, #tpu.memory_space<vmem>> -> memref<1x125xi32, #tpu.memory_space<vmem>>
      %dma_wait3A_586 = tpu.memref_squeeze %dma_wait3A_585 : memref<1x125xi32, #tpu.memory_space<vmem>> -> memref<125xi32, #tpu.memory_space<vmem>>
      %dma_wait3A_587 = arith.constant 0 : i32
      %dma_wait3A_588 = arith.constant 0 : i32
      %dma_wait3A_589 = tpu.memref_slice %arg2[%dma_wait3A_587, %dma_wait3A_588] : memref<20000x128xf32, #tpu.memory_space<hbm>> -> memref<20000x128xf32, #tpu.memory_space<hbm>>
      tpu.wait_indirect_dma semaphore(%arg12 : memref<!tpu.dma_semaphore, #tpu.memory_space<semaphore_mem>>) src(%dma_wait3A_589 : memref<20000x128xf32, #tpu.memory_space<hbm>>) dst(%dma_wait3A_583 : memref<125x128xf32, #tpu.memory_space<vmem>>)
      %add3A_590 = arith.addi %mul3A_4, %add3A_577 : i32
      %dma_wait3A_591 = arith.constant 2 : i32
      %dma_wait3A_592 = arith.constant 0 : i32
      %dma_wait3A_593 = tpu.memref_slice %arg9[%dma_wait3A_591, %dma_wait3A_592] : memref<3x125xi32, #tpu.memory_space<vmem>> -> memref<1x125xi32, #tpu.memory_space<vmem>>
      %dma_wait3A_594 = tpu.memref_squeeze %dma_wait3A_593 : memref<1x125xi32, #tpu.memory_space<vmem>> -> memref<125xi32, #tpu.memory_space<vmem>>
      %dma_wait3A_595 = arith.constant 0 : i32
      %dma_wait3A_596 = tpu.memref_slice %arg4[%add3A_590, %dma_wait3A_595] : memref<1280x125xi32, #tpu.memory_space<hbm>> -> memref<1x125xi32, #tpu.memory_space<hbm>>
      %dma_wait3A_597 = tpu.memref_squeeze %dma_wait3A_596 : memref<1x125xi32, #tpu.memory_space<hbm>> -> memref<125xi32, #tpu.memory_space<hbm>>
      %dma_wait3A_598 = arith.constant 0 : i32
      %dma_wait3A_599 = tpu.memref_slice %arg9[%dma_wait3A_591, %dma_wait3A_598] : memref<3x125xi32, #tpu.memory_space<vmem>> -> memref<1x125xi32, #tpu.memory_space<vmem>>
      %dma_wait3A_600 = tpu.memref_squeeze %dma_wait3A_599 : memref<1x125xi32, #tpu.memory_space<vmem>> -> memref<125xi32, #tpu.memory_space<vmem>>
      %dma_wait3A_601 = arith.constant 0 : i32
      %dma_wait3A_602 = tpu.memref_slice %arg4[%add3A_590, %dma_wait3A_601] : memref<1280x125xi32, #tpu.memory_space<hbm>> -> memref<1x125xi32, #tpu.memory_space<hbm>>
      %dma_wait3A_603 = tpu.memref_squeeze %dma_wait3A_602 : memref<1x125xi32, #tpu.memory_space<hbm>> -> memref<125xi32, #tpu.memory_space<hbm>>
      tpu.wait_dma2 semaphore(%arg18 : memref<!tpu.dma_semaphore, #tpu.memory_space<semaphore_mem>>) src(%dma_wait3A_603 : memref<125xi32, #tpu.memory_space<hbm>>) dst(%dma_wait3A_600 : memref<125xi32, #tpu.memory_space<vmem>>)
      %dma_start3A_604 = arith.constant 2 : i32
      %dma_start3A_605 = arith.constant 2 : i32
      %dma_start3A_606 = arith.constant 0 : i32
      %dma_start3A_607 = arith.constant 0 : i32
      %dma_start3A_608 = tpu.memref_slice %arg7[%dma_start3A_604, %dma_start3A_606, %dma_start3A_607] : memref<3x125x128xf32, #tpu.memory_space<vmem>> -> memref<1x125x128xf32, #tpu.memory_space<vmem>>
      %dma_start3A_609 = tpu.memref_squeeze %dma_start3A_608 : memref<1x125x128xf32, #tpu.memory_space<vmem>> -> memref<125x128xf32, #tpu.memory_space<vmem>>
      %dma_start3A_610 = arith.constant 0 : i32
      %dma_start3A_611 = tpu.memref_slice %arg9[%dma_start3A_605, %dma_start3A_610] : memref<3x125xi32, #tpu.memory_space<vmem>> -> memref<1x125xi32, #tpu.memory_space<vmem>>
      %dma_start3A_612 = tpu.memref_squeeze %dma_start3A_611 : memref<1x125xi32, #tpu.memory_space<vmem>> -> memref<125xi32, #tpu.memory_space<vmem>>
      %dma_start3A_613 = arith.constant 0 : i32
      %dma_start3A_614 = arith.constant 0 : i32
      %dma_start3A_615 = tpu.memref_slice %arg6[%dma_start3A_613, %dma_start3A_614] : memref<10000x128xf32, #tpu.memory_space<vmem_shared>> -> memref<10000x128xf32, #tpu.memory_space<vmem_shared>>
      tpu.enqueue_indirect_dma source(%dma_start3A_609 : memref<125x128xf32, #tpu.memory_space<vmem>>) target(%dma_start3A_615 : memref<10000x128xf32, #tpu.memory_space<vmem_shared>>) offsets(%dma_start3A_612 : memref<125xi32, #tpu.memory_space<vmem>>) semaphore(%arg21 : memref<!tpu.dma_semaphore, #tpu.memory_space<semaphore_mem>>) {add = true}
      %dma_wait3A_616 = arith.constant 1 : i32
      %dma_wait3A_617 = arith.constant 1 : i32
      %dma_wait3A_618 = arith.constant 0 : i32
      %dma_wait3A_619 = arith.constant 0 : i32
      %dma_wait3A_620 = tpu.memref_slice %arg7[%dma_wait3A_616, %dma_wait3A_618, %dma_wait3A_619] : memref<3x125x128xf32, #tpu.memory_space<vmem>> -> memref<1x125x128xf32, #tpu.memory_space<vmem>>
      %dma_wait3A_621 = tpu.memref_squeeze %dma_wait3A_620 : memref<1x125x128xf32, #tpu.memory_space<vmem>> -> memref<125x128xf32, #tpu.memory_space<vmem>>
      %dma_wait3A_622 = arith.constant 0 : i32
      %dma_wait3A_623 = tpu.memref_slice %arg9[%dma_wait3A_617, %dma_wait3A_622] : memref<3x125xi32, #tpu.memory_space<vmem>> -> memref<1x125xi32, #tpu.memory_space<vmem>>
      %dma_wait3A_624 = tpu.memref_squeeze %dma_wait3A_623 : memref<1x125xi32, #tpu.memory_space<vmem>> -> memref<125xi32, #tpu.memory_space<vmem>>
      %dma_wait3A_625 = arith.constant 0 : i32
      %dma_wait3A_626 = arith.constant 0 : i32
      %dma_wait3A_627 = tpu.memref_slice %arg6[%dma_wait3A_625, %dma_wait3A_626] : memref<10000x128xf32, #tpu.memory_space<vmem_shared>> -> memref<10000x128xf32, #tpu.memory_space<vmem_shared>>
      tpu.wait_indirect_dma semaphore(%arg20 : memref<!tpu.dma_semaphore, #tpu.memory_space<semaphore_mem>>) src(%dma_wait3A_621 : memref<125x128xf32, #tpu.memory_space<vmem>>) dst(%dma_wait3A_627 : memref<10000x128xf32, #tpu.memory_space<vmem_shared>>)
      %add3A_628 = arith.constant 2 : i32
      %add3A_629 = arith.addi %add3A_577, %add3A_628 : i32
      %add3A_630 = arith.addi %mul3A_4, %add3A_629 : i32
      %dma_start3A_631 = arith.constant 1 : i32
      %dma_start3A_632 = arith.constant 0 : i32
      %dma_start3A_633 = tpu.memref_slice %arg9[%dma_start3A_631, %dma_start3A_632] : memref<3x125xi32, #tpu.memory_space<vmem>> -> memref<1x125xi32, #tpu.memory_space<vmem>>
      %dma_start3A_634 = tpu.memref_squeeze %dma_start3A_633 : memref<1x125xi32, #tpu.memory_space<vmem>> -> memref<125xi32, #tpu.memory_space<vmem>>
      %dma_start3A_635 = arith.constant 0 : i32
      %dma_start3A_636 = tpu.memref_slice %arg4[%add3A_630, %dma_start3A_635] : memref<1280x125xi32, #tpu.memory_space<hbm>> -> memref<1x125xi32, #tpu.memory_space<hbm>>
      %dma_start3A_637 = tpu.memref_squeeze %dma_start3A_636 : memref<1x125xi32, #tpu.memory_space<hbm>> -> memref<125xi32, #tpu.memory_space<hbm>>
      %dma_start3A_638 = arith.constant 0 : i32
      %dma_start3A_639 = tpu.memref_slice %arg9[%dma_start3A_631, %dma_start3A_638] : memref<3x125xi32, #tpu.memory_space<vmem>> -> memref<1x125xi32, #tpu.memory_space<vmem>>
      %dma_start3A_640 = tpu.memref_squeeze %dma_start3A_639 : memref<1x125xi32, #tpu.memory_space<vmem>> -> memref<125xi32, #tpu.memory_space<vmem>>
      %dma_start3A_641 = arith.constant 0 : i32
      %dma_start3A_642 = tpu.memref_slice %arg4[%add3A_630, %dma_start3A_641] : memref<1280x125xi32, #tpu.memory_space<hbm>> -> memref<1x125xi32, #tpu.memory_space<hbm>>
      %dma_start3A_643 = tpu.memref_squeeze %dma_start3A_642 : memref<1x125xi32, #tpu.memory_space<hbm>> -> memref<125xi32, #tpu.memory_space<hbm>>
      tpu.enqueue_dma source(%dma_start3A_643 : memref<125xi32, #tpu.memory_space<hbm>>) target(%dma_start3A_640 : memref<125xi32, #tpu.memory_space<vmem>>) target_semaphore(%arg17 : memref<!tpu.dma_semaphore, #tpu.memory_space<semaphore_mem>>)
      %add3A_644 = arith.constant 3 : i32
      %add3A_645 = arith.addi %add3A_577, %add3A_644 : i32
      %add3A_646 = arith.addi %mul3A_2, %add3A_645 : i32
      %dma_start3A_647 = arith.constant 2 : i32
      %dma_start3A_648 = arith.constant 0 : i32
      %dma_start3A_649 = tpu.memref_slice %arg8[%dma_start3A_647, %dma_start3A_648] : memref<3x125xi32, #tpu.memory_space<vmem>> -> memref<1x125xi32, #tpu.memory_space<vmem>>
      %dma_start3A_650 = tpu.memref_squeeze %dma_start3A_649 : memref<1x125xi32, #tpu.memory_space<vmem>> -> memref<125xi32, #tpu.memory_space<vmem>>
      %dma_start3A_651 = arith.constant 0 : i32
      %dma_start3A_652 = tpu.memref_slice %arg3[%add3A_646, %dma_start3A_651] : memref<2560x125xi32, #tpu.memory_space<hbm>> -> memref<1x125xi32, #tpu.memory_space<hbm>>
      %dma_start3A_653 = tpu.memref_squeeze %dma_start3A_652 : memref<1x125xi32, #tpu.memory_space<hbm>> -> memref<125xi32, #tpu.memory_space<hbm>>
      %dma_start3A_654 = arith.constant 0 : i32
      %dma_start3A_655 = tpu.memref_slice %arg8[%dma_start3A_647, %dma_start3A_654] : memref<3x125xi32, #tpu.memory_space<vmem>> -> memref<1x125xi32, #tpu.memory_space<vmem>>
      %dma_start3A_656 = tpu.memref_squeeze %dma_start3A_655 : memref<1x125xi32, #tpu.memory_space<vmem>> -> memref<125xi32, #tpu.memory_space<vmem>>
      %dma_start3A_657 = arith.constant 0 : i32
      %dma_start3A_658 = tpu.memref_slice %arg3[%add3A_646, %dma_start3A_657] : memref<2560x125xi32, #tpu.memory_space<hbm>> -> memref<1x125xi32, #tpu.memory_space<hbm>>
      %dma_start3A_659 = tpu.memref_squeeze %dma_start3A_658 : memref<1x125xi32, #tpu.memory_space<hbm>> -> memref<125xi32, #tpu.memory_space<hbm>>
      tpu.enqueue_dma source(%dma_start3A_659 : memref<125xi32, #tpu.memory_space<hbm>>) target(%dma_start3A_656 : memref<125xi32, #tpu.memory_space<vmem>>) target_semaphore(%arg15 : memref<!tpu.dma_semaphore, #tpu.memory_space<semaphore_mem>>)
      %add3A_660 = arith.constant 2 : i32
      %add3A_661 = arith.addi %add3A_577, %add3A_660 : i32
      %add3A_662 = arith.addi %mul3A_2, %add3A_661 : i32
      %dma_wait3A_663 = arith.constant 1 : i32
      %dma_wait3A_664 = arith.constant 0 : i32
      %dma_wait3A_665 = tpu.memref_slice %arg8[%dma_wait3A_663, %dma_wait3A_664] : memref<3x125xi32, #tpu.memory_space<vmem>> -> memref<1x125xi32, #tpu.memory_space<vmem>>
      %dma_wait3A_666 = tpu.memref_squeeze %dma_wait3A_665 : memref<1x125xi32, #tpu.memory_space<vmem>> -> memref<125xi32, #tpu.memory_space<vmem>>
      %dma_wait3A_667 = arith.constant 0 : i32
      %dma_wait3A_668 = tpu.memref_slice %arg3[%add3A_662, %dma_wait3A_667] : memref<2560x125xi32, #tpu.memory_space<hbm>> -> memref<1x125xi32, #tpu.memory_space<hbm>>
      %dma_wait3A_669 = tpu.memref_squeeze %dma_wait3A_668 : memref<1x125xi32, #tpu.memory_space<hbm>> -> memref<125xi32, #tpu.memory_space<hbm>>
      %dma_wait3A_670 = arith.constant 0 : i32
      %dma_wait3A_671 = tpu.memref_slice %arg8[%dma_wait3A_663, %dma_wait3A_670] : memref<3x125xi32, #tpu.memory_space<vmem>> -> memref<1x125xi32, #tpu.memory_space<vmem>>
      %dma_wait3A_672 = tpu.memref_squeeze %dma_wait3A_671 : memref<1x125xi32, #tpu.memory_space<vmem>> -> memref<125xi32, #tpu.memory_space<vmem>>
      %dma_wait3A_673 = arith.constant 0 : i32
      %dma_wait3A_674 = tpu.memref_slice %arg3[%add3A_662, %dma_wait3A_673] : memref<2560x125xi32, #tpu.memory_space<hbm>> -> memref<1x125xi32, #tpu.memory_space<hbm>>
      %dma_wait3A_675 = tpu.memref_squeeze %dma_wait3A_674 : memref<1x125xi32, #tpu.memory_space<hbm>> -> memref<125xi32, #tpu.memory_space<hbm>>
      tpu.wait_dma2 semaphore(%arg14 : memref<!tpu.dma_semaphore, #tpu.memory_space<semaphore_mem>>) src(%dma_wait3A_675 : memref<125xi32, #tpu.memory_space<hbm>>) dst(%dma_wait3A_672 : memref<125xi32, #tpu.memory_space<vmem>>)
      %dma_start3A_676 = arith.constant 1 : i32
      %dma_start3A_677 = arith.constant 1 : i32
      %dma_start3A_678 = arith.constant 0 : i32
      %dma_start3A_679 = arith.constant 0 : i32
      %dma_start3A_680 = tpu.memref_slice %arg7[%dma_start3A_677, %dma_start3A_678, %dma_start3A_679] : memref<3x125x128xf32, #tpu.memory_space<vmem>> -> memref<1x125x128xf32, #tpu.memory_space<vmem>>
      %dma_start3A_681 = tpu.memref_squeeze %dma_start3A_680 : memref<1x125x128xf32, #tpu.memory_space<vmem>> -> memref<125x128xf32, #tpu.memory_space<vmem>>
      %dma_start3A_682 = arith.constant 0 : i32
      %dma_start3A_683 = tpu.memref_slice %arg8[%dma_start3A_676, %dma_start3A_682] : memref<3x125xi32, #tpu.memory_space<vmem>> -> memref<1x125xi32, #tpu.memory_space<vmem>>
      %dma_start3A_684 = tpu.memref_squeeze %dma_start3A_683 : memref<1x125xi32, #tpu.memory_space<vmem>> -> memref<125xi32, #tpu.memory_space<vmem>>
      %dma_start3A_685 = arith.constant 0 : i32
      %dma_start3A_686 = arith.constant 0 : i32
      %dma_start3A_687 = tpu.memref_slice %arg2[%dma_start3A_685, %dma_start3A_686] : memref<20000x128xf32, #tpu.memory_space<hbm>> -> memref<20000x128xf32, #tpu.memory_space<hbm>>
      tpu.enqueue_indirect_dma source(%dma_start3A_687 : memref<20000x128xf32, #tpu.memory_space<hbm>>) target(%dma_start3A_681 : memref<125x128xf32, #tpu.memory_space<vmem>>) offsets(%dma_start3A_684 : memref<125xi32, #tpu.memory_space<vmem>>) semaphore(%arg11 : memref<!tpu.dma_semaphore, #tpu.memory_space<semaphore_mem>>)
      %add3A_688 = arith.constant 1 : i32
      %add3A_689 = arith.addi %add3A_577, %add3A_688 : i32
      %dma_wait3A_690 = arith.constant 0 : i32
      %dma_wait3A_691 = arith.constant 0 : i32
      %dma_wait3A_692 = arith.constant 0 : i32
      %dma_wait3A_693 = arith.constant 0 : i32
      %dma_wait3A_694 = tpu.memref_slice %arg7[%dma_wait3A_691, %dma_wait3A_692, %dma_wait3A_693] : memref<3x125x128xf32, #tpu.memory_space<vmem>> -> memref<1x125x128xf32, #tpu.memory_space<vmem>>
      %dma_wait3A_695 = tpu.memref_squeeze %dma_wait3A_694 : memref<1x125x128xf32, #tpu.memory_space<vmem>> -> memref<125x128xf32, #tpu.memory_space<vmem>>
      %dma_wait3A_696 = arith.constant 0 : i32
      %dma_wait3A_697 = tpu.memref_slice %arg8[%dma_wait3A_690, %dma_wait3A_696] : memref<3x125xi32, #tpu.memory_space<vmem>> -> memref<1x125xi32, #tpu.memory_space<vmem>>
      %dma_wait3A_698 = tpu.memref_squeeze %dma_wait3A_697 : memref<1x125xi32, #tpu.memory_space<vmem>> -> memref<125xi32, #tpu.memory_space<vmem>>
      %dma_wait3A_699 = arith.constant 0 : i32
      %dma_wait3A_700 = arith.constant 0 : i32
      %dma_wait3A_701 = tpu.memref_slice %arg2[%dma_wait3A_699, %dma_wait3A_700] : memref<20000x128xf32, #tpu.memory_space<hbm>> -> memref<20000x128xf32, #tpu.memory_space<hbm>>
      tpu.wait_indirect_dma semaphore(%arg10 : memref<!tpu.dma_semaphore, #tpu.memory_space<semaphore_mem>>) src(%dma_wait3A_701 : memref<20000x128xf32, #tpu.memory_space<hbm>>) dst(%dma_wait3A_695 : memref<125x128xf32, #tpu.memory_space<vmem>>)
      %add3A_702 = arith.addi %mul3A_4, %add3A_689 : i32
      %dma_wait3A_703 = arith.constant 0 : i32
      %dma_wait3A_704 = arith.constant 0 : i32
      %dma_wait3A_705 = tpu.memref_slice %arg9[%dma_wait3A_703, %dma_wait3A_704] : memref<3x125xi32, #tpu.memory_space<vmem>> -> memref<1x125xi32, #tpu.memory_space<vmem>>
      %dma_wait3A_706 = tpu.memref_squeeze %dma_wait3A_705 : memref<1x125xi32, #tpu.memory_space<vmem>> -> memref<125xi32, #tpu.memory_space<vmem>>
      %dma_wait3A_707 = arith.constant 0 : i32
      %dma_wait3A_708 = tpu.memref_slice %arg4[%add3A_702, %dma_wait3A_707] : memref<1280x125xi32, #tpu.memory_space<hbm>> -> memref<1x125xi32, #tpu.memory_space<hbm>>
      %dma_wait3A_709 = tpu.memref_squeeze %dma_wait3A_708 : memref<1x125xi32, #tpu.memory_space<hbm>> -> memref<125xi32, #tpu.memory_space<hbm>>
      %dma_wait3A_710 = arith.constant 0 : i32
      %dma_wait3A_711 = tpu.memref_slice %arg9[%dma_wait3A_703, %dma_wait3A_710] : memref<3x125xi32, #tpu.memory_space<vmem>> -> memref<1x125xi32, #tpu.memory_space<vmem>>
      %dma_wait3A_712 = tpu.memref_squeeze %dma_wait3A_711 : memref<1x125xi32, #tpu.memory_space<vmem>> -> memref<125xi32, #tpu.memory_space<vmem>>
      %dma_wait3A_713 = arith.constant 0 : i32
      %dma_wait3A_714 = tpu.memref_slice %arg4[%add3A_702, %dma_wait3A_713] : memref<1280x125xi32, #tpu.memory_space<hbm>> -> memref<1x125xi32, #tpu.memory_space<hbm>>
      %dma_wait3A_715 = tpu.memref_squeeze %dma_wait3A_714 : memref<1x125xi32, #tpu.memory_space<hbm>> -> memref<125xi32, #tpu.memory_space<hbm>>
      tpu.wait_dma2 semaphore(%arg16 : memref<!tpu.dma_semaphore, #tpu.memory_space<semaphore_mem>>) src(%dma_wait3A_715 : memref<125xi32, #tpu.memory_space<hbm>>) dst(%dma_wait3A_712 : memref<125xi32, #tpu.memory_space<vmem>>)
      %dma_start3A_716 = arith.constant 0 : i32
      %dma_start3A_717 = arith.constant 0 : i32
      %dma_start3A_718 = arith.constant 0 : i32
      %dma_start3A_719 = arith.constant 0 : i32
      %dma_start3A_720 = tpu.memref_slice %arg7[%dma_start3A_716, %dma_start3A_718, %dma_start3A_719] : memref<3x125x128xf32, #tpu.memory_space<vmem>> -> memref<1x125x128xf32, #tpu.memory_space<vmem>>
      %dma_start3A_721 = tpu.memref_squeeze %dma_start3A_720 : memref<1x125x128xf32, #tpu.memory_space<vmem>> -> memref<125x128xf32, #tpu.memory_space<vmem>>
      %dma_start3A_722 = arith.constant 0 : i32
      %dma_start3A_723 = tpu.memref_slice %arg9[%dma_start3A_717, %dma_start3A_722] : memref<3x125xi32, #tpu.memory_space<vmem>> -> memref<1x125xi32, #tpu.memory_space<vmem>>
      %dma_start3A_724 = tpu.memref_squeeze %dma_start3A_723 : memref<1x125xi32, #tpu.memory_space<vmem>> -> memref<125xi32, #tpu.memory_space<vmem>>
      %dma_start3A_725 = arith.constant 0 : i32
      %dma_start3A_726 = arith.constant 0 : i32
      %dma_start3A_727 = tpu.memref_slice %arg6[%dma_start3A_725, %dma_start3A_726] : memref<10000x128xf32, #tpu.memory_space<vmem_shared>> -> memref<10000x128xf32, #tpu.memory_space<vmem_shared>>
      tpu.enqueue_indirect_dma source(%dma_start3A_721 : memref<125x128xf32, #tpu.memory_space<vmem>>) target(%dma_start3A_727 : memref<10000x128xf32, #tpu.memory_space<vmem_shared>>) offsets(%dma_start3A_724 : memref<125xi32, #tpu.memory_space<vmem>>) semaphore(%arg19 : memref<!tpu.dma_semaphore, #tpu.memory_space<semaphore_mem>>) {add = true}
      %dma_wait3A_728 = arith.constant 2 : i32
      %dma_wait3A_729 = arith.constant 2 : i32
      %dma_wait3A_730 = arith.constant 0 : i32
      %dma_wait3A_731 = arith.constant 0 : i32
      %dma_wait3A_732 = tpu.memref_slice %arg7[%dma_wait3A_728, %dma_wait3A_730, %dma_wait3A_731] : memref<3x125x128xf32, #tpu.memory_space<vmem>> -> memref<1x125x128xf32, #tpu.memory_space<vmem>>
      %dma_wait3A_733 = tpu.memref_squeeze %dma_wait3A_732 : memref<1x125x128xf32, #tpu.memory_space<vmem>> -> memref<125x128xf32, #tpu.memory_space<vmem>>
      %dma_wait3A_734 = arith.constant 0 : i32
      %dma_wait3A_735 = tpu.memref_slice %arg9[%dma_wait3A_729, %dma_wait3A_734] : memref<3x125xi32, #tpu.memory_space<vmem>> -> memref<1x125xi32, #tpu.memory_space<vmem>>
      %dma_wait3A_736 = tpu.memref_squeeze %dma_wait3A_735 : memref<1x125xi32, #tpu.memory_space<vmem>> -> memref<125xi32, #tpu.memory_space<vmem>>
      %dma_wait3A_737 = arith.constant 0 : i32
      %dma_wait3A_738 = arith.constant 0 : i32
      %dma_wait3A_739 = tpu.memref_slice %arg6[%dma_wait3A_737, %dma_wait3A_738] : memref<10000x128xf32, #tpu.memory_space<vmem_shared>> -> memref<10000x128xf32, #tpu.memory_space<vmem_shared>>
      tpu.wait_indirect_dma semaphore(%arg21 : memref<!tpu.dma_semaphore, #tpu.memory_space<semaphore_mem>>) src(%dma_wait3A_733 : memref<125x128xf32, #tpu.memory_space<vmem>>) dst(%dma_wait3A_739 : memref<10000x128xf32, #tpu.memory_space<vmem_shared>>)
      %add3A_740 = arith.constant 2 : i32
      %add3A_741 = arith.addi %add3A_689, %add3A_740 : i32
      %add3A_742 = arith.addi %mul3A_4, %add3A_741 : i32
      %dma_start3A_743 = arith.constant 2 : i32
      %dma_start3A_744 = arith.constant 0 : i32
      %dma_start3A_745 = tpu.memref_slice %arg9[%dma_start3A_743, %dma_start3A_744] : memref<3x125xi32, #tpu.memory_space<vmem>> -> memref<1x125xi32, #tpu.memory_space<vmem>>
      %dma_start3A_746 = tpu.memref_squeeze %dma_start3A_745 : memref<1x125xi32, #tpu.memory_space<vmem>> -> memref<125xi32, #tpu.memory_space<vmem>>
      %dma_start3A_747 = arith.constant 0 : i32
      %dma_start3A_748 = tpu.memref_slice %arg4[%add3A_742, %dma_start3A_747] : memref<1280x125xi32, #tpu.memory_space<hbm>> -> memref<1x125xi32, #tpu.memory_space<hbm>>
      %dma_start3A_749 = tpu.memref_squeeze %dma_start3A_748 : memref<1x125xi32, #tpu.memory_space<hbm>> -> memref<125xi32, #tpu.memory_space<hbm>>
      %dma_start3A_750 = arith.constant 0 : i32
      %dma_start3A_751 = tpu.memref_slice %arg9[%dma_start3A_743, %dma_start3A_750] : memref<3x125xi32, #tpu.memory_space<vmem>> -> memref<1x125xi32, #tpu.memory_space<vmem>>
      %dma_start3A_752 = tpu.memref_squeeze %dma_start3A_751 : memref<1x125xi32, #tpu.memory_space<vmem>> -> memref<125xi32, #tpu.memory_space<vmem>>
      %dma_start3A_753 = arith.constant 0 : i32
      %dma_start3A_754 = tpu.memref_slice %arg4[%add3A_742, %dma_start3A_753] : memref<1280x125xi32, #tpu.memory_space<hbm>> -> memref<1x125xi32, #tpu.memory_space<hbm>>
      %dma_start3A_755 = tpu.memref_squeeze %dma_start3A_754 : memref<1x125xi32, #tpu.memory_space<hbm>> -> memref<125xi32, #tpu.memory_space<hbm>>
      tpu.enqueue_dma source(%dma_start3A_755 : memref<125xi32, #tpu.memory_space<hbm>>) target(%dma_start3A_752 : memref<125xi32, #tpu.memory_space<vmem>>) target_semaphore(%arg18 : memref<!tpu.dma_semaphore, #tpu.memory_space<semaphore_mem>>)
      %add3A_756 = arith.constant 3 : i32
      %add3A_757 = arith.addi %add3A_689, %add3A_756 : i32
      %add3A_758 = arith.addi %mul3A_2, %add3A_757 : i32
      %dma_start3A_759 = arith.constant 0 : i32
      %dma_start3A_760 = arith.constant 0 : i32
      %dma_start3A_761 = tpu.memref_slice %arg8[%dma_start3A_759, %dma_start3A_760] : memref<3x125xi32, #tpu.memory_space<vmem>> -> memref<1x125xi32, #tpu.memory_space<vmem>>
      %dma_start3A_762 = tpu.memref_squeeze %dma_start3A_761 : memref<1x125xi32, #tpu.memory_space<vmem>> -> memref<125xi32, #tpu.memory_space<vmem>>
      %dma_start3A_763 = arith.constant 0 : i32
      %dma_start3A_764 = tpu.memref_slice %arg3[%add3A_758, %dma_start3A_763] : memref<2560x125xi32, #tpu.memory_space<hbm>> -> memref<1x125xi32, #tpu.memory_space<hbm>>
      %dma_start3A_765 = tpu.memref_squeeze %dma_start3A_764 : memref<1x125xi32, #tpu.memory_space<hbm>> -> memref<125xi32, #tpu.memory_space<hbm>>
      %dma_start3A_766 = arith.constant 0 : i32
      %dma_start3A_767 = tpu.memref_slice %arg8[%dma_start3A_759, %dma_start3A_766] : memref<3x125xi32, #tpu.memory_space<vmem>> -> memref<1x125xi32, #tpu.memory_space<vmem>>
      %dma_start3A_768 = tpu.memref_squeeze %dma_start3A_767 : memref<1x125xi32, #tpu.memory_space<vmem>> -> memref<125xi32, #tpu.memory_space<vmem>>
      %dma_start3A_769 = arith.constant 0 : i32
      %dma_start3A_770 = tpu.memref_slice %arg3[%add3A_758, %dma_start3A_769] : memref<2560x125xi32, #tpu.memory_space<hbm>> -> memref<1x125xi32, #tpu.memory_space<hbm>>
      %dma_start3A_771 = tpu.memref_squeeze %dma_start3A_770 : memref<1x125xi32, #tpu.memory_space<hbm>> -> memref<125xi32, #tpu.memory_space<hbm>>
      tpu.enqueue_dma source(%dma_start3A_771 : memref<125xi32, #tpu.memory_space<hbm>>) target(%dma_start3A_768 : memref<125xi32, #tpu.memory_space<vmem>>) target_semaphore(%arg13 : memref<!tpu.dma_semaphore, #tpu.memory_space<semaphore_mem>>)
      %add3A_772 = arith.constant 2 : i32
      %add3A_773 = arith.addi %add3A_689, %add3A_772 : i32
      %add3A_774 = arith.addi %mul3A_2, %add3A_773 : i32
      %dma_wait3A_775 = arith.constant 2 : i32
      %dma_wait3A_776 = arith.constant 0 : i32
      %dma_wait3A_777 = tpu.memref_slice %arg8[%dma_wait3A_775, %dma_wait3A_776] : memref<3x125xi32, #tpu.memory_space<vmem>> -> memref<1x125xi32, #tpu.memory_space<vmem>>
      %dma_wait3A_778 = tpu.memref_squeeze %dma_wait3A_777 : memref<1x125xi32, #tpu.memory_space<vmem>> -> memref<125xi32, #tpu.memory_space<vmem>>
      %dma_wait3A_779 = arith.constant 0 : i32
      %dma_wait3A_780 = tpu.memref_slice %arg3[%add3A_774, %dma_wait3A_779] : memref<2560x125xi32, #tpu.memory_space<hbm>> -> memref<1x125xi32, #tpu.memory_space<hbm>>
      %dma_wait3A_781 = tpu.memref_squeeze %dma_wait3A_780 : memref<1x125xi32, #tpu.memory_space<hbm>> -> memref<125xi32, #tpu.memory_space<hbm>>
      %dma_wait3A_782 = arith.constant 0 : i32
      %dma_wait3A_783 = tpu.memref_slice %arg8[%dma_wait3A_775, %dma_wait3A_782] : memref<3x125xi32, #tpu.memory_space<vmem>> -> memref<1x125xi32, #tpu.memory_space<vmem>>
      %dma_wait3A_784 = tpu.memref_squeeze %dma_wait3A_783 : memref<1x125xi32, #tpu.memory_space<vmem>> -> memref<125xi32, #tpu.memory_space<vmem>>
      %dma_wait3A_785 = arith.constant 0 : i32
      %dma_wait3A_786 = tpu.memref_slice %arg3[%add3A_774, %dma_wait3A_785] : memref<2560x125xi32, #tpu.memory_space<hbm>> -> memref<1x125xi32, #tpu.memory_space<hbm>>
      %dma_wait3A_787 = tpu.memref_squeeze %dma_wait3A_786 : memref<1x125xi32, #tpu.memory_space<hbm>> -> memref<125xi32, #tpu.memory_space<hbm>>
      tpu.wait_dma2 semaphore(%arg15 : memref<!tpu.dma_semaphore, #tpu.memory_space<semaphore_mem>>) src(%dma_wait3A_787 : memref<125xi32, #tpu.memory_space<hbm>>) dst(%dma_wait3A_784 : memref<125xi32, #tpu.memory_space<vmem>>)
      %dma_start3A_788 = arith.constant 2 : i32
      %dma_start3A_789 = arith.constant 2 : i32
      %dma_start3A_790 = arith.constant 0 : i32
      %dma_start3A_791 = arith.constant 0 : i32
      %dma_start3A_792 = tpu.memref_slice %arg7[%dma_start3A_789, %dma_start3A_790, %dma_start3A_791] : memref<3x125x128xf32, #tpu.memory_space<vmem>> -> memref<1x125x128xf32, #tpu.memory_space<vmem>>
      %dma_start3A_793 = tpu.memref_squeeze %dma_start3A_792 : memref<1x125x128xf32, #tpu.memory_space<vmem>> -> memref<125x128xf32, #tpu.memory_space<vmem>>
      %dma_start3A_794 = arith.constant 0 : i32
      %dma_start3A_795 = tpu.memref_slice %arg8[%dma_start3A_788, %dma_start3A_794] : memref<3x125xi32, #tpu.memory_space<vmem>> -> memref<1x125xi32, #tpu.memory_space<vmem>>
      %dma_start3A_796 = tpu.memref_squeeze %dma_start3A_795 : memref<1x125xi32, #tpu.memory_space<vmem>> -> memref<125xi32, #tpu.memory_space<vmem>>
      %dma_start3A_797 = arith.constant 0 : i32
      %dma_start3A_798 = arith.constant 0 : i32
      %dma_start3A_799 = tpu.memref_slice %arg2[%dma_start3A_797, %dma_start3A_798] : memref<20000x128xf32, #tpu.memory_space<hbm>> -> memref<20000x128xf32, #tpu.memory_space<hbm>>
      tpu.enqueue_indirect_dma source(%dma_start3A_799 : memref<20000x128xf32, #tpu.memory_space<hbm>>) target(%dma_start3A_793 : memref<125x128xf32, #tpu.memory_space<vmem>>) offsets(%dma_start3A_796 : memref<125xi32, #tpu.memory_space<vmem>>) semaphore(%arg12 : memref<!tpu.dma_semaphore, #tpu.memory_space<semaphore_mem>>)
      %add3A_800 = arith.constant 2 : i32
      %add3A_801 = arith.addi %add3A_577, %add3A_800 : i32
      %dma_wait3A_802 = arith.constant 1 : i32
      %dma_wait3A_803 = arith.constant 1 : i32
      %dma_wait3A_804 = arith.constant 0 : i32
      %dma_wait3A_805 = arith.constant 0 : i32
      %dma_wait3A_806 = tpu.memref_slice %arg7[%dma_wait3A_803, %dma_wait3A_804, %dma_wait3A_805] : memref<3x125x128xf32, #tpu.memory_space<vmem>> -> memref<1x125x128xf32, #tpu.memory_space<vmem>>
      %dma_wait3A_807 = tpu.memref_squeeze %dma_wait3A_806 : memref<1x125x128xf32, #tpu.memory_space<vmem>> -> memref<125x128xf32, #tpu.memory_space<vmem>>
      %dma_wait3A_808 = arith.constant 0 : i32
      %dma_wait3A_809 = tpu.memref_slice %arg8[%dma_wait3A_802, %dma_wait3A_808] : memref<3x125xi32, #tpu.memory_space<vmem>> -> memref<1x125xi32, #tpu.memory_space<vmem>>
      %dma_wait3A_810 = tpu.memref_squeeze %dma_wait3A_809 : memref<1x125xi32, #tpu.memory_space<vmem>> -> memref<125xi32, #tpu.memory_space<vmem>>
      %dma_wait3A_811 = arith.constant 0 : i32
      %dma_wait3A_812 = arith.constant 0 : i32
      %dma_wait3A_813 = tpu.memref_slice %arg2[%dma_wait3A_811, %dma_wait3A_812] : memref<20000x128xf32, #tpu.memory_space<hbm>> -> memref<20000x128xf32, #tpu.memory_space<hbm>>
      tpu.wait_indirect_dma semaphore(%arg11 : memref<!tpu.dma_semaphore, #tpu.memory_space<semaphore_mem>>) src(%dma_wait3A_813 : memref<20000x128xf32, #tpu.memory_space<hbm>>) dst(%dma_wait3A_807 : memref<125x128xf32, #tpu.memory_space<vmem>>)
      %add3A_814 = arith.addi %mul3A_4, %add3A_801 : i32
      %dma_wait3A_815 = arith.constant 1 : i32
      %dma_wait3A_816 = arith.constant 0 : i32
      %dma_wait3A_817 = tpu.memref_slice %arg9[%dma_wait3A_815, %dma_wait3A_816] : memref<3x125xi32, #tpu.memory_space<vmem>> -> memref<1x125xi32, #tpu.memory_space<vmem>>
      %dma_wait3A_818 = tpu.memref_squeeze %dma_wait3A_817 : memref<1x125xi32, #tpu.memory_space<vmem>> -> memref<125xi32, #tpu.memory_space<vmem>>
      %dma_wait3A_819 = arith.constant 0 : i32
      %dma_wait3A_820 = tpu.memref_slice %arg4[%add3A_814, %dma_wait3A_819] : memref<1280x125xi32, #tpu.memory_space<hbm>> -> memref<1x125xi32, #tpu.memory_space<hbm>>
      %dma_wait3A_821 = tpu.memref_squeeze %dma_wait3A_820 : memref<1x125xi32, #tpu.memory_space<hbm>> -> memref<125xi32, #tpu.memory_space<hbm>>
      %dma_wait3A_822 = arith.constant 0 : i32
      %dma_wait3A_823 = tpu.memref_slice %arg9[%dma_wait3A_815, %dma_wait3A_822] : memref<3x125xi32, #tpu.memory_space<vmem>> -> memref<1x125xi32, #tpu.memory_space<vmem>>
      %dma_wait3A_824 = tpu.memref_squeeze %dma_wait3A_823 : memref<1x125xi32, #tpu.memory_space<vmem>> -> memref<125xi32, #tpu.memory_space<vmem>>
      %dma_wait3A_825 = arith.constant 0 : i32
      %dma_wait3A_826 = tpu.memref_slice %arg4[%add3A_814, %dma_wait3A_825] : memref<1280x125xi32, #tpu.memory_space<hbm>> -> memref<1x125xi32, #tpu.memory_space<hbm>>
      %dma_wait3A_827 = tpu.memref_squeeze %dma_wait3A_826 : memref<1x125xi32, #tpu.memory_space<hbm>> -> memref<125xi32, #tpu.memory_space<hbm>>
      tpu.wait_dma2 semaphore(%arg17 : memref<!tpu.dma_semaphore, #tpu.memory_space<semaphore_mem>>) src(%dma_wait3A_827 : memref<125xi32, #tpu.memory_space<hbm>>) dst(%dma_wait3A_824 : memref<125xi32, #tpu.memory_space<vmem>>)
      %dma_start3A_828 = arith.constant 1 : i32
      %dma_start3A_829 = arith.constant 1 : i32
      %dma_start3A_830 = arith.constant 0 : i32
      %dma_start3A_831 = arith.constant 0 : i32
      %dma_start3A_832 = tpu.memref_slice %arg7[%dma_start3A_828, %dma_start3A_830, %dma_start3A_831] : memref<3x125x128xf32, #tpu.memory_space<vmem>> -> memref<1x125x128xf32, #tpu.memory_space<vmem>>
      %dma_start3A_833 = tpu.memref_squeeze %dma_start3A_832 : memref<1x125x128xf32, #tpu.memory_space<vmem>> -> memref<125x128xf32, #tpu.memory_space<vmem>>
      %dma_start3A_834 = arith.constant 0 : i32
      %dma_start3A_835 = tpu.memref_slice %arg9[%dma_start3A_829, %dma_start3A_834] : memref<3x125xi32, #tpu.memory_space<vmem>> -> memref<1x125xi32, #tpu.memory_space<vmem>>
      %dma_start3A_836 = tpu.memref_squeeze %dma_start3A_835 : memref<1x125xi32, #tpu.memory_space<vmem>> -> memref<125xi32, #tpu.memory_space<vmem>>
      %dma_start3A_837 = arith.constant 0 : i32
      %dma_start3A_838 = arith.constant 0 : i32
      %dma_start3A_839 = tpu.memref_slice %arg6[%dma_start3A_837, %dma_start3A_838] : memref<10000x128xf32, #tpu.memory_space<vmem_shared>> -> memref<10000x128xf32, #tpu.memory_space<vmem_shared>>
      tpu.enqueue_indirect_dma source(%dma_start3A_833 : memref<125x128xf32, #tpu.memory_space<vmem>>) target(%dma_start3A_839 : memref<10000x128xf32, #tpu.memory_space<vmem_shared>>) offsets(%dma_start3A_836 : memref<125xi32, #tpu.memory_space<vmem>>) semaphore(%arg20 : memref<!tpu.dma_semaphore, #tpu.memory_space<semaphore_mem>>) {add = true}
      %dma_wait3A_840 = arith.constant 0 : i32
      %dma_wait3A_841 = arith.constant 0 : i32
      %dma_wait3A_842 = arith.constant 0 : i32
      %dma_wait3A_843 = arith.constant 0 : i32
      %dma_wait3A_844 = tpu.memref_slice %arg7[%dma_wait3A_840, %dma_wait3A_842, %dma_wait3A_843] : memref<3x125x128xf32, #tpu.memory_space<vmem>> -> memref<1x125x128xf32, #tpu.memory_space<vmem>>
      %dma_wait3A_845 = tpu.memref_squeeze %dma_wait3A_844 : memref<1x125x128xf32, #tpu.memory_space<vmem>> -> memref<125x128xf32, #tpu.memory_space<vmem>>
      %dma_wait3A_846 = arith.constant 0 : i32
      %dma_wait3A_847 = tpu.memref_slice %arg9[%dma_wait3A_841, %dma_wait3A_846] : memref<3x125xi32, #tpu.memory_space<vmem>> -> memref<1x125xi32, #tpu.memory_space<vmem>>
      %dma_wait3A_848 = tpu.memref_squeeze %dma_wait3A_847 : memref<1x125xi32, #tpu.memory_space<vmem>> -> memref<125xi32, #tpu.memory_space<vmem>>
      %dma_wait3A_849 = arith.constant 0 : i32
      %dma_wait3A_850 = arith.constant 0 : i32
      %dma_wait3A_851 = tpu.memref_slice %arg6[%dma_wait3A_849, %dma_wait3A_850] : memref<10000x128xf32, #tpu.memory_space<vmem_shared>> -> memref<10000x128xf32, #tpu.memory_space<vmem_shared>>
      tpu.wait_indirect_dma semaphore(%arg19 : memref<!tpu.dma_semaphore, #tpu.memory_space<semaphore_mem>>) src(%dma_wait3A_845 : memref<125x128xf32, #tpu.memory_space<vmem>>) dst(%dma_wait3A_851 : memref<10000x128xf32, #tpu.memory_space<vmem_shared>>)
      %add3A_852 = arith.constant 2 : i32
      %add3A_853 = arith.addi %add3A_801, %add3A_852 : i32
      %add3A_854 = arith.addi %mul3A_4, %add3A_853 : i32
      %dma_start3A_855 = arith.constant 0 : i32
      %dma_start3A_856 = arith.constant 0 : i32
      %dma_start3A_857 = tpu.memref_slice %arg9[%dma_start3A_855, %dma_start3A_856] : memref<3x125xi32, #tpu.memory_space<vmem>> -> memref<1x125xi32, #tpu.memory_space<vmem>>
      %dma_start3A_858 = tpu.memref_squeeze %dma_start3A_857 : memref<1x125xi32, #tpu.memory_space<vmem>> -> memref<125xi32, #tpu.memory_space<vmem>>
      %dma_start3A_859 = arith.constant 0 : i32
      %dma_start3A_860 = tpu.memref_slice %arg4[%add3A_854, %dma_start3A_859] : memref<1280x125xi32, #tpu.memory_space<hbm>> -> memref<1x125xi32, #tpu.memory_space<hbm>>
      %dma_start3A_861 = tpu.memref_squeeze %dma_start3A_860 : memref<1x125xi32, #tpu.memory_space<hbm>> -> memref<125xi32, #tpu.memory_space<hbm>>
      %dma_start3A_862 = arith.constant 0 : i32
      %dma_start3A_863 = tpu.memref_slice %arg9[%dma_start3A_855, %dma_start3A_862] : memref<3x125xi32, #tpu.memory_space<vmem>> -> memref<1x125xi32, #tpu.memory_space<vmem>>
      %dma_start3A_864 = tpu.memref_squeeze %dma_start3A_863 : memref<1x125xi32, #tpu.memory_space<vmem>> -> memref<125xi32, #tpu.memory_space<vmem>>
      %dma_start3A_865 = arith.constant 0 : i32
      %dma_start3A_866 = tpu.memref_slice %arg4[%add3A_854, %dma_start3A_865] : memref<1280x125xi32, #tpu.memory_space<hbm>> -> memref<1x125xi32, #tpu.memory_space<hbm>>
      %dma_start3A_867 = tpu.memref_squeeze %dma_start3A_866 : memref<1x125xi32, #tpu.memory_space<hbm>> -> memref<125xi32, #tpu.memory_space<hbm>>
      tpu.enqueue_dma source(%dma_start3A_867 : memref<125xi32, #tpu.memory_space<hbm>>) target(%dma_start3A_864 : memref<125xi32, #tpu.memory_space<vmem>>) target_semaphore(%arg16 : memref<!tpu.dma_semaphore, #tpu.memory_space<semaphore_mem>>)
      %add3A_868 = arith.constant 3 : i32
      %add3A_869 = arith.addi %add3A_801, %add3A_868 : i32
      %add3A_870 = arith.addi %mul3A_2, %add3A_869 : i32
      %dma_start3A_871 = arith.constant 1 : i32
      %dma_start3A_872 = arith.constant 0 : i32
      %dma_start3A_873 = tpu.memref_slice %arg8[%dma_start3A_871, %dma_start3A_872] : memref<3x125xi32, #tpu.memory_space<vmem>> -> memref<1x125xi32, #tpu.memory_space<vmem>>
      %dma_start3A_874 = tpu.memref_squeeze %dma_start3A_873 : memref<1x125xi32, #tpu.memory_space<vmem>> -> memref<125xi32, #tpu.memory_space<vmem>>
      %dma_start3A_875 = arith.constant 0 : i32
      %dma_start3A_876 = tpu.memref_slice %arg3[%add3A_870, %dma_start3A_875] : memref<2560x125xi32, #tpu.memory_space<hbm>> -> memref<1x125xi32, #tpu.memory_space<hbm>>
      %dma_start3A_877 = tpu.memref_squeeze %dma_start3A_876 : memref<1x125xi32, #tpu.memory_space<hbm>> -> memref<125xi32, #tpu.memory_space<hbm>>
      %dma_start3A_878 = arith.constant 0 : i32
      %dma_start3A_879 = tpu.memref_slice %arg8[%dma_start3A_871, %dma_start3A_878] : memref<3x125xi32, #tpu.memory_space<vmem>> -> memref<1x125xi32, #tpu.memory_space<vmem>>
      %dma_start3A_880 = tpu.memref_squeeze %dma_start3A_879 : memref<1x125xi32, #tpu.memory_space<vmem>> -> memref<125xi32, #tpu.memory_space<vmem>>
      %dma_start3A_881 = arith.constant 0 : i32
      %dma_start3A_882 = tpu.memref_slice %arg3[%add3A_870, %dma_start3A_881] : memref<2560x125xi32, #tpu.memory_space<hbm>> -> memref<1x125xi32, #tpu.memory_space<hbm>>
      %dma_start3A_883 = tpu.memref_squeeze %dma_start3A_882 : memref<1x125xi32, #tpu.memory_space<hbm>> -> memref<125xi32, #tpu.memory_space<hbm>>
      tpu.enqueue_dma source(%dma_start3A_883 : memref<125xi32, #tpu.memory_space<hbm>>) target(%dma_start3A_880 : memref<125xi32, #tpu.memory_space<vmem>>) target_semaphore(%arg14 : memref<!tpu.dma_semaphore, #tpu.memory_space<semaphore_mem>>)
      %add3A_884 = arith.constant 2 : i32
      %add3A_885 = arith.addi %add3A_801, %add3A_884 : i32
      %add3A_886 = arith.addi %mul3A_2, %add3A_885 : i32
      %dma_wait3A_887 = arith.constant 0 : i32
      %dma_wait3A_888 = arith.constant 0 : i32
      %dma_wait3A_889 = tpu.memref_slice %arg8[%dma_wait3A_887, %dma_wait3A_888] : memref<3x125xi32, #tpu.memory_space<vmem>> -> memref<1x125xi32, #tpu.memory_space<vmem>>
      %dma_wait3A_890 = tpu.memref_squeeze %dma_wait3A_889 : memref<1x125xi32, #tpu.memory_space<vmem>> -> memref<125xi32, #tpu.memory_space<vmem>>
      %dma_wait3A_891 = arith.constant 0 : i32
      %dma_wait3A_892 = tpu.memref_slice %arg3[%add3A_886, %dma_wait3A_891] : memref<2560x125xi32, #tpu.memory_space<hbm>> -> memref<1x125xi32, #tpu.memory_space<hbm>>
      %dma_wait3A_893 = tpu.memref_squeeze %dma_wait3A_892 : memref<1x125xi32, #tpu.memory_space<hbm>> -> memref<125xi32, #tpu.memory_space<hbm>>
      %dma_wait3A_894 = arith.constant 0 : i32
      %dma_wait3A_895 = tpu.memref_slice %arg8[%dma_wait3A_887, %dma_wait3A_894] : memref<3x125xi32, #tpu.memory_space<vmem>> -> memref<1x125xi32, #tpu.memory_space<vmem>>
      %dma_wait3A_896 = tpu.memref_squeeze %dma_wait3A_895 : memref<1x125xi32, #tpu.memory_space<vmem>> -> memref<125xi32, #tpu.memory_space<vmem>>
      %dma_wait3A_897 = arith.constant 0 : i32
      %dma_wait3A_898 = tpu.memref_slice %arg3[%add3A_886, %dma_wait3A_897] : memref<2560x125xi32, #tpu.memory_space<hbm>> -> memref<1x125xi32, #tpu.memory_space<hbm>>
      %dma_wait3A_899 = tpu.memref_squeeze %dma_wait3A_898 : memref<1x125xi32, #tpu.memory_space<hbm>> -> memref<125xi32, #tpu.memory_space<hbm>>
      tpu.wait_dma2 semaphore(%arg13 : memref<!tpu.dma_semaphore, #tpu.memory_space<semaphore_mem>>) src(%dma_wait3A_899 : memref<125xi32, #tpu.memory_space<hbm>>) dst(%dma_wait3A_896 : memref<125xi32, #tpu.memory_space<vmem>>)
      %dma_start3A_900 = arith.constant 0 : i32
      %dma_start3A_901 = arith.constant 0 : i32
      %dma_start3A_902 = arith.constant 0 : i32
      %dma_start3A_903 = arith.constant 0 : i32
      %dma_start3A_904 = tpu.memref_slice %arg7[%dma_start3A_901, %dma_start3A_902, %dma_start3A_903] : memref<3x125x128xf32, #tpu.memory_space<vmem>> -> memref<1x125x128xf32, #tpu.memory_space<vmem>>
      %dma_start3A_905 = tpu.memref_squeeze %dma_start3A_904 : memref<1x125x128xf32, #tpu.memory_space<vmem>> -> memref<125x128xf32, #tpu.memory_space<vmem>>
      %dma_start3A_906 = arith.constant 0 : i32
      %dma_start3A_907 = tpu.memref_slice %arg8[%dma_start3A_900, %dma_start3A_906] : memref<3x125xi32, #tpu.memory_space<vmem>> -> memref<1x125xi32, #tpu.memory_space<vmem>>
      %dma_start3A_908 = tpu.memref_squeeze %dma_start3A_907 : memref<1x125xi32, #tpu.memory_space<vmem>> -> memref<125xi32, #tpu.memory_space<vmem>>
      %dma_start3A_909 = arith.constant 0 : i32
      %dma_start3A_910 = arith.constant 0 : i32
      %dma_start3A_911 = tpu.memref_slice %arg2[%dma_start3A_909, %dma_start3A_910] : memref<20000x128xf32, #tpu.memory_space<hbm>> -> memref<20000x128xf32, #tpu.memory_space<hbm>>
      tpu.enqueue_indirect_dma source(%dma_start3A_911 : memref<20000x128xf32, #tpu.memory_space<hbm>>) target(%dma_start3A_905 : memref<125x128xf32, #tpu.memory_space<vmem>>) offsets(%dma_start3A_908 : memref<125xi32, #tpu.memory_space<vmem>>) semaphore(%arg10 : memref<!tpu.dma_semaphore, #tpu.memory_space<semaphore_mem>>)
      %scan3A_912 = arith.constant 0 : i32
      scf.yield %scan3A_912 : i32
    }
    %scan3A_356 = arith.constant 25 : i32
    %dma_wait3A_357 = arith.constant 2 : i32
    %dma_wait3A_358 = arith.constant 2 : i32
    %dma_wait3A_359 = arith.constant 0 : i32
    %dma_wait3A_360 = arith.constant 0 : i32
    %dma_wait3A_361 = tpu.memref_slice %arg7[%dma_wait3A_358, %dma_wait3A_359, %dma_wait3A_360] : memref<3x125x128xf32, #tpu.memory_space<vmem>> -> memref<1x125x128xf32, #tpu.memory_space<vmem>>
    %dma_wait3A_362 = tpu.memref_squeeze %dma_wait3A_361 : memref<1x125x128xf32, #tpu.memory_space<vmem>> -> memref<125x128xf32, #tpu.memory_space<vmem>>
    %dma_wait3A_363 = arith.constant 0 : i32
    %dma_wait3A_364 = tpu.memref_slice %arg8[%dma_wait3A_357, %dma_wait3A_363] : memref<3x125xi32, #tpu.memory_space<vmem>> -> memref<1x125xi32, #tpu.memory_space<vmem>>
    %dma_wait3A_365 = tpu.memref_squeeze %dma_wait3A_364 : memref<1x125xi32, #tpu.memory_space<vmem>> -> memref<125xi32, #tpu.memory_space<vmem>>
    %dma_wait3A_366 = arith.constant 0 : i32
    %dma_wait3A_367 = arith.constant 0 : i32
    %dma_wait3A_368 = tpu.memref_slice %arg2[%dma_wait3A_366, %dma_wait3A_367] : memref<20000x128xf32, #tpu.memory_space<hbm>> -> memref<20000x128xf32, #tpu.memory_space<hbm>>
    tpu.wait_indirect_dma semaphore(%arg12 : memref<!tpu.dma_semaphore, #tpu.memory_space<semaphore_mem>>) src(%dma_wait3A_368 : memref<20000x128xf32, #tpu.memory_space<hbm>>) dst(%dma_wait3A_362 : memref<125x128xf32, #tpu.memory_space<vmem>>)
    %add3A_369 = arith.constant 77 : i32
    %add3A_370 = arith.addi %mul3A_4, %add3A_369 : i32
    %dma_wait3A_371 = arith.constant 2 : i32
    %dma_wait3A_372 = arith.constant 0 : i32
    %dma_wait3A_373 = tpu.memref_slice %arg9[%dma_wait3A_371, %dma_wait3A_372] : memref<3x125xi32, #tpu.memory_space<vmem>> -> memref<1x125xi32, #tpu.memory_space<vmem>>
    %dma_wait3A_374 = tpu.memref_squeeze %dma_wait3A_373 : memref<1x125xi32, #tpu.memory_space<vmem>> -> memref<125xi32, #tpu.memory_space<vmem>>
    %dma_wait3A_375 = arith.constant 0 : i32
    %dma_wait3A_376 = tpu.memref_slice %arg4[%add3A_370, %dma_wait3A_375] : memref<1280x125xi32, #tpu.memory_space<hbm>> -> memref<1x125xi32, #tpu.memory_space<hbm>>
    %dma_wait3A_377 = tpu.memref_squeeze %dma_wait3A_376 : memref<1x125xi32, #tpu.memory_space<hbm>> -> memref<125xi32, #tpu.memory_space<hbm>>
    %dma_wait3A_378 = arith.constant 0 : i32
    %dma_wait3A_379 = tpu.memref_slice %arg9[%dma_wait3A_371, %dma_wait3A_378] : memref<3x125xi32, #tpu.memory_space<vmem>> -> memref<1x125xi32, #tpu.memory_space<vmem>>
    %dma_wait3A_380 = tpu.memref_squeeze %dma_wait3A_379 : memref<1x125xi32, #tpu.memory_space<vmem>> -> memref<125xi32, #tpu.memory_space<vmem>>
    %dma_wait3A_381 = arith.constant 0 : i32
    %dma_wait3A_382 = tpu.memref_slice %arg4[%add3A_370, %dma_wait3A_381] : memref<1280x125xi32, #tpu.memory_space<hbm>> -> memref<1x125xi32, #tpu.memory_space<hbm>>
    %dma_wait3A_383 = tpu.memref_squeeze %dma_wait3A_382 : memref<1x125xi32, #tpu.memory_space<hbm>> -> memref<125xi32, #tpu.memory_space<hbm>>
    tpu.wait_dma2 semaphore(%arg18 : memref<!tpu.dma_semaphore, #tpu.memory_space<semaphore_mem>>) src(%dma_wait3A_383 : memref<125xi32, #tpu.memory_space<hbm>>) dst(%dma_wait3A_380 : memref<125xi32, #tpu.memory_space<vmem>>)
    %dma_start3A_384 = arith.constant 2 : i32
    %dma_start3A_385 = arith.constant 2 : i32
    %dma_start3A_386 = arith.constant 0 : i32
    %dma_start3A_387 = arith.constant 0 : i32
    %dma_start3A_388 = tpu.memref_slice %arg7[%dma_start3A_384, %dma_start3A_386, %dma_start3A_387] : memref<3x125x128xf32, #tpu.memory_space<vmem>> -> memref<1x125x128xf32, #tpu.memory_space<vmem>>
    %dma_start3A_389 = tpu.memref_squeeze %dma_start3A_388 : memref<1x125x128xf32, #tpu.memory_space<vmem>> -> memref<125x128xf32, #tpu.memory_space<vmem>>
    %dma_start3A_390 = arith.constant 0 : i32
    %dma_start3A_391 = tpu.memref_slice %arg9[%dma_start3A_385, %dma_start3A_390] : memref<3x125xi32, #tpu.memory_space<vmem>> -> memref<1x125xi32, #tpu.memory_space<vmem>>
    %dma_start3A_392 = tpu.memref_squeeze %dma_start3A_391 : memref<1x125xi32, #tpu.memory_space<vmem>> -> memref<125xi32, #tpu.memory_space<vmem>>
    %dma_start3A_393 = arith.constant 0 : i32
    %dma_start3A_394 = arith.constant 0 : i32
    %dma_start3A_395 = tpu.memref_slice %arg6[%dma_start3A_393, %dma_start3A_394] : memref<10000x128xf32, #tpu.memory_space<vmem_shared>> -> memref<10000x128xf32, #tpu.memory_space<vmem_shared>>
    tpu.enqueue_indirect_dma source(%dma_start3A_389 : memref<125x128xf32, #tpu.memory_space<vmem>>) target(%dma_start3A_395 : memref<10000x128xf32, #tpu.memory_space<vmem_shared>>) offsets(%dma_start3A_392 : memref<125xi32, #tpu.memory_space<vmem>>) semaphore(%arg21 : memref<!tpu.dma_semaphore, #tpu.memory_space<semaphore_mem>>) {add = true}
    %dma_wait3A_396 = arith.constant 1 : i32
    %dma_wait3A_397 = arith.constant 1 : i32
    %dma_wait3A_398 = arith.constant 0 : i32
    %dma_wait3A_399 = arith.constant 0 : i32
    %dma_wait3A_400 = tpu.memref_slice %arg7[%dma_wait3A_396, %dma_wait3A_398, %dma_wait3A_399] : memref<3x125x128xf32, #tpu.memory_space<vmem>> -> memref<1x125x128xf32, #tpu.memory_space<vmem>>
    %dma_wait3A_401 = tpu.memref_squeeze %dma_wait3A_400 : memref<1x125x128xf32, #tpu.memory_space<vmem>> -> memref<125x128xf32, #tpu.memory_space<vmem>>
    %dma_wait3A_402 = arith.constant 0 : i32
    %dma_wait3A_403 = tpu.memref_slice %arg9[%dma_wait3A_397, %dma_wait3A_402] : memref<3x125xi32, #tpu.memory_space<vmem>> -> memref<1x125xi32, #tpu.memory_space<vmem>>
    %dma_wait3A_404 = tpu.memref_squeeze %dma_wait3A_403 : memref<1x125xi32, #tpu.memory_space<vmem>> -> memref<125xi32, #tpu.memory_space<vmem>>
    %dma_wait3A_405 = arith.constant 0 : i32
    %dma_wait3A_406 = arith.constant 0 : i32
    %dma_wait3A_407 = tpu.memref_slice %arg6[%dma_wait3A_405, %dma_wait3A_406] : memref<10000x128xf32, #tpu.memory_space<vmem_shared>> -> memref<10000x128xf32, #tpu.memory_space<vmem_shared>>
    tpu.wait_indirect_dma semaphore(%arg20 : memref<!tpu.dma_semaphore, #tpu.memory_space<semaphore_mem>>) src(%dma_wait3A_401 : memref<125x128xf32, #tpu.memory_space<vmem>>) dst(%dma_wait3A_407 : memref<10000x128xf32, #tpu.memory_space<vmem_shared>>)
    %add3A_408 = arith.constant 79 : i32
    %add3A_409 = arith.addi %mul3A_4, %add3A_408 : i32
    %dma_start3A_410 = arith.constant 1 : i32
    %dma_start3A_411 = arith.constant 0 : i32
    %dma_start3A_412 = tpu.memref_slice %arg9[%dma_start3A_410, %dma_start3A_411] : memref<3x125xi32, #tpu.memory_space<vmem>> -> memref<1x125xi32, #tpu.memory_space<vmem>>
    %dma_start3A_413 = tpu.memref_squeeze %dma_start3A_412 : memref<1x125xi32, #tpu.memory_space<vmem>> -> memref<125xi32, #tpu.memory_space<vmem>>
    %dma_start3A_414 = arith.constant 0 : i32
    %dma_start3A_415 = tpu.memref_slice %arg4[%add3A_409, %dma_start3A_414] : memref<1280x125xi32, #tpu.memory_space<hbm>> -> memref<1x125xi32, #tpu.memory_space<hbm>>
    %dma_start3A_416 = tpu.memref_squeeze %dma_start3A_415 : memref<1x125xi32, #tpu.memory_space<hbm>> -> memref<125xi32, #tpu.memory_space<hbm>>
    %dma_start3A_417 = arith.constant 0 : i32
    %dma_start3A_418 = tpu.memref_slice %arg9[%dma_start3A_410, %dma_start3A_417] : memref<3x125xi32, #tpu.memory_space<vmem>> -> memref<1x125xi32, #tpu.memory_space<vmem>>
    %dma_start3A_419 = tpu.memref_squeeze %dma_start3A_418 : memref<1x125xi32, #tpu.memory_space<vmem>> -> memref<125xi32, #tpu.memory_space<vmem>>
    %dma_start3A_420 = arith.constant 0 : i32
    %dma_start3A_421 = tpu.memref_slice %arg4[%add3A_409, %dma_start3A_420] : memref<1280x125xi32, #tpu.memory_space<hbm>> -> memref<1x125xi32, #tpu.memory_space<hbm>>
    %dma_start3A_422 = tpu.memref_squeeze %dma_start3A_421 : memref<1x125xi32, #tpu.memory_space<hbm>> -> memref<125xi32, #tpu.memory_space<hbm>>
    tpu.enqueue_dma source(%dma_start3A_422 : memref<125xi32, #tpu.memory_space<hbm>>) target(%dma_start3A_419 : memref<125xi32, #tpu.memory_space<vmem>>) target_semaphore(%arg17 : memref<!tpu.dma_semaphore, #tpu.memory_space<semaphore_mem>>)
    %add3A_423 = arith.constant 79 : i32
    %add3A_424 = arith.addi %mul3A_2, %add3A_423 : i32
    %dma_wait3A_425 = arith.constant 1 : i32
    %dma_wait3A_426 = arith.constant 0 : i32
    %dma_wait3A_427 = tpu.memref_slice %arg8[%dma_wait3A_425, %dma_wait3A_426] : memref<3x125xi32, #tpu.memory_space<vmem>> -> memref<1x125xi32, #tpu.memory_space<vmem>>
    %dma_wait3A_428 = tpu.memref_squeeze %dma_wait3A_427 : memref<1x125xi32, #tpu.memory_space<vmem>> -> memref<125xi32, #tpu.memory_space<vmem>>
    %dma_wait3A_429 = arith.constant 0 : i32
    %dma_wait3A_430 = tpu.memref_slice %arg3[%add3A_424, %dma_wait3A_429] : memref<2560x125xi32, #tpu.memory_space<hbm>> -> memref<1x125xi32, #tpu.memory_space<hbm>>
    %dma_wait3A_431 = tpu.memref_squeeze %dma_wait3A_430 : memref<1x125xi32, #tpu.memory_space<hbm>> -> memref<125xi32, #tpu.memory_space<hbm>>
    %dma_wait3A_432 = arith.constant 0 : i32
    %dma_wait3A_433 = tpu.memref_slice %arg8[%dma_wait3A_425, %dma_wait3A_432] : memref<3x125xi32, #tpu.memory_space<vmem>> -> memref<1x125xi32, #tpu.memory_space<vmem>>
    %dma_wait3A_434 = tpu.memref_squeeze %dma_wait3A_433 : memref<1x125xi32, #tpu.memory_space<vmem>> -> memref<125xi32, #tpu.memory_space<vmem>>
    %dma_wait3A_435 = arith.constant 0 : i32
    %dma_wait3A_436 = tpu.memref_slice %arg3[%add3A_424, %dma_wait3A_435] : memref<2560x125xi32, #tpu.memory_space<hbm>> -> memref<1x125xi32, #tpu.memory_space<hbm>>
    %dma_wait3A_437 = tpu.memref_squeeze %dma_wait3A_436 : memref<1x125xi32, #tpu.memory_space<hbm>> -> memref<125xi32, #tpu.memory_space<hbm>>
    tpu.wait_dma2 semaphore(%arg14 : memref<!tpu.dma_semaphore, #tpu.memory_space<semaphore_mem>>) src(%dma_wait3A_437 : memref<125xi32, #tpu.memory_space<hbm>>) dst(%dma_wait3A_434 : memref<125xi32, #tpu.memory_space<vmem>>)
    %dma_start3A_438 = arith.constant 1 : i32
    %dma_start3A_439 = arith.constant 1 : i32
    %dma_start3A_440 = arith.constant 0 : i32
    %dma_start3A_441 = arith.constant 0 : i32
    %dma_start3A_442 = tpu.memref_slice %arg7[%dma_start3A_439, %dma_start3A_440, %dma_start3A_441] : memref<3x125x128xf32, #tpu.memory_space<vmem>> -> memref<1x125x128xf32, #tpu.memory_space<vmem>>
    %dma_start3A_443 = tpu.memref_squeeze %dma_start3A_442 : memref<1x125x128xf32, #tpu.memory_space<vmem>> -> memref<125x128xf32, #tpu.memory_space<vmem>>
    %dma_start3A_444 = arith.constant 0 : i32
    %dma_start3A_445 = tpu.memref_slice %arg8[%dma_start3A_438, %dma_start3A_444] : memref<3x125xi32, #tpu.memory_space<vmem>> -> memref<1x125xi32, #tpu.memory_space<vmem>>
    %dma_start3A_446 = tpu.memref_squeeze %dma_start3A_445 : memref<1x125xi32, #tpu.memory_space<vmem>> -> memref<125xi32, #tpu.memory_space<vmem>>
    %dma_start3A_447 = arith.constant 0 : i32
    %dma_start3A_448 = arith.constant 0 : i32
    %dma_start3A_449 = tpu.memref_slice %arg2[%dma_start3A_447, %dma_start3A_448] : memref<20000x128xf32, #tpu.memory_space<hbm>> -> memref<20000x128xf32, #tpu.memory_space<hbm>>
    tpu.enqueue_indirect_dma source(%dma_start3A_449 : memref<20000x128xf32, #tpu.memory_space<hbm>>) target(%dma_start3A_443 : memref<125x128xf32, #tpu.memory_space<vmem>>) offsets(%dma_start3A_446 : memref<125xi32, #tpu.memory_space<vmem>>) semaphore(%arg11 : memref<!tpu.dma_semaphore, #tpu.memory_space<semaphore_mem>>)
    %dma_wait3A_450 = arith.constant 0 : i32
    %dma_wait3A_451 = arith.constant 0 : i32
    %dma_wait3A_452 = arith.constant 0 : i32
    %dma_wait3A_453 = arith.constant 0 : i32
    %dma_wait3A_454 = tpu.memref_slice %arg7[%dma_wait3A_451, %dma_wait3A_452, %dma_wait3A_453] : memref<3x125x128xf32, #tpu.memory_space<vmem>> -> memref<1x125x128xf32, #tpu.memory_space<vmem>>
    %dma_wait3A_455 = tpu.memref_squeeze %dma_wait3A_454 : memref<1x125x128xf32, #tpu.memory_space<vmem>> -> memref<125x128xf32, #tpu.memory_space<vmem>>
    %dma_wait3A_456 = arith.constant 0 : i32
    %dma_wait3A_457 = tpu.memref_slice %arg8[%dma_wait3A_450, %dma_wait3A_456] : memref<3x125xi32, #tpu.memory_space<vmem>> -> memref<1x125xi32, #tpu.memory_space<vmem>>
    %dma_wait3A_458 = tpu.memref_squeeze %dma_wait3A_457 : memref<1x125xi32, #tpu.memory_space<vmem>> -> memref<125xi32, #tpu.memory_space<vmem>>
    %dma_wait3A_459 = arith.constant 0 : i32
    %dma_wait3A_460 = arith.constant 0 : i32
    %dma_wait3A_461 = tpu.memref_slice %arg2[%dma_wait3A_459, %dma_wait3A_460] : memref<20000x128xf32, #tpu.memory_space<hbm>> -> memref<20000x128xf32, #tpu.memory_space<hbm>>
    tpu.wait_indirect_dma semaphore(%arg10 : memref<!tpu.dma_semaphore, #tpu.memory_space<semaphore_mem>>) src(%dma_wait3A_461 : memref<20000x128xf32, #tpu.memory_space<hbm>>) dst(%dma_wait3A_455 : memref<125x128xf32, #tpu.memory_space<vmem>>)
    %add3A_462 = arith.constant 78 : i32
    %add3A_463 = arith.addi %mul3A_4, %add3A_462 : i32
    %dma_wait3A_464 = arith.constant 0 : i32
    %dma_wait3A_465 = arith.constant 0 : i32
    %dma_wait3A_466 = tpu.memref_slice %arg9[%dma_wait3A_464, %dma_wait3A_465] : memref<3x125xi32, #tpu.memory_space<vmem>> -> memref<1x125xi32, #tpu.memory_space<vmem>>
    %dma_wait3A_467 = tpu.memref_squeeze %dma_wait3A_466 : memref<1x125xi32, #tpu.memory_space<vmem>> -> memref<125xi32, #tpu.memory_space<vmem>>
    %dma_wait3A_468 = arith.constant 0 : i32
    %dma_wait3A_469 = tpu.memref_slice %arg4[%add3A_463, %dma_wait3A_468] : memref<1280x125xi32, #tpu.memory_space<hbm>> -> memref<1x125xi32, #tpu.memory_space<hbm>>
    %dma_wait3A_470 = tpu.memref_squeeze %dma_wait3A_469 : memref<1x125xi32, #tpu.memory_space<hbm>> -> memref<125xi32, #tpu.memory_space<hbm>>
    %dma_wait3A_471 = arith.constant 0 : i32
    %dma_wait3A_472 = tpu.memref_slice %arg9[%dma_wait3A_464, %dma_wait3A_471] : memref<3x125xi32, #tpu.memory_space<vmem>> -> memref<1x125xi32, #tpu.memory_space<vmem>>
    %dma_wait3A_473 = tpu.memref_squeeze %dma_wait3A_472 : memref<1x125xi32, #tpu.memory_space<vmem>> -> memref<125xi32, #tpu.memory_space<vmem>>
    %dma_wait3A_474 = arith.constant 0 : i32
    %dma_wait3A_475 = tpu.memref_slice %arg4[%add3A_463, %dma_wait3A_474] : memref<1280x125xi32, #tpu.memory_space<hbm>> -> memref<1x125xi32, #tpu.memory_space<hbm>>
    %dma_wait3A_476 = tpu.memref_squeeze %dma_wait3A_475 : memref<1x125xi32, #tpu.memory_space<hbm>> -> memref<125xi32, #tpu.memory_space<hbm>>
    tpu.wait_dma2 semaphore(%arg16 : memref<!tpu.dma_semaphore, #tpu.memory_space<semaphore_mem>>) src(%dma_wait3A_476 : memref<125xi32, #tpu.memory_space<hbm>>) dst(%dma_wait3A_473 : memref<125xi32, #tpu.memory_space<vmem>>)
    %dma_start3A_477 = arith.constant 0 : i32
    %dma_start3A_478 = arith.constant 0 : i32
    %dma_start3A_479 = arith.constant 0 : i32
    %dma_start3A_480 = arith.constant 0 : i32
    %dma_start3A_481 = tpu.memref_slice %arg7[%dma_start3A_477, %dma_start3A_479, %dma_start3A_480] : memref<3x125x128xf32, #tpu.memory_space<vmem>> -> memref<1x125x128xf32, #tpu.memory_space<vmem>>
    %dma_start3A_482 = tpu.memref_squeeze %dma_start3A_481 : memref<1x125x128xf32, #tpu.memory_space<vmem>> -> memref<125x128xf32, #tpu.memory_space<vmem>>
    %dma_start3A_483 = arith.constant 0 : i32
    %dma_start3A_484 = tpu.memref_slice %arg9[%dma_start3A_478, %dma_start3A_483] : memref<3x125xi32, #tpu.memory_space<vmem>> -> memref<1x125xi32, #tpu.memory_space<vmem>>
    %dma_start3A_485 = tpu.memref_squeeze %dma_start3A_484 : memref<1x125xi32, #tpu.memory_space<vmem>> -> memref<125xi32, #tpu.memory_space<vmem>>
    %dma_start3A_486 = arith.constant 0 : i32
    %dma_start3A_487 = arith.constant 0 : i32
    %dma_start3A_488 = tpu.memref_slice %arg6[%dma_start3A_486, %dma_start3A_487] : memref<10000x128xf32, #tpu.memory_space<vmem_shared>> -> memref<10000x128xf32, #tpu.memory_space<vmem_shared>>
    tpu.enqueue_indirect_dma source(%dma_start3A_482 : memref<125x128xf32, #tpu.memory_space<vmem>>) target(%dma_start3A_488 : memref<10000x128xf32, #tpu.memory_space<vmem_shared>>) offsets(%dma_start3A_485 : memref<125xi32, #tpu.memory_space<vmem>>) semaphore(%arg19 : memref<!tpu.dma_semaphore, #tpu.memory_space<semaphore_mem>>) {add = true}
    %dma_wait3A_489 = arith.constant 2 : i32
    %dma_wait3A_490 = arith.constant 2 : i32
    %dma_wait3A_491 = arith.constant 0 : i32
    %dma_wait3A_492 = arith.constant 0 : i32
    %dma_wait3A_493 = tpu.memref_slice %arg7[%dma_wait3A_489, %dma_wait3A_491, %dma_wait3A_492] : memref<3x125x128xf32, #tpu.memory_space<vmem>> -> memref<1x125x128xf32, #tpu.memory_space<vmem>>
    %dma_wait3A_494 = tpu.memref_squeeze %dma_wait3A_493 : memref<1x125x128xf32, #tpu.memory_space<vmem>> -> memref<125x128xf32, #tpu.memory_space<vmem>>
    %dma_wait3A_495 = arith.constant 0 : i32
    %dma_wait3A_496 = tpu.memref_slice %arg9[%dma_wait3A_490, %dma_wait3A_495] : memref<3x125xi32, #tpu.memory_space<vmem>> -> memref<1x125xi32, #tpu.memory_space<vmem>>
    %dma_wait3A_497 = tpu.memref_squeeze %dma_wait3A_496 : memref<1x125xi32, #tpu.memory_space<vmem>> -> memref<125xi32, #tpu.memory_space<vmem>>
    %dma_wait3A_498 = arith.constant 0 : i32
    %dma_wait3A_499 = arith.constant 0 : i32
    %dma_wait3A_500 = tpu.memref_slice %arg6[%dma_wait3A_498, %dma_wait3A_499] : memref<10000x128xf32, #tpu.memory_space<vmem_shared>> -> memref<10000x128xf32, #tpu.memory_space<vmem_shared>>
    tpu.wait_indirect_dma semaphore(%arg21 : memref<!tpu.dma_semaphore, #tpu.memory_space<semaphore_mem>>) src(%dma_wait3A_494 : memref<125x128xf32, #tpu.memory_space<vmem>>) dst(%dma_wait3A_500 : memref<10000x128xf32, #tpu.memory_space<vmem_shared>>)
    %dma_wait3A_501 = arith.constant 1 : i32
    %dma_wait3A_502 = arith.constant 1 : i32
    %dma_wait3A_503 = arith.constant 0 : i32
    %dma_wait3A_504 = arith.constant 0 : i32
    %dma_wait3A_505 = tpu.memref_slice %arg7[%dma_wait3A_502, %dma_wait3A_503, %dma_wait3A_504] : memref<3x125x128xf32, #tpu.memory_space<vmem>> -> memref<1x125x128xf32, #tpu.memory_space<vmem>>
    %dma_wait3A_506 = tpu.memref_squeeze %dma_wait3A_505 : memref<1x125x128xf32, #tpu.memory_space<vmem>> -> memref<125x128xf32, #tpu.memory_space<vmem>>
    %dma_wait3A_507 = arith.constant 0 : i32
    %dma_wait3A_508 = tpu.memref_slice %arg8[%dma_wait3A_501, %dma_wait3A_507] : memref<3x125xi32, #tpu.memory_space<vmem>> -> memref<1x125xi32, #tpu.memory_space<vmem>>
    %dma_wait3A_509 = tpu.memref_squeeze %dma_wait3A_508 : memref<1x125xi32, #tpu.memory_space<vmem>> -> memref<125xi32, #tpu.memory_space<vmem>>
    %dma_wait3A_510 = arith.constant 0 : i32
    %dma_wait3A_511 = arith.constant 0 : i32
    %dma_wait3A_512 = tpu.memref_slice %arg2[%dma_wait3A_510, %dma_wait3A_511] : memref<20000x128xf32, #tpu.memory_space<hbm>> -> memref<20000x128xf32, #tpu.memory_space<hbm>>
    tpu.wait_indirect_dma semaphore(%arg11 : memref<!tpu.dma_semaphore, #tpu.memory_space<semaphore_mem>>) src(%dma_wait3A_512 : memref<20000x128xf32, #tpu.memory_space<hbm>>) dst(%dma_wait3A_506 : memref<125x128xf32, #tpu.memory_space<vmem>>)
    %add3A_513 = arith.constant 79 : i32
    %add3A_514 = arith.addi %mul3A_4, %add3A_513 : i32
    %dma_wait3A_515 = arith.constant 1 : i32
    %dma_wait3A_516 = arith.constant 0 : i32
    %dma_wait3A_517 = tpu.memref_slice %arg9[%dma_wait3A_515, %dma_wait3A_516] : memref<3x125xi32, #tpu.memory_space<vmem>> -> memref<1x125xi32, #tpu.memory_space<vmem>>
    %dma_wait3A_518 = tpu.memref_squeeze %dma_wait3A_517 : memref<1x125xi32, #tpu.memory_space<vmem>> -> memref<125xi32, #tpu.memory_space<vmem>>
    %dma_wait3A_519 = arith.constant 0 : i32
    %dma_wait3A_520 = tpu.memref_slice %arg4[%add3A_514, %dma_wait3A_519] : memref<1280x125xi32, #tpu.memory_space<hbm>> -> memref<1x125xi32, #tpu.memory_space<hbm>>
    %dma_wait3A_521 = tpu.memref_squeeze %dma_wait3A_520 : memref<1x125xi32, #tpu.memory_space<hbm>> -> memref<125xi32, #tpu.memory_space<hbm>>
    %dma_wait3A_522 = arith.constant 0 : i32
    %dma_wait3A_523 = tpu.memref_slice %arg9[%dma_wait3A_515, %dma_wait3A_522] : memref<3x125xi32, #tpu.memory_space<vmem>> -> memref<1x125xi32, #tpu.memory_space<vmem>>
    %dma_wait3A_524 = tpu.memref_squeeze %dma_wait3A_523 : memref<1x125xi32, #tpu.memory_space<vmem>> -> memref<125xi32, #tpu.memory_space<vmem>>
    %dma_wait3A_525 = arith.constant 0 : i32
    %dma_wait3A_526 = tpu.memref_slice %arg4[%add3A_514, %dma_wait3A_525] : memref<1280x125xi32, #tpu.memory_space<hbm>> -> memref<1x125xi32, #tpu.memory_space<hbm>>
    %dma_wait3A_527 = tpu.memref_squeeze %dma_wait3A_526 : memref<1x125xi32, #tpu.memory_space<hbm>> -> memref<125xi32, #tpu.memory_space<hbm>>
    tpu.wait_dma2 semaphore(%arg17 : memref<!tpu.dma_semaphore, #tpu.memory_space<semaphore_mem>>) src(%dma_wait3A_527 : memref<125xi32, #tpu.memory_space<hbm>>) dst(%dma_wait3A_524 : memref<125xi32, #tpu.memory_space<vmem>>)
    %dma_start3A_528 = arith.constant 1 : i32
    %dma_start3A_529 = arith.constant 1 : i32
    %dma_start3A_530 = arith.constant 0 : i32
    %dma_start3A_531 = arith.constant 0 : i32
    %dma_start3A_532 = tpu.memref_slice %arg7[%dma_start3A_528, %dma_start3A_530, %dma_start3A_531] : memref<3x125x128xf32, #tpu.memory_space<vmem>> -> memref<1x125x128xf32, #tpu.memory_space<vmem>>
    %dma_start3A_533 = tpu.memref_squeeze %dma_start3A_532 : memref<1x125x128xf32, #tpu.memory_space<vmem>> -> memref<125x128xf32, #tpu.memory_space<vmem>>
    %dma_start3A_534 = arith.constant 0 : i32
    %dma_start3A_535 = tpu.memref_slice %arg9[%dma_start3A_529, %dma_start3A_534] : memref<3x125xi32, #tpu.memory_space<vmem>> -> memref<1x125xi32, #tpu.memory_space<vmem>>
    %dma_start3A_536 = tpu.memref_squeeze %dma_start3A_535 : memref<1x125xi32, #tpu.memory_space<vmem>> -> memref<125xi32, #tpu.memory_space<vmem>>
    %dma_start3A_537 = arith.constant 0 : i32
    %dma_start3A_538 = arith.constant 0 : i32
    %dma_start3A_539 = tpu.memref_slice %arg6[%dma_start3A_537, %dma_start3A_538] : memref<10000x128xf32, #tpu.memory_space<vmem_shared>> -> memref<10000x128xf32, #tpu.memory_space<vmem_shared>>
    tpu.enqueue_indirect_dma source(%dma_start3A_533 : memref<125x128xf32, #tpu.memory_space<vmem>>) target(%dma_start3A_539 : memref<10000x128xf32, #tpu.memory_space<vmem_shared>>) offsets(%dma_start3A_536 : memref<125xi32, #tpu.memory_space<vmem>>) semaphore(%arg20 : memref<!tpu.dma_semaphore, #tpu.memory_space<semaphore_mem>>) {add = true}
    %dma_wait3A_540 = arith.constant 0 : i32
    %dma_wait3A_541 = arith.constant 0 : i32
    %dma_wait3A_542 = arith.constant 0 : i32
    %dma_wait3A_543 = arith.constant 0 : i32
    %dma_wait3A_544 = tpu.memref_slice %arg7[%dma_wait3A_540, %dma_wait3A_542, %dma_wait3A_543] : memref<3x125x128xf32, #tpu.memory_space<vmem>> -> memref<1x125x128xf32, #tpu.memory_space<vmem>>
    %dma_wait3A_545 = tpu.memref_squeeze %dma_wait3A_544 : memref<1x125x128xf32, #tpu.memory_space<vmem>> -> memref<125x128xf32, #tpu.memory_space<vmem>>
    %dma_wait3A_546 = arith.constant 0 : i32
    %dma_wait3A_547 = tpu.memref_slice %arg9[%dma_wait3A_541, %dma_wait3A_546] : memref<3x125xi32, #tpu.memory_space<vmem>> -> memref<1x125xi32, #tpu.memory_space<vmem>>
    %dma_wait3A_548 = tpu.memref_squeeze %dma_wait3A_547 : memref<1x125xi32, #tpu.memory_space<vmem>> -> memref<125xi32, #tpu.memory_space<vmem>>
    %dma_wait3A_549 = arith.constant 0 : i32
    %dma_wait3A_550 = arith.constant 0 : i32
    %dma_wait3A_551 = tpu.memref_slice %arg6[%dma_wait3A_549, %dma_wait3A_550] : memref<10000x128xf32, #tpu.memory_space<vmem_shared>> -> memref<10000x128xf32, #tpu.memory_space<vmem_shared>>
    tpu.wait_indirect_dma semaphore(%arg19 : memref<!tpu.dma_semaphore, #tpu.memory_space<semaphore_mem>>) src(%dma_wait3A_545 : memref<125x128xf32, #tpu.memory_space<vmem>>) dst(%dma_wait3A_551 : memref<10000x128xf32, #tpu.memory_space<vmem_shared>>)
    %dma_wait3A_552 = arith.constant 1 : i32
    %dma_wait3A_553 = arith.constant 1 : i32
    %dma_wait3A_554 = arith.constant 0 : i32
    %dma_wait3A_555 = arith.constant 0 : i32
    %dma_wait3A_556 = tpu.memref_slice %arg7[%dma_wait3A_552, %dma_wait3A_554, %dma_wait3A_555] : memref<3x125x128xf32, #tpu.memory_space<vmem>> -> memref<1x125x128xf32, #tpu.memory_space<vmem>>
    %dma_wait3A_557 = tpu.memref_squeeze %dma_wait3A_556 : memref<1x125x128xf32, #tpu.memory_space<vmem>> -> memref<125x128xf32, #tpu.memory_space<vmem>>
    %dma_wait3A_558 = arith.constant 0 : i32
    %dma_wait3A_559 = tpu.memref_slice %arg9[%dma_wait3A_553, %dma_wait3A_558] : memref<3x125xi32, #tpu.memory_space<vmem>> -> memref<1x125xi32, #tpu.memory_space<vmem>>
    %dma_wait3A_560 = tpu.memref_squeeze %dma_wait3A_559 : memref<1x125xi32, #tpu.memory_space<vmem>> -> memref<125xi32, #tpu.memory_space<vmem>>
    %dma_wait3A_561 = arith.constant 0 : i32
    %dma_wait3A_562 = arith.constant 0 : i32
    %dma_wait3A_563 = tpu.memref_slice %arg6[%dma_wait3A_561, %dma_wait3A_562] : memref<10000x128xf32, #tpu.memory_space<vmem_shared>> -> memref<10000x128xf32, #tpu.memory_space<vmem_shared>>
    tpu.wait_indirect_dma semaphore(%arg20 : memref<!tpu.dma_semaphore, #tpu.memory_space<semaphore_mem>>) src(%dma_wait3A_557 : memref<125x128xf32, #tpu.memory_space<vmem>>) dst(%dma_wait3A_563 : memref<10000x128xf32, #tpu.memory_space<vmem_shared>>)
    %barrier3A_564 = arith.constant 0 : index
    tpu.barrier barrier_id(%barrier3A_564)
    %mul3A_565 = arith.constant 625 : i32
    %mul3A_566 = arith.muli %arg1, %mul3A_565 : i32
    %mul3A_567 = arith.constant 10000 : i32
    %mul3A_568 = arith.muli %arg0, %mul3A_567 : i32
    %mul3A_569 = arith.constant 625 : i32
    %mul3A_570 = arith.muli %arg1, %mul3A_569 : i32
    %add3A_571 = arith.addi %mul3A_568, %mul3A_570 : i32
    "tpu.region"() ({
      %run_scoped3A = tpu.sem_alloc : memref<!tpu.dma_semaphore, #tpu.memory_space<semaphore_mem>>
      %dma_start3A_572 = arith.constant 0 : i32
      %dma_start3A_573 = tpu.memref_slice %arg5[%add3A_571, %dma_start3A_572] : memref<20000x128xf32, #tpu.memory_space<hbm>> -> memref<625x128xf32, #tpu.memory_space<hbm>>
      %dma_start3A_574 = arith.constant 0 : i32
      %dma_start3A_575 = tpu.memref_slice %arg6[%mul3A_566, %dma_start3A_574] : memref<10000x128xf32, #tpu.memory_space<vmem_shared>> -> memref<625x128xf32, #tpu.memory_space<vmem_shared>>
      tpu.enqueue_dma source(%dma_start3A_575 : memref<625x128xf32, #tpu.memory_space<vmem_shared>>) target(%dma_start3A_573 : memref<625x128xf32, #tpu.memory_space<hbm>>) target_semaphore(%run_scoped3A : memref<!tpu.dma_semaphore, #tpu.memory_space<semaphore_mem>>)
      %dma_wait3A_576 = arith.constant 0 : i32
      %dma_wait3A_577 = tpu.memref_slice %arg5[%add3A_571, %dma_wait3A_576] : memref<20000x128xf32, #tpu.memory_space<hbm>> -> memref<625x128xf32, #tpu.memory_space<hbm>>
      %dma_wait3A_578 = arith.constant 0 : i32
      %dma_wait3A_579 = tpu.memref_slice %arg6[%mul3A_566, %dma_wait3A_578] : memref<10000x128xf32, #tpu.memory_space<vmem_shared>> -> memref<625x128xf32, #tpu.memory_space<vmem_shared>>
      tpu.wait_dma2 semaphore(%run_scoped3A : memref<!tpu.dma_semaphore, #tpu.memory_space<semaphore_mem>>) src(%dma_wait3A_579 : memref<625x128xf32, #tpu.memory_space<vmem_shared>>) dst(%dma_wait3A_577 : memref<625x128xf32, #tpu.memory_space<hbm>>)
      tpu.yield
    }) : () -> ()
    return
  }
}

module attributes {stable_mosaic.version = 14 : i64} {
  func.func @_tc_scale0_body(%arg0: i32, %arg1: memref<32x10000xf32, #tpu.memory_space<vmem>>, %arg2: memref<2000x256xf32, #tpu.memory_space<vmem>>, %arg3: memref<2x2000x128xf32, #tpu.memory_space<vmem>>, %arg4: memref<10000x1xf32, #tpu.memory_space<vmem>>) attributes {dimension_semantics = [#tpu.dimension_semantics<arbitrary>], iteration_bounds = array<i64: 5>, scalar_prefetch = 0 : i64, scratch_operands = 1 : i64, tpu.core_type = #tpu.core_type<tc>, window_params = [{pipeline_mode = #tpu.pipeline_mode<synchronous>, transform_indices = @transform_0, window_bounds = array<i64: 32, 10000>}, {transform_indices = @transform_1, window_bounds = array<i64: 2000, 256>}, {transform_indices = @transform_2, window_bounds = array<i64: 2, 2000, 128>}]} {
    %eq3A = arith.constant 0 : i32
    %eq3A_0 = arith.cmpi eq, %arg0, %eq3A : i32
    %convert_element_type3A = arith.extui %eq3A_0 : i1 to i32
    %cond3A = arith.constant 0 : i32
    %cond3A_1 = arith.cmpi ne, %convert_element_type3A, %cond3A : i32
    scf.if %cond3A_1 {
      %get3A_18 = arith.constant 0 : index
      %get3A_19 = arith.constant 0 : index
      %get3A_20 = vector.load %arg1[%get3A_18, %get3A_19] : memref<32x10000xf32, #tpu.memory_space<vmem>>, vector<32x10000xf32>
      %reduce_sum3A = arith.constant dense<0.000000e+00> : vector<10000xf32>
      %reduce_sum3A_21 = vector.multi_reduction <add>, %get3A_20, %reduce_sum3A [0] : vector<32x10000xf32> to vector<10000xf32>
      %add3A = arith.constant 1.000000e+00 : f32
      %add3A_22 = vector.broadcast %add3A : f32 to vector<10000xf32>
      %add3A_23 = arith.addf %reduce_sum3A_21, %add3A_22 : vector<10000xf32>
      %rsqrt3A = math.rsqrt %add3A_23 : vector<10000xf32>
      %reshape3A = vector.shape_cast %rsqrt3A : vector<10000xf32> to vector<10000x1xf32>
      %swap3A_24 = arith.constant 0 : index
      %swap3A_25 = arith.constant 0 : index
      %swap3A_26 = vector.load %arg4[%swap3A_24, %swap3A_25] : memref<10000x1xf32, #tpu.memory_space<vmem>>, vector<10000x1xf32>
      tpu.vector_store %arg4[%swap3A_24, %swap3A_25], %reshape3A {strides = array<i32>} : memref<10000x1xf32, #tpu.memory_space<vmem>>, vector<10000x1xf32>,
    } else {
    }
    %mul3A = arith.constant 2000 : i32
    %mul3A_2 = arith.muli %arg0, %mul3A : i32
    %get3A = arith.index_cast %mul3A_2 : i32 to index
    %get3A_3 = arith.constant 0 : index
    %get3A_4 = vector.load %arg4[%get3A, %get3A_3] : memref<10000x1xf32, #tpu.memory_space<vmem>>, vector<2000x1xf32>
    %get3A_5 = arith.constant 0 : index
    %get3A_6 = arith.constant 0 : index
    %get3A_7 = vector.load %arg2[%get3A_5, %get3A_6] : memref<2000x256xf32, #tpu.memory_space<vmem>>, vector<2000x256xf32>
    %slice3A = vector.extract_strided_slice %get3A_7 {offsets = [0, 0], sizes = [2000, 128], strides = [1, 1]} : vector<2000x256xf32> to vector<2000x128xf32>
    %mul3A_8 = vector.broadcast %get3A_4 : vector<2000x1xf32> to vector<2000x128xf32>
    %mul3A_9 = arith.mulf %mul3A_8, %slice3A : vector<2000x128xf32>
    %slice3A_10 = vector.extract_strided_slice %get3A_7 {offsets = [0, 128], sizes = [2000, 128], strides = [1, 1]} : vector<2000x256xf32> to vector<2000x128xf32>
    %mul3A_11 = vector.broadcast %get3A_4 : vector<2000x1xf32> to vector<2000x128xf32>
    %mul3A_12 = arith.mulf %mul3A_11, %slice3A_10 : vector<2000x128xf32>
    %stack3A = vector.shape_cast %mul3A_9 : vector<2000x128xf32> to vector<1x2000x128xf32>
    %stack3A_13 = vector.shape_cast %mul3A_12 : vector<2000x128xf32> to vector<1x2000x128xf32>
    %stack3A_14 = tpu.concatenate %stack3A, %stack3A_13 in 0 : vector<1x2000x128xf32>, vector<1x2000x128xf32> -> vector<2x2000x128xf32>
    %swap3A = arith.constant 0 : index
    %swap3A_15 = arith.constant 0 : index
    %swap3A_16 = arith.constant 0 : index
    %swap3A_17 = vector.load %arg3[%swap3A, %swap3A_15, %swap3A_16] : memref<2x2000x128xf32, #tpu.memory_space<vmem>>, vector<2x2000x128xf32>
    tpu.vector_store %arg3[%swap3A, %swap3A_15, %swap3A_16], %stack3A_14 {strides = array<i32>} : memref<2x2000x128xf32, #tpu.memory_space<vmem>>, vector<2x2000x128xf32>,
    return
  }
  func.func @transform_0(%arg0: i32) -> (i32, i32) {
    %c0_i32 = arith.constant 0 : i32
    %c0_i32_0 = arith.constant 0 : i32
    %c0_i32_1 = arith.constant 0 : i32
    return %c0_i32, %c0_i32_0 : i32, i32
  }
  func.func @transform_1(%arg0: i32) -> (i32, i32) {
    %c0_i32 = arith.constant 0 : i32
    %c0_i32_0 = arith.constant 0 : i32
    return %arg0, %c0_i32 : i32, i32
  }
  func.func @transform_2(%arg0: i32) -> (i32, i32, i32) {
    %c0_i32 = arith.constant 0 : i32
    %c0_i32_0 = arith.constant 0 : i32
    %c0_i32_1 = arith.constant 0 : i32
    return %c0_i32, %arg0, %c0_i32_0 : i32, i32, i32
  }
}

module attributes {stable_mosaic.version = 14 : i64} {
  func.func @_tc_scale1_body(%arg0: i32, %arg1: memref<32x10000xf32, #tpu.memory_space<vmem>>, %arg2: memref<2x2000x128xf32, #tpu.memory_space<vmem>>, %arg3: memref<2000x256xf32, #tpu.memory_space<vmem>>, %arg4: memref<2x2000x128xf32, #tpu.memory_space<vmem>>, %arg5: memref<10000x1xf32, #tpu.memory_space<vmem>>) attributes {dimension_semantics = [#tpu.dimension_semantics<arbitrary>], iteration_bounds = array<i64: 5>, scalar_prefetch = 0 : i64, scratch_operands = 1 : i64, tpu.core_type = #tpu.core_type<tc>, window_params = [{pipeline_mode = #tpu.pipeline_mode<synchronous>, transform_indices = @transform_0, window_bounds = array<i64: 32, 10000>}, {transform_indices = @transform_1, window_bounds = array<i64: 2, 2000, 128>}, {transform_indices = @transform_2, window_bounds = array<i64: 2000, 256>}, {transform_indices = @transform_3, window_bounds = array<i64: 2, 2000, 128>}]} {
    %eq3A = arith.constant 0 : i32
    %eq3A_0 = arith.cmpi eq, %arg0, %eq3A : i32
    %convert_element_type3A = arith.extui %eq3A_0 : i1 to i32
    %cond3A = arith.constant 0 : i32
    %cond3A_1 = arith.cmpi ne, %convert_element_type3A, %cond3A : i32
    scf.if %cond3A_1 {
      %get3A_37 = arith.constant 0 : index
      %get3A_38 = arith.constant 0 : index
      %get3A_39 = vector.load %arg1[%get3A_37, %get3A_38] : memref<32x10000xf32, #tpu.memory_space<vmem>>, vector<32x10000xf32>
      %reduce_sum3A = arith.constant dense<0.000000e+00> : vector<10000xf32>
      %reduce_sum3A_40 = vector.multi_reduction <add>, %get3A_39, %reduce_sum3A [0] : vector<32x10000xf32> to vector<10000xf32>
      %add3A_41 = arith.constant 1.000000e+00 : f32
      %add3A_42 = vector.broadcast %add3A_41 : f32 to vector<10000xf32>
      %add3A_43 = arith.addf %reduce_sum3A_40, %add3A_42 : vector<10000xf32>
      %rsqrt3A = math.rsqrt %add3A_43 : vector<10000xf32>
      %reshape3A = vector.shape_cast %rsqrt3A : vector<10000xf32> to vector<10000x1xf32>
      %swap3A_44 = arith.constant 0 : index
      %swap3A_45 = arith.constant 0 : index
      %swap3A_46 = vector.load %arg5[%swap3A_44, %swap3A_45] : memref<10000x1xf32, #tpu.memory_space<vmem>>, vector<10000x1xf32>
      tpu.vector_store %arg5[%swap3A_44, %swap3A_45], %reshape3A {strides = array<i32>} : memref<10000x1xf32, #tpu.memory_space<vmem>>, vector<10000x1xf32>,
    } else {
    }
    %mul3A = arith.constant 2000 : i32
    %mul3A_2 = arith.muli %arg0, %mul3A : i32
    %get3A = arith.index_cast %mul3A_2 : i32 to index
    %get3A_3 = arith.constant 0 : index
    %get3A_4 = vector.load %arg5[%get3A, %get3A_3] : memref<10000x1xf32, #tpu.memory_space<vmem>>, vector<2000x1xf32>
    %get3A_5 = arith.constant 0 : index
    %get3A_6 = arith.constant 0 : index
    %get3A_7 = arith.constant 0 : index
    %get3A_8 = vector.load %arg2[%get3A_5, %get3A_6, %get3A_7] : memref<2x2000x128xf32, #tpu.memory_space<vmem>>, vector<2x2000x128xf32>
    %get3A_9 = arith.constant 0 : index
    %get3A_10 = arith.constant 0 : index
    %get3A_11 = vector.load %arg3[%get3A_9, %get3A_10] : memref<2000x256xf32, #tpu.memory_space<vmem>>, vector<2000x256xf32>
    %mul3A_12 = arith.constant 5.000000e-01 : f32
    %mul3A_13 = vector.broadcast %mul3A_12 : f32 to vector<2000x1xf32>
    %mul3A_14 = arith.mulf %mul3A_13, %get3A_4 : vector<2000x1xf32>
    %mul3A_15 = arith.mulf %mul3A_14, %get3A_4 : vector<2000x1xf32>
    %mul3A_16 = arith.constant 5.000000e-01 : f32
    %mul3A_17 = vector.broadcast %mul3A_16 : f32 to vector<2000x1xf32>
    %mul3A_18 = arith.mulf %mul3A_17, %get3A_4 : vector<2000x1xf32>
    %slice3A = vector.extract_strided_slice %get3A_8 {offsets = [0, 0, 0], sizes = [1, 2000, 128], strides = [1, 1, 1]} : vector<2x2000x128xf32> to vector<1x2000x128xf32>
    %squeeze3A = vector.shape_cast %slice3A : vector<1x2000x128xf32> to vector<2000x128xf32>
    %mul3A_19 = vector.broadcast %mul3A_15 : vector<2000x1xf32> to vector<2000x128xf32>
    %mul3A_20 = arith.mulf %mul3A_19, %squeeze3A : vector<2000x128xf32>
    %slice3A_21 = vector.extract_strided_slice %get3A_11 {offsets = [0, 0], sizes = [2000, 128], strides = [1, 1]} : vector<2000x256xf32> to vector<2000x128xf32>
    %mul3A_22 = vector.broadcast %mul3A_18 : vector<2000x1xf32> to vector<2000x128xf32>
    %mul3A_23 = arith.mulf %mul3A_22, %slice3A_21 : vector<2000x128xf32>
    %add3A = arith.addf %mul3A_20, %mul3A_23 : vector<2000x128xf32>
    %slice3A_24 = vector.extract_strided_slice %get3A_8 {offsets = [1, 0, 0], sizes = [1, 2000, 128], strides = [1, 1, 1]} : vector<2x2000x128xf32> to vector<1x2000x128xf32>
    %squeeze3A_25 = vector.shape_cast %slice3A_24 : vector<1x2000x128xf32> to vector<2000x128xf32>
    %mul3A_26 = vector.broadcast %mul3A_15 : vector<2000x1xf32> to vector<2000x128xf32>
    %mul3A_27 = arith.mulf %mul3A_26, %squeeze3A_25 : vector<2000x128xf32>
    %slice3A_28 = vector.extract_strided_slice %get3A_11 {offsets = [0, 128], sizes = [2000, 128], strides = [1, 1]} : vector<2000x256xf32> to vector<2000x128xf32>
    %mul3A_29 = vector.broadcast %mul3A_18 : vector<2000x1xf32> to vector<2000x128xf32>
    %mul3A_30 = arith.mulf %mul3A_29, %slice3A_28 : vector<2000x128xf32>
    %add3A_31 = arith.addf %mul3A_27, %mul3A_30 : vector<2000x128xf32>
    %stack3A = vector.shape_cast %add3A : vector<2000x128xf32> to vector<1x2000x128xf32>
    %stack3A_32 = vector.shape_cast %add3A_31 : vector<2000x128xf32> to vector<1x2000x128xf32>
    %stack3A_33 = tpu.concatenate %stack3A, %stack3A_32 in 0 : vector<1x2000x128xf32>, vector<1x2000x128xf32> -> vector<2x2000x128xf32>
    %swap3A = arith.constant 0 : index
    %swap3A_34 = arith.constant 0 : index
    %swap3A_35 = arith.constant 0 : index
    %swap3A_36 = vector.load %arg4[%swap3A, %swap3A_34, %swap3A_35] : memref<2x2000x128xf32, #tpu.memory_space<vmem>>, vector<2x2000x128xf32>
    tpu.vector_store %arg4[%swap3A, %swap3A_34, %swap3A_35], %stack3A_33 {strides = array<i32>} : memref<2x2000x128xf32, #tpu.memory_space<vmem>>, vector<2x2000x128xf32>,
    return
  }
  func.func @transform_0(%arg0: i32) -> (i32, i32) {
    %c0_i32 = arith.constant 0 : i32
    %c0_i32_0 = arith.constant 0 : i32
    %c0_i32_1 = arith.constant 0 : i32
    return %c0_i32, %c0_i32_0 : i32, i32
  }
  func.func @transform_1(%arg0: i32) -> (i32, i32, i32) {
    %c0_i32 = arith.constant 0 : i32
    %c0_i32_0 = arith.constant 0 : i32
    %c0_i32_1 = arith.constant 0 : i32
    return %c0_i32, %arg0, %c0_i32_0 : i32, i32, i32
  }
  func.func @transform_2(%arg0: i32) -> (i32, i32) {
    %c0_i32 = arith.constant 0 : i32
    %c0_i32_0 = arith.constant 0 : i32
    return %arg0, %c0_i32 : i32, i32
  }
  func.func @transform_3(%arg0: i32) -> (i32, i32, i32) {
    %c0_i32 = arith.constant 0 : i32
    %c0_i32_0 = arith.constant 0 : i32
    %c0_i32_1 = arith.constant 0 : i32
    return %c0_i32, %arg0, %c0_i32_0 : i32, i32, i32
  }
}

module attributes {stable_mosaic.version = 14 : i64} {
  func.func @_tc_final_body(%arg0: i32, %arg1: memref<32x10000xf32, #tpu.memory_space<vmem>>, %arg2: memref<2x2000x128xf32, #tpu.memory_space<vmem>>, %arg3: memref<2000x256xf32, #tpu.memory_space<vmem>>, %arg4: memref<256x256xf32, #tpu.memory_space<vmem>>, %arg5: memref<1x256xf32, #tpu.memory_space<vmem>>, %arg6: memref<256x256xf32, #tpu.memory_space<vmem>>, %arg7: memref<1x256xf32, #tpu.memory_space<vmem>>, %arg8: memref<2000x256xf32, #tpu.memory_space<vmem>>, %arg9: memref<10000x1xf32, #tpu.memory_space<vmem>>, %arg10: memref<256x256xf32, #tpu.memory_space<vmem>>, %arg11: memref<1x256xf32, #tpu.memory_space<vmem>>) attributes {dimension_semantics = [#tpu.dimension_semantics<arbitrary>], iteration_bounds = array<i64: 5>, scalar_prefetch = 0 : i64, scratch_operands = 3 : i64, tpu.core_type = #tpu.core_type<tc>, window_params = [{pipeline_mode = #tpu.pipeline_mode<synchronous>, transform_indices = @transform_0, window_bounds = array<i64: 32, 10000>}, {transform_indices = @transform_1, window_bounds = array<i64: 2, 2000, 128>}, {transform_indices = @transform_2, window_bounds = array<i64: 2000, 256>}, {pipeline_mode = #tpu.pipeline_mode<synchronous>, transform_indices = @transform_3, window_bounds = array<i64: 256, 256>}, {pipeline_mode = #tpu.pipeline_mode<synchronous>, transform_indices = @transform_4, window_bounds = array<i64: 1, 256>}, {pipeline_mode = #tpu.pipeline_mode<synchronous>, transform_indices = @transform_5, window_bounds = array<i64: 256, 256>}, {pipeline_mode = #tpu.pipeline_mode<synchronous>, transform_indices = @transform_6, window_bounds = array<i64: 1, 256>}, {transform_indices = @transform_7, window_bounds = array<i64: 2000, 256>}]} {
    %eq3A = arith.constant 0 : i32
    %eq3A_0 = arith.cmpi eq, %arg0, %eq3A : i32
    %convert_element_type3A = arith.extui %eq3A_0 : i1 to i32
    %cond3A = arith.constant 0 : i32
    %cond3A_1 = arith.cmpi ne, %convert_element_type3A, %cond3A : i32
    scf.if %cond3A_1 {
      %get3A_40 = arith.constant 0 : index
      %get3A_41 = arith.constant 0 : index
      %get3A_42 = vector.load %arg6[%get3A_40, %get3A_41] : memref<256x256xf32, #tpu.memory_space<vmem>>, vector<256x256xf32>
      %get3A_43 = arith.constant 0 : index
      %get3A_44 = arith.constant 0 : index
      %get3A_45 = vector.load %arg4[%get3A_43, %get3A_44] : memref<256x256xf32, #tpu.memory_space<vmem>>, vector<256x256xf32>
      %dot_general3A_46 = arith.constant dense<0.000000e+00> : vector<256x256xf32>
      %dot_general3A_47 = tpu.matmul %get3A_45, %get3A_42, %dot_general3A_46 {dimension_numbers = #tpu.dot_dimension_numbers<[1], [0], [0], [1], [0, 0, 1, 1], [], []>, transpose_lhs_hint = false} : vector<256x256xf32>, vector<256x256xf32>, vector<256x256xf32> -> vector<256x256xf32>
      %swap3A_48 = arith.constant 0 : index
      %swap3A_49 = arith.constant 0 : index
      %swap3A_50 = vector.load %arg10[%swap3A_48, %swap3A_49] : memref<256x256xf32, #tpu.memory_space<vmem>>, vector<256x256xf32>
      tpu.vector_store %arg10[%swap3A_48, %swap3A_49], %dot_general3A_47 {strides = array<i32>} : memref<256x256xf32, #tpu.memory_space<vmem>>, vector<256x256xf32>,
      %get3A_51 = arith.constant 0 : index
      %get3A_52 = arith.constant 0 : index
      %get3A_53 = vector.load %arg5[%get3A_51, %get3A_52] : memref<1x256xf32, #tpu.memory_space<vmem>>, vector<1x256xf32>
      %dot_general3A_54 = arith.constant dense<0.000000e+00> : vector<1x256xf32>
      %dot_general3A_55 = tpu.matmul %get3A_53, %get3A_42, %dot_general3A_54 {dimension_numbers = #tpu.dot_dimension_numbers<[1], [0], [0], [1], [0, 0, 1, 1], [], []>, transpose_lhs_hint = false} : vector<1x256xf32>, vector<256x256xf32>, vector<1x256xf32> -> vector<1x256xf32>
      %get3A_56 = arith.constant 0 : index
      %get3A_57 = arith.constant 0 : index
      %get3A_58 = vector.load %arg7[%get3A_56, %get3A_57] : memref<1x256xf32, #tpu.memory_space<vmem>>, vector<1x256xf32>
      %add3A_59 = arith.addf %dot_general3A_55, %get3A_58 : vector<1x256xf32>
      %swap3A_60 = arith.constant 0 : index
      %swap3A_61 = arith.constant 0 : index
      %swap3A_62 = vector.load %arg11[%swap3A_60, %swap3A_61] : memref<1x256xf32, #tpu.memory_space<vmem>>, vector<1x256xf32>
      tpu.vector_store %arg11[%swap3A_60, %swap3A_61], %add3A_59 {strides = array<i32>} : memref<1x256xf32, #tpu.memory_space<vmem>>, vector<1x256xf32>,
    } else {
    }
    %eq3A_2 = arith.constant 0 : i32
    %eq3A_3 = arith.cmpi eq, %arg0, %eq3A_2 : i32
    %convert_element_type3A_4 = arith.extui %eq3A_3 : i1 to i32
    %cond3A_5 = arith.constant 0 : i32
    %cond3A_6 = arith.cmpi ne, %convert_element_type3A_4, %cond3A_5 : i32
    scf.if %cond3A_6 {
      %get3A_40 = arith.constant 0 : index
      %get3A_41 = arith.constant 0 : index
      %get3A_42 = vector.load %arg1[%get3A_40, %get3A_41] : memref<32x10000xf32, #tpu.memory_space<vmem>>, vector<32x10000xf32>
      %reduce_sum3A = arith.constant dense<0.000000e+00> : vector<10000xf32>
      %reduce_sum3A_43 = vector.multi_reduction <add>, %get3A_42, %reduce_sum3A [0] : vector<32x10000xf32> to vector<10000xf32>
      %add3A_44 = arith.constant 1.000000e+00 : f32
      %add3A_45 = vector.broadcast %add3A_44 : f32 to vector<10000xf32>
      %add3A_46 = arith.addf %reduce_sum3A_43, %add3A_45 : vector<10000xf32>
      %rsqrt3A = math.rsqrt %add3A_46 : vector<10000xf32>
      %reshape3A = vector.shape_cast %rsqrt3A : vector<10000xf32> to vector<10000x1xf32>
      %swap3A_47 = arith.constant 0 : index
      %swap3A_48 = arith.constant 0 : index
      %swap3A_49 = vector.load %arg9[%swap3A_47, %swap3A_48] : memref<10000x1xf32, #tpu.memory_space<vmem>>, vector<10000x1xf32>
      tpu.vector_store %arg9[%swap3A_47, %swap3A_48], %reshape3A {strides = array<i32>} : memref<10000x1xf32, #tpu.memory_space<vmem>>, vector<10000x1xf32>,
    } else {
    }
    %mul3A = arith.constant 2000 : i32
    %mul3A_7 = arith.muli %arg0, %mul3A : i32
    %get3A = arith.index_cast %mul3A_7 : i32 to index
    %get3A_8 = arith.constant 0 : index
    %get3A_9 = vector.load %arg9[%get3A, %get3A_8] : memref<10000x1xf32, #tpu.memory_space<vmem>>, vector<2000x1xf32>
    %get3A_10 = arith.constant 0 : index
    %get3A_11 = arith.constant 0 : index
    %get3A_12 = arith.constant 0 : index
    %get3A_13 = vector.load %arg2[%get3A_10, %get3A_11, %get3A_12] : memref<2x2000x128xf32, #tpu.memory_space<vmem>>, vector<2x2000x128xf32>
    %get3A_14 = arith.constant 0 : index
    %get3A_15 = arith.constant 0 : index
    %get3A_16 = vector.load %arg3[%get3A_14, %get3A_15] : memref<2000x256xf32, #tpu.memory_space<vmem>>, vector<2000x256xf32>
    %slice3A = vector.extract_strided_slice %get3A_13 {offsets = [0, 0, 0], sizes = [1, 2000, 128], strides = [1, 1, 1]} : vector<2x2000x128xf32> to vector<1x2000x128xf32>
    %squeeze3A = vector.shape_cast %slice3A : vector<1x2000x128xf32> to vector<2000x128xf32>
    %slice3A_17 = vector.extract_strided_slice %get3A_13 {offsets = [1, 0, 0], sizes = [1, 2000, 128], strides = [1, 1, 1]} : vector<2x2000x128xf32> to vector<1x2000x128xf32>
    %squeeze3A_18 = vector.shape_cast %slice3A_17 : vector<1x2000x128xf32> to vector<2000x128xf32>
    %concatenate3A = tpu.concatenate %squeeze3A, %squeeze3A_18 in 1 : vector<2000x128xf32>, vector<2000x128xf32> -> vector<2000x256xf32>
    %mul3A_19 = arith.constant 5.000000e-01 : f32
    %mul3A_20 = vector.broadcast %mul3A_19 : f32 to vector<2000x1xf32>
    %mul3A_21 = arith.mulf %mul3A_20, %get3A_9 : vector<2000x1xf32>
    %mul3A_22 = vector.broadcast %mul3A_21 : vector<2000x1xf32> to vector<2000x256xf32>
    %mul3A_23 = arith.mulf %mul3A_22, %concatenate3A : vector<2000x256xf32>
    %mul3A_24 = arith.constant 5.000000e-01 : f32
    %mul3A_25 = vector.broadcast %mul3A_24 : f32 to vector<2000x256xf32>
    %mul3A_26 = arith.mulf %mul3A_25, %get3A_16 : vector<2000x256xf32>
    %add3A = arith.addf %mul3A_23, %mul3A_26 : vector<2000x256xf32>
    %max3A = arith.constant 0.000000e+00 : f32
    %max3A_27 = vector.broadcast %max3A : f32 to vector<2000x256xf32>
    %max3A_28 = arith.maximumf %add3A, %max3A_27 : vector<2000x256xf32>
    %get3A_29 = arith.constant 0 : index
    %get3A_30 = arith.constant 0 : index
    %get3A_31 = vector.load %arg10[%get3A_29, %get3A_30] : memref<256x256xf32, #tpu.memory_space<vmem>>, vector<256x256xf32>
    %dot_general3A = arith.constant dense<0.000000e+00> : vector<2000x256xf32>
    %dot_general3A_32 = tpu.matmul %max3A_28, %get3A_31, %dot_general3A {dimension_numbers = #tpu.dot_dimension_numbers<[1], [0], [0], [1], [0, 0, 1, 1], [], []>, transpose_lhs_hint = false} : vector<2000x256xf32>, vector<256x256xf32>, vector<2000x256xf32> -> vector<2000x256xf32>
    %get3A_33 = arith.constant 0 : index
    %get3A_34 = arith.constant 0 : index
    %get3A_35 = vector.load %arg11[%get3A_33, %get3A_34] : memref<1x256xf32, #tpu.memory_space<vmem>>, vector<1x256xf32>
    %add3A_36 = vector.broadcast %get3A_35 : vector<1x256xf32> to vector<2000x256xf32>
    %add3A_37 = arith.addf %dot_general3A_32, %add3A_36 : vector<2000x256xf32>
    %swap3A = arith.constant 0 : index
    %swap3A_38 = arith.constant 0 : index
    %swap3A_39 = vector.load %arg8[%swap3A, %swap3A_38] : memref<2000x256xf32, #tpu.memory_space<vmem>>, vector<2000x256xf32>
    tpu.vector_store %arg8[%swap3A, %swap3A_38], %add3A_37 {strides = array<i32>} : memref<2000x256xf32, #tpu.memory_space<vmem>>, vector<2000x256xf32>,
    return
  }
  func.func @transform_0(%arg0: i32) -> (i32, i32) {
    %c0_i32 = arith.constant 0 : i32
    %c0_i32_0 = arith.constant 0 : i32
    %c0_i32_1 = arith.constant 0 : i32
    return %c0_i32, %c0_i32_0 : i32, i32
  }
  func.func @transform_1(%arg0: i32) -> (i32, i32, i32) {
    %c0_i32 = arith.constant 0 : i32
    %c0_i32_0 = arith.constant 0 : i32
    %c0_i32_1 = arith.constant 0 : i32
    return %c0_i32, %arg0, %c0_i32_0 : i32, i32, i32
  }
  func.func @transform_2(%arg0: i32) -> (i32, i32) {
    %c0_i32 = arith.constant 0 : i32
    %c0_i32_0 = arith.constant 0 : i32
    return %arg0, %c0_i32 : i32, i32
  }
  func.func @transform_3(%arg0: i32) -> (i32, i32) {
    %c0_i32 = arith.constant 0 : i32
    %c0_i32_0 = arith.constant 0 : i32
    %c0_i32_1 = arith.constant 0 : i32
    return %c0_i32, %c0_i32_0 : i32, i32
  }
  func.func @transform_4(%arg0: i32) -> (i32, i32) {
    %c0_i32 = arith.constant 0 : i32
    %c0_i32_0 = arith.constant 0 : i32
    %c0_i32_1 = arith.constant 0 : i32
    return %c0_i32, %c0_i32_0 : i32, i32
  }
  func.func @transform_5(%arg0: i32) -> (i32, i32) {
    %c0_i32 = arith.constant 0 : i32
    %c0_i32_0 = arith.constant 0 : i32
    %c0_i32_1 = arith.constant 0 : i32
    return %c0_i32, %c0_i32_0 : i32, i32
  }
  func.func @transform_6(%arg0: i32) -> (i32, i32) {
    %c0_i32 = arith.constant 0 : i32
    %c0_i32_0 = arith.constant 0 : i32
    %c0_i32_1 = arith.constant 0 : i32
    return %c0_i32, %c0_i32_0 : i32, i32
  }
  func.func @transform_7(%arg0: i32) -> (i32, i32) {
    %c0_i32 = arith.constant 0 : i32
    %c0_i32_0 = arith.constant 0 : i32
    return %arg0, %c0_i32 : i32, i32
  }
}

</mosaic_0001>

<sc_bundles>
// kernel: kernel.11.cloned.1.call-start
scs
__scs_entry_jumppad:
0x0: {  	(pc) =	sbr.rel $0x88, $3  }
0x1: {  	(tag) =	ssettag $0x0;
	lr =	simm.s32 $0x1  }
0x2: {  	[smem:$0x3F9B] =	sst lr;
	_ =	strace $0xD0000000  }
0x3: {  	_ = 	snop  }
0x4: {  	_ = 	snop  }
0x5: {  	_ = 	snop  }
0x6: {  	_ = 	snop  }
0x7: {  	_ = 	snop  }
__scs_overlays_trampoline_lowered:
0x8: {  	[smem:$0x3FAA] =	sst s0  }
0x9: {  	[smem:$0x3FAB] =	sst s1  }
0xa: {  	[smem:$0x3FAC] =	sst s2  }
0xb: {  	[smem:$0x3FAD] =	sst s3  }
0xc: {  	[smem:$0x3FAE] =	sst s4  }
0xd: {  	[smem:$0x3FAF] =	sst s5  }
0xe: {  	[smem:$0x3FB0] =	sst s6  }
0xf: {  	[smem:$0x3FB1] =	sst s7  }
0x10: {  	[smem:$0x3FB2] =	sst s8  }
0x11: {  	[smem:$0x3FB3] =	sst s9;
	s0 =	simm.s32 @!p0 $0x0  }
0x12: {  	s1 =	sld [smem:$0x3F99];
	s0 =	simm.s32 @p0 $0x1  }
0x13: {  	[smem:$0x3FB4] =	sst s0;
	s0 =	simm.s32 @!p1 $0x0  }
0x14: {  	s2 =	sld [smem:$0x3F98];
	s0 =	simm.s32 @p1 $0x1  }
0x15: {  	[smem:$0x3FB5] =	sst s0;
	s0 =	simm.s32 @!p2 $0x0  }
0x16: {  	s3 =	sld [smem:$0x3FDB];
	s0 =	simm.s32 @p2 $0x1  }
0x17: {  	s4 =	simm.s32 $0x1BF5;
	[smem:$0x3FB7] =	sst s0  }
0x18: {  	s0 =	sld [smem:$0x3F9A];
	_ =	swait.ge [sflag:s4], $0x0  }
0x19: {  	s7 =	sld [smem:$0x3F9B]  }
0x1a: {  	s8 =	sadd.s32 $0xFFFFE003, lr  }
0x1b: {  	s9 =	sadd.s32 $0xFFFFFEF7, lr;
	s5 =	simm.s32 $0xFFFFFFFF;
	p2 =	slt.u32 s8, $0xFFFFF086  }
0x1c: {  	p1 =	slt.u32 s9, $0xF7A;
	s5 =	simm.s32 @!p2 $0x0  }
0x1d: {  	s5 =	simm.s32 @p1 $0x1;
	p0 =	seq.s32 s7, s2  }
0x1e: {  	s7 =	smul.u32 @!p0 $0xF7A, s2;
	p2 =	seq.s32 @!p0 s5, $0x0  }
0x1f: {  	s9 =	smul.u32 $0xF7A, s1;
	s8 =	simm.s32 @!p0 $0x1BF5;
	p2 =	por !p2, p0  }
0x20: {  	[sflag:s8] =	ssyncset.s32 @!p0 $0xFFFFF086;
	s6 =	sadd.s32 @!p0 s3, s7;
	s7 =	simm.s32 @!p0 $0x108  }
0x21: {  	s3 =	sadd.s32 s3, s9;
	s6 =	sadd.s32 @!p0 $0x88, s6;
	s7 =	simm.s32 @p2 $0x1082  }
0x22: {  	[simem:s7], [sflag:s8] =	dma.local @!p0 [hbm:s6], $0xF7A  }
0x23: {  	s9 =	sor.u32 $0xD0000000, s2;
	s6 =	simm.s32 $0x108;
	_ =	swait.ge @!p0 [sflag:s8], $0x0  }
0x24: {  	s3 =	sadd.s32 $0x88, s3;
	s6 =	simm.s32 @!p1 $0x1082;
	[sflag:s4] =	ssyncset.s32 $0xFFFFF086  }
0x25: {  	[simem:s6], [sflag:s4] =	dma.local [hbm:s3], $0xF7A  }
0x26: {  	[smem:$0x3F9B] =	sst s1;
	(tag) =	ssettag s2;
	_ =	strace s9  }
0x27: {  	s1 =	sld [smem:$0x3FAB]  }
0x28: {  	s2 =	sld [smem:$0x3FAC]  }
0x29: {  	s4 =	sld [smem:$0x3FAE]  }
0x2a: {  	p0 =	seq.s32 s5, $0x0;
	s5 =	sld [smem:$0x3FAF]  }
0x2b: {  	s6 =	sld [smem:$0x3FB0]  }
0x2c: {  	s7 =	sld [smem:$0x3FB1]  }
0x2d: {  	s3 =	simm.s32 $0x108;
	s8 =	sld [smem:$0x3FB2]  }
0x2e: {  	s3 =	simm.s32 @!p0 $0x1082;
	s9 =	sld [smem:$0x3FB3]  }
0x2f: {  	lr =	sadd.s32 s0, s3;
	s0 =	sld [smem:$0x3FAA]  }
0x30: {  	s3 =	sld [smem:$0x3FAD]  }
0x31: {  	[smem:$0x3FB6] =	sst s10  }
0x32: {  	s10 =	sld [smem:$0x3FB4];
	_ =	sdelay $0x3  }
0x33: {  	p0 =	seq.s32 s10, $0x1;
	s10 =	sld [smem:$0x3FB6];
	_ =	sdelay $0x3  }
0x34: {  	[smem:$0x3FB6] =	sst s10  }
0x35: {  	s10 =	sld [smem:$0x3FB5];
	_ =	sdelay $0x3  }
0x36: {  	p1 =	seq.s32 s10, $0x1;
	s10 =	sld [smem:$0x3FB6];
	_ =	sdelay $0x3  }
0x37: {  	[smem:$0x3FB6] =	sst s10  }
0x38: {  	s10 =	sld [smem:$0x3FB7]  }
0x39: {  	_ = 	snop;
	(pc) =	sbr.ind lr, $3  }
0x3a: {  	_ = 	snop  }
0x3b: {  	_ = 	snop  }
0x3c: {  	p2 =	seq.s32 s10, $0x1;
	s10 =	sld [smem:$0x3FB6]  }
0x3d: {  	_ =	shalt  }
0x3e: {  	_ =	shalt  }
0x3f: {  	_ =	shalt  }
0x40: {  	_ =	shalt  }
0x41: {  	_ =	shalt  }
0x42: {  	_ =	shalt  }
0x43: {  	_ =	shalt  }
0x44: {  	_ =	shalt  }
0x45: {  	_ =	shalt  }
0x46: {  	_ =	shalt  }
0x47: {  	_ =	shalt  }
0x48: {  	_ =	shalt  }
0x49: {  	_ =	shalt  }
0x4a: {  	_ =	shalt  }
0x4b: {  	_ =	shalt  }
0x4c: {  	_ =	shalt  }
0x4d: {  	_ =	shalt  }
0x4e: {  	_ =	shalt  }
0x4f: {  	_ =	shalt  }
0x50: {  	_ =	shalt  }
0x51: {  	_ =	shalt  }
0x52: {  	_ =	shalt  }
0x53: {  	_ =	shalt  }
0x54: {  	_ =	shalt  }
0x55: {  	_ =	shalt  }
0x56: {  	_ =	shalt  }
0x57: {  	_ =	shalt  }
0x58: {  	_ =	shalt  }
0x59: {  	_ =	shalt  }
0x5a: {  	_ =	shalt  }
0x5b: {  	_ =	shalt  }
0x5c: {  	_ =	shalt  }
0x5d: {  	_ =	shalt  }
0x5e: {  	_ =	shalt  }
0x5f: {  	_ =	shalt  }
0x60: {  	_ =	shalt  }
0x61: {  	_ =	shalt  }
0x62: {  	_ =	shalt  }
0x63: {  	_ =	shalt  }
0x64: {  	_ =	shalt  }
0x65: {  	_ =	shalt  }
0x66: {  	_ =	shalt  }
0x67: {  	_ =	shalt  }
0x68: {  	_ =	shalt  }
0x69: {  	_ =	shalt  }
0x6a: {  	_ =	shalt  }
0x6b: {  	_ =	shalt  }
0x6c: {  	_ =	shalt  }
0x6d: {  	_ =	shalt  }
0x6e: {  	_ =	shalt  }
0x6f: {  	_ =	shalt  }
0x70: {  	_ =	shalt  }
0x71: {  	_ =	shalt  }
0x72: {  	_ =	shalt  }
0x73: {  	_ =	shalt  }
0x74: {  	_ =	shalt  }
0x75: {  	_ =	shalt  }
0x76: {  	_ =	shalt  }
0x77: {  	_ =	shalt  }
0x78: {  	_ =	shalt  }
0x79: {  	_ =	shalt  }
0x7a: {  	_ =	shalt  }
0x7b: {  	_ =	shalt  }
0x7c: {  	_ =	shalt  }
0x7d: {  	_ =	shalt  }
0x7e: {  	_ =	shalt  }
0x7f: {  	_ =	shalt  }
0x80: {  	_ =	shalt  }
0x81: {  	_ =	shalt  }
0x82: {  	_ =	shalt  }
0x83: {  	_ =	shalt  }
0x84: {  	_ =	shalt  }
0x85: {  	_ =	shalt  }
0x86: {  	_ =	shalt  }
0x87: {  	_ =	shalt  }
.Lfunc_end0:
.L_simem_size_0:
called_computation.1_lowered:
.L_overlay_start_0:
0x88: {  	s2 =	sld [smem:$0x3FD9]  }
0x89: {  	s3 =	sld [smem:$0x3FFE];
	_ =	sdelay $0x1  }
0x8a: {  	s1 =	srdreg.scid  }
0x8b: {  	s0 =	sand.u32 $0x1, s1  }
0x8c: {  	s17 =	sshll.u32 s0, $0xA;
	s2 =	sadd.s32 s3, s2  }
0x8d: {  	s2 =	sadd.s32 s2, s17  }
0x8e: {  	[smem:$0x3FC2] =	sst s2  }
0x8f: {  	_ = 	snop  }
0x90: {  	s2 =	sld [smem:$0x3FD0];
	(tm) =	ssettm $0x1  }
0x91: {  	s18 =	sld [smem:$0x3FFB];
	_ =	sdelay $0x3  }
0x92: {  	_ =	strace s18  }
0x93: {  	s3 =	sld [smem:$0x3FFC];
	_ =	sdelay $0x3  }
0x94: {  	_ =	strace s3  }
0x95: {  	s3 =	sld [smem:$0x3FFD];
	_ =	sdelay $0x3  }
0x96: {  	_ =	strace s3  }
0x97: {  	_ =	strace $0x8FFFFFFF  }
0x98: {  	s19 =	sld [smem:$0x3FDB];
	_ =	sdelay $0x1  }
0x99: {  	s4 =	simm.s32 $_scs_section_size  }
0x9a: {  	s5 =	simm.s32 $_size__tile_overlayer_lowered;
	s6 =	simm.s32 $_tile_overlayer_lowered  }
0x9b: {  	s22 =	simm.s32 $0x1BFF;
	s21 =	sshll.u32 s6, $0x1;
	s3 =	sadd.s32 s4, s19  }
0x9c: {  	s7 =	simm.s32 $0x0;
	s20 =	sshll.u32 s5, $0x1;
	s5 =	sadd.s32 s21, s3  }
0x9d: {  	[timem:s7], [sflag:s22] =	dma.local [hbm:s5], s20  }
0x9e: {  	_ =	swait.ge [sflag:s22], s20  }
0x9f: {  	s4 =	ssub.s32 $0x0, s20;
	[sflag:s22] =	ssyncset.done $0x0  }
0xa0: {  	[sflag:s22] =	ssyncadd.s32 s4;
	_ =	sdelay $0x1  }
0xa1: {  	s23 =	simm.s32 $0x1B8B  }
0xa2: {  	_ =	swait.ge [sflag:s23], $0x1  }
0xa3: {  	[sflag:s23] =	ssyncset.done $0x0  }
0xa4: {  	s25 =	simm.s32 $0x1B8E;
	s24 =	sld [smem:$0x3FFE];
	[sflag:s23] =	ssyncadd.s32 $0xFFFFFFFF  }
0xa5: {  	s26 =	simm.s32 $execute0_lowered;
	[smem:$0x3FD2] =	sst s25  }
0xa6: {  	s5 =	sshll.u32 s26, $0x1;
	_ =	strace $0x80000049;
	[dreg:$0x1] =	wrdreg $0xFFFFFFFF  }
0xa7: {  	s28 =	simm.s32 $_size_execute0_lowered;
	s3 =	sadd.s32 s3, s5;
	[dreg:$0x0] =	wrdreg $0x0  }
0xa8: {  	s5 =	sshll.u32 s28, $0x1;
	[dreg:$0x2] =	wrdreg s3  }
0xa9: {  	[dreg:$0x3] =	wrdreg s5  }
0xaa: {  	[dreg:$0x4] =	wrdreg $0xC0  }
0xab: {  	_ =	task [dreg:s7], $0x5FFFF  }
0xac: {  	[dreg:$0x1] =	wrdreg $0xFFFFFFFF  }
0xad: {  	[dreg:$0x0] =	wrdreg $0x60  }
0xae: {  	[dreg:$0x2] =	wrdreg s2  }
0xaf: {  	[dreg:$0x3] =	wrdreg s24  }
0xb0: {  	[dreg:$0x4] =	wrdreg $0x0  }
0xb1: {  	[dreg:$0x5] =	wrdreg $0x9  }
0xb2: {  	_ =	task.clear_ibuf [dreg:s7], $0x6FFFF;
	_ =	strace $0x90000049  }
0xb3: {  	s29 =	simm.s32 $0x9;
	_ =	strace $0x8000004B  }
0xb4: {  	_ =	swait.ge [sflag:s29], $0x1  }
0xb5: {  	[sflag:s29] =	ssyncadd.s32 $0xFFFFFFFF  }
0xb6: {  	_ =	strace $0x9000004B  }
0xb7: {  	_ =	sfence  }
0xb8: {  	s30 =	sld [smem:$0x0];
	_ =	sdelay $0x2  }
0xb9: {  	s31 =	sshll.u32 s1, $0xD;
	s1 =	sshrl.u32 s1, $0x2  }
0xba: {  	s3 =	sand.u32 $0x4000, s31;
	s1 =	sadd.s32 s1, s30  }
0xbb: {  	s0 =	sor.u32 s3, s0;
	s1 =	sshll.u32 s1, $0x11  }
0xbc: {  	s0 =	sor.u32 s1, s0  }
0xbd: {  	s0 =	sadd.s32 $0x8F2B, s0  }
0xbe: {  	[sflag:s0] =	ssyncadd.remote.s32 $0x1  }
0xbf: {  	_ =	sfence.sel $0xFFFF  }
0xc0: {  	[dreg:$0x0] =	wrdreg $0xFFFFFFFF;
	(pc) =	sbr.abs _section_cstart, $3  }
0xc1: {  	[dreg:$0x1] =	wrdreg $0xFFFFFFFF  }
0xc2: {  	_ =	task.clear_ibuf [dreg:s7], $0x2FFFF;
	_ =	strace $0x9FFFFFFF  }
0xc3: {  	(tm) =	ssettm $0x7FFFFFFF  }
tec
execute0_lowered:
.L_overlay_start_1:
0x0: {  	(tag) =	ssettag $0x1  }
0x1: {  	s0 =	rddreg [dreg:$0x0]  }
0x2: {  	s1 =	rddreg [dreg:$0x1];
	s2 =	srdreg.scid  }
0x3: {  	s3 =	rddreg [dreg:$0x2];
	s12 =	stileid.u32  }
0x4: {  	s4 =	simm.s32 $0x0;
	s28 =	simm.s32 $0x7D;
	s6 =	smul.u32 $0x271, s12  }
0x5: {  	s29 =	simm.s32 $0x13880;
	s30 =	simm.s32 $0x5;
	s8 =	smul.u32 $0x4E200, s12  }
0x6: {  	s31 =	simm.s32 $0x17700;
	s2 =	sand.u32 $0x1, s2;
	s15 =	smul.u32 $0x500, s12  }
0x7: {  	[smem:$0x7FF] =	sst s4;
	s7 =	sadd.s32 $0x8000, s1;
	s16 =	smul.u32 $0x2800, s12  }
0x8: {  	s26 =	sadd.s32 $0x12000, s1;
	s14 =	sshll.u32 s12, $0x6;
	s19 =	smul.u32 $0x50, s12  }
0x9: {  	s5 =	smul.u32 $0x2710, s2;
	_ =	strace $0x8000004A;
	s9 =	ssub.s32 $0x2, s2  }
0xa: {  	s10 =	sshll.u32 s2, $0x4;
	[dreg:$0x6] =	wrdreg s14;
	s2 =	smul.u32 $0x500, s2  }
0xb: {  	s11 =	sshrl.u32 s9, $0x1;
	s10 =	sor.u32 s12, s10;
	s8 =	sshrl.u32 s8, $0x2  }
0xc: {  	s12 =	simm.s32 $0x2;
	s5 =	sadd.s32 s6, s5;
	s9 =	ssub.s32 s9, s11  }
0xd: {  	s8 =	sadd.s32 s8, s3;
	s10 =	smul.u32 $0x500, s10;
	s11 =	sor.u32 $0x1C0D, s14  }
0xe: {  	s2 =	sadd.s32 s19, s2;
	s14 =	simm.s32 $0x3;
	s19 =	simm.s32 $0x0  }
0xf: {  	s5 =	sshll.u32 s5, $0x4;
	[dreg:$0x7] =	wrdreg s11;
	s11 =	sshrl.u32 s16, $0x3  }
0x10: {  	s2 =	sshll.u32 s2, $0x4;
	s25 =	smax.u32 s9, $0x1;
	s9 =	simm.s32 $0x6  }
0x11: {  	s1 =	sadd.s32 s5, s1;
	s5 =	sadd.s32 s0, s5;
	[dreg:$0x12] =	wrdreg s25  }
0x12: {  	s16 =	simm.s32 $0xB;
	s13 =	sadd.s32 s7, s10;
	[dreg:$0x5] =	wrdreg s5  }
0x13: {  	s6 =	sadd.s32 s26, s11;
	s10 =	sadd.s32 $0x10, s13;
	[dreg:$0x8] =	wrdreg s13  }
0x14: {  	s25 =	simm.s32 $0x1F600;
	s17 =	sadd.s32 $0x20, s13;
	[dreg:$0x9] =	wrdreg s10  }
0x15: {  	s11 =	simm.s32 $0x1B580;
	s21 =	sadd.s32 $0x30, s13;
	[dreg:$0xa] =	wrdreg s17  }
0x16: {  	s23 =	sadd.s32 $0x40, s13;
	s24 =	sadd.s32 $0x4F0, s6;
	[dreg:$0xd] =	wrdreg s21  }
0x17: {  	s1 =	sadd.s32 $0x17000, s1;
	s5 =	simm.s32 $0x7;
	[dreg:$0xf] =	wrdreg s23  }
0x18: {  	s6 =	simm.s32 $0x8;
	s13 =	simm.s32 $0xA;
	[dreg:$0x10] =	wrdreg s24  }
0x19: {  	s10 =	sadd.s32 s26, s15;
	[dreg:$0x11] =	wrdreg s1;
	s26 =	sadd.s32 s2, s7  }
0x1a: {  	s21 =	simm.s32 $0x1F400;
	s23 =	simm.s32 $0x1F500;
	s24 =	simm.s32 $0x1F580  }
0x1b: {  	s2 =	simm.s32 $0x1;
	s18 =	sadd.s32 $0x10, s10;
	[dreg:$0x4] =	wrdreg s26  }
0x1c: {  	s7 =	simm.s32 $0x1F680;
	s20 =	sadd.s32 $0x20, s10;
	[dreg:$0xb] =	wrdreg s18  }
0x1d: {  	s15 =	simm.s32 $0x9;
	s22 =	sadd.s32 $0x30, s10;
	[dreg:$0xc] =	wrdreg s20  }
0x1e: {  	s17 =	simm.s32 $0xC;
	[dreg:$0xe] =	wrdreg s22;
	s18 =	sshrl.u32 s8, $0x3  }
0x1f: {  	s26 =	simm.s32 $0x4;
	s22 =	simm.s32 $0x1F480;
	[dreg:$0x13] =	wrdreg s18  }
.LBB2_1:
0x20: {  	[dreg:$0x14] =	wrdreg s19  }
0x21: {  	s1 =	rddreg [dreg:$0x5]  }
0x22: {  	s8 =	rddreg [dreg:$0x7]  }
0x23: {  	[spmem:s18], [sflag:s8] =	dma.local [hbm:s1], $0x2710  }
0x24: {  	s1 =	rddreg [dreg:$0x8]  }
0x25: {  	[tilespmem:s21], [sflag:$0x4] =	stream.linear.gather [hbm4b:s1+s4], $0x80, $0x38;
	[tilespmem:$0x1F700] =	vst v63  }
0x26: {  	s19 =	rddreg [dreg:$0x9]  }
0x27: {  	[tilespmem:s22], [sflag:$0x5] =	stream.linear.gather [hbm4b:s19+s4], $0x80, $0x38;
	[tilespmem:$0x1F700] =	vst v63  }
0x28: {  	s20 =	rddreg [dreg:$0xa]  }
0x29: {  	[tilespmem:s23], [sflag:$0x6] =	stream.linear.gather [hbm4b:s20+s4], $0x80, $0x38;
	[tilespmem:$0x1F700] =	vst v63  }
0x2a: {  	_ = 	snop  }
0x2b: {  	[tilespmem:s24], [sflag:$0x7] =	stream.linear.gather [hbm4b:s10+s4], $0x80, $0x38;
	[tilespmem:$0x1F700] =	vst v63  }
0x2c: {  	s8 =	rddreg [dreg:$0xb]  }
0x2d: {  	[tilespmem:s25], [sflag:$0x8] =	stream.linear.gather [hbm4b:s8+s4], $0x80, $0x38;
	[tilespmem:$0x1F700] =	vst v63  }
0x2e: {  	_ =	swait.ge [sflag:s26], $0x80  }
0x2f: {  	[sflag:s26] =	ssyncset.done $0x0  }
0x30: {  	[sflag:s26] =	ssyncadd.s32 $0xFFFFFF80  }
0x31: {  	[tilespmem:s29], [sflag:$0x1] =	stream.indirect.gather [hbm4b:s0+s28], $0x80, s21, s28, $0xb8;
	[tilespmem:$0x1F700] =	vst v63  }
0x32: {  	_ =	swait.ge [sflag:s30], $0x80  }
0x33: {  	[sflag:s30] =	ssyncset.done $0x0  }
0x34: {  	s18 =	simm.s32 $0xD;
	[sflag:s30] =	ssyncadd.s32 $0xFFFFFF80  }
0x35: {  	[tilespmem:s31], [sflag:$0x2] =	stream.indirect.gather [hbm4b:s0+s28], $0x80, s22, s28, $0xb8;
	[tilespmem:$0x1F700] =	vst v63  }
0x36: {  	_ =	swait.ge [sflag:s18], $0x2710  }
0x37: {  	[sflag:s18] =	ssyncset.done $0x0  }
0x38: {  	[sflag:s18] =	ssyncadd.s32 $0xFFFFD8F0  }
0x39: {  	[bflag:$0x0] =	sbarrier.arrive $0xFFFF  }
0x3a: {  	_ =	swait.ge [sflag:s2], $0x3E80  }
0x3b: {  	[sflag:s2] =	ssyncset.done $0x0  }
0x3c: {  	[sflag:s2] =	ssyncadd.s32 $0xFFFFC180  }
0x3d: {  	_ =	swait.ge [sflag:s5], $0x80  }
0x3e: {  	[sflag:s5] =	ssyncset.done $0x0  }
0x3f: {  	[sflag:s5] =	ssyncadd.s32 $0xFFFFFF80  }
0x40: {  	[spmem:s3] =	stream.indirect.scatter.add.f32 [tilespmem:s29], [sflag:$0xA], $0x80, s24, s28, $0xb8;
	[tilespmem:$0x1F700] =	vst v63  }
0x41: {  	s19 =	rddreg [dreg:$0xc]  }
0x42: {  	[tilespmem:s7], [sflag:$0x9] =	stream.linear.gather [hbm4b:s19+s4], $0x80, $0x38;
	[tilespmem:$0x1F700] =	vst v63  }
0x43: {  	s20 =	rddreg [dreg:$0xd]  }
0x44: {  	[tilespmem:s21], [sflag:$0x4] =	stream.linear.gather [hbm4b:s20+s4], $0x80, $0x38;
	[tilespmem:$0x1F700] =	vst v63  }
0x45: {  	_ =	swait.ge [sflag:s9], $0x80  }
0x46: {  	[sflag:s9] =	ssyncset.done $0x0  }
0x47: {  	[sflag:s9] =	ssyncadd.s32 $0xFFFFFF80  }
0x48: {  	[tilespmem:s11], [sflag:$0x3] =	stream.indirect.gather [hbm4b:s0+s28], $0x80, s23, s28, $0xb8;
	[tilespmem:$0x1F700] =	vst v63  }
0x49: {  	_ =	swait.ge [sflag:s12], $0x3E80  }
0x4a: {  	[sflag:s12] =	ssyncset.done $0x0  }
0x4b: {  	[sflag:s12] =	ssyncadd.s32 $0xFFFFC180  }
0x4c: {  	_ =	swait.ge [sflag:s6], $0x80  }
0x4d: {  	[sflag:s6] =	ssyncset.done $0x0  }
0x4e: {  	[sflag:s6] =	ssyncadd.s32 $0xFFFFFF80  }
0x4f: {  	[spmem:s3] =	stream.indirect.scatter.add.f32 [tilespmem:s31], [sflag:$0xB], $0x80, s25, s28, $0xb8;
	[tilespmem:$0x1F700] =	vst v63  }
0x50: {  	_ =	swait.ge [sflag:s13], $0x3E80  }
0x51: {  	[sflag:s13] =	ssyncset.done $0x0  }
0x52: {  	s8 =	rddreg [dreg:$0xe];
	[sflag:s13] =	ssyncadd.s32 $0xFFFFC180  }
0x53: {  	[tilespmem:s24], [sflag:$0x7] =	stream.linear.gather [hbm4b:s8+s4], $0x80, $0x38;
	[tilespmem:$0x1F700] =	vst v63  }
0x54: {  	s18 =	rddreg [dreg:$0xf]  }
0x55: {  	[tilespmem:s22], [sflag:$0x5] =	stream.linear.gather [hbm4b:s18+s4], $0x80, $0x38;
	[tilespmem:$0x1F700] =	vst v63  }
0x56: {  	_ =	swait.ge [sflag:s26], $0x80  }
0x57: {  	[sflag:s26] =	ssyncset.done $0x0  }
0x58: {  	[sflag:s26] =	ssyncadd.s32 $0xFFFFFF80  }
0x59: {  	[tilespmem:s29], [sflag:$0x1] =	stream.indirect.gather [hbm4b:s0+s28], $0x80, s21, s28, $0xb8;
	[tilespmem:$0x1F700] =	vst v63  }
0x5a: {  	_ =	swait.ge [sflag:s14], $0x3E80  }
0x5b: {  	[sflag:s14] =	ssyncset.done $0x0  }
0x5c: {  	[sflag:s14] =	ssyncadd.s32 $0xFFFFC180  }
0x5d: {  	_ =	swait.ge [sflag:s15], $0x80  }
0x5e: {  	[sflag:s15] =	ssyncset.done $0x0  }
0x5f: {  	[sflag:s15] =	ssyncadd.s32 $0xFFFFFF80  }
0x60: {  	[spmem:s3] =	stream.indirect.scatter.add.f32 [tilespmem:s11], [sflag:$0xC], $0x80, s7, s28, $0xb8;
	[tilespmem:$0x1F700] =	vst v63  }
0x61: {  	_ =	swait.ge [sflag:s16], $0x3E80  }
0x62: {  	s1 =	sadd.s32 $0x0, s10;
	[sflag:s16] =	ssyncset.done $0x0;
	s19 =	rddreg [dreg:$0x4]  }
0x63: {  	s20 =	sadd.s32 $0x40, s1;
	[sflag:s16] =	ssyncadd.s32 $0xFFFFC180;
	s8 =	sadd.s32 $0x0, s19  }
0x64: {  	[tilespmem:s25], [sflag:$0x8] =	stream.linear.gather [hbm4b:s20+s4], $0x80, $0x38;
	[tilespmem:$0x1F700] =	vst v63  }
0x65: {  	s19 =	sadd.s32 $0x50, s8  }
0x66: {  	[tilespmem:s23], [sflag:$0x6] =	stream.linear.gather [hbm4b:s19+s4], $0x80, $0x38;
	[tilespmem:$0x1F700] =	vst v63  }
0x67: {  	_ =	swait.ge [sflag:s30], $0x80  }
0x68: {  	[sflag:s30] =	ssyncset.done $0x0  }
0x69: {  	[sflag:s30] =	ssyncadd.s32 $0xFFFFFF80  }
0x6a: {  	[tilespmem:s31], [sflag:$0x2] =	stream.indirect.gather [hbm4b:s0+s28], $0x80, s22, s28, $0xb8;
	[tilespmem:$0x1F700] =	vst v63  }
0x6b: {  	_ =	swait.ge [sflag:s2], $0x3E80  }
0x6c: {  	[sflag:s2] =	ssyncset.done $0x0  }
0x6d: {  	[sflag:s2] =	ssyncadd.s32 $0xFFFFC180  }
0x6e: {  	_ =	swait.ge [sflag:s5], $0x80  }
0x6f: {  	[sflag:s5] =	ssyncset.done $0x0  }
0x70: {  	[sflag:s5] =	ssyncadd.s32 $0xFFFFFF80  }
0x71: {  	[spmem:s3] =	stream.indirect.scatter.add.f32 [tilespmem:s29], [sflag:$0xA], $0x80, s24, s28, $0xb8;
	[tilespmem:$0x1F700] =	vst v63  }
0x72: {  	_ =	swait.ge [sflag:s17], $0x3E80  }
0x73: {  	[sflag:s17] =	ssyncset.done $0x0  }
0x74: {  	s20 =	sadd.s32 $0x50, s1;
	[sflag:s17] =	ssyncadd.s32 $0xFFFFC180  }
0x75: {  	[tilespmem:s7], [sflag:$0x9] =	stream.linear.gather [hbm4b:s20+s4], $0x80, $0x38;
	[tilespmem:$0x1F700] =	vst v63  }
0x76: {  	s19 =	sadd.s32 $0x60, s8  }
0x77: {  	[tilespmem:s21], [sflag:$0x4] =	stream.linear.gather [hbm4b:s19+s4], $0x80, $0x38;
	[tilespmem:$0x1F700] =	vst v63  }
0x78: {  	_ =	swait.ge [sflag:s9], $0x80  }
0x79: {  	[sflag:s9] =	ssyncset.done $0x0  }
0x7a: {  	[sflag:s9] =	ssyncadd.s32 $0xFFFFFF80  }
0x7b: {  	[tilespmem:s11], [sflag:$0x3] =	stream.indirect.gather [hbm4b:s0+s28], $0x80, s23, s28, $0xb8;
	[tilespmem:$0x1F700] =	vst v63  }
0x7c: {  	_ =	swait.ge [sflag:s12], $0x3E80  }
0x7d: {  	[sflag:s12] =	ssyncset.done $0x0  }
0x7e: {  	[sflag:s12] =	ssyncadd.s32 $0xFFFFC180  }
0x7f: {  	_ =	swait.ge [sflag:s6], $0x80  }
0x80: {  	[sflag:s6] =	ssyncset.done $0x0  }
0x81: {  	[sflag:s6] =	ssyncadd.s32 $0xFFFFFF80  }
0x82: {  	[spmem:s3] =	stream.indirect.scatter.add.f32 [tilespmem:s31], [sflag:$0xB], $0x80, s25, s28, $0xb8;
	[tilespmem:$0x1F700] =	vst v63  }
0x83: {  	_ =	swait.ge [sflag:s13], $0x3E80  }
0x84: {  	[sflag:s13] =	ssyncset.done $0x0  }
0x85: {  	s1 =	sadd.s32 $0x60, s1;
	[sflag:s13] =	ssyncadd.s32 $0xFFFFC180  }
0x86: {  	[tilespmem:s24], [sflag:$0x7] =	stream.linear.gather [hbm4b:s1+s4], $0x80, $0x38;
	[tilespmem:$0x1F700] =	vst v63  }
0x87: {  	s20 =	sadd.s32 $0x70, s8  }
0x88: {  	[tilespmem:s22], [sflag:$0x5] =	stream.linear.gather [hbm4b:s20+s4], $0x80, $0x38;
	[tilespmem:$0x1F700] =	vst v63  }
0x89: {  	_ =	swait.ge [sflag:s26], $0x80  }
0x8a: {  	[sflag:s26] =	ssyncset.done $0x0  }
0x8b: {  	s8 =	simm.s32 $0x30;
	[sflag:s26] =	ssyncadd.s32 $0xFFFFFF80  }
.LBB2_2:
0x8c: {  	[tilespmem:s29], [sflag:$0x1] =	stream.indirect.gather [hbm4b:s0+s28], $0x80, s21, s28, $0xb8;
	[tilespmem:$0x1F700] =	vst v63  }
0x8d: {  	_ =	swait.ge [sflag:s14], $0x3E80  }
0x8e: {  	[sflag:s14] =	ssyncset.done $0x0  }
0x8f: {  	[sflag:s14] =	ssyncadd.s32 $0xFFFFC180  }
0x90: {  	_ =	swait.ge [sflag:s15], $0x80  }
0x91: {  	[sflag:s15] =	ssyncset.done $0x0  }
0x92: {  	[sflag:s15] =	ssyncadd.s32 $0xFFFFFF80  }
0x93: {  	[spmem:s3] =	stream.indirect.scatter.add.f32 [tilespmem:s11], [sflag:$0xC], $0x80, s7, s28, $0xb8;
	[tilespmem:$0x1F700] =	vst v63  }
0x94: {  	s18 =	smov.u32 s8;
	_ =	swait.ge [sflag:s16], $0x3E80  }
0x95: {  	s1 =	sadd.s32 s18, s10;
	[sflag:s16] =	ssyncset.done $0x0;
	s20 =	rddreg [dreg:$0x4]  }
0x96: {  	s19 =	sadd.s32 $0x40, s1;
	[sflag:s16] =	ssyncadd.s32 $0xFFFFC180;
	s18 =	sadd.s32 s18, s20  }
0x97: {  	[tilespmem:s25], [sflag:$0x8] =	stream.linear.gather [hbm4b:s19+s4], $0x80, $0x38;
	[tilespmem:$0x1F700] =	vst v63  }
0x98: {  	s20 =	sadd.s32 $0x50, s18  }
0x99: {  	[tilespmem:s23], [sflag:$0x6] =	stream.linear.gather [hbm4b:s20+s4], $0x80, $0x38;
	[tilespmem:$0x1F700] =	vst v63  }
0x9a: {  	_ =	swait.ge [sflag:s30], $0x80  }
0x9b: {  	[sflag:s30] =	ssyncset.done $0x0  }
0x9c: {  	[sflag:s30] =	ssyncadd.s32 $0xFFFFFF80  }
0x9d: {  	[tilespmem:s31], [sflag:$0x2] =	stream.indirect.gather [hbm4b:s0+s28], $0x80, s22, s28, $0xb8;
	[tilespmem:$0x1F700] =	vst v63  }
0x9e: {  	_ =	swait.ge [sflag:s2], $0x3E80  }
0x9f: {  	[sflag:s2] =	ssyncset.done $0x0  }
0xa0: {  	[sflag:s2] =	ssyncadd.s32 $0xFFFFC180  }
0xa1: {  	_ =	swait.ge [sflag:s5], $0x80  }
0xa2: {  	[sflag:s5] =	ssyncset.done $0x0  }
0xa3: {  	[sflag:s5] =	ssyncadd.s32 $0xFFFFFF80  }
0xa4: {  	[spmem:s3] =	stream.indirect.scatter.add.f32 [tilespmem:s29], [sflag:$0xA], $0x80, s24, s28, $0xb8;
	[tilespmem:$0x1F700] =	vst v63  }
0xa5: {  	_ =	swait.ge [sflag:s17], $0x3E80  }
0xa6: {  	[sflag:s17] =	ssyncset.done $0x0  }
0xa7: {  	s20 =	sadd.s32 $0x50, s1;
	[sflag:s17] =	ssyncadd.s32 $0xFFFFC180  }
0xa8: {  	[tilespmem:s7], [sflag:$0x9] =	stream.linear.gather [hbm4b:s20+s4], $0x80, $0x38;
	[tilespmem:$0x1F700] =	vst v63  }
0xa9: {  	s20 =	sadd.s32 $0x60, s18  }
0xaa: {  	[tilespmem:s21], [sflag:$0x4] =	stream.linear.gather [hbm4b:s20+s4], $0x80, $0x38;
	[tilespmem:$0x1F700] =	vst v63  }
0xab: {  	_ =	swait.ge [sflag:s9], $0x80  }
0xac: {  	[sflag:s9] =	ssyncset.done $0x0  }
0xad: {  	[sflag:s9] =	ssyncadd.s32 $0xFFFFFF80  }
0xae: {  	[tilespmem:s11], [sflag:$0x3] =	stream.indirect.gather [hbm4b:s0+s28], $0x80, s23, s28, $0xb8;
	[tilespmem:$0x1F700] =	vst v63  }
0xaf: {  	_ =	swait.ge [sflag:s12], $0x3E80  }
0xb0: {  	[sflag:s12] =	ssyncset.done $0x0  }
0xb1: {  	[sflag:s12] =	ssyncadd.s32 $0xFFFFC180  }
0xb2: {  	_ =	swait.ge [sflag:s6], $0x80  }
0xb3: {  	[sflag:s6] =	ssyncset.done $0x0  }
0xb4: {  	[sflag:s6] =	ssyncadd.s32 $0xFFFFFF80  }
0xb5: {  	[spmem:s3] =	stream.indirect.scatter.add.f32 [tilespmem:s31], [sflag:$0xB], $0x80, s25, s28, $0xb8;
	[tilespmem:$0x1F700] =	vst v63  }
0xb6: {  	_ =	swait.ge [sflag:s13], $0x3E80  }
0xb7: {  	[sflag:s13] =	ssyncset.done $0x0  }
0xb8: {  	p0 =	sne.s32 s8, $0x480;
	s1 =	sadd.s32 $0x60, s1;
	[sflag:s13] =	ssyncadd.s32 $0xFFFFC180  }
0xb9: {  	[tilespmem:s24], [sflag:$0x7] =	stream.linear.gather [hbm4b:s1+s4], $0x80, $0x38;
	[tilespmem:$0x1F700] =	vst v63  }
.Ltmp0:
0xba: {  	s20 =	sadd.s32 $0x70, s18;
	(pc) =	sbr.rel @p0 .LBB2_2-.Ltmp0, $4  }
0xbb: {  	[tilespmem:s22], [sflag:$0x5] =	stream.linear.gather [hbm4b:s20+s4], $0x80, $0x38;
	[tilespmem:$0x1F700] =	vst v63  }
0xbc: {  	_ =	swait.ge [sflag:s26], $0x80  }
0xbd: {  	[sflag:s26] =	ssyncset.done $0x0  }
0xbe: {  	s8 =	sadd.s32 $0x30, s8;
	[sflag:s26] =	ssyncadd.s32 $0xFFFFFF80  }
0xbf: {  	[tilespmem:s29], [sflag:$0x1] =	stream.indirect.gather [hbm4b:s0+s28], $0x80, s21, s28, $0xb8;
	[tilespmem:$0x1F700] =	vst v63  }
0xc0: {  	_ =	swait.ge [sflag:s14], $0x3E80  }
0xc1: {  	[sflag:s14] =	ssyncset.done $0x0  }
0xc2: {  	[sflag:s14] =	ssyncadd.s32 $0xFFFFC180  }
0xc3: {  	_ =	swait.ge [sflag:s15], $0x80  }
0xc4: {  	[sflag:s15] =	ssyncset.done $0x0  }
0xc5: {  	[sflag:s15] =	ssyncadd.s32 $0xFFFFFF80  }
0xc6: {  	[spmem:s3] =	stream.indirect.scatter.add.f32 [tilespmem:s11], [sflag:$0xC], $0x80, s7, s28, $0xb8;
	[tilespmem:$0x1F700] =	vst v63  }
0xc7: {  	_ =	swait.ge [sflag:s16], $0x3E80  }
0xc8: {  	[sflag:s16] =	ssyncset.done $0x0  }
0xc9: {  	s1 =	rddreg [dreg:$0x10];
	[sflag:s16] =	ssyncadd.s32 $0xFFFFC180  }
0xca: {  	[tilespmem:s25], [sflag:$0x8] =	stream.linear.gather [hbm4b:s1+s4], $0x80, $0x38;
	[tilespmem:$0x1F700] =	vst v63  }
0xcb: {  	_ =	swait.ge [sflag:s30], $0x80  }
0xcc: {  	[sflag:s30] =	ssyncset.done $0x0  }
0xcd: {  	[sflag:s30] =	ssyncadd.s32 $0xFFFFFF80  }
0xce: {  	[tilespmem:s31], [sflag:$0x2] =	stream.indirect.gather [hbm4b:s0+s28], $0x80, s22, s28, $0xb8;
	[tilespmem:$0x1F700] =	vst v63  }
0xcf: {  	_ =	swait.ge [sflag:s2], $0x3E80  }
0xd0: {  	[sflag:s2] =	ssyncset.done $0x0  }
0xd1: {  	[sflag:s2] =	ssyncadd.s32 $0xFFFFC180  }
0xd2: {  	_ =	swait.ge [sflag:s5], $0x80  }
0xd3: {  	[sflag:s5] =	ssyncset.done $0x0  }
0xd4: {  	[sflag:s5] =	ssyncadd.s32 $0xFFFFFF80  }
0xd5: {  	[spmem:s3] =	stream.indirect.scatter.add.f32 [tilespmem:s29], [sflag:$0xA], $0x80, s24, s28, $0xb8;
	[tilespmem:$0x1F700] =	vst v63  }
0xd6: {  	_ =	swait.ge [sflag:s17], $0x3E80  }
0xd7: {  	[sflag:s17] =	ssyncset.done $0x0  }
0xd8: {  	[sflag:s17] =	ssyncadd.s32 $0xFFFFC180  }
0xd9: {  	_ =	swait.ge [sflag:s12], $0x3E80  }
0xda: {  	[sflag:s12] =	ssyncset.done $0x0  }
0xdb: {  	[sflag:s12] =	ssyncadd.s32 $0xFFFFC180  }
0xdc: {  	_ =	swait.ge [sflag:s6], $0x80  }
0xdd: {  	[sflag:s6] =	ssyncset.done $0x0  }
0xde: {  	[sflag:s6] =	ssyncadd.s32 $0xFFFFFF80  }
0xdf: {  	[spmem:s3] =	stream.indirect.scatter.add.f32 [tilespmem:s31], [sflag:$0xB], $0x80, s25, s28, $0xb8;
	[tilespmem:$0x1F700] =	vst v63  }
0xe0: {  	_ =	swait.ge [sflag:s13], $0x3E80  }
0xe1: {  	[sflag:s13] =	ssyncset.done $0x0  }
0xe2: {  	[sflag:s13] =	ssyncadd.s32 $0xFFFFC180  }
0xe3: {  	_ =	swait.ge [sflag:s16], $0x3E80  }
0xe4: {  	[sflag:s16] =	ssyncset.done $0x0  }
0xe5: {  	[sflag:s16] =	ssyncadd.s32 $0xFFFFC180  }
0xe6: {  	[bflag:$0x0] =	sbarrier.arrive $0xFFFF  }
0xe7: {  	s19 =	rddreg [dreg:$0x6]  }
0xe8: {  	s8 =	rddreg [dreg:$0x11]  }
0xe9: {  	s18 =	rddreg [dreg:$0x13];
	s1 =	sor.u32 $0x1C0E, s19  }
0xea: {  	[hbm:s8], [sflag:s1] =	dma.local [spmem:s18], $0x2710  }
0xeb: {  	s8 =	simm.s32 $0xE  }
0xec: {  	_ =	swait.ge [sflag:s8], $0x2710  }
0xed: {  	s19 =	rddreg [dreg:$0x14]  }
0xee: {  	s20 =	rddreg [dreg:$0x12];
	s19 =	sadd.s32 $0x1, s19  }
0xef: {  	p0 =	sne.s32 s19, s20  }
.Ltmp1:
0xf0: {  	_ = 	snop;
	(pc) =	sbr.rel @p0 .LBB2_1-.Ltmp1, $3  }
0xf1: {  	_ =	sdelay $0x1  }
0xf2: {  	[sflag:s8] =	ssyncset.done $0x0  }
0xf3: {  	[sflag:s8] =	ssyncadd.s32 $0xFFFFD8F0  }
0xf4: {  	_ =	sfence.sel $0x180000  }
0xf5: {  	[bflag:$0x0] =	sbarrier.arrive $0xFFFF  }
0xf6: {  	_ =	strace $0x9000004A  }
0xf7: {  	s0 =	stileid.u32;
	[bflag:$0x2] =	sbarrier.arrive $0xFFFF  }
0xf8: {  	p0 =	sne.s32 s0, $0x0;
	s0 =	rddreg [dreg:$0x3]  }
0xf9: {  	s0 =	sadd.s32 @!p0 $0x100000, s0  }
0xfa: {  	[sflag:s0] =	ssyncadd.tile.s32 @!p0 $0x1;
	_ =	shalt  }
.Lfunc_end2:
_tile_overlayer_lowered:
.L_overlay_start_2:
0xfb: {  	(tag) =	ssettag $0x2  }
0xfc: {  	s0 =	rddreg [dreg:$0x0];
	s2 =	stileid.u32  }
0xfd: {  	s1 =	rddreg [dreg:$0x1];
	p0 =	sne.s32 s2, $0x0  }
0xfe: {  	s3 =	rddreg [dreg:$0x2];
	[bflag:$0x3] =	sbarrier.arrive $0xFFFF;
	s2 =	simm.s32 @!p0 $0x1C0E  }
0xff: {  	[timem:s3], [sflag:s2] =	dma.local @!p0 [hbm:s0], s1  }
0x100: {  	s0 =	simm.s32 @!p0 $0xE  }
0x101: {  	_ =	swait.ge @!p0 [sflag:s0], s1  }
0x102: {  	s1 =	ssub.s32 @!p0 $0x0, s1;
	[sflag:s0] =	ssyncset.done @!p0 $0x0  }
0x103: {  	[sflag:s0] =	ssyncadd.s32 @!p0 s1  }
0x104: {  	[bflag:$0x3] =	sbarrier.arrive $0xFFFF  }
0x105: {  	_ =	shalt  }

// kernel: kernel.14.cloned.1.call-start
scs
__scs_entry_jumppad:
0x0: {  	(pc) =	sbr.rel $0x88, $3  }
0x1: {  	(tag) =	ssettag $0x0;
	lr =	simm.s32 $0x1  }
0x2: {  	[smem:$0x3F9B] =	sst lr;
	_ =	strace $0xD0000000  }
0x3: {  	_ = 	snop  }
0x4: {  	_ = 	snop  }
0x5: {  	_ = 	snop  }
0x6: {  	_ = 	snop  }
0x7: {  	_ = 	snop  }
__scs_overlays_trampoline_lowered:
0x8: {  	[smem:$0x3FAA] =	sst s0  }
0x9: {  	[smem:$0x3FAB] =	sst s1  }
0xa: {  	[smem:$0x3FAC] =	sst s2  }
0xb: {  	[smem:$0x3FAD] =	sst s3  }
0xc: {  	[smem:$0x3FAE] =	sst s4  }
0xd: {  	[smem:$0x3FAF] =	sst s5  }
0xe: {  	[smem:$0x3FB0] =	sst s6  }
0xf: {  	[smem:$0x3FB1] =	sst s7  }
0x10: {  	[smem:$0x3FB2] =	sst s8  }
0x11: {  	[smem:$0x3FB3] =	sst s9;
	s0 =	simm.s32 @!p0 $0x0  }
0x12: {  	s1 =	sld [smem:$0x3F99];
	s0 =	simm.s32 @p0 $0x1  }
0x13: {  	[smem:$0x3FB4] =	sst s0;
	s0 =	simm.s32 @!p1 $0x0  }
0x14: {  	s2 =	sld [smem:$0x3F98];
	s0 =	simm.s32 @p1 $0x1  }
0x15: {  	[smem:$0x3FB5] =	sst s0;
	s0 =	simm.s32 @!p2 $0x0  }
0x16: {  	s3 =	sld [smem:$0x3FDB];
	s0 =	simm.s32 @p2 $0x1  }
0x17: {  	s4 =	simm.s32 $0x1BF5;
	[smem:$0x3FB7] =	sst s0  }
0x18: {  	s0 =	sld [smem:$0x3F9A];
	_ =	swait.ge [sflag:s4], $0x0  }
0x19: {  	s7 =	sld [smem:$0x3F9B]  }
0x1a: {  	s8 =	sadd.s32 $0xFFFFE003, lr  }
0x1b: {  	s9 =	sadd.s32 $0xFFFFFEF7, lr;
	s5 =	simm.s32 $0xFFFFFFFF;
	p2 =	slt.u32 s8, $0xFFFFF086  }
0x1c: {  	p1 =	slt.u32 s9, $0xF7A;
	s5 =	simm.s32 @!p2 $0x0  }
0x1d: {  	s5 =	simm.s32 @p1 $0x1;
	p0 =	seq.s32 s7, s2  }
0x1e: {  	s7 =	smul.u32 @!p0 $0xF7A, s2;
	p2 =	seq.s32 @!p0 s5, $0x0  }
0x1f: {  	s9 =	smul.u32 $0xF7A, s1;
	s8 =	simm.s32 @!p0 $0x1BF5;
	p2 =	por !p2, p0  }
0x20: {  	[sflag:s8] =	ssyncset.s32 @!p0 $0xFFFFF086;
	s6 =	sadd.s32 @!p0 s3, s7;
	s7 =	simm.s32 @!p0 $0x108  }
0x21: {  	s3 =	sadd.s32 s3, s9;
	s6 =	sadd.s32 @!p0 $0x88, s6;
	s7 =	simm.s32 @p2 $0x1082  }
0x22: {  	[simem:s7], [sflag:s8] =	dma.local @!p0 [hbm:s6], $0xF7A  }
0x23: {  	s9 =	sor.u32 $0xD0000000, s2;
	s6 =	simm.s32 $0x108;
	_ =	swait.ge @!p0 [sflag:s8], $0x0  }
0x24: {  	s3 =	sadd.s32 $0x88, s3;
	s6 =	simm.s32 @!p1 $0x1082;
	[sflag:s4] =	ssyncset.s32 $0xFFFFF086  }
0x25: {  	[simem:s6], [sflag:s4] =	dma.local [hbm:s3], $0xF7A  }
0x26: {  	[smem:$0x3F9B] =	sst s1;
	(tag) =	ssettag s2;
	_ =	strace s9  }
0x27: {  	s1 =	sld [smem:$0x3FAB]  }
0x28: {  	s2 =	sld [smem:$0x3FAC]  }
0x29: {  	s4 =	sld [smem:$0x3FAE]  }
0x2a: {  	p0 =	seq.s32 s5, $0x0;
	s5 =	sld [smem:$0x3FAF]  }
0x2b: {  	s6 =	sld [smem:$0x3FB0]  }
0x2c: {  	s7 =	sld [smem:$0x3FB1]  }
0x2d: {  	s3 =	simm.s32 $0x108;
	s8 =	sld [smem:$0x3FB2]  }
0x2e: {  	s3 =	simm.s32 @!p0 $0x1082;
	s9 =	sld [smem:$0x3FB3]  }
0x2f: {  	lr =	sadd.s32 s0, s3;
	s0 =	sld [smem:$0x3FAA]  }
0x30: {  	s3 =	sld [smem:$0x3FAD]  }
0x31: {  	[smem:$0x3FB6] =	sst s10  }
0x32: {  	s10 =	sld [smem:$0x3FB4];
	_ =	sdelay $0x3  }
0x33: {  	p0 =	seq.s32 s10, $0x1;
	s10 =	sld [smem:$0x3FB6];
	_ =	sdelay $0x3  }
0x34: {  	[smem:$0x3FB6] =	sst s10  }
0x35: {  	s10 =	sld [smem:$0x3FB5];
	_ =	sdelay $0x3  }
0x36: {  	p1 =	seq.s32 s10, $0x1;
	s10 =	sld [smem:$0x3FB6];
	_ =	sdelay $0x3  }
0x37: {  	[smem:$0x3FB6] =	sst s10  }
0x38: {  	s10 =	sld [smem:$0x3FB7]  }
0x39: {  	_ = 	snop;
	(pc) =	sbr.ind lr, $3  }
0x3a: {  	_ = 	snop  }
0x3b: {  	_ = 	snop  }
0x3c: {  	p2 =	seq.s32 s10, $0x1;
	s10 =	sld [smem:$0x3FB6]  }
0x3d: {  	_ =	shalt  }
0x3e: {  	_ =	shalt  }
0x3f: {  	_ =	shalt  }
0x40: {  	_ =	shalt  }
0x41: {  	_ =	shalt  }
0x42: {  	_ =	shalt  }
0x43: {  	_ =	shalt  }
0x44: {  	_ =	shalt  }
0x45: {  	_ =	shalt  }
0x46: {  	_ =	shalt  }
0x47: {  	_ =	shalt  }
0x48: {  	_ =	shalt  }
0x49: {  	_ =	shalt  }
0x4a: {  	_ =	shalt  }
0x4b: {  	_ =	shalt  }
0x4c: {  	_ =	shalt  }
0x4d: {  	_ =	shalt  }
0x4e: {  	_ =	shalt  }
0x4f: {  	_ =	shalt  }
0x50: {  	_ =	shalt  }
0x51: {  	_ =	shalt  }
0x52: {  	_ =	shalt  }
0x53: {  	_ =	shalt  }
0x54: {  	_ =	shalt  }
0x55: {  	_ =	shalt  }
0x56: {  	_ =	shalt  }
0x57: {  	_ =	shalt  }
0x58: {  	_ =	shalt  }
0x59: {  	_ =	shalt  }
0x5a: {  	_ =	shalt  }
0x5b: {  	_ =	shalt  }
0x5c: {  	_ =	shalt  }
0x5d: {  	_ =	shalt  }
0x5e: {  	_ =	shalt  }
0x5f: {  	_ =	shalt  }
0x60: {  	_ =	shalt  }
0x61: {  	_ =	shalt  }
0x62: {  	_ =	shalt  }
0x63: {  	_ =	shalt  }
0x64: {  	_ =	shalt  }
0x65: {  	_ =	shalt  }
0x66: {  	_ =	shalt  }
0x67: {  	_ =	shalt  }
0x68: {  	_ =	shalt  }
0x69: {  	_ =	shalt  }
0x6a: {  	_ =	shalt  }
0x6b: {  	_ =	shalt  }
0x6c: {  	_ =	shalt  }
0x6d: {  	_ =	shalt  }
0x6e: {  	_ =	shalt  }
0x6f: {  	_ =	shalt  }
0x70: {  	_ =	shalt  }
0x71: {  	_ =	shalt  }
0x72: {  	_ =	shalt  }
0x73: {  	_ =	shalt  }
0x74: {  	_ =	shalt  }
0x75: {  	_ =	shalt  }
0x76: {  	_ =	shalt  }
0x77: {  	_ =	shalt  }
0x78: {  	_ =	shalt  }
0x79: {  	_ =	shalt  }
0x7a: {  	_ =	shalt  }
0x7b: {  	_ =	shalt  }
0x7c: {  	_ =	shalt  }
0x7d: {  	_ =	shalt  }
0x7e: {  	_ =	shalt  }
0x7f: {  	_ =	shalt  }
0x80: {  	_ =	shalt  }
0x81: {  	_ =	shalt  }
0x82: {  	_ =	shalt  }
0x83: {  	_ =	shalt  }
0x84: {  	_ =	shalt  }
0x85: {  	_ =	shalt  }
0x86: {  	_ =	shalt  }
0x87: {  	_ =	shalt  }
.Lfunc_end0:
.L_simem_size_0:
called_computation.2_lowered:
.L_overlay_start_0:
0x88: {  	s2 =	sld [smem:$0x3FD9]  }
0x89: {  	s3 =	sld [smem:$0x3FFE];
	_ =	sdelay $0x1  }
0x8a: {  	s1 =	srdreg.scid  }
0x8b: {  	s0 =	sand.u32 $0x1, s1  }
0x8c: {  	s17 =	sshll.u32 s0, $0xA;
	s2 =	sadd.s32 s3, s2  }
0x8d: {  	s2 =	sadd.s32 s2, s17  }
0x8e: {  	[smem:$0x3FC2] =	sst s2  }
0x8f: {  	_ = 	snop  }
0x90: {  	s2 =	sld [smem:$0x3FD0];
	(tm) =	ssettm $0x1  }
0x91: {  	s18 =	sld [smem:$0x3FFB];
	_ =	sdelay $0x3  }
0x92: {  	_ =	strace s18  }
0x93: {  	s3 =	sld [smem:$0x3FFC];
	_ =	sdelay $0x3  }
0x94: {  	_ =	strace s3  }
0x95: {  	s3 =	sld [smem:$0x3FFD];
	_ =	sdelay $0x3  }
0x96: {  	_ =	strace s3  }
0x97: {  	_ =	strace $0x8FFFFFFF  }
0x98: {  	s19 =	sld [smem:$0x3FDB];
	_ =	sdelay $0x1  }
0x99: {  	s4 =	simm.s32 $_scs_section_size  }
0x9a: {  	s5 =	simm.s32 $_size__tile_overlayer_lowered;
	s6 =	simm.s32 $_tile_overlayer_lowered  }
0x9b: {  	s22 =	simm.s32 $0x1BFF;
	s21 =	sshll.u32 s6, $0x1;
	s3 =	sadd.s32 s4, s19  }
0x9c: {  	s7 =	simm.s32 $0x0;
	s20 =	sshll.u32 s5, $0x1;
	s5 =	sadd.s32 s21, s3  }
0x9d: {  	[timem:s7], [sflag:s22] =	dma.local [hbm:s5], s20  }
0x9e: {  	_ =	swait.ge [sflag:s22], s20  }
0x9f: {  	s4 =	ssub.s32 $0x0, s20;
	[sflag:s22] =	ssyncset.done $0x0  }
0xa0: {  	[sflag:s22] =	ssyncadd.s32 s4;
	_ =	sdelay $0x1  }
0xa1: {  	s23 =	simm.s32 $0x1B8B  }
0xa2: {  	_ =	swait.ge [sflag:s23], $0x1  }
0xa3: {  	[sflag:s23] =	ssyncset.done $0x0  }
0xa4: {  	s25 =	simm.s32 $0x1B8E;
	s24 =	sld [smem:$0x3FFE];
	[sflag:s23] =	ssyncadd.s32 $0xFFFFFFFF  }
0xa5: {  	s26 =	simm.s32 $execute0_lowered;
	[smem:$0x3FD2] =	sst s25  }
0xa6: {  	s5 =	sshll.u32 s26, $0x1;
	_ =	strace $0x8000004C;
	[dreg:$0x1] =	wrdreg $0xFFFFFFFF  }
0xa7: {  	s28 =	simm.s32 $_size_execute0_lowered;
	s3 =	sadd.s32 s3, s5;
	[dreg:$0x0] =	wrdreg $0x0  }
0xa8: {  	s5 =	sshll.u32 s28, $0x1;
	[dreg:$0x2] =	wrdreg s3  }
0xa9: {  	[dreg:$0x3] =	wrdreg s5  }
0xaa: {  	[dreg:$0x4] =	wrdreg $0xC0  }
0xab: {  	_ =	task [dreg:s7], $0x5FFFF  }
0xac: {  	[dreg:$0x1] =	wrdreg $0xFFFFFFFF  }
0xad: {  	[dreg:$0x0] =	wrdreg $0x60  }
0xae: {  	[dreg:$0x2] =	wrdreg s2  }
0xaf: {  	[dreg:$0x3] =	wrdreg s24  }
0xb0: {  	[dreg:$0x4] =	wrdreg $0x0  }
0xb1: {  	[dreg:$0x5] =	wrdreg $0x9  }
0xb2: {  	_ =	task.clear_ibuf [dreg:s7], $0x6FFFF;
	_ =	strace $0x9000004C  }
0xb3: {  	s29 =	simm.s32 $0x9;
	_ =	strace $0x8000004E  }
0xb4: {  	_ =	swait.ge [sflag:s29], $0x1  }
0xb5: {  	[sflag:s29] =	ssyncadd.s32 $0xFFFFFFFF  }
0xb6: {  	_ =	strace $0x9000004E  }
0xb7: {  	_ =	sfence  }
0xb8: {  	s30 =	sld [smem:$0x0];
	_ =	sdelay $0x2  }
0xb9: {  	s31 =	sshll.u32 s1, $0xD;
	s1 =	sshrl.u32 s1, $0x2  }
0xba: {  	s3 =	sand.u32 $0x4000, s31;
	s1 =	sadd.s32 s1, s30  }
0xbb: {  	s0 =	sor.u32 s3, s0;
	s1 =	sshll.u32 s1, $0x11  }
0xbc: {  	s0 =	sor.u32 s1, s0  }
0xbd: {  	s0 =	sadd.s32 $0x8F2B, s0  }
0xbe: {  	[sflag:s0] =	ssyncadd.remote.s32 $0x1  }
0xbf: {  	_ =	sfence.sel $0xFFFF  }
0xc0: {  	[dreg:$0x0] =	wrdreg $0xFFFFFFFF;
	(pc) =	sbr.abs _section_cstart, $3  }
0xc1: {  	[dreg:$0x1] =	wrdreg $0xFFFFFFFF  }
0xc2: {  	_ =	task.clear_ibuf [dreg:s7], $0x2FFFF;
	_ =	strace $0x9FFFFFFF  }
0xc3: {  	(tm) =	ssettm $0x7FFFFFFF  }
tec
execute0_lowered:
.L_overlay_start_1:
0x0: {  	(tag) =	ssettag $0x1  }
0x1: {  	s0 =	rddreg [dreg:$0x0]  }
0x2: {  	s1 =	rddreg [dreg:$0x1];
	s2 =	srdreg.scid  }
0x3: {  	s3 =	rddreg [dreg:$0x2];
	s12 =	stileid.u32  }
0x4: {  	s4 =	simm.s32 $0x0;
	s28 =	simm.s32 $0x7D;
	s6 =	smul.u32 $0x271, s12  }
0x5: {  	s29 =	simm.s32 $0x13880;
	s30 =	simm.s32 $0x5;
	s8 =	smul.u32 $0x4E200, s12  }
0x6: {  	s31 =	simm.s32 $0x17700;
	s2 =	sand.u32 $0x1, s2;
	s15 =	smul.u32 $0x500, s12  }
0x7: {  	[smem:$0x7FF] =	sst s4;
	s7 =	sadd.s32 $0x8000, s1;
	s16 =	smul.u32 $0x2800, s12  }
0x8: {  	s26 =	sadd.s32 $0x12000, s1;
	s14 =	sshll.u32 s12, $0x6;
	s19 =	smul.u32 $0x50, s12  }
0x9: {  	s5 =	smul.u32 $0x2710, s2;
	_ =	strace $0x8000004D;
	s9 =	ssub.s32 $0x2, s2  }
0xa: {  	s10 =	sshll.u32 s2, $0x4;
	[dreg:$0x6] =	wrdreg s14;
	s2 =	smul.u32 $0x500, s2  }
0xb: {  	s11 =	sshrl.u32 s9, $0x1;
	s10 =	sor.u32 s12, s10;
	s8 =	sshrl.u32 s8, $0x2  }
0xc: {  	s12 =	simm.s32 $0x2;
	s5 =	sadd.s32 s6, s5;
	s9 =	ssub.s32 s9, s11  }
0xd: {  	s8 =	sadd.s32 s8, s3;
	s10 =	smul.u32 $0x500, s10;
	s11 =	sor.u32 $0x1C0D, s14  }
0xe: {  	s2 =	sadd.s32 s19, s2;
	s14 =	simm.s32 $0x3;
	s19 =	simm.s32 $0x0  }
0xf: {  	s5 =	sshll.u32 s5, $0x4;
	[dreg:$0x7] =	wrdreg s11;
	s11 =	sshrl.u32 s16, $0x3  }
0x10: {  	s2 =	sshll.u32 s2, $0x4;
	s25 =	smax.u32 s9, $0x1;
	s9 =	simm.s32 $0x6  }
0x11: {  	s1 =	sadd.s32 s5, s1;
	s5 =	sadd.s32 s0, s5;
	[dreg:$0x12] =	wrdreg s25  }
0x12: {  	s16 =	simm.s32 $0xB;
	s13 =	sadd.s32 s7, s10;
	[dreg:$0x5] =	wrdreg s5  }
0x13: {  	s6 =	sadd.s32 s26, s11;
	s10 =	sadd.s32 $0x10, s13;
	[dreg:$0x8] =	wrdreg s13  }
0x14: {  	s25 =	simm.s32 $0x1F600;
	s17 =	sadd.s32 $0x20, s13;
	[dreg:$0x9] =	wrdreg s10  }
0x15: {  	s11 =	simm.s32 $0x1B580;
	s21 =	sadd.s32 $0x30, s13;
	[dreg:$0xa] =	wrdreg s17  }
0x16: {  	s23 =	sadd.s32 $0x40, s13;
	s24 =	sadd.s32 $0x4F0, s6;
	[dreg:$0xd] =	wrdreg s21  }
0x17: {  	s1 =	sadd.s32 $0x17000, s1;
	s5 =	simm.s32 $0x7;
	[dreg:$0xf] =	wrdreg s23  }
0x18: {  	s6 =	simm.s32 $0x8;
	s13 =	simm.s32 $0xA;
	[dreg:$0x10] =	wrdreg s24  }
0x19: {  	s10 =	sadd.s32 s26, s15;
	[dreg:$0x11] =	wrdreg s1;
	s26 =	sadd.s32 s2, s7  }
0x1a: {  	s21 =	simm.s32 $0x1F400;
	s23 =	simm.s32 $0x1F500;
	s24 =	simm.s32 $0x1F580  }
0x1b: {  	s2 =	simm.s32 $0x1;
	s18 =	sadd.s32 $0x10, s10;
	[dreg:$0x4] =	wrdreg s26  }
0x1c: {  	s7 =	simm.s32 $0x1F680;
	s20 =	sadd.s32 $0x20, s10;
	[dreg:$0xb] =	wrdreg s18  }
0x1d: {  	s15 =	simm.s32 $0x9;
	s22 =	sadd.s32 $0x30, s10;
	[dreg:$0xc] =	wrdreg s20  }
0x1e: {  	s17 =	simm.s32 $0xC;
	[dreg:$0xe] =	wrdreg s22;
	s18 =	sshrl.u32 s8, $0x3  }
0x1f: {  	s26 =	simm.s32 $0x4;
	s22 =	simm.s32 $0x1F480;
	[dreg:$0x13] =	wrdreg s18  }
.LBB2_1:
0x20: {  	[dreg:$0x14] =	wrdreg s19  }
0x21: {  	s1 =	rddreg [dreg:$0x5]  }
0x22: {  	s8 =	rddreg [dreg:$0x7]  }
0x23: {  	[spmem:s18], [sflag:s8] =	dma.local [hbm:s1], $0x2710  }
0x24: {  	s1 =	rddreg [dreg:$0x8]  }
0x25: {  	[tilespmem:s21], [sflag:$0x4] =	stream.linear.gather [hbm4b:s1+s4], $0x80, $0x38;
	[tilespmem:$0x1F700] =	vst v63  }
0x26: {  	s19 =	rddreg [dreg:$0x9]  }
0x27: {  	[tilespmem:s22], [sflag:$0x5] =	stream.linear.gather [hbm4b:s19+s4], $0x80, $0x38;
	[tilespmem:$0x1F700] =	vst v63  }
0x28: {  	s20 =	rddreg [dreg:$0xa]  }
0x29: {  	[tilespmem:s23], [sflag:$0x6] =	stream.linear.gather [hbm4b:s20+s4], $0x80, $0x38;
	[tilespmem:$0x1F700] =	vst v63  }
0x2a: {  	_ = 	snop  }
0x2b: {  	[tilespmem:s24], [sflag:$0x7] =	stream.linear.gather [hbm4b:s10+s4], $0x80, $0x38;
	[tilespmem:$0x1F700] =	vst v63  }
0x2c: {  	s8 =	rddreg [dreg:$0xb]  }
0x2d: {  	[tilespmem:s25], [sflag:$0x8] =	stream.linear.gather [hbm4b:s8+s4], $0x80, $0x38;
	[tilespmem:$0x1F700] =	vst v63  }
0x2e: {  	_ =	swait.ge [sflag:s26], $0x80  }
0x2f: {  	[sflag:s26] =	ssyncset.done $0x0  }
0x30: {  	[sflag:s26] =	ssyncadd.s32 $0xFFFFFF80  }
0x31: {  	[tilespmem:s29], [sflag:$0x1] =	stream.indirect.gather [hbm4b:s0+s28], $0x80, s21, s28, $0xb8;
	[tilespmem:$0x1F700] =	vst v63  }
0x32: {  	_ =	swait.ge [sflag:s30], $0x80  }
0x33: {  	[sflag:s30] =	ssyncset.done $0x0  }
0x34: {  	s18 =	simm.s32 $0xD;
	[sflag:s30] =	ssyncadd.s32 $0xFFFFFF80  }
0x35: {  	[tilespmem:s31], [sflag:$0x2] =	stream.indirect.gather [hbm4b:s0+s28], $0x80, s22, s28, $0xb8;
	[tilespmem:$0x1F700] =	vst v63  }
0x36: {  	_ =	swait.ge [sflag:s18], $0x2710  }
0x37: {  	[sflag:s18] =	ssyncset.done $0x0  }
0x38: {  	[sflag:s18] =	ssyncadd.s32 $0xFFFFD8F0  }
0x39: {  	[bflag:$0x0] =	sbarrier.arrive $0xFFFF  }
0x3a: {  	_ =	swait.ge [sflag:s2], $0x3E80  }
0x3b: {  	[sflag:s2] =	ssyncset.done $0x0  }
0x3c: {  	[sflag:s2] =	ssyncadd.s32 $0xFFFFC180  }
0x3d: {  	_ =	swait.ge [sflag:s5], $0x80  }
0x3e: {  	[sflag:s5] =	ssyncset.done $0x0  }
0x3f: {  	[sflag:s5] =	ssyncadd.s32 $0xFFFFFF80  }
0x40: {  	[spmem:s3] =	stream.indirect.scatter.add.f32 [tilespmem:s29], [sflag:$0xA], $0x80, s24, s28, $0xb8;
	[tilespmem:$0x1F700] =	vst v63  }
0x41: {  	s19 =	rddreg [dreg:$0xc]  }
0x42: {  	[tilespmem:s7], [sflag:$0x9] =	stream.linear.gather [hbm4b:s19+s4], $0x80, $0x38;
	[tilespmem:$0x1F700] =	vst v63  }
0x43: {  	s20 =	rddreg [dreg:$0xd]  }
0x44: {  	[tilespmem:s21], [sflag:$0x4] =	stream.linear.gather [hbm4b:s20+s4], $0x80, $0x38;
	[tilespmem:$0x1F700] =	vst v63  }
0x45: {  	_ =	swait.ge [sflag:s9], $0x80  }
0x46: {  	[sflag:s9] =	ssyncset.done $0x0  }
0x47: {  	[sflag:s9] =	ssyncadd.s32 $0xFFFFFF80  }
0x48: {  	[tilespmem:s11], [sflag:$0x3] =	stream.indirect.gather [hbm4b:s0+s28], $0x80, s23, s28, $0xb8;
	[tilespmem:$0x1F700] =	vst v63  }
0x49: {  	_ =	swait.ge [sflag:s12], $0x3E80  }
0x4a: {  	[sflag:s12] =	ssyncset.done $0x0  }
0x4b: {  	[sflag:s12] =	ssyncadd.s32 $0xFFFFC180  }
0x4c: {  	_ =	swait.ge [sflag:s6], $0x80  }
0x4d: {  	[sflag:s6] =	ssyncset.done $0x0  }
0x4e: {  	[sflag:s6] =	ssyncadd.s32 $0xFFFFFF80  }
0x4f: {  	[spmem:s3] =	stream.indirect.scatter.add.f32 [tilespmem:s31], [sflag:$0xB], $0x80, s25, s28, $0xb8;
	[tilespmem:$0x1F700] =	vst v63  }
0x50: {  	_ =	swait.ge [sflag:s13], $0x3E80  }
0x51: {  	[sflag:s13] =	ssyncset.done $0x0  }
0x52: {  	s8 =	rddreg [dreg:$0xe];
	[sflag:s13] =	ssyncadd.s32 $0xFFFFC180  }
0x53: {  	[tilespmem:s24], [sflag:$0x7] =	stream.linear.gather [hbm4b:s8+s4], $0x80, $0x38;
	[tilespmem:$0x1F700] =	vst v63  }
0x54: {  	s18 =	rddreg [dreg:$0xf]  }
0x55: {  	[tilespmem:s22], [sflag:$0x5] =	stream.linear.gather [hbm4b:s18+s4], $0x80, $0x38;
	[tilespmem:$0x1F700] =	vst v63  }
0x56: {  	_ =	swait.ge [sflag:s26], $0x80  }
0x57: {  	[sflag:s26] =	ssyncset.done $0x0  }
0x58: {  	[sflag:s26] =	ssyncadd.s32 $0xFFFFFF80  }
0x59: {  	[tilespmem:s29], [sflag:$0x1] =	stream.indirect.gather [hbm4b:s0+s28], $0x80, s21, s28, $0xb8;
	[tilespmem:$0x1F700] =	vst v63  }
0x5a: {  	_ =	swait.ge [sflag:s14], $0x3E80  }
0x5b: {  	[sflag:s14] =	ssyncset.done $0x0  }
0x5c: {  	[sflag:s14] =	ssyncadd.s32 $0xFFFFC180  }
0x5d: {  	_ =	swait.ge [sflag:s15], $0x80  }
0x5e: {  	[sflag:s15] =	ssyncset.done $0x0  }
0x5f: {  	[sflag:s15] =	ssyncadd.s32 $0xFFFFFF80  }
0x60: {  	[spmem:s3] =	stream.indirect.scatter.add.f32 [tilespmem:s11], [sflag:$0xC], $0x80, s7, s28, $0xb8;
	[tilespmem:$0x1F700] =	vst v63  }
0x61: {  	_ =	swait.ge [sflag:s16], $0x3E80  }
0x62: {  	s1 =	sadd.s32 $0x0, s10;
	[sflag:s16] =	ssyncset.done $0x0;
	s19 =	rddreg [dreg:$0x4]  }
0x63: {  	s20 =	sadd.s32 $0x40, s1;
	[sflag:s16] =	ssyncadd.s32 $0xFFFFC180;
	s8 =	sadd.s32 $0x0, s19  }
0x64: {  	[tilespmem:s25], [sflag:$0x8] =	stream.linear.gather [hbm4b:s20+s4], $0x80, $0x38;
	[tilespmem:$0x1F700] =	vst v63  }
0x65: {  	s19 =	sadd.s32 $0x50, s8  }
0x66: {  	[tilespmem:s23], [sflag:$0x6] =	stream.linear.gather [hbm4b:s19+s4], $0x80, $0x38;
	[tilespmem:$0x1F700] =	vst v63  }
0x67: {  	_ =	swait.ge [sflag:s30], $0x80  }
0x68: {  	[sflag:s30] =	ssyncset.done $0x0  }
0x69: {  	[sflag:s30] =	ssyncadd.s32 $0xFFFFFF80  }
0x6a: {  	[tilespmem:s31], [sflag:$0x2] =	stream.indirect.gather [hbm4b:s0+s28], $0x80, s22, s28, $0xb8;
	[tilespmem:$0x1F700] =	vst v63  }
0x6b: {  	_ =	swait.ge [sflag:s2], $0x3E80  }
0x6c: {  	[sflag:s2] =	ssyncset.done $0x0  }
0x6d: {  	[sflag:s2] =	ssyncadd.s32 $0xFFFFC180  }
0x6e: {  	_ =	swait.ge [sflag:s5], $0x80  }
0x6f: {  	[sflag:s5] =	ssyncset.done $0x0  }
0x70: {  	[sflag:s5] =	ssyncadd.s32 $0xFFFFFF80  }
0x71: {  	[spmem:s3] =	stream.indirect.scatter.add.f32 [tilespmem:s29], [sflag:$0xA], $0x80, s24, s28, $0xb8;
	[tilespmem:$0x1F700] =	vst v63  }
0x72: {  	_ =	swait.ge [sflag:s17], $0x3E80  }
0x73: {  	[sflag:s17] =	ssyncset.done $0x0  }
0x74: {  	s20 =	sadd.s32 $0x50, s1;
	[sflag:s17] =	ssyncadd.s32 $0xFFFFC180  }
0x75: {  	[tilespmem:s7], [sflag:$0x9] =	stream.linear.gather [hbm4b:s20+s4], $0x80, $0x38;
	[tilespmem:$0x1F700] =	vst v63  }
0x76: {  	s19 =	sadd.s32 $0x60, s8  }
0x77: {  	[tilespmem:s21], [sflag:$0x4] =	stream.linear.gather [hbm4b:s19+s4], $0x80, $0x38;
	[tilespmem:$0x1F700] =	vst v63  }
0x78: {  	_ =	swait.ge [sflag:s9], $0x80  }
0x79: {  	[sflag:s9] =	ssyncset.done $0x0  }
0x7a: {  	[sflag:s9] =	ssyncadd.s32 $0xFFFFFF80  }
0x7b: {  	[tilespmem:s11], [sflag:$0x3] =	stream.indirect.gather [hbm4b:s0+s28], $0x80, s23, s28, $0xb8;
	[tilespmem:$0x1F700] =	vst v63  }
0x7c: {  	_ =	swait.ge [sflag:s12], $0x3E80  }
0x7d: {  	[sflag:s12] =	ssyncset.done $0x0  }
0x7e: {  	[sflag:s12] =	ssyncadd.s32 $0xFFFFC180  }
0x7f: {  	_ =	swait.ge [sflag:s6], $0x80  }
0x80: {  	[sflag:s6] =	ssyncset.done $0x0  }
0x81: {  	[sflag:s6] =	ssyncadd.s32 $0xFFFFFF80  }
0x82: {  	[spmem:s3] =	stream.indirect.scatter.add.f32 [tilespmem:s31], [sflag:$0xB], $0x80, s25, s28, $0xb8;
	[tilespmem:$0x1F700] =	vst v63  }
0x83: {  	_ =	swait.ge [sflag:s13], $0x3E80  }
0x84: {  	[sflag:s13] =	ssyncset.done $0x0  }
0x85: {  	s1 =	sadd.s32 $0x60, s1;
	[sflag:s13] =	ssyncadd.s32 $0xFFFFC180  }
0x86: {  	[tilespmem:s24], [sflag:$0x7] =	stream.linear.gather [hbm4b:s1+s4], $0x80, $0x38;
	[tilespmem:$0x1F700] =	vst v63  }
0x87: {  	s20 =	sadd.s32 $0x70, s8  }
0x88: {  	[tilespmem:s22], [sflag:$0x5] =	stream.linear.gather [hbm4b:s20+s4], $0x80, $0x38;
	[tilespmem:$0x1F700] =	vst v63  }
0x89: {  	_ =	swait.ge [sflag:s26], $0x80  }
0x8a: {  	[sflag:s26] =	ssyncset.done $0x0  }
0x8b: {  	s8 =	simm.s32 $0x30;
	[sflag:s26] =	ssyncadd.s32 $0xFFFFFF80  }
.LBB2_2:
0x8c: {  	[tilespmem:s29], [sflag:$0x1] =	stream.indirect.gather [hbm4b:s0+s28], $0x80, s21, s28, $0xb8;
	[tilespmem:$0x1F700] =	vst v63  }
0x8d: {  	_ =	swait.ge [sflag:s14], $0x3E80  }
0x8e: {  	[sflag:s14] =	ssyncset.done $0x0  }
0x8f: {  	[sflag:s14] =	ssyncadd.s32 $0xFFFFC180  }
0x90: {  	_ =	swait.ge [sflag:s15], $0x80  }
0x91: {  	[sflag:s15] =	ssyncset.done $0x0  }
0x92: {  	[sflag:s15] =	ssyncadd.s32 $0xFFFFFF80  }
0x93: {  	[spmem:s3] =	stream.indirect.scatter.add.f32 [tilespmem:s11], [sflag:$0xC], $0x80, s7, s28, $0xb8;
	[tilespmem:$0x1F700] =	vst v63  }
0x94: {  	s18 =	smov.u32 s8;
	_ =	swait.ge [sflag:s16], $0x3E80  }
0x95: {  	s1 =	sadd.s32 s18, s10;
	[sflag:s16] =	ssyncset.done $0x0;
	s20 =	rddreg [dreg:$0x4]  }
0x96: {  	s19 =	sadd.s32 $0x40, s1;
	[sflag:s16] =	ssyncadd.s32 $0xFFFFC180;
	s18 =	sadd.s32 s18, s20  }
0x97: {  	[tilespmem:s25], [sflag:$0x8] =	stream.linear.gather [hbm4b:s19+s4], $0x80, $0x38;
	[tilespmem:$0x1F700] =	vst v63  }
0x98: {  	s20 =	sadd.s32 $0x50, s18  }
0x99: {  	[tilespmem:s23], [sflag:$0x6] =	stream.linear.gather [hbm4b:s20+s4], $0x80, $0x38;
	[tilespmem:$0x1F700] =	vst v63  }
0x9a: {  	_ =	swait.ge [sflag:s30], $0x80  }
0x9b: {  	[sflag:s30] =	ssyncset.done $0x0  }
0x9c: {  	[sflag:s30] =	ssyncadd.s32 $0xFFFFFF80  }
0x9d: {  	[tilespmem:s31], [sflag:$0x2] =	stream.indirect.gather [hbm4b:s0+s28], $0x80, s22, s28, $0xb8;
	[tilespmem:$0x1F700] =	vst v63  }
0x9e: {  	_ =	swait.ge [sflag:s2], $0x3E80  }
0x9f: {  	[sflag:s2] =	ssyncset.done $0x0  }
0xa0: {  	[sflag:s2] =	ssyncadd.s32 $0xFFFFC180  }
0xa1: {  	_ =	swait.ge [sflag:s5], $0x80  }
0xa2: {  	[sflag:s5] =	ssyncset.done $0x0  }
0xa3: {  	[sflag:s5] =	ssyncadd.s32 $0xFFFFFF80  }
0xa4: {  	[spmem:s3] =	stream.indirect.scatter.add.f32 [tilespmem:s29], [sflag:$0xA], $0x80, s24, s28, $0xb8;
	[tilespmem:$0x1F700] =	vst v63  }
0xa5: {  	_ =	swait.ge [sflag:s17], $0x3E80  }
0xa6: {  	[sflag:s17] =	ssyncset.done $0x0  }
0xa7: {  	s20 =	sadd.s32 $0x50, s1;
	[sflag:s17] =	ssyncadd.s32 $0xFFFFC180  }
0xa8: {  	[tilespmem:s7], [sflag:$0x9] =	stream.linear.gather [hbm4b:s20+s4], $0x80, $0x38;
	[tilespmem:$0x1F700] =	vst v63  }
0xa9: {  	s20 =	sadd.s32 $0x60, s18  }
0xaa: {  	[tilespmem:s21], [sflag:$0x4] =	stream.linear.gather [hbm4b:s20+s4], $0x80, $0x38;
	[tilespmem:$0x1F700] =	vst v63  }
0xab: {  	_ =	swait.ge [sflag:s9], $0x80  }
0xac: {  	[sflag:s9] =	ssyncset.done $0x0  }
0xad: {  	[sflag:s9] =	ssyncadd.s32 $0xFFFFFF80  }
0xae: {  	[tilespmem:s11], [sflag:$0x3] =	stream.indirect.gather [hbm4b:s0+s28], $0x80, s23, s28, $0xb8;
	[tilespmem:$0x1F700] =	vst v63  }
0xaf: {  	_ =	swait.ge [sflag:s12], $0x3E80  }
0xb0: {  	[sflag:s12] =	ssyncset.done $0x0  }
0xb1: {  	[sflag:s12] =	ssyncadd.s32 $0xFFFFC180  }
0xb2: {  	_ =	swait.ge [sflag:s6], $0x80  }
0xb3: {  	[sflag:s6] =	ssyncset.done $0x0  }
0xb4: {  	[sflag:s6] =	ssyncadd.s32 $0xFFFFFF80  }
0xb5: {  	[spmem:s3] =	stream.indirect.scatter.add.f32 [tilespmem:s31], [sflag:$0xB], $0x80, s25, s28, $0xb8;
	[tilespmem:$0x1F700] =	vst v63  }
0xb6: {  	_ =	swait.ge [sflag:s13], $0x3E80  }
0xb7: {  	[sflag:s13] =	ssyncset.done $0x0  }
0xb8: {  	p0 =	sne.s32 s8, $0x480;
	s1 =	sadd.s32 $0x60, s1;
	[sflag:s13] =	ssyncadd.s32 $0xFFFFC180  }
0xb9: {  	[tilespmem:s24], [sflag:$0x7] =	stream.linear.gather [hbm4b:s1+s4], $0x80, $0x38;
	[tilespmem:$0x1F700] =	vst v63  }
.Ltmp0:
0xba: {  	s20 =	sadd.s32 $0x70, s18;
	(pc) =	sbr.rel @p0 .LBB2_2-.Ltmp0, $4  }
0xbb: {  	[tilespmem:s22], [sflag:$0x5] =	stream.linear.gather [hbm4b:s20+s4], $0x80, $0x38;
	[tilespmem:$0x1F700] =	vst v63  }
0xbc: {  	_ =	swait.ge [sflag:s26], $0x80  }
0xbd: {  	[sflag:s26] =	ssyncset.done $0x0  }
0xbe: {  	s8 =	sadd.s32 $0x30, s8;
	[sflag:s26] =	ssyncadd.s32 $0xFFFFFF80  }
0xbf: {  	[tilespmem:s29], [sflag:$0x1] =	stream.indirect.gather [hbm4b:s0+s28], $0x80, s21, s28, $0xb8;
	[tilespmem:$0x1F700] =	vst v63  }
0xc0: {  	_ =	swait.ge [sflag:s14], $0x3E80  }
0xc1: {  	[sflag:s14] =	ssyncset.done $0x0  }
0xc2: {  	[sflag:s14] =	ssyncadd.s32 $0xFFFFC180  }
0xc3: {  	_ =	swait.ge [sflag:s15], $0x80  }
0xc4: {  	[sflag:s15] =	ssyncset.done $0x0  }
0xc5: {  	[sflag:s15] =	ssyncadd.s32 $0xFFFFFF80  }
0xc6: {  	[spmem:s3] =	stream.indirect.scatter.add.f32 [tilespmem:s11], [sflag:$0xC], $0x80, s7, s28, $0xb8;
	[tilespmem:$0x1F700] =	vst v63  }
0xc7: {  	_ =	swait.ge [sflag:s16], $0x3E80  }
0xc8: {  	[sflag:s16] =	ssyncset.done $0x0  }
0xc9: {  	s1 =	rddreg [dreg:$0x10];
	[sflag:s16] =	ssyncadd.s32 $0xFFFFC180  }
0xca: {  	[tilespmem:s25], [sflag:$0x8] =	stream.linear.gather [hbm4b:s1+s4], $0x80, $0x38;
	[tilespmem:$0x1F700] =	vst v63  }
0xcb: {  	_ =	swait.ge [sflag:s30], $0x80  }
0xcc: {  	[sflag:s30] =	ssyncset.done $0x0  }
0xcd: {  	[sflag:s30] =	ssyncadd.s32 $0xFFFFFF80  }
0xce: {  	[tilespmem:s31], [sflag:$0x2] =	stream.indirect.gather [hbm4b:s0+s28], $0x80, s22, s28, $0xb8;
	[tilespmem:$0x1F700] =	vst v63  }
0xcf: {  	_ =	swait.ge [sflag:s2], $0x3E80  }
0xd0: {  	[sflag:s2] =	ssyncset.done $0x0  }
0xd1: {  	[sflag:s2] =	ssyncadd.s32 $0xFFFFC180  }
0xd2: {  	_ =	swait.ge [sflag:s5], $0x80  }
0xd3: {  	[sflag:s5] =	ssyncset.done $0x0  }
0xd4: {  	[sflag:s5] =	ssyncadd.s32 $0xFFFFFF80  }
0xd5: {  	[spmem:s3] =	stream.indirect.scatter.add.f32 [tilespmem:s29], [sflag:$0xA], $0x80, s24, s28, $0xb8;
	[tilespmem:$0x1F700] =	vst v63  }
0xd6: {  	_ =	swait.ge [sflag:s17], $0x3E80  }
0xd7: {  	[sflag:s17] =	ssyncset.done $0x0  }
0xd8: {  	[sflag:s17] =	ssyncadd.s32 $0xFFFFC180  }
0xd9: {  	_ =	swait.ge [sflag:s12], $0x3E80  }
0xda: {  	[sflag:s12] =	ssyncset.done $0x0  }
0xdb: {  	[sflag:s12] =	ssyncadd.s32 $0xFFFFC180  }
0xdc: {  	_ =	swait.ge [sflag:s6], $0x80  }
0xdd: {  	[sflag:s6] =	ssyncset.done $0x0  }
0xde: {  	[sflag:s6] =	ssyncadd.s32 $0xFFFFFF80  }
0xdf: {  	[spmem:s3] =	stream.indirect.scatter.add.f32 [tilespmem:s31], [sflag:$0xB], $0x80, s25, s28, $0xb8;
	[tilespmem:$0x1F700] =	vst v63  }
0xe0: {  	_ =	swait.ge [sflag:s13], $0x3E80  }
0xe1: {  	[sflag:s13] =	ssyncset.done $0x0  }
0xe2: {  	[sflag:s13] =	ssyncadd.s32 $0xFFFFC180  }
0xe3: {  	_ =	swait.ge [sflag:s16], $0x3E80  }
0xe4: {  	[sflag:s16] =	ssyncset.done $0x0  }
0xe5: {  	[sflag:s16] =	ssyncadd.s32 $0xFFFFC180  }
0xe6: {  	[bflag:$0x0] =	sbarrier.arrive $0xFFFF  }
0xe7: {  	s19 =	rddreg [dreg:$0x6]  }
0xe8: {  	s8 =	rddreg [dreg:$0x11]  }
0xe9: {  	s18 =	rddreg [dreg:$0x13];
	s1 =	sor.u32 $0x1C0E, s19  }
0xea: {  	[hbm:s8], [sflag:s1] =	dma.local [spmem:s18], $0x2710  }
0xeb: {  	s8 =	simm.s32 $0xE  }
0xec: {  	_ =	swait.ge [sflag:s8], $0x2710  }
0xed: {  	s19 =	rddreg [dreg:$0x14]  }
0xee: {  	s20 =	rddreg [dreg:$0x12];
	s19 =	sadd.s32 $0x1, s19  }
0xef: {  	p0 =	sne.s32 s19, s20  }
.Ltmp1:
0xf0: {  	_ = 	snop;
	(pc) =	sbr.rel @p0 .LBB2_1-.Ltmp1, $3  }
0xf1: {  	_ =	sdelay $0x1  }
0xf2: {  	[sflag:s8] =	ssyncset.done $0x0  }
0xf3: {  	[sflag:s8] =	ssyncadd.s32 $0xFFFFD8F0  }
0xf4: {  	_ =	sfence.sel $0x180000  }
0xf5: {  	[bflag:$0x0] =	sbarrier.arrive $0xFFFF  }
0xf6: {  	_ =	strace $0x9000004D  }
0xf7: {  	s0 =	stileid.u32;
	[bflag:$0x2] =	sbarrier.arrive $0xFFFF  }
0xf8: {  	p0 =	sne.s32 s0, $0x0;
	s0 =	rddreg [dreg:$0x3]  }
0xf9: {  	s0 =	sadd.s32 @!p0 $0x100000, s0  }
0xfa: {  	[sflag:s0] =	ssyncadd.tile.s32 @!p0 $0x1;
	_ =	shalt  }
.Lfunc_end2:
_tile_overlayer_lowered:
.L_overlay_start_2:
0xfb: {  	(tag) =	ssettag $0x2  }
0xfc: {  	s0 =	rddreg [dreg:$0x0];
	s2 =	stileid.u32  }
0xfd: {  	s1 =	rddreg [dreg:$0x1];
	p0 =	sne.s32 s2, $0x0  }
0xfe: {  	s3 =	rddreg [dreg:$0x2];
	[bflag:$0x3] =	sbarrier.arrive $0xFFFF;
	s2 =	simm.s32 @!p0 $0x1C0E  }
0xff: {  	[timem:s3], [sflag:s2] =	dma.local @!p0 [hbm:s0], s1  }
0x100: {  	s0 =	simm.s32 @!p0 $0xE  }
0x101: {  	_ =	swait.ge @!p0 [sflag:s0], s1  }
0x102: {  	s1 =	ssub.s32 @!p0 $0x0, s1;
	[sflag:s0] =	ssyncset.done @!p0 $0x0  }
0x103: {  	[sflag:s0] =	ssyncadd.s32 @!p0 s1  }
0x104: {  	[bflag:$0x3] =	sbarrier.arrive $0xFFFF  }
0x105: {  	_ =	shalt  }

// kernel: kernel.8.cloned.1.call-start
scs
__scs_entry_jumppad:
0x0: {  	(pc) =	sbr.rel $0x88, $3  }
0x1: {  	(tag) =	ssettag $0x0;
	lr =	simm.s32 $0x1  }
0x2: {  	[smem:$0x3F9B] =	sst lr;
	_ =	strace $0xD0000000  }
0x3: {  	_ = 	snop  }
0x4: {  	_ = 	snop  }
0x5: {  	_ = 	snop  }
0x6: {  	_ = 	snop  }
0x7: {  	_ = 	snop  }
__scs_overlays_trampoline_lowered:
0x8: {  	[smem:$0x3FAA] =	sst s0  }
0x9: {  	[smem:$0x3FAB] =	sst s1  }
0xa: {  	[smem:$0x3FAC] =	sst s2  }
0xb: {  	[smem:$0x3FAD] =	sst s3  }
0xc: {  	[smem:$0x3FAE] =	sst s4  }
0xd: {  	[smem:$0x3FAF] =	sst s5  }
0xe: {  	[smem:$0x3FB0] =	sst s6  }
0xf: {  	[smem:$0x3FB1] =	sst s7  }
0x10: {  	[smem:$0x3FB2] =	sst s8  }
0x11: {  	[smem:$0x3FB3] =	sst s9;
	s0 =	simm.s32 @!p0 $0x0  }
0x12: {  	s1 =	sld [smem:$0x3F99];
	s0 =	simm.s32 @p0 $0x1  }
0x13: {  	[smem:$0x3FB4] =	sst s0;
	s0 =	simm.s32 @!p1 $0x0  }
0x14: {  	s2 =	sld [smem:$0x3F98];
	s0 =	simm.s32 @p1 $0x1  }
0x15: {  	[smem:$0x3FB5] =	sst s0;
	s0 =	simm.s32 @!p2 $0x0  }
0x16: {  	s3 =	sld [smem:$0x3FDB];
	s0 =	simm.s32 @p2 $0x1  }
0x17: {  	s4 =	simm.s32 $0x1BF5;
	[smem:$0x3FB7] =	sst s0  }
0x18: {  	s0 =	sld [smem:$0x3F9A];
	_ =	swait.ge [sflag:s4], $0x0  }
0x19: {  	s7 =	sld [smem:$0x3F9B]  }
0x1a: {  	s8 =	sadd.s32 $0xFFFFE003, lr  }
0x1b: {  	s9 =	sadd.s32 $0xFFFFFEF7, lr;
	s5 =	simm.s32 $0xFFFFFFFF;
	p2 =	slt.u32 s8, $0xFFFFF086  }
0x1c: {  	p1 =	slt.u32 s9, $0xF7A;
	s5 =	simm.s32 @!p2 $0x0  }
0x1d: {  	s5 =	simm.s32 @p1 $0x1;
	p0 =	seq.s32 s7, s2  }
0x1e: {  	s7 =	smul.u32 @!p0 $0xF7A, s2;
	p2 =	seq.s32 @!p0 s5, $0x0  }
0x1f: {  	s9 =	smul.u32 $0xF7A, s1;
	s8 =	simm.s32 @!p0 $0x1BF5;
	p2 =	por !p2, p0  }
0x20: {  	[sflag:s8] =	ssyncset.s32 @!p0 $0xFFFFF086;
	s6 =	sadd.s32 @!p0 s3, s7;
	s7 =	simm.s32 @!p0 $0x108  }
0x21: {  	s3 =	sadd.s32 s3, s9;
	s6 =	sadd.s32 @!p0 $0x88, s6;
	s7 =	simm.s32 @p2 $0x1082  }
0x22: {  	[simem:s7], [sflag:s8] =	dma.local @!p0 [hbm:s6], $0xF7A  }
0x23: {  	s9 =	sor.u32 $0xD0000000, s2;
	s6 =	simm.s32 $0x108;
	_ =	swait.ge @!p0 [sflag:s8], $0x0  }
0x24: {  	s3 =	sadd.s32 $0x88, s3;
	s6 =	simm.s32 @!p1 $0x1082;
	[sflag:s4] =	ssyncset.s32 $0xFFFFF086  }
0x25: {  	[simem:s6], [sflag:s4] =	dma.local [hbm:s3], $0xF7A  }
0x26: {  	[smem:$0x3F9B] =	sst s1;
	(tag) =	ssettag s2;
	_ =	strace s9  }
0x27: {  	s1 =	sld [smem:$0x3FAB]  }
0x28: {  	s2 =	sld [smem:$0x3FAC]  }
0x29: {  	s4 =	sld [smem:$0x3FAE]  }
0x2a: {  	p0 =	seq.s32 s5, $0x0;
	s5 =	sld [smem:$0x3FAF]  }
0x2b: {  	s6 =	sld [smem:$0x3FB0]  }
0x2c: {  	s7 =	sld [smem:$0x3FB1]  }
0x2d: {  	s3 =	simm.s32 $0x108;
	s8 =	sld [smem:$0x3FB2]  }
0x2e: {  	s3 =	simm.s32 @!p0 $0x1082;
	s9 =	sld [smem:$0x3FB3]  }
0x2f: {  	lr =	sadd.s32 s0, s3;
	s0 =	sld [smem:$0x3FAA]  }
0x30: {  	s3 =	sld [smem:$0x3FAD]  }
0x31: {  	[smem:$0x3FB6] =	sst s10  }
0x32: {  	s10 =	sld [smem:$0x3FB4];
	_ =	sdelay $0x3  }
0x33: {  	p0 =	seq.s32 s10, $0x1;
	s10 =	sld [smem:$0x3FB6];
	_ =	sdelay $0x3  }
0x34: {  	[smem:$0x3FB6] =	sst s10  }
0x35: {  	s10 =	sld [smem:$0x3FB5];
	_ =	sdelay $0x3  }
0x36: {  	p1 =	seq.s32 s10, $0x1;
	s10 =	sld [smem:$0x3FB6];
	_ =	sdelay $0x3  }
0x37: {  	[smem:$0x3FB6] =	sst s10  }
0x38: {  	s10 =	sld [smem:$0x3FB7]  }
0x39: {  	_ = 	snop;
	(pc) =	sbr.ind lr, $3  }
0x3a: {  	_ = 	snop  }
0x3b: {  	_ = 	snop  }
0x3c: {  	p2 =	seq.s32 s10, $0x1;
	s10 =	sld [smem:$0x3FB6]  }
0x3d: {  	_ =	shalt  }
0x3e: {  	_ =	shalt  }
0x3f: {  	_ =	shalt  }
0x40: {  	_ =	shalt  }
0x41: {  	_ =	shalt  }
0x42: {  	_ =	shalt  }
0x43: {  	_ =	shalt  }
0x44: {  	_ =	shalt  }
0x45: {  	_ =	shalt  }
0x46: {  	_ =	shalt  }
0x47: {  	_ =	shalt  }
0x48: {  	_ =	shalt  }
0x49: {  	_ =	shalt  }
0x4a: {  	_ =	shalt  }
0x4b: {  	_ =	shalt  }
0x4c: {  	_ =	shalt  }
0x4d: {  	_ =	shalt  }
0x4e: {  	_ =	shalt  }
0x4f: {  	_ =	shalt  }
0x50: {  	_ =	shalt  }
0x51: {  	_ =	shalt  }
0x52: {  	_ =	shalt  }
0x53: {  	_ =	shalt  }
0x54: {  	_ =	shalt  }
0x55: {  	_ =	shalt  }
0x56: {  	_ =	shalt  }
0x57: {  	_ =	shalt  }
0x58: {  	_ =	shalt  }
0x59: {  	_ =	shalt  }
0x5a: {  	_ =	shalt  }
0x5b: {  	_ =	shalt  }
0x5c: {  	_ =	shalt  }
0x5d: {  	_ =	shalt  }
0x5e: {  	_ =	shalt  }
0x5f: {  	_ =	shalt  }
0x60: {  	_ =	shalt  }
0x61: {  	_ =	shalt  }
0x62: {  	_ =	shalt  }
0x63: {  	_ =	shalt  }
0x64: {  	_ =	shalt  }
0x65: {  	_ =	shalt  }
0x66: {  	_ =	shalt  }
0x67: {  	_ =	shalt  }
0x68: {  	_ =	shalt  }
0x69: {  	_ =	shalt  }
0x6a: {  	_ =	shalt  }
0x6b: {  	_ =	shalt  }
0x6c: {  	_ =	shalt  }
0x6d: {  	_ =	shalt  }
0x6e: {  	_ =	shalt  }
0x6f: {  	_ =	shalt  }
0x70: {  	_ =	shalt  }
0x71: {  	_ =	shalt  }
0x72: {  	_ =	shalt  }
0x73: {  	_ =	shalt  }
0x74: {  	_ =	shalt  }
0x75: {  	_ =	shalt  }
0x76: {  	_ =	shalt  }
0x77: {  	_ =	shalt  }
0x78: {  	_ =	shalt  }
0x79: {  	_ =	shalt  }
0x7a: {  	_ =	shalt  }
0x7b: {  	_ =	shalt  }
0x7c: {  	_ =	shalt  }
0x7d: {  	_ =	shalt  }
0x7e: {  	_ =	shalt  }
0x7f: {  	_ =	shalt  }
0x80: {  	_ =	shalt  }
0x81: {  	_ =	shalt  }
0x82: {  	_ =	shalt  }
0x83: {  	_ =	shalt  }
0x84: {  	_ =	shalt  }
0x85: {  	_ =	shalt  }
0x86: {  	_ =	shalt  }
0x87: {  	_ =	shalt  }
.Lfunc_end0:
.L_simem_size_0:
called_computation_lowered:
.L_overlay_start_0:
0x88: {  	s2 =	sld [smem:$0x3FD9]  }
0x89: {  	s3 =	sld [smem:$0x3FFE];
	_ =	sdelay $0x1  }
0x8a: {  	s1 =	srdreg.scid  }
0x8b: {  	s0 =	sand.u32 $0x1, s1  }
0x8c: {  	s17 =	sshll.u32 s0, $0xA;
	s2 =	sadd.s32 s3, s2  }
0x8d: {  	s2 =	sadd.s32 s2, s17  }
0x8e: {  	[smem:$0x3FC2] =	sst s2  }
0x8f: {  	_ = 	snop  }
0x90: {  	s2 =	sld [smem:$0x3FD0];
	(tm) =	ssettm $0x1  }
0x91: {  	s18 =	sld [smem:$0x3FFB];
	_ =	sdelay $0x3  }
0x92: {  	_ =	strace s18  }
0x93: {  	s3 =	sld [smem:$0x3FFC];
	_ =	sdelay $0x3  }
0x94: {  	_ =	strace s3  }
0x95: {  	s3 =	sld [smem:$0x3FFD];
	_ =	sdelay $0x3  }
0x96: {  	_ =	strace s3  }
0x97: {  	_ =	strace $0x8FFFFFFF  }
0x98: {  	s19 =	sld [smem:$0x3FDB];
	_ =	sdelay $0x1  }
0x99: {  	s4 =	simm.s32 $_scs_section_size  }
0x9a: {  	s5 =	simm.s32 $_size__tile_overlayer_lowered;
	s6 =	simm.s32 $_tile_overlayer_lowered  }
0x9b: {  	s22 =	simm.s32 $0x1BFF;
	s21 =	sshll.u32 s6, $0x1;
	s3 =	sadd.s32 s4, s19  }
0x9c: {  	s7 =	simm.s32 $0x0;
	s20 =	sshll.u32 s5, $0x1;
	s5 =	sadd.s32 s21, s3  }
0x9d: {  	[timem:s7], [sflag:s22] =	dma.local [hbm:s5], s20  }
0x9e: {  	_ =	swait.ge [sflag:s22], s20  }
0x9f: {  	s4 =	ssub.s32 $0x0, s20;
	[sflag:s22] =	ssyncset.done $0x0  }
0xa0: {  	[sflag:s22] =	ssyncadd.s32 s4;
	_ =	sdelay $0x1  }
0xa1: {  	s23 =	simm.s32 $0x1B8B  }
0xa2: {  	_ =	swait.ge [sflag:s23], $0x1  }
0xa3: {  	[sflag:s23] =	ssyncset.done $0x0  }
0xa4: {  	s25 =	simm.s32 $0x1B8E;
	s24 =	sld [smem:$0x3FFE];
	[sflag:s23] =	ssyncadd.s32 $0xFFFFFFFF  }
0xa5: {  	s26 =	simm.s32 $execute0_lowered;
	[smem:$0x3FD2] =	sst s25  }
0xa6: {  	s5 =	sshll.u32 s26, $0x1;
	_ =	strace $0x80000046;
	[dreg:$0x1] =	wrdreg $0xFFFFFFFF  }
0xa7: {  	s28 =	simm.s32 $_size_execute0_lowered;
	s3 =	sadd.s32 s3, s5;
	[dreg:$0x0] =	wrdreg $0x0  }
0xa8: {  	s5 =	sshll.u32 s28, $0x1;
	[dreg:$0x2] =	wrdreg s3  }
0xa9: {  	[dreg:$0x3] =	wrdreg s5  }
0xaa: {  	[dreg:$0x4] =	wrdreg $0xC0  }
0xab: {  	_ =	task [dreg:s7], $0x5FFFF  }
0xac: {  	[dreg:$0x1] =	wrdreg $0xFFFFFFFF  }
0xad: {  	[dreg:$0x0] =	wrdreg $0x60  }
0xae: {  	[dreg:$0x2] =	wrdreg s24  }
0xaf: {  	[dreg:$0x3] =	wrdreg s2  }
0xb0: {  	[dreg:$0x4] =	wrdreg $0x9  }
0xb1: {  	_ =	task.clear_ibuf [dreg:s7], $0x5FFFF;
	_ =	strace $0x90000046  }
0xb2: {  	s29 =	simm.s32 $0x9;
	_ =	strace $0x80000048  }
0xb3: {  	_ =	swait.ge [sflag:s29], $0x1  }
0xb4: {  	[sflag:s29] =	ssyncadd.s32 $0xFFFFFFFF  }
0xb5: {  	_ =	strace $0x90000048  }
0xb6: {  	_ =	sfence  }
0xb7: {  	s30 =	sld [smem:$0x0];
	_ =	sdelay $0x2  }
0xb8: {  	s31 =	sshll.u32 s1, $0xD;
	s1 =	sshrl.u32 s1, $0x2  }
0xb9: {  	s3 =	sand.u32 $0x4000, s31;
	s1 =	sadd.s32 s1, s30  }
0xba: {  	s0 =	sor.u32 s3, s0;
	s1 =	sshll.u32 s1, $0x11  }
0xbb: {  	s0 =	sor.u32 s1, s0  }
0xbc: {  	s0 =	sadd.s32 $0x8F2B, s0  }
0xbd: {  	[sflag:s0] =	ssyncadd.remote.s32 $0x1  }
0xbe: {  	_ =	sfence.sel $0xFFFF  }
0xbf: {  	[dreg:$0x0] =	wrdreg $0xFFFFFFFF;
	(pc) =	sbr.abs _section_cstart, $3  }
0xc0: {  	[dreg:$0x1] =	wrdreg $0xFFFFFFFF  }
0xc1: {  	_ =	task.clear_ibuf [dreg:s7], $0x2FFFF;
	_ =	strace $0x9FFFFFFF  }
0xc2: {  	(tm) =	ssettm $0x7FFFFFFF  }
0xc3: {  	_ =	shalt  }
tec
execute0_lowered:
.L_overlay_start_1:
0x0: {  	(tag) =	ssettag $0x1  }
0x1: {  	s3 =	rddreg [dreg:$0x0];
	s1 =	srdreg.scid  }
0x2: {  	s0 =	stileid.u32;
	s4 =	rddreg [dreg:$0x1];
	s9 =	simm.s32 $0x400  }
0x3: {  	s5 =	sand.u32 $0x1, s1;
	s2 =	sshll.u32 s0, $0x1;
	s8 =	sshrl.u32 s0, $0x2  }
0x4: {  	s1 =	rddreg [dreg:$0x2];
	s6 =	sor.u32 s5, s2;
	s8 =	smul.u32 $0x13C00, s8  }
0x5: {  	s2 =	simm.s32 $0x0;
	s5 =	ssub.s32 $0x2, s5;
	s7 =	smul.u32 $0x271, s6  }
0x6: {  	[smem:$0x7FF] =	sst s2;
	s6 =	sshll.u32 s6, $0x7;
	s31 =	sshrl.u32 s5, $0x1  }
0x7: {  	_ =	strace $0x80000047;
	s6 =	sand.u32 $0x380, s6;
	s5 =	ssub.s32 s5, s31  }
0x8: {  	s3 =	sadd.s32 s7, s3;
	s6 =	sor.u32 s8, s6;
	s5 =	smax.u32 s5, $0x1  }
0x9: {  	v0 =	vimm.f32 $1.000000000e+00;
	vm1 =	vcmask $0x1F00;
	s7 =	simm.s32 $0x1400;
	s8 =	simm.s32 $0x80;
	s6 =	sshrl.u32 s6, $0x3  }
0xa: {  	v1 =	vimm.f32 $0.0e+00;
	vm0 =	vmmov $0xff;
	v2 =	vsel vm1, $0x0, v0;
	s3 =	sadd.s32 $0x3000, s3;
	s4 =	sadd.s32 s4, s6;
	s6 =	simm.s32 $0x1  }
.LBB2_1:
0xb: {  	s10 =	simm.s32 $0x40;
	s11 =	simm.s32 $0x0  }
.LBB2_2:
0xc: {  	p0 =	sne.s32 s10, $0x9C00;
	[tilespmem:s11+$0x1400] =	vst v1;
	s11 =	smov.u32 s10;
	s10 =	sadd.s32 $0x40, s10  }
.Ltmp0:
0xd: {  	(pc) =	sbr.rel @p0 .LBB2_2-.Ltmp0, $2  }
0xe: {  	_ =	sdelay $0x2  }
0xf: {  	s11 =	sshra.s32 s11, $0x2  }
0x10: {  	[tilespmem:s11+$0x1400] =	vst v1;
	s10 =	simm.s32 $0x0  }
0x11: {  	[tilespmem:s10], [sflag:$0x1] =	stream.linear.gather [hbm4b:s3+s10], $0x1388, $0x38;
	[tilespmem:$0x3B80] =	vst v63  }
0x12: {  	_ =	swait.ge [sflag:s6], $0x1388  }
0x13: {  	[sflag:s6] =	ssyncset.done $0x0  }
0x14: {  	s11 =	simm.s32 $0x0;
	s10 =	simm.s32 $0x40;
	[sflag:s6] =	ssyncadd.s32 $0xFFFFEC78  }
.LBB2_4:
0x15: {  	p0 =	sne.s32 s10, $0x4DC0;
	v3 =	vld [tilespmem:s11+$0x0];
	_ =	sdelay $0x3  }
.Ltmp1:
0x16: {  	(pc) =	sbr.rel @p0 .LBB2_4-.Ltmp1, $2  }
0x17: {  	_ =	sdelay $0x2  }
0x18: {  	s11 =	sshra.s32 s10, $0x2;
	s10 =	sadd.s32 $0x40, s10;
	[tilespmem:v3+s7+$0x0] =	vst.idx.add.f32.msk $0xffff, v0  }
0x19: {  	v3 =	vld [tilespmem:s11+$0x0];
	_ =	sdelay $0x7  }
0x1a: {  	[tilespmem:v3+s7+$0x0] =	vst.idx.add.f32.msk $0xffff, v0  }
0x1b: {  	v3 =	vld [tilespmem:$0x1378];
	_ =	sdelay $0x4  }
0x1c: {  	v3 =	vsel vm0, $0x0, v3;
	_ =	sdelay $0x2  }
0x1d: {  	s2 =	sadd.s32 $0x1, s2  }
0x1e: {  	p0 =	sne.s32 s2, s5  }
.Ltmp2:
0x1f: {  	[tilespmem:v3+s7+$0x0] =	vst.idx.add.f32.msk $0xffff, v2;
	(pc) =	sbr.rel @p0 .LBB2_1-.Ltmp2, $4  }
0x20: {  	[hbm4b:s4+s8] =	stream.strided.scatter [tilespmem:s7], [sflag:$0x1], $0x2780, s9, s8, $0x38;
	[tilespmem:$0x3B80] =	vst v63  }
0x21: {  	_ =	swait.ge [sflag:s6], $0x2780  }
0x22: {  	[sflag:s6] =	ssyncset.done $0x0  }
0x23: {  	[sflag:s6] =	ssyncadd.s32 $0xFFFFD880  }
0x24: {  	_ =	sfence.sel $0x180000  }
0x25: {  	[bflag:$0x0] =	sbarrier.arrive $0xFFFF  }
0x26: {  	p0 =	sne.s32 s0, $0x0;
	_ =	strace $0x90000047  }
0x27: {  	s0 =	sadd.s32 @!p0 $0x100000, s1;
	[bflag:$0x2] =	sbarrier.arrive $0xFFFF  }
0x28: {  	[sflag:s0] =	ssyncadd.tile.s32 @!p0 $0x1;
	_ =	shalt  }
.Lfunc_end2:
_tile_overlayer_lowered:
.L_overlay_start_2:
0x29: {  	(tag) =	ssettag $0x2  }
0x2a: {  	s0 =	rddreg [dreg:$0x0];
	s2 =	stileid.u32  }
0x2b: {  	s1 =	rddreg [dreg:$0x1];
	p0 =	sne.s32 s2, $0x0  }
0x2c: {  	s3 =	rddreg [dreg:$0x2];
	[bflag:$0x3] =	sbarrier.arrive $0xFFFF;
	s2 =	simm.s32 @!p0 $0x1C01  }
0x2d: {  	[timem:s3], [sflag:s2] =	dma.local @!p0 [hbm:s0], s1  }
0x2e: {  	s0 =	simm.s32 @!p0 $0x1  }
0x2f: {  	_ =	swait.ge @!p0 [sflag:s0], s1  }
0x30: {  	s1 =	ssub.s32 @!p0 $0x0, s1;
	[sflag:s0] =	ssyncset.done @!p0 $0x0  }
0x31: {  	[sflag:s0] =	ssyncadd.s32 @!p0 s1  }
0x32: {  	[bflag:$0x3] =	sbarrier.arrive $0xFFFF  }
0x33: {  	_ =	shalt  }

</sc_bundles>
